<compile_context>
chip_gen: v7x
topology: tpu7x:2x2x1
jax: 0.10.2.dev20260603
libtpu: 0.0.44.dev20260713+nightly
codegen_flags: <defaults>
</compile_context>

<pallas_src>
import functools

import jax
import jax.numpy as jnp
from jax import lax
from jax.experimental import pallas as pl
from jax.experimental.pallas import tpu as pltpu
from jax.experimental.pallas import tpu_sc as plsc

_NC, _NS, _L = 2, 16, 16
_NW = _NC * _NS
_C = 32
_NSLAB = 10
_CPS = 32
_NCHUNK = _NSLAB * _CPS
_EPW = _C * _NCHUNK
_AROWS = 10240


def _lane_gather(v, idx):
    dnums = lax.GatherDimensionNumbers(
        offset_dims=(), collapsed_slice_dims=(0,), start_index_map=(0,))
    return lax.gather(v, idx[:, None], dnums, slice_sizes=(1,),
                      mode=lax.GatherScatterMode.PROMISE_IN_BOUNDS)


def _stage1_body(xf_ref, wl_ref, bl_ref, wr_ref, br_ref,
                 xl_ref, xr_ref):
    xf = xf_ref[...]
    xl_ref[...] = jnp.dot(xf, wl_ref[...], preferred_element_type=jnp.float32) + bl_ref[...]
    xr_ref[...] = jnp.dot(xf, wr_ref[...], preferred_element_type=jnp.float32) + br_ref[...]


def _sc_edge_kernel(xl_hbm, xr_hbm, att_hbm, src_hbm, dst_hbm,
                    accm_out, accd_out,
                    src_v, dst_v, did8_v, att_v, rows_l, rows_r,
                    out_d8, accm_sh, accd8_sh, sem_g, sem_s):
    cid = lax.axis_index("c")
    sid = lax.axis_index("s")
    wid = sid * _NC + cid
    pltpu.sync_copy(att_hbm, att_v)

    zbuf = rows_l.at[0]
    def zbody(r, carry):
        for k in range(8):
            rows_l[0, r, pl.ds(k * _L, _L)] = jnp.zeros((_L,), jnp.float32)
        return carry
    lax.fori_loop(0, _C, zbody, 0)
    rpw = _AROWS // _NS
    for j in range(rpw // _C):
        pltpu.sync_copy(zbuf, accm_sh.at[pl.ds(sid * rpw + j * _C, _C)])
    rpw8 = _AROWS // 16 // _NS
    for j in range(rpw8 // _C):
        pltpu.sync_copy(zbuf, accd8_sh.at[pl.ds(sid * rpw8 + j * _C, _C)])
    _rem8 = rpw8 % _C
    if _rem8:
        pltpu.sync_copy(zbuf.at[pl.ds(0, _rem8)],
                        accd8_sh.at[pl.ds(sid * rpw8 + (rpw8 // _C) * _C, _rem8)])
    plsc.subcore_barrier()

    lanes16 = lax.iota(jnp.int32, _L)
    lanehalf = jax.lax.shift_right_logical(lanes16, 3)
    one_first = jnp.maximum(1 - lanes16, 0).astype(jnp.float32)

    def issue_gathers(c, p):
        g1 = pltpu.async_copy(xl_hbm.at[src_v.at[c]], rows_l.at[p], sem_g)
        g2 = pltpu.async_copy(xr_hbm.at[dst_v.at[c]], rows_r.at[p], sem_g)
        return g1, g2

    def drain(sem, p):
        pltpu.make_async_copy(xl_hbm.at[pl.ds(0, _C)], rows_l.at[p], sem).wait()
        pltpu.make_async_copy(xl_hbm.at[pl.ds(0, _C)], rows_r.at[p], sem).wait()

    def slab_body(sl, carry):
        pltpu.sync_copy(src_hbm.at[wid, pl.ds(sl * _CPS, _CPS)], src_v)
        pltpu.sync_copy(dst_hbm.at[wid, pl.ds(sl * _CPS, _CPS)], dst_v)
        issue_gathers(0, 0)

        def chunk_body(c, ccarry):
            p = jnp.bitwise_and(c, 1)
            drain(sem_g, p)
            for kk in range(_C // _L):
                v = dst_v[c, pl.ds(kk * _L, _L)]
                did8_v[p, pl.ds(kk * _L, _L)] = jax.lax.shift_right_logical(v, 4)

            def edge_body(i, ecarry):
                vl = [rows_l[p, i, pl.ds(k * _L, _L)] for k in range(8)]
                acc = None
                for k in range(8):
                    s = vl[k] + rows_r[p, i, pl.ds(k * _L, _L)]
                    e = jnp.maximum(s, 0.2 * s)
                    a = att_v[pl.ds(k * _L, _L)]
                    acc = e * a if acc is None else acc + e * a
                for shift in (8, 4, 2, 1):
                    acc = acc + _lane_gather(acc, jnp.bitwise_xor(lanes16, shift))
                ex = jnp.exp(acc)
                grp = (i // _L) * _L
                dstvec = dst_v[c, pl.ds(grp, _L)]
                dst_splat = _lane_gather(
                    dstvec, jnp.full((_L,), 0, jnp.int32) + (i - grp))
                dm = jnp.bitwise_xor(jnp.bitwise_and(dst_splat, 15), lanehalf)
                for k in range(8):
                    oh = _lane_gather(one_first, jnp.bitwise_xor(dm, 2 * k))
                    out_d8[p, i, pl.ds(k * _L, _L)] = ex * oh
                for k in range(8):
                    rows_l[p, i, pl.ds(k * _L, _L)] = ex * vl[k]
                return ecarry
            lax.fori_loop(0, _C, edge_body, 0, unroll=4)

            @pl.when(c > 0)
            def _():
                drain(sem_s, jnp.bitwise_xor(p, 1))
            @pl.when(c < _CPS - 1)
            def _():
                issue_gathers(c + 1, jnp.bitwise_xor(p, 1))
            pltpu.async_copy(rows_l.at[p], accm_sh.at[dst_v.at[c]], sem_s,
                             add=True)
            pltpu.async_copy(out_d8.at[p], accd8_sh.at[did8_v.at[p]], sem_s,
                             add=True)
            return ccarry
        lax.fori_loop(0, _CPS, chunk_body, 0)
        drain(sem_s, (_CPS - 1) & 1)
        return carry
    lax.fori_loop(0, _NSLAB, slab_body, 0)
    plsc.subcore_barrier()

    for j in range(rpw // _C):
        off = sid * rpw + j * _C
        pltpu.sync_copy(accm_sh.at[pl.ds(off, _C)], zbuf)
        pltpu.sync_copy(zbuf, accm_out.at[cid, pl.ds(off, _C)])
    for j in range(rpw8 // _C):
        off8 = sid * rpw8 + j * _C
        pltpu.sync_copy(accd8_sh.at[pl.ds(off8, _C)], zbuf)
        pltpu.sync_copy(zbuf, accd_out.at[cid, pl.ds(off8, _C)])
    if _rem8:
        offr = sid * rpw8 + (rpw8 // _C) * _C
        pltpu.sync_copy(accd8_sh.at[pl.ds(offr, _rem8)], zbuf.at[pl.ds(0, _rem8)])
        pltpu.sync_copy(zbuf.at[pl.ds(0, _rem8)], accd_out.at[cid, pl.ds(offr, _rem8)])


def _stage3_body(xl_ref, xr_ref, att_ref, accm_ref, accd_ref, bias_ref,
                 wfc_ref, bfc_ref, out_ref, *, n_gat, blk):
    pid = pl.program_id(0)
    xlb = xl_ref[...]
    s = xlb + xr_ref[...]
    e = jnp.maximum(s, 0.2 * s)
    exs = jnp.exp(jnp.sum(e * att_ref[...], axis=1, keepdims=True))
    acm = accm_ref[...]
    acd = accd_ref[...]
    msum = acm[0] + acm[1]
    dsum = jnp.sum(acd, axis=0)
    numer = 4.0 * msum + exs * xlb
    den = 4.0 * dsum + exs[:, 0]
    g = numer / (den[:, None] + 1e-16)
    row = pid * blk + lax.broadcasted_iota(jnp.int32, xlb.shape, 0)
    gm = jnp.clip((n_gat - row).astype(jnp.float32), 0.0, 1.0)
    h = gm * g + (1.0 - gm) * xlb + bias_ref[...]
    out_ref[...] = (jnp.dot(h, wfc_ref[...], preferred_element_type=jnp.float32)
                    + bfc_ref[...])


def kernel(x, edge_index, Wl, bl, Wr, br, att, bias_gat, Wfc, bfc):
    B, N, F = x.shape
    H = Wl.shape[1]
    num_nodes = B * N
    xf = x.reshape(num_nodes, F)
    R = 1024
    nblk = (num_nodes + R - 1) // R

    bl2 = bl.reshape(1, H)
    br2 = br.reshape(1, H)
    att2 = att.reshape(1, H)
    bias2 = bias_gat.reshape(1, H)
    bfc2 = bfc.reshape(1, -1)

    xl, xr = pl.pallas_call(
        _stage1_body,
        grid=(nblk,),
        in_specs=[
            pl.BlockSpec((R, F), lambda i: (i, 0)),
            pl.BlockSpec((F, H), lambda i: (0, 0)),
            pl.BlockSpec((1, H), lambda i: (0, 0)),
            pl.BlockSpec((F, H), lambda i: (0, 0)),
            pl.BlockSpec((1, H), lambda i: (0, 0)),
        ],
        out_specs=[
            pl.BlockSpec((R, H), lambda i: (i, 0)),
            pl.BlockSpec((R, H), lambda i: (i, 0)),
        ],
        out_shape=[
            jax.ShapeDtypeStruct((num_nodes, H), jnp.float32),
            jax.ShapeDtypeStruct((num_nodes, H), jnp.float32),
        ],
    )(xf, Wl, bl2, Wr, br2)

    E = edge_index.shape[1]
    epad = _NW * _EPW
    pad = jnp.full((epad - E,), N, dtype=jnp.int32)
    src3 = jnp.concatenate([edge_index[0], pad]).reshape(_NW, _NCHUNK, _C)
    dst3 = jnp.concatenate([edge_index[1], pad]).reshape(_NW, _NCHUNK, _C)

    sc_edge = functools.partial(
        pl.kernel,
        out_type=(
            jax.ShapeDtypeStruct((_NC, _AROWS, H), jnp.float32),
            jax.ShapeDtypeStruct((_NC, _AROWS // 16, H), jnp.float32),
        ),
        mesh=plsc.VectorSubcoreMesh(core_axis_name="c", subcore_axis_name="s",
                                    num_cores=_NC, num_subcores=_NS),
        scratch_types=[
            pltpu.VMEM((_CPS, _C), jnp.int32),
            pltpu.VMEM((_CPS, _C), jnp.int32),
            pltpu.VMEM((2, _C), jnp.int32),
            pltpu.VMEM((H,), jnp.float32),
            pltpu.VMEM((2, _C, H), jnp.float32),
            pltpu.VMEM((2, _C, H), jnp.float32),
            pltpu.VMEM((2, _C, H), jnp.float32),
            pltpu.VMEM_SHARED((_AROWS, H), jnp.float32),
            pltpu.VMEM_SHARED((_AROWS // 16, H), jnp.float32),
            pltpu.SemaphoreType.DMA,
            pltpu.SemaphoreType.DMA,
        ],
    )(_sc_edge_kernel)
    accm, accd8 = sc_edge(xl, xr, att, src3, dst3)
    accd = accd8[:, :, ::8].reshape(_NC, _AROWS)

    out = pl.pallas_call(
        functools.partial(_stage3_body, n_gat=N, blk=R),
        grid=(nblk,),
        in_specs=[
            pl.BlockSpec((R, H), lambda i: (i, 0)),
            pl.BlockSpec((R, H), lambda i: (i, 0)),
            pl.BlockSpec((1, H), lambda i: (0, 0)),
            pl.BlockSpec((_NC, R, H), lambda i: (0, jnp.minimum(i, 9), 0)),
            pl.BlockSpec((_NC, R), lambda i: (0, jnp.minimum(i, 9))),
            pl.BlockSpec((1, H), lambda i: (0, 0)),
            pl.BlockSpec((H, Wfc.shape[1]), lambda i: (0, 0)),
            pl.BlockSpec((1, Wfc.shape[1]), lambda i: (0, 0)),
        ],
        out_specs=pl.BlockSpec((R, Wfc.shape[1]), lambda i: (i, 0)),
        out_shape=jax.ShapeDtypeStruct((num_nodes, Wfc.shape[1]), jnp.float32),
    )(xl, xr, att2, accm, accd, bias2, Wfc, bfc2)

    return out.reshape(B, N, -1)

# --- scband reference (transcript-rebuilt; emitter-appended) ---
"""Pipeline reference for scband-trainable-gatlayer-18700287607517 (READ-ONLY COPY).

The authoritative reference and input builder live on the scoring server;
editing this copy changes nothing except your own understanding.
"""

import jax, jax.numpy as jnp
import numpy as np

B, N, F = 4, 10000, 128
H = 128  # spatial_hidden_dim
O = 128  # spatial_out_features
E = 320000


def setup_inputs(seed: int = 0) -> dict:
    key = jax.random.key(seed)
    ks = jax.random.split(key, 10)
    x = jax.random.normal(ks[0], (B, N, F), dtype=jnp.float32)
    edge_index = jax.random.randint(ks[1], (2, E), 0, N, dtype=jnp.int32)
    s_in = 1.0 / np.sqrt(F)
    s_h = 1.0 / np.sqrt(H)
    Wl = jax.random.normal(ks[2], (F, H), dtype=jnp.float32) * s_in
    bl = jnp.zeros((H,), dtype=jnp.float32)
    Wr = jax.random.normal(ks[3], (F, H), dtype=jnp.float32) * s_in
    br = jnp.zeros((H,), dtype=jnp.float32)
    att = jax.random.normal(ks[4], (H,), dtype=jnp.float32) * s_h
    bias_gat = jnp.zeros((H,), dtype=jnp.float32)
    Wfc = jax.random.normal(ks[5], (H, O), dtype=jnp.float32) * s_h
    bfc = jax.random.normal(ks[6], (O,), dtype=jnp.float32) * s_h
    return {"x": x, "edge_index": edge_index, "Wl": Wl, "bl": bl, "Wr": Wr,
            "br": br, "att": att, "bias_gat": bias_gat, "Wfc": Wfc, "bfc": bfc}


def reference(x, edge_index, Wl, bl, Wr, br, att, bias_gat, Wfc, bfc):
    Bv, Nv, Fv = x.shape
    xf = x.reshape(-1, Fv)
    num_nodes = Bv * Nv
    # edge_index.repeat(1, B) in torch == tile along dim 1 (same node ids, no batch offset)
    ei = jnp.tile(edge_index, (1, Bv))
    # GATv2Conv default add_self_loops=True over all B*N nodes
    loop = jnp.arange(num_nodes, dtype=ei.dtype)
    src = jnp.concatenate([ei[0], loop])
    dst = jnp.concatenate([ei[1], loop])
    xl = xf @ Wl + bl  # lin_l
    xr = xf @ Wr + br  # lin_r
    e = xl[src] + xr[dst]
    e = jnp.where(e > 0, e, 0.2 * e)  # leaky_relu, negative_slope=0.2
    logits = e @ att
    m = jax.ops.segment_max(logits, dst, num_segments=num_nodes)
    m = jnp.where(jnp.isfinite(m), m, 0.0)
    ex = jnp.exp(logits - m[dst])
    denom = jax.ops.segment_sum(ex, dst, num_segments=num_nodes)
    alpha = ex / (denom[dst] + 1e-16)
    out = jax.ops.segment_sum(alpha[:, None] * xl[src], dst, num_segments=num_nodes)
    out = out + bias_gat
    out = out @ Wfc + bfc
    return out.reshape(Bv, Nv, -1)

if __name__ == "__main__":
    import jax
    _d = setup_inputs()
    print(jax.jit(kernel)(*tuple(_d.values())))

</pallas_src>

<mosaic_0001>
#map = affine_map<(d0, d1) -> (0, 0)>
#map1 = affine_map<(d0, d1) -> (0)>
#map2 = affine_map<(d0, d1) -> (0, 0, 0)>
module attributes {stable_mosaic.version = 14 : i64} {
  func.func @_sc_edge_kernel(%arg0: i32, %arg1: i32, %arg2: memref<40000x128xf32, #tpu.memory_space<hbm>>, %arg3: memref<40000x128xf32, #tpu.memory_space<hbm>>, %arg4: memref<128xf32, #tpu.memory_space<hbm>>, %arg5: memref<32x320x32xi32, #tpu.memory_space<hbm>>, %arg6: memref<32x320x32xi32, #tpu.memory_space<hbm>>, %arg7: memref<2x10240x128xf32, #tpu.memory_space<hbm>>, %arg8: memref<2x640x128xf32, #tpu.memory_space<hbm>>, %arg9: memref<32x32xi32, #tpu.memory_space<vmem>>, %arg10: memref<32x32xi32, #tpu.memory_space<vmem>>, %arg11: memref<2x32xi32, #tpu.memory_space<vmem>>, %arg12: memref<128xf32, #tpu.memory_space<vmem>>, %arg13: memref<2x32x128xf32, #tpu.memory_space<vmem>>, %arg14: memref<2x32x128xf32, #tpu.memory_space<vmem>>, %arg15: memref<2x32x128xf32, #tpu.memory_space<vmem>>, %arg16: memref<10240x128xf32, #tpu.memory_space<vmem_shared>>, %arg17: memref<640x128xf32, #tpu.memory_space<vmem_shared>>, %arg18: memref<!tpu.dma_semaphore, #tpu.memory_space<semaphore_mem>>, %arg19: memref<!tpu.dma_semaphore, #tpu.memory_space<semaphore_mem>>) attributes {dimension_semantics = [#tpu.dimension_semantics<core_parallel>, #tpu.dimension_semantics<subcore_parallel>], iteration_bounds = array<i64: 2, 16>, scalar_prefetch = 0 : i64, scratch_operands = 11 : i64, tpu.core_type = #tpu.core_type<sc_vector_subcore>, window_params = [{transform_indices = #map}, {transform_indices = #map}, {transform_indices = #map1}, {transform_indices = #map2}, {transform_indices = #map2}, {transform_indices = #map2}, {transform_indices = #map2}]} {
    %mul3A = arith.constant 2 : i32
    %mul3A_0 = arith.muli %arg1, %mul3A : i32
    %add3A = arith.addi %mul3A_0, %arg0 : i32
    "tpu.region"() ({
      %run_scoped3A_260 = tpu.sem_alloc : memref<!tpu.dma_semaphore, #tpu.memory_space<semaphore_mem>>
      tpu.enqueue_dma source(%arg4 : memref<128xf32, #tpu.memory_space<hbm>>) target(%arg12 : memref<128xf32, #tpu.memory_space<vmem>>) target_semaphore(%run_scoped3A_260 : memref<!tpu.dma_semaphore, #tpu.memory_space<semaphore_mem>>)
      tpu.wait_dma2 semaphore(%run_scoped3A_260 : memref<!tpu.dma_semaphore, #tpu.memory_space<semaphore_mem>>) src(%arg4 : memref<128xf32, #tpu.memory_space<hbm>>) dst(%arg12 : memref<128xf32, #tpu.memory_space<vmem>>)
      tpu.yield
    }) : () -> ()
    %scan3A = arith.constant 0 : i32
    %scan3A_1 = arith.constant 0 : i32
    %scan3A_2 = arith.constant 32 : i32
    %scan3A_3 = arith.addi %scan3A_1, %scan3A_2 : i32
    %scan3A_4 = arith.constant 1 : i32
    scf.for %scan3A_260 = %scan3A_1 to %scan3A_3 step %scan3A_4  : i32 {
      %broadcast_in_dim3A = arith.constant 0.000000e+00 : f32
      %broadcast_in_dim3A_261 = vector.broadcast %broadcast_in_dim3A : f32 to vector<16xf32>
      %swap3A = arith.constant 0 : i32
      %swap3A_262 = arith.index_cast %swap3A : i32 to index
      %swap3A_263 = arith.index_cast %scan3A_260 : i32 to index
      %swap3A_264 = arith.constant 0 : index
      %swap3A_265 = tpu.vector_load %arg13[%swap3A_262, %swap3A_263, %swap3A_264] {strides = array<i32>} : memref<2x32x128xf32, #tpu.memory_space<vmem>>, vector<1x1x16xf32>,
      %swap3A_266 = vector.shape_cast %swap3A_265 : vector<1x1x16xf32> to vector<16xf32>
      %swap3A_267 = vector.shape_cast %broadcast_in_dim3A_261 : vector<16xf32> to vector<1x1x16xf32>
      tpu.vector_store %arg13[%swap3A_262, %swap3A_263, %swap3A_264], %swap3A_267 {strides = array<i32>} : memref<2x32x128xf32, #tpu.memory_space<vmem>>, vector<1x1x16xf32>,
      %broadcast_in_dim3A_268 = arith.constant 0.000000e+00 : f32
      %broadcast_in_dim3A_269 = vector.broadcast %broadcast_in_dim3A_268 : f32 to vector<16xf32>
      %swap3A_270 = arith.constant 0 : i32
      %swap3A_271 = arith.index_cast %swap3A_270 : i32 to index
      %swap3A_272 = arith.index_cast %scan3A_260 : i32 to index
      %swap3A_273 = arith.constant 16 : index
      %swap3A_274 = tpu.vector_load %arg13[%swap3A_271, %swap3A_272, %swap3A_273] {strides = array<i32>} : memref<2x32x128xf32, #tpu.memory_space<vmem>>, vector<1x1x16xf32>,
      %swap3A_275 = vector.shape_cast %swap3A_274 : vector<1x1x16xf32> to vector<16xf32>
      %swap3A_276 = vector.shape_cast %broadcast_in_dim3A_269 : vector<16xf32> to vector<1x1x16xf32>
      tpu.vector_store %arg13[%swap3A_271, %swap3A_272, %swap3A_273], %swap3A_276 {strides = array<i32>} : memref<2x32x128xf32, #tpu.memory_space<vmem>>, vector<1x1x16xf32>,
      %broadcast_in_dim3A_277 = arith.constant 0.000000e+00 : f32
      %broadcast_in_dim3A_278 = vector.broadcast %broadcast_in_dim3A_277 : f32 to vector<16xf32>
      %swap3A_279 = arith.constant 0 : i32
      %swap3A_280 = arith.index_cast %swap3A_279 : i32 to index
      %swap3A_281 = arith.index_cast %scan3A_260 : i32 to index
      %swap3A_282 = arith.constant 32 : index
      %swap3A_283 = tpu.vector_load %arg13[%swap3A_280, %swap3A_281, %swap3A_282] {strides = array<i32>} : memref<2x32x128xf32, #tpu.memory_space<vmem>>, vector<1x1x16xf32>,
      %swap3A_284 = vector.shape_cast %swap3A_283 : vector<1x1x16xf32> to vector<16xf32>
      %swap3A_285 = vector.shape_cast %broadcast_in_dim3A_278 : vector<16xf32> to vector<1x1x16xf32>
      tpu.vector_store %arg13[%swap3A_280, %swap3A_281, %swap3A_282], %swap3A_285 {strides = array<i32>} : memref<2x32x128xf32, #tpu.memory_space<vmem>>, vector<1x1x16xf32>,
      %broadcast_in_dim3A_286 = arith.constant 0.000000e+00 : f32
      %broadcast_in_dim3A_287 = vector.broadcast %broadcast_in_dim3A_286 : f32 to vector<16xf32>
      %swap3A_288 = arith.constant 0 : i32
      %swap3A_289 = arith.index_cast %swap3A_288 : i32 to index
      %swap3A_290 = arith.index_cast %scan3A_260 : i32 to index
      %swap3A_291 = arith.constant 48 : index
      %swap3A_292 = tpu.vector_load %arg13[%swap3A_289, %swap3A_290, %swap3A_291] {strides = array<i32>} : memref<2x32x128xf32, #tpu.memory_space<vmem>>, vector<1x1x16xf32>,
      %swap3A_293 = vector.shape_cast %swap3A_292 : vector<1x1x16xf32> to vector<16xf32>
      %swap3A_294 = vector.shape_cast %broadcast_in_dim3A_287 : vector<16xf32> to vector<1x1x16xf32>
      tpu.vector_store %arg13[%swap3A_289, %swap3A_290, %swap3A_291], %swap3A_294 {strides = array<i32>} : memref<2x32x128xf32, #tpu.memory_space<vmem>>, vector<1x1x16xf32>,
      %broadcast_in_dim3A_295 = arith.constant 0.000000e+00 : f32
      %broadcast_in_dim3A_296 = vector.broadcast %broadcast_in_dim3A_295 : f32 to vector<16xf32>
      %swap3A_297 = arith.constant 0 : i32
      %swap3A_298 = arith.index_cast %swap3A_297 : i32 to index
      %swap3A_299 = arith.index_cast %scan3A_260 : i32 to index
      %swap3A_300 = arith.constant 64 : index
      %swap3A_301 = tpu.vector_load %arg13[%swap3A_298, %swap3A_299, %swap3A_300] {strides = array<i32>} : memref<2x32x128xf32, #tpu.memory_space<vmem>>, vector<1x1x16xf32>,
      %swap3A_302 = vector.shape_cast %swap3A_301 : vector<1x1x16xf32> to vector<16xf32>
      %swap3A_303 = vector.shape_cast %broadcast_in_dim3A_296 : vector<16xf32> to vector<1x1x16xf32>
      tpu.vector_store %arg13[%swap3A_298, %swap3A_299, %swap3A_300], %swap3A_303 {strides = array<i32>} : memref<2x32x128xf32, #tpu.memory_space<vmem>>, vector<1x1x16xf32>,
      %broadcast_in_dim3A_304 = arith.constant 0.000000e+00 : f32
      %broadcast_in_dim3A_305 = vector.broadcast %broadcast_in_dim3A_304 : f32 to vector<16xf32>
      %swap3A_306 = arith.constant 0 : i32
      %swap3A_307 = arith.index_cast %swap3A_306 : i32 to index
      %swap3A_308 = arith.index_cast %scan3A_260 : i32 to index
      %swap3A_309 = arith.constant 80 : index
      %swap3A_310 = tpu.vector_load %arg13[%swap3A_307, %swap3A_308, %swap3A_309] {strides = array<i32>} : memref<2x32x128xf32, #tpu.memory_space<vmem>>, vector<1x1x16xf32>,
      %swap3A_311 = vector.shape_cast %swap3A_310 : vector<1x1x16xf32> to vector<16xf32>
      %swap3A_312 = vector.shape_cast %broadcast_in_dim3A_305 : vector<16xf32> to vector<1x1x16xf32>
      tpu.vector_store %arg13[%swap3A_307, %swap3A_308, %swap3A_309], %swap3A_312 {strides = array<i32>} : memref<2x32x128xf32, #tpu.memory_space<vmem>>, vector<1x1x16xf32>,
      %broadcast_in_dim3A_313 = arith.constant 0.000000e+00 : f32
      %broadcast_in_dim3A_314 = vector.broadcast %broadcast_in_dim3A_313 : f32 to vector<16xf32>
      %swap3A_315 = arith.constant 0 : i32
      %swap3A_316 = arith.index_cast %swap3A_315 : i32 to index
      %swap3A_317 = arith.index_cast %scan3A_260 : i32 to index
      %swap3A_318 = arith.constant 96 : index
      %swap3A_319 = tpu.vector_load %arg13[%swap3A_316, %swap3A_317, %swap3A_318] {strides = array<i32>} : memref<2x32x128xf32, #tpu.memory_space<vmem>>, vector<1x1x16xf32>,
      %swap3A_320 = vector.shape_cast %swap3A_319 : vector<1x1x16xf32> to vector<16xf32>
      %swap3A_321 = vector.shape_cast %broadcast_in_dim3A_314 : vector<16xf32> to vector<1x1x16xf32>
      tpu.vector_store %arg13[%swap3A_316, %swap3A_317, %swap3A_318], %swap3A_321 {strides = array<i32>} : memref<2x32x128xf32, #tpu.memory_space<vmem>>, vector<1x1x16xf32>,
      %broadcast_in_dim3A_322 = arith.constant 0.000000e+00 : f32
      %broadcast_in_dim3A_323 = vector.broadcast %broadcast_in_dim3A_322 : f32 to vector<16xf32>
      %swap3A_324 = arith.constant 0 : i32
      %swap3A_325 = arith.index_cast %swap3A_324 : i32 to index
      %swap3A_326 = arith.index_cast %scan3A_260 : i32 to index
      %swap3A_327 = arith.constant 112 : index
      %swap3A_328 = tpu.vector_load %arg13[%swap3A_325, %swap3A_326, %swap3A_327] {strides = array<i32>} : memref<2x32x128xf32, #tpu.memory_space<vmem>>, vector<1x1x16xf32>,
      %swap3A_329 = vector.shape_cast %swap3A_328 : vector<1x1x16xf32> to vector<16xf32>
      %swap3A_330 = vector.shape_cast %broadcast_in_dim3A_323 : vector<16xf32> to vector<1x1x16xf32>
      tpu.vector_store %arg13[%swap3A_325, %swap3A_326, %swap3A_327], %swap3A_330 {strides = array<i32>} : memref<2x32x128xf32, #tpu.memory_space<vmem>>, vector<1x1x16xf32>,
    }
    %scan3A_5 = arith.constant 32 : i32
    %mul3A_6 = arith.constant 640 : i32
    %mul3A_7 = arith.muli %arg1, %mul3A_6 : i32
    %add3A_8 = arith.constant 0 : i32
    %add3A_9 = arith.addi %mul3A_7, %add3A_8 : i32
    %run_scoped3A = arith.constant 0 : i32
    "tpu.region"() ({
      %run_scoped3A_260 = tpu.sem_alloc : memref<!tpu.dma_semaphore, #tpu.memory_space<semaphore_mem>>
      %dma_start3A = arith.constant 0 : i32
      %dma_start3A_261 = arith.constant 0 : i32
      %dma_start3A_262 = tpu.memref_slice %arg13[%run_scoped3A, %dma_start3A, %dma_start3A_261] : memref<2x32x128xf32, #tpu.memory_space<vmem>> -> memref<1x32x128xf32, #tpu.memory_space<vmem>>
      %dma_start3A_263 = tpu.memref_squeeze %dma_start3A_262 : memref<1x32x128xf32, #tpu.memory_space<vmem>> -> memref<32x128xf32, #tpu.memory_space<vmem>>
      %dma_start3A_264 = arith.constant 0 : i32
      %dma_start3A_265 = tpu.memref_slice %arg16[%add3A_9, %dma_start3A_264] : memref<10240x128xf32, #tpu.memory_space<vmem_shared>> -> memref<32x128xf32, #tpu.memory_space<vmem_shared>>
      %dma_start3A_266 = arith.constant 0 : i32
      %dma_start3A_267 = tpu.memref_slice %arg16[%add3A_9, %dma_start3A_266] : memref<10240x128xf32, #tpu.memory_space<vmem_shared>> -> memref<32x128xf32, #tpu.memory_space<vmem_shared>>
      %dma_start3A_268 = arith.constant 0 : i32
      %dma_start3A_269 = arith.constant 0 : i32
      %dma_start3A_270 = tpu.memref_slice %arg13[%run_scoped3A, %dma_start3A_268, %dma_start3A_269] : memref<2x32x128xf32, #tpu.memory_space<vmem>> -> memref<1x32x128xf32, #tpu.memory_space<vmem>>
      %dma_start3A_271 = tpu.memref_squeeze %dma_start3A_270 : memref<1x32x128xf32, #tpu.memory_space<vmem>> -> memref<32x128xf32, #tpu.memory_space<vmem>>
      tpu.enqueue_dma source(%dma_start3A_271 : memref<32x128xf32, #tpu.memory_space<vmem>>) target(%dma_start3A_267 : memref<32x128xf32, #tpu.memory_space<vmem_shared>>) target_semaphore(%run_scoped3A_260 : memref<!tpu.dma_semaphore, #tpu.memory_space<semaphore_mem>>)
      %dma_wait3A = arith.constant 0 : i32
      %dma_wait3A_272 = arith.constant 0 : i32
      %dma_wait3A_273 = tpu.memref_slice %arg13[%run_scoped3A, %dma_wait3A, %dma_wait3A_272] : memref<2x32x128xf32, #tpu.memory_space<vmem>> -> memref<1x32x128xf32, #tpu.memory_space<vmem>>
      %dma_wait3A_274 = tpu.memref_squeeze %dma_wait3A_273 : memref<1x32x128xf32, #tpu.memory_space<vmem>> -> memref<32x128xf32, #tpu.memory_space<vmem>>
      %dma_wait3A_275 = arith.constant 0 : i32
      %dma_wait3A_276 = tpu.memref_slice %arg16[%add3A_9, %dma_wait3A_275] : memref<10240x128xf32, #tpu.memory_space<vmem_shared>> -> memref<32x128xf32, #tpu.memory_space<vmem_shared>>
      %dma_wait3A_277 = arith.constant 0 : i32
      %dma_wait3A_278 = tpu.memref_slice %arg16[%add3A_9, %dma_wait3A_277] : memref<10240x128xf32, #tpu.memory_space<vmem_shared>> -> memref<32x128xf32, #tpu.memory_space<vmem_shared>>
      %dma_wait3A_279 = arith.constant 0 : i32
      %dma_wait3A_280 = arith.constant 0 : i32
      %dma_wait3A_281 = tpu.memref_slice %arg13[%run_scoped3A, %dma_wait3A_279, %dma_wait3A_280] : memref<2x32x128xf32, #tpu.memory_space<vmem>> -> memref<1x32x128xf32, #tpu.memory_space<vmem>>
      %dma_wait3A_282 = tpu.memref_squeeze %dma_wait3A_281 : memref<1x32x128xf32, #tpu.memory_space<vmem>> -> memref<32x128xf32, #tpu.memory_space<vmem>>
      tpu.wait_dma2 semaphore(%run_scoped3A_260 : memref<!tpu.dma_semaphore, #tpu.memory_space<semaphore_mem>>) src(%dma_wait3A_282 : memref<32x128xf32, #tpu.memory_space<vmem>>) dst(%dma_wait3A_278 : memref<32x128xf32, #tpu.memory_space<vmem_shared>>)
      tpu.yield
    }) : () -> ()
    %mul3A_10 = arith.constant 640 : i32
    %mul3A_11 = arith.muli %arg1, %mul3A_10 : i32
    %add3A_12 = arith.constant 32 : i32
    %add3A_13 = arith.addi %mul3A_11, %add3A_12 : i32
    %run_scoped3A_14 = arith.constant 0 : i32
    "tpu.region"() ({
      %run_scoped3A_260 = tpu.sem_alloc : memref<!tpu.dma_semaphore, #tpu.memory_space<semaphore_mem>>
      %dma_start3A = arith.constant 0 : i32
      %dma_start3A_261 = arith.constant 0 : i32
      %dma_start3A_262 = tpu.memref_slice %arg13[%run_scoped3A_14, %dma_start3A, %dma_start3A_261] : memref<2x32x128xf32, #tpu.memory_space<vmem>> -> memref<1x32x128xf32, #tpu.memory_space<vmem>>
      %dma_start3A_263 = tpu.memref_squeeze %dma_start3A_262 : memref<1x32x128xf32, #tpu.memory_space<vmem>> -> memref<32x128xf32, #tpu.memory_space<vmem>>
      %dma_start3A_264 = arith.constant 0 : i32
      %dma_start3A_265 = tpu.memref_slice %arg16[%add3A_13, %dma_start3A_264] : memref<10240x128xf32, #tpu.memory_space<vmem_shared>> -> memref<32x128xf32, #tpu.memory_space<vmem_shared>>
      %dma_start3A_266 = arith.constant 0 : i32
      %dma_start3A_267 = tpu.memref_slice %arg16[%add3A_13, %dma_start3A_266] : memref<10240x128xf32, #tpu.memory_space<vmem_shared>> -> memref<32x128xf32, #tpu.memory_space<vmem_shared>>
      %dma_start3A_268 = arith.constant 0 : i32
      %dma_start3A_269 = arith.constant 0 : i32
      %dma_start3A_270 = tpu.memref_slice %arg13[%run_scoped3A_14, %dma_start3A_268, %dma_start3A_269] : memref<2x32x128xf32, #tpu.memory_space<vmem>> -> memref<1x32x128xf32, #tpu.memory_space<vmem>>
      %dma_start3A_271 = tpu.memref_squeeze %dma_start3A_270 : memref<1x32x128xf32, #tpu.memory_space<vmem>> -> memref<32x128xf32, #tpu.memory_space<vmem>>
      tpu.enqueue_dma source(%dma_start3A_271 : memref<32x128xf32, #tpu.memory_space<vmem>>) target(%dma_start3A_267 : memref<32x128xf32, #tpu.memory_space<vmem_shared>>) target_semaphore(%run_scoped3A_260 : memref<!tpu.dma_semaphore, #tpu.memory_space<semaphore_mem>>)
      %dma_wait3A = arith.constant 0 : i32
      %dma_wait3A_272 = arith.constant 0 : i32
      %dma_wait3A_273 = tpu.memref_slice %arg13[%run_scoped3A_14, %dma_wait3A, %dma_wait3A_272] : memref<2x32x128xf32, #tpu.memory_space<vmem>> -> memref<1x32x128xf32, #tpu.memory_space<vmem>>
      %dma_wait3A_274 = tpu.memref_squeeze %dma_wait3A_273 : memref<1x32x128xf32, #tpu.memory_space<vmem>> -> memref<32x128xf32, #tpu.memory_space<vmem>>
      %dma_wait3A_275 = arith.constant 0 : i32
      %dma_wait3A_276 = tpu.memref_slice %arg16[%add3A_13, %dma_wait3A_275] : memref<10240x128xf32, #tpu.memory_space<vmem_shared>> -> memref<32x128xf32, #tpu.memory_space<vmem_shared>>
      %dma_wait3A_277 = arith.constant 0 : i32
      %dma_wait3A_278 = tpu.memref_slice %arg16[%add3A_13, %dma_wait3A_277] : memref<10240x128xf32, #tpu.memory_space<vmem_shared>> -> memref<32x128xf32, #tpu.memory_space<vmem_shared>>
      %dma_wait3A_279 = arith.constant 0 : i32
      %dma_wait3A_280 = arith.constant 0 : i32
      %dma_wait3A_281 = tpu.memref_slice %arg13[%run_scoped3A_14, %dma_wait3A_279, %dma_wait3A_280] : memref<2x32x128xf32, #tpu.memory_space<vmem>> -> memref<1x32x128xf32, #tpu.memory_space<vmem>>
      %dma_wait3A_282 = tpu.memref_squeeze %dma_wait3A_281 : memref<1x32x128xf32, #tpu.memory_space<vmem>> -> memref<32x128xf32, #tpu.memory_space<vmem>>
      tpu.wait_dma2 semaphore(%run_scoped3A_260 : memref<!tpu.dma_semaphore, #tpu.memory_space<semaphore_mem>>) src(%dma_wait3A_282 : memref<32x128xf32, #tpu.memory_space<vmem>>) dst(%dma_wait3A_278 : memref<32x128xf32, #tpu.memory_space<vmem_shared>>)
      tpu.yield
    }) : () -> ()
    %mul3A_15 = arith.constant 640 : i32
    %mul3A_16 = arith.muli %arg1, %mul3A_15 : i32
    %add3A_17 = arith.constant 64 : i32
    %add3A_18 = arith.addi %mul3A_16, %add3A_17 : i32
    %run_scoped3A_19 = arith.constant 0 : i32
    "tpu.region"() ({
      %run_scoped3A_260 = tpu.sem_alloc : memref<!tpu.dma_semaphore, #tpu.memory_space<semaphore_mem>>
      %dma_start3A = arith.constant 0 : i32
      %dma_start3A_261 = arith.constant 0 : i32
      %dma_start3A_262 = tpu.memref_slice %arg13[%run_scoped3A_19, %dma_start3A, %dma_start3A_261] : memref<2x32x128xf32, #tpu.memory_space<vmem>> -> memref<1x32x128xf32, #tpu.memory_space<vmem>>
      %dma_start3A_263 = tpu.memref_squeeze %dma_start3A_262 : memref<1x32x128xf32, #tpu.memory_space<vmem>> -> memref<32x128xf32, #tpu.memory_space<vmem>>
      %dma_start3A_264 = arith.constant 0 : i32
      %dma_start3A_265 = tpu.memref_slice %arg16[%add3A_18, %dma_start3A_264] : memref<10240x128xf32, #tpu.memory_space<vmem_shared>> -> memref<32x128xf32, #tpu.memory_space<vmem_shared>>
      %dma_start3A_266 = arith.constant 0 : i32
      %dma_start3A_267 = tpu.memref_slice %arg16[%add3A_18, %dma_start3A_266] : memref<10240x128xf32, #tpu.memory_space<vmem_shared>> -> memref<32x128xf32, #tpu.memory_space<vmem_shared>>
      %dma_start3A_268 = arith.constant 0 : i32
      %dma_start3A_269 = arith.constant 0 : i32
      %dma_start3A_270 = tpu.memref_slice %arg13[%run_scoped3A_19, %dma_start3A_268, %dma_start3A_269] : memref<2x32x128xf32, #tpu.memory_space<vmem>> -> memref<1x32x128xf32, #tpu.memory_space<vmem>>
      %dma_start3A_271 = tpu.memref_squeeze %dma_start3A_270 : memref<1x32x128xf32, #tpu.memory_space<vmem>> -> memref<32x128xf32, #tpu.memory_space<vmem>>
      tpu.enqueue_dma source(%dma_start3A_271 : memref<32x128xf32, #tpu.memory_space<vmem>>) target(%dma_start3A_267 : memref<32x128xf32, #tpu.memory_space<vmem_shared>>) target_semaphore(%run_scoped3A_260 : memref<!tpu.dma_semaphore, #tpu.memory_space<semaphore_mem>>)
      %dma_wait3A = arith.constant 0 : i32
      %dma_wait3A_272 = arith.constant 0 : i32
      %dma_wait3A_273 = tpu.memref_slice %arg13[%run_scoped3A_19, %dma_wait3A, %dma_wait3A_272] : memref<2x32x128xf32, #tpu.memory_space<vmem>> -> memref<1x32x128xf32, #tpu.memory_space<vmem>>
      %dma_wait3A_274 = tpu.memref_squeeze %dma_wait3A_273 : memref<1x32x128xf32, #tpu.memory_space<vmem>> -> memref<32x128xf32, #tpu.memory_space<vmem>>
      %dma_wait3A_275 = arith.constant 0 : i32
      %dma_wait3A_276 = tpu.memref_slice %arg16[%add3A_18, %dma_wait3A_275] : memref<10240x128xf32, #tpu.memory_space<vmem_shared>> -> memref<32x128xf32, #tpu.memory_space<vmem_shared>>
      %dma_wait3A_277 = arith.constant 0 : i32
      %dma_wait3A_278 = tpu.memref_slice %arg16[%add3A_18, %dma_wait3A_277] : memref<10240x128xf32, #tpu.memory_space<vmem_shared>> -> memref<32x128xf32, #tpu.memory_space<vmem_shared>>
      %dma_wait3A_279 = arith.constant 0 : i32
      %dma_wait3A_280 = arith.constant 0 : i32
      %dma_wait3A_281 = tpu.memref_slice %arg13[%run_scoped3A_19, %dma_wait3A_279, %dma_wait3A_280] : memref<2x32x128xf32, #tpu.memory_space<vmem>> -> memref<1x32x128xf32, #tpu.memory_space<vmem>>
      %dma_wait3A_282 = tpu.memref_squeeze %dma_wait3A_281 : memref<1x32x128xf32, #tpu.memory_space<vmem>> -> memref<32x128xf32, #tpu.memory_space<vmem>>
      tpu.wait_dma2 semaphore(%run_scoped3A_260 : memref<!tpu.dma_semaphore, #tpu.memory_space<semaphore_mem>>) src(%dma_wait3A_282 : memref<32x128xf32, #tpu.memory_space<vmem>>) dst(%dma_wait3A_278 : memref<32x128xf32, #tpu.memory_space<vmem_shared>>)
      tpu.yield
    }) : () -> ()
    %mul3A_20 = arith.constant 640 : i32
    %mul3A_21 = arith.muli %arg1, %mul3A_20 : i32
    %add3A_22 = arith.constant 96 : i32
    %add3A_23 = arith.addi %mul3A_21, %add3A_22 : i32
    %run_scoped3A_24 = arith.constant 0 : i32
    "tpu.region"() ({
      %run_scoped3A_260 = tpu.sem_alloc : memref<!tpu.dma_semaphore, #tpu.memory_space<semaphore_mem>>
      %dma_start3A = arith.constant 0 : i32
      %dma_start3A_261 = arith.constant 0 : i32
      %dma_start3A_262 = tpu.memref_slice %arg13[%run_scoped3A_24, %dma_start3A, %dma_start3A_261] : memref<2x32x128xf32, #tpu.memory_space<vmem>> -> memref<1x32x128xf32, #tpu.memory_space<vmem>>
      %dma_start3A_263 = tpu.memref_squeeze %dma_start3A_262 : memref<1x32x128xf32, #tpu.memory_space<vmem>> -> memref<32x128xf32, #tpu.memory_space<vmem>>
      %dma_start3A_264 = arith.constant 0 : i32
      %dma_start3A_265 = tpu.memref_slice %arg16[%add3A_23, %dma_start3A_264] : memref<10240x128xf32, #tpu.memory_space<vmem_shared>> -> memref<32x128xf32, #tpu.memory_space<vmem_shared>>
      %dma_start3A_266 = arith.constant 0 : i32
      %dma_start3A_267 = tpu.memref_slice %arg16[%add3A_23, %dma_start3A_266] : memref<10240x128xf32, #tpu.memory_space<vmem_shared>> -> memref<32x128xf32, #tpu.memory_space<vmem_shared>>
      %dma_start3A_268 = arith.constant 0 : i32
      %dma_start3A_269 = arith.constant 0 : i32
      %dma_start3A_270 = tpu.memref_slice %arg13[%run_scoped3A_24, %dma_start3A_268, %dma_start3A_269] : memref<2x32x128xf32, #tpu.memory_space<vmem>> -> memref<1x32x128xf32, #tpu.memory_space<vmem>>
      %dma_start3A_271 = tpu.memref_squeeze %dma_start3A_270 : memref<1x32x128xf32, #tpu.memory_space<vmem>> -> memref<32x128xf32, #tpu.memory_space<vmem>>
      tpu.enqueue_dma source(%dma_start3A_271 : memref<32x128xf32, #tpu.memory_space<vmem>>) target(%dma_start3A_267 : memref<32x128xf32, #tpu.memory_space<vmem_shared>>) target_semaphore(%run_scoped3A_260 : memref<!tpu.dma_semaphore, #tpu.memory_space<semaphore_mem>>)
      %dma_wait3A = arith.constant 0 : i32
      %dma_wait3A_272 = arith.constant 0 : i32
      %dma_wait3A_273 = tpu.memref_slice %arg13[%run_scoped3A_24, %dma_wait3A, %dma_wait3A_272] : memref<2x32x128xf32, #tpu.memory_space<vmem>> -> memref<1x32x128xf32, #tpu.memory_space<vmem>>
      %dma_wait3A_274 = tpu.memref_squeeze %dma_wait3A_273 : memref<1x32x128xf32, #tpu.memory_space<vmem>> -> memref<32x128xf32, #tpu.memory_space<vmem>>
      %dma_wait3A_275 = arith.constant 0 : i32
      %dma_wait3A_276 = tpu.memref_slice %arg16[%add3A_23, %dma_wait3A_275] : memref<10240x128xf32, #tpu.memory_space<vmem_shared>> -> memref<32x128xf32, #tpu.memory_space<vmem_shared>>
      %dma_wait3A_277 = arith.constant 0 : i32
      %dma_wait3A_278 = tpu.memref_slice %arg16[%add3A_23, %dma_wait3A_277] : memref<10240x128xf32, #tpu.memory_space<vmem_shared>> -> memref<32x128xf32, #tpu.memory_space<vmem_shared>>
      %dma_wait3A_279 = arith.constant 0 : i32
      %dma_wait3A_280 = arith.constant 0 : i32
      %dma_wait3A_281 = tpu.memref_slice %arg13[%run_scoped3A_24, %dma_wait3A_279, %dma_wait3A_280] : memref<2x32x128xf32, #tpu.memory_space<vmem>> -> memref<1x32x128xf32, #tpu.memory_space<vmem>>
      %dma_wait3A_282 = tpu.memref_squeeze %dma_wait3A_281 : memref<1x32x128xf32, #tpu.memory_space<vmem>> -> memref<32x128xf32, #tpu.memory_space<vmem>>
      tpu.wait_dma2 semaphore(%run_scoped3A_260 : memref<!tpu.dma_semaphore, #tpu.memory_space<semaphore_mem>>) src(%dma_wait3A_282 : memref<32x128xf32, #tpu.memory_space<vmem>>) dst(%dma_wait3A_278 : memref<32x128xf32, #tpu.memory_space<vmem_shared>>)
      tpu.yield
    }) : () -> ()
    %mul3A_25 = arith.constant 640 : i32
    %mul3A_26 = arith.muli %arg1, %mul3A_25 : i32
    %add3A_27 = arith.constant 128 : i32
    %add3A_28 = arith.addi %mul3A_26, %add3A_27 : i32
    %run_scoped3A_29 = arith.constant 0 : i32
    "tpu.region"() ({
      %run_scoped3A_260 = tpu.sem_alloc : memref<!tpu.dma_semaphore, #tpu.memory_space<semaphore_mem>>
      %dma_start3A = arith.constant 0 : i32
      %dma_start3A_261 = arith.constant 0 : i32
      %dma_start3A_262 = tpu.memref_slice %arg13[%run_scoped3A_29, %dma_start3A, %dma_start3A_261] : memref<2x32x128xf32, #tpu.memory_space<vmem>> -> memref<1x32x128xf32, #tpu.memory_space<vmem>>
      %dma_start3A_263 = tpu.memref_squeeze %dma_start3A_262 : memref<1x32x128xf32, #tpu.memory_space<vmem>> -> memref<32x128xf32, #tpu.memory_space<vmem>>
      %dma_start3A_264 = arith.constant 0 : i32
      %dma_start3A_265 = tpu.memref_slice %arg16[%add3A_28, %dma_start3A_264] : memref<10240x128xf32, #tpu.memory_space<vmem_shared>> -> memref<32x128xf32, #tpu.memory_space<vmem_shared>>
      %dma_start3A_266 = arith.constant 0 : i32
      %dma_start3A_267 = tpu.memref_slice %arg16[%add3A_28, %dma_start3A_266] : memref<10240x128xf32, #tpu.memory_space<vmem_shared>> -> memref<32x128xf32, #tpu.memory_space<vmem_shared>>
      %dma_start3A_268 = arith.constant 0 : i32
      %dma_start3A_269 = arith.constant 0 : i32
      %dma_start3A_270 = tpu.memref_slice %arg13[%run_scoped3A_29, %dma_start3A_268, %dma_start3A_269] : memref<2x32x128xf32, #tpu.memory_space<vmem>> -> memref<1x32x128xf32, #tpu.memory_space<vmem>>
      %dma_start3A_271 = tpu.memref_squeeze %dma_start3A_270 : memref<1x32x128xf32, #tpu.memory_space<vmem>> -> memref<32x128xf32, #tpu.memory_space<vmem>>
      tpu.enqueue_dma source(%dma_start3A_271 : memref<32x128xf32, #tpu.memory_space<vmem>>) target(%dma_start3A_267 : memref<32x128xf32, #tpu.memory_space<vmem_shared>>) target_semaphore(%run_scoped3A_260 : memref<!tpu.dma_semaphore, #tpu.memory_space<semaphore_mem>>)
      %dma_wait3A = arith.constant 0 : i32
      %dma_wait3A_272 = arith.constant 0 : i32
      %dma_wait3A_273 = tpu.memref_slice %arg13[%run_scoped3A_29, %dma_wait3A, %dma_wait3A_272] : memref<2x32x128xf32, #tpu.memory_space<vmem>> -> memref<1x32x128xf32, #tpu.memory_space<vmem>>
      %dma_wait3A_274 = tpu.memref_squeeze %dma_wait3A_273 : memref<1x32x128xf32, #tpu.memory_space<vmem>> -> memref<32x128xf32, #tpu.memory_space<vmem>>
      %dma_wait3A_275 = arith.constant 0 : i32
      %dma_wait3A_276 = tpu.memref_slice %arg16[%add3A_28, %dma_wait3A_275] : memref<10240x128xf32, #tpu.memory_space<vmem_shared>> -> memref<32x128xf32, #tpu.memory_space<vmem_shared>>
      %dma_wait3A_277 = arith.constant 0 : i32
      %dma_wait3A_278 = tpu.memref_slice %arg16[%add3A_28, %dma_wait3A_277] : memref<10240x128xf32, #tpu.memory_space<vmem_shared>> -> memref<32x128xf32, #tpu.memory_space<vmem_shared>>
      %dma_wait3A_279 = arith.constant 0 : i32
      %dma_wait3A_280 = arith.constant 0 : i32
      %dma_wait3A_281 = tpu.memref_slice %arg13[%run_scoped3A_29, %dma_wait3A_279, %dma_wait3A_280] : memref<2x32x128xf32, #tpu.memory_space<vmem>> -> memref<1x32x128xf32, #tpu.memory_space<vmem>>
      %dma_wait3A_282 = tpu.memref_squeeze %dma_wait3A_281 : memref<1x32x128xf32, #tpu.memory_space<vmem>> -> memref<32x128xf32, #tpu.memory_space<vmem>>
      tpu.wait_dma2 semaphore(%run_scoped3A_260 : memref<!tpu.dma_semaphore, #tpu.memory_space<semaphore_mem>>) src(%dma_wait3A_282 : memref<32x128xf32, #tpu.memory_space<vmem>>) dst(%dma_wait3A_278 : memref<32x128xf32, #tpu.memory_space<vmem_shared>>)
      tpu.yield
    }) : () -> ()
    %mul3A_30 = arith.constant 640 : i32
    %mul3A_31 = arith.muli %arg1, %mul3A_30 : i32
    %add3A_32 = arith.constant 160 : i32
    %add3A_33 = arith.addi %mul3A_31, %add3A_32 : i32
    %run_scoped3A_34 = arith.constant 0 : i32
    "tpu.region"() ({
      %run_scoped3A_260 = tpu.sem_alloc : memref<!tpu.dma_semaphore, #tpu.memory_space<semaphore_mem>>
      %dma_start3A = arith.constant 0 : i32
      %dma_start3A_261 = arith.constant 0 : i32
      %dma_start3A_262 = tpu.memref_slice %arg13[%run_scoped3A_34, %dma_start3A, %dma_start3A_261] : memref<2x32x128xf32, #tpu.memory_space<vmem>> -> memref<1x32x128xf32, #tpu.memory_space<vmem>>
      %dma_start3A_263 = tpu.memref_squeeze %dma_start3A_262 : memref<1x32x128xf32, #tpu.memory_space<vmem>> -> memref<32x128xf32, #tpu.memory_space<vmem>>
      %dma_start3A_264 = arith.constant 0 : i32
      %dma_start3A_265 = tpu.memref_slice %arg16[%add3A_33, %dma_start3A_264] : memref<10240x128xf32, #tpu.memory_space<vmem_shared>> -> memref<32x128xf32, #tpu.memory_space<vmem_shared>>
      %dma_start3A_266 = arith.constant 0 : i32
      %dma_start3A_267 = tpu.memref_slice %arg16[%add3A_33, %dma_start3A_266] : memref<10240x128xf32, #tpu.memory_space<vmem_shared>> -> memref<32x128xf32, #tpu.memory_space<vmem_shared>>
      %dma_start3A_268 = arith.constant 0 : i32
      %dma_start3A_269 = arith.constant 0 : i32
      %dma_start3A_270 = tpu.memref_slice %arg13[%run_scoped3A_34, %dma_start3A_268, %dma_start3A_269] : memref<2x32x128xf32, #tpu.memory_space<vmem>> -> memref<1x32x128xf32, #tpu.memory_space<vmem>>
      %dma_start3A_271 = tpu.memref_squeeze %dma_start3A_270 : memref<1x32x128xf32, #tpu.memory_space<vmem>> -> memref<32x128xf32, #tpu.memory_space<vmem>>
      tpu.enqueue_dma source(%dma_start3A_271 : memref<32x128xf32, #tpu.memory_space<vmem>>) target(%dma_start3A_267 : memref<32x128xf32, #tpu.memory_space<vmem_shared>>) target_semaphore(%run_scoped3A_260 : memref<!tpu.dma_semaphore, #tpu.memory_space<semaphore_mem>>)
      %dma_wait3A = arith.constant 0 : i32
      %dma_wait3A_272 = arith.constant 0 : i32
      %dma_wait3A_273 = tpu.memref_slice %arg13[%run_scoped3A_34, %dma_wait3A, %dma_wait3A_272] : memref<2x32x128xf32, #tpu.memory_space<vmem>> -> memref<1x32x128xf32, #tpu.memory_space<vmem>>
      %dma_wait3A_274 = tpu.memref_squeeze %dma_wait3A_273 : memref<1x32x128xf32, #tpu.memory_space<vmem>> -> memref<32x128xf32, #tpu.memory_space<vmem>>
      %dma_wait3A_275 = arith.constant 0 : i32
      %dma_wait3A_276 = tpu.memref_slice %arg16[%add3A_33, %dma_wait3A_275] : memref<10240x128xf32, #tpu.memory_space<vmem_shared>> -> memref<32x128xf32, #tpu.memory_space<vmem_shared>>
      %dma_wait3A_277 = arith.constant 0 : i32
      %dma_wait3A_278 = tpu.memref_slice %arg16[%add3A_33, %dma_wait3A_277] : memref<10240x128xf32, #tpu.memory_space<vmem_shared>> -> memref<32x128xf32, #tpu.memory_space<vmem_shared>>
      %dma_wait3A_279 = arith.constant 0 : i32
      %dma_wait3A_280 = arith.constant 0 : i32
      %dma_wait3A_281 = tpu.memref_slice %arg13[%run_scoped3A_34, %dma_wait3A_279, %dma_wait3A_280] : memref<2x32x128xf32, #tpu.memory_space<vmem>> -> memref<1x32x128xf32, #tpu.memory_space<vmem>>
      %dma_wait3A_282 = tpu.memref_squeeze %dma_wait3A_281 : memref<1x32x128xf32, #tpu.memory_space<vmem>> -> memref<32x128xf32, #tpu.memory_space<vmem>>
      tpu.wait_dma2 semaphore(%run_scoped3A_260 : memref<!tpu.dma_semaphore, #tpu.memory_space<semaphore_mem>>) src(%dma_wait3A_282 : memref<32x128xf32, #tpu.memory_space<vmem>>) dst(%dma_wait3A_278 : memref<32x128xf32, #tpu.memory_space<vmem_shared>>)
      tpu.yield
    }) : () -> ()
    %mul3A_35 = arith.constant 640 : i32
    %mul3A_36 = arith.muli %arg1, %mul3A_35 : i32
    %add3A_37 = arith.constant 192 : i32
    %add3A_38 = arith.addi %mul3A_36, %add3A_37 : i32
    %run_scoped3A_39 = arith.constant 0 : i32
    "tpu.region"() ({
      %run_scoped3A_260 = tpu.sem_alloc : memref<!tpu.dma_semaphore, #tpu.memory_space<semaphore_mem>>
      %dma_start3A = arith.constant 0 : i32
      %dma_start3A_261 = arith.constant 0 : i32
      %dma_start3A_262 = tpu.memref_slice %arg13[%run_scoped3A_39, %dma_start3A, %dma_start3A_261] : memref<2x32x128xf32, #tpu.memory_space<vmem>> -> memref<1x32x128xf32, #tpu.memory_space<vmem>>
      %dma_start3A_263 = tpu.memref_squeeze %dma_start3A_262 : memref<1x32x128xf32, #tpu.memory_space<vmem>> -> memref<32x128xf32, #tpu.memory_space<vmem>>
      %dma_start3A_264 = arith.constant 0 : i32
      %dma_start3A_265 = tpu.memref_slice %arg16[%add3A_38, %dma_start3A_264] : memref<10240x128xf32, #tpu.memory_space<vmem_shared>> -> memref<32x128xf32, #tpu.memory_space<vmem_shared>>
      %dma_start3A_266 = arith.constant 0 : i32
      %dma_start3A_267 = tpu.memref_slice %arg16[%add3A_38, %dma_start3A_266] : memref<10240x128xf32, #tpu.memory_space<vmem_shared>> -> memref<32x128xf32, #tpu.memory_space<vmem_shared>>
      %dma_start3A_268 = arith.constant 0 : i32
      %dma_start3A_269 = arith.constant 0 : i32
      %dma_start3A_270 = tpu.memref_slice %arg13[%run_scoped3A_39, %dma_start3A_268, %dma_start3A_269] : memref<2x32x128xf32, #tpu.memory_space<vmem>> -> memref<1x32x128xf32, #tpu.memory_space<vmem>>
      %dma_start3A_271 = tpu.memref_squeeze %dma_start3A_270 : memref<1x32x128xf32, #tpu.memory_space<vmem>> -> memref<32x128xf32, #tpu.memory_space<vmem>>
      tpu.enqueue_dma source(%dma_start3A_271 : memref<32x128xf32, #tpu.memory_space<vmem>>) target(%dma_start3A_267 : memref<32x128xf32, #tpu.memory_space<vmem_shared>>) target_semaphore(%run_scoped3A_260 : memref<!tpu.dma_semaphore, #tpu.memory_space<semaphore_mem>>)
      %dma_wait3A = arith.constant 0 : i32
      %dma_wait3A_272 = arith.constant 0 : i32
      %dma_wait3A_273 = tpu.memref_slice %arg13[%run_scoped3A_39, %dma_wait3A, %dma_wait3A_272] : memref<2x32x128xf32, #tpu.memory_space<vmem>> -> memref<1x32x128xf32, #tpu.memory_space<vmem>>
      %dma_wait3A_274 = tpu.memref_squeeze %dma_wait3A_273 : memref<1x32x128xf32, #tpu.memory_space<vmem>> -> memref<32x128xf32, #tpu.memory_space<vmem>>
      %dma_wait3A_275 = arith.constant 0 : i32
      %dma_wait3A_276 = tpu.memref_slice %arg16[%add3A_38, %dma_wait3A_275] : memref<10240x128xf32, #tpu.memory_space<vmem_shared>> -> memref<32x128xf32, #tpu.memory_space<vmem_shared>>
      %dma_wait3A_277 = arith.constant 0 : i32
      %dma_wait3A_278 = tpu.memref_slice %arg16[%add3A_38, %dma_wait3A_277] : memref<10240x128xf32, #tpu.memory_space<vmem_shared>> -> memref<32x128xf32, #tpu.memory_space<vmem_shared>>
      %dma_wait3A_279 = arith.constant 0 : i32
      %dma_wait3A_280 = arith.constant 0 : i32
      %dma_wait3A_281 = tpu.memref_slice %arg13[%run_scoped3A_39, %dma_wait3A_279, %dma_wait3A_280] : memref<2x32x128xf32, #tpu.memory_space<vmem>> -> memref<1x32x128xf32, #tpu.memory_space<vmem>>
      %dma_wait3A_282 = tpu.memref_squeeze %dma_wait3A_281 : memref<1x32x128xf32, #tpu.memory_space<vmem>> -> memref<32x128xf32, #tpu.memory_space<vmem>>
      tpu.wait_dma2 semaphore(%run_scoped3A_260 : memref<!tpu.dma_semaphore, #tpu.memory_space<semaphore_mem>>) src(%dma_wait3A_282 : memref<32x128xf32, #tpu.memory_space<vmem>>) dst(%dma_wait3A_278 : memref<32x128xf32, #tpu.memory_space<vmem_shared>>)
      tpu.yield
    }) : () -> ()
    %mul3A_40 = arith.constant 640 : i32
    %mul3A_41 = arith.muli %arg1, %mul3A_40 : i32
    %add3A_42 = arith.constant 224 : i32
    %add3A_43 = arith.addi %mul3A_41, %add3A_42 : i32
    %run_scoped3A_44 = arith.constant 0 : i32
    "tpu.region"() ({
      %run_scoped3A_260 = tpu.sem_alloc : memref<!tpu.dma_semaphore, #tpu.memory_space<semaphore_mem>>
      %dma_start3A = arith.constant 0 : i32
      %dma_start3A_261 = arith.constant 0 : i32
      %dma_start3A_262 = tpu.memref_slice %arg13[%run_scoped3A_44, %dma_start3A, %dma_start3A_261] : memref<2x32x128xf32, #tpu.memory_space<vmem>> -> memref<1x32x128xf32, #tpu.memory_space<vmem>>
      %dma_start3A_263 = tpu.memref_squeeze %dma_start3A_262 : memref<1x32x128xf32, #tpu.memory_space<vmem>> -> memref<32x128xf32, #tpu.memory_space<vmem>>
      %dma_start3A_264 = arith.constant 0 : i32
      %dma_start3A_265 = tpu.memref_slice %arg16[%add3A_43, %dma_start3A_264] : memref<10240x128xf32, #tpu.memory_space<vmem_shared>> -> memref<32x128xf32, #tpu.memory_space<vmem_shared>>
      %dma_start3A_266 = arith.constant 0 : i32
      %dma_start3A_267 = tpu.memref_slice %arg16[%add3A_43, %dma_start3A_266] : memref<10240x128xf32, #tpu.memory_space<vmem_shared>> -> memref<32x128xf32, #tpu.memory_space<vmem_shared>>
      %dma_start3A_268 = arith.constant 0 : i32
      %dma_start3A_269 = arith.constant 0 : i32
      %dma_start3A_270 = tpu.memref_slice %arg13[%run_scoped3A_44, %dma_start3A_268, %dma_start3A_269] : memref<2x32x128xf32, #tpu.memory_space<vmem>> -> memref<1x32x128xf32, #tpu.memory_space<vmem>>
      %dma_start3A_271 = tpu.memref_squeeze %dma_start3A_270 : memref<1x32x128xf32, #tpu.memory_space<vmem>> -> memref<32x128xf32, #tpu.memory_space<vmem>>
      tpu.enqueue_dma source(%dma_start3A_271 : memref<32x128xf32, #tpu.memory_space<vmem>>) target(%dma_start3A_267 : memref<32x128xf32, #tpu.memory_space<vmem_shared>>) target_semaphore(%run_scoped3A_260 : memref<!tpu.dma_semaphore, #tpu.memory_space<semaphore_mem>>)
      %dma_wait3A = arith.constant 0 : i32
      %dma_wait3A_272 = arith.constant 0 : i32
      %dma_wait3A_273 = tpu.memref_slice %arg13[%run_scoped3A_44, %dma_wait3A, %dma_wait3A_272] : memref<2x32x128xf32, #tpu.memory_space<vmem>> -> memref<1x32x128xf32, #tpu.memory_space<vmem>>
      %dma_wait3A_274 = tpu.memref_squeeze %dma_wait3A_273 : memref<1x32x128xf32, #tpu.memory_space<vmem>> -> memref<32x128xf32, #tpu.memory_space<vmem>>
      %dma_wait3A_275 = arith.constant 0 : i32
      %dma_wait3A_276 = tpu.memref_slice %arg16[%add3A_43, %dma_wait3A_275] : memref<10240x128xf32, #tpu.memory_space<vmem_shared>> -> memref<32x128xf32, #tpu.memory_space<vmem_shared>>
      %dma_wait3A_277 = arith.constant 0 : i32
      %dma_wait3A_278 = tpu.memref_slice %arg16[%add3A_43, %dma_wait3A_277] : memref<10240x128xf32, #tpu.memory_space<vmem_shared>> -> memref<32x128xf32, #tpu.memory_space<vmem_shared>>
      %dma_wait3A_279 = arith.constant 0 : i32
      %dma_wait3A_280 = arith.constant 0 : i32
      %dma_wait3A_281 = tpu.memref_slice %arg13[%run_scoped3A_44, %dma_wait3A_279, %dma_wait3A_280] : memref<2x32x128xf32, #tpu.memory_space<vmem>> -> memref<1x32x128xf32, #tpu.memory_space<vmem>>
      %dma_wait3A_282 = tpu.memref_squeeze %dma_wait3A_281 : memref<1x32x128xf32, #tpu.memory_space<vmem>> -> memref<32x128xf32, #tpu.memory_space<vmem>>
      tpu.wait_dma2 semaphore(%run_scoped3A_260 : memref<!tpu.dma_semaphore, #tpu.memory_space<semaphore_mem>>) src(%dma_wait3A_282 : memref<32x128xf32, #tpu.memory_space<vmem>>) dst(%dma_wait3A_278 : memref<32x128xf32, #tpu.memory_space<vmem_shared>>)
      tpu.yield
    }) : () -> ()
    %mul3A_45 = arith.constant 640 : i32
    %mul3A_46 = arith.muli %arg1, %mul3A_45 : i32
    %add3A_47 = arith.constant 256 : i32
    %add3A_48 = arith.addi %mul3A_46, %add3A_47 : i32
    %run_scoped3A_49 = arith.constant 0 : i32
    "tpu.region"() ({
      %run_scoped3A_260 = tpu.sem_alloc : memref<!tpu.dma_semaphore, #tpu.memory_space<semaphore_mem>>
      %dma_start3A = arith.constant 0 : i32
      %dma_start3A_261 = arith.constant 0 : i32
      %dma_start3A_262 = tpu.memref_slice %arg13[%run_scoped3A_49, %dma_start3A, %dma_start3A_261] : memref<2x32x128xf32, #tpu.memory_space<vmem>> -> memref<1x32x128xf32, #tpu.memory_space<vmem>>
      %dma_start3A_263 = tpu.memref_squeeze %dma_start3A_262 : memref<1x32x128xf32, #tpu.memory_space<vmem>> -> memref<32x128xf32, #tpu.memory_space<vmem>>
      %dma_start3A_264 = arith.constant 0 : i32
      %dma_start3A_265 = tpu.memref_slice %arg16[%add3A_48, %dma_start3A_264] : memref<10240x128xf32, #tpu.memory_space<vmem_shared>> -> memref<32x128xf32, #tpu.memory_space<vmem_shared>>
      %dma_start3A_266 = arith.constant 0 : i32
      %dma_start3A_267 = tpu.memref_slice %arg16[%add3A_48, %dma_start3A_266] : memref<10240x128xf32, #tpu.memory_space<vmem_shared>> -> memref<32x128xf32, #tpu.memory_space<vmem_shared>>
      %dma_start3A_268 = arith.constant 0 : i32
      %dma_start3A_269 = arith.constant 0 : i32
      %dma_start3A_270 = tpu.memref_slice %arg13[%run_scoped3A_49, %dma_start3A_268, %dma_start3A_269] : memref<2x32x128xf32, #tpu.memory_space<vmem>> -> memref<1x32x128xf32, #tpu.memory_space<vmem>>
      %dma_start3A_271 = tpu.memref_squeeze %dma_start3A_270 : memref<1x32x128xf32, #tpu.memory_space<vmem>> -> memref<32x128xf32, #tpu.memory_space<vmem>>
      tpu.enqueue_dma source(%dma_start3A_271 : memref<32x128xf32, #tpu.memory_space<vmem>>) target(%dma_start3A_267 : memref<32x128xf32, #tpu.memory_space<vmem_shared>>) target_semaphore(%run_scoped3A_260 : memref<!tpu.dma_semaphore, #tpu.memory_space<semaphore_mem>>)
      %dma_wait3A = arith.constant 0 : i32
      %dma_wait3A_272 = arith.constant 0 : i32
      %dma_wait3A_273 = tpu.memref_slice %arg13[%run_scoped3A_49, %dma_wait3A, %dma_wait3A_272] : memref<2x32x128xf32, #tpu.memory_space<vmem>> -> memref<1x32x128xf32, #tpu.memory_space<vmem>>
      %dma_wait3A_274 = tpu.memref_squeeze %dma_wait3A_273 : memref<1x32x128xf32, #tpu.memory_space<vmem>> -> memref<32x128xf32, #tpu.memory_space<vmem>>
      %dma_wait3A_275 = arith.constant 0 : i32
      %dma_wait3A_276 = tpu.memref_slice %arg16[%add3A_48, %dma_wait3A_275] : memref<10240x128xf32, #tpu.memory_space<vmem_shared>> -> memref<32x128xf32, #tpu.memory_space<vmem_shared>>
      %dma_wait3A_277 = arith.constant 0 : i32
      %dma_wait3A_278 = tpu.memref_slice %arg16[%add3A_48, %dma_wait3A_277] : memref<10240x128xf32, #tpu.memory_space<vmem_shared>> -> memref<32x128xf32, #tpu.memory_space<vmem_shared>>
      %dma_wait3A_279 = arith.constant 0 : i32
      %dma_wait3A_280 = arith.constant 0 : i32
      %dma_wait3A_281 = tpu.memref_slice %arg13[%run_scoped3A_49, %dma_wait3A_279, %dma_wait3A_280] : memref<2x32x128xf32, #tpu.memory_space<vmem>> -> memref<1x32x128xf32, #tpu.memory_space<vmem>>
      %dma_wait3A_282 = tpu.memref_squeeze %dma_wait3A_281 : memref<1x32x128xf32, #tpu.memory_space<vmem>> -> memref<32x128xf32, #tpu.memory_space<vmem>>
      tpu.wait_dma2 semaphore(%run_scoped3A_260 : memref<!tpu.dma_semaphore, #tpu.memory_space<semaphore_mem>>) src(%dma_wait3A_282 : memref<32x128xf32, #tpu.memory_space<vmem>>) dst(%dma_wait3A_278 : memref<32x128xf32, #tpu.memory_space<vmem_shared>>)
      tpu.yield
    }) : () -> ()
    %mul3A_50 = arith.constant 640 : i32
    %mul3A_51 = arith.muli %arg1, %mul3A_50 : i32
    %add3A_52 = arith.constant 288 : i32
    %add3A_53 = arith.addi %mul3A_51, %add3A_52 : i32
    %run_scoped3A_54 = arith.constant 0 : i32
    "tpu.region"() ({
      %run_scoped3A_260 = tpu.sem_alloc : memref<!tpu.dma_semaphore, #tpu.memory_space<semaphore_mem>>
      %dma_start3A = arith.constant 0 : i32
      %dma_start3A_261 = arith.constant 0 : i32
      %dma_start3A_262 = tpu.memref_slice %arg13[%run_scoped3A_54, %dma_start3A, %dma_start3A_261] : memref<2x32x128xf32, #tpu.memory_space<vmem>> -> memref<1x32x128xf32, #tpu.memory_space<vmem>>
      %dma_start3A_263 = tpu.memref_squeeze %dma_start3A_262 : memref<1x32x128xf32, #tpu.memory_space<vmem>> -> memref<32x128xf32, #tpu.memory_space<vmem>>
      %dma_start3A_264 = arith.constant 0 : i32
      %dma_start3A_265 = tpu.memref_slice %arg16[%add3A_53, %dma_start3A_264] : memref<10240x128xf32, #tpu.memory_space<vmem_shared>> -> memref<32x128xf32, #tpu.memory_space<vmem_shared>>
      %dma_start3A_266 = arith.constant 0 : i32
      %dma_start3A_267 = tpu.memref_slice %arg16[%add3A_53, %dma_start3A_266] : memref<10240x128xf32, #tpu.memory_space<vmem_shared>> -> memref<32x128xf32, #tpu.memory_space<vmem_shared>>
      %dma_start3A_268 = arith.constant 0 : i32
      %dma_start3A_269 = arith.constant 0 : i32
      %dma_start3A_270 = tpu.memref_slice %arg13[%run_scoped3A_54, %dma_start3A_268, %dma_start3A_269] : memref<2x32x128xf32, #tpu.memory_space<vmem>> -> memref<1x32x128xf32, #tpu.memory_space<vmem>>
      %dma_start3A_271 = tpu.memref_squeeze %dma_start3A_270 : memref<1x32x128xf32, #tpu.memory_space<vmem>> -> memref<32x128xf32, #tpu.memory_space<vmem>>
      tpu.enqueue_dma source(%dma_start3A_271 : memref<32x128xf32, #tpu.memory_space<vmem>>) target(%dma_start3A_267 : memref<32x128xf32, #tpu.memory_space<vmem_shared>>) target_semaphore(%run_scoped3A_260 : memref<!tpu.dma_semaphore, #tpu.memory_space<semaphore_mem>>)
      %dma_wait3A = arith.constant 0 : i32
      %dma_wait3A_272 = arith.constant 0 : i32
      %dma_wait3A_273 = tpu.memref_slice %arg13[%run_scoped3A_54, %dma_wait3A, %dma_wait3A_272] : memref<2x32x128xf32, #tpu.memory_space<vmem>> -> memref<1x32x128xf32, #tpu.memory_space<vmem>>
      %dma_wait3A_274 = tpu.memref_squeeze %dma_wait3A_273 : memref<1x32x128xf32, #tpu.memory_space<vmem>> -> memref<32x128xf32, #tpu.memory_space<vmem>>
      %dma_wait3A_275 = arith.constant 0 : i32
      %dma_wait3A_276 = tpu.memref_slice %arg16[%add3A_53, %dma_wait3A_275] : memref<10240x128xf32, #tpu.memory_space<vmem_shared>> -> memref<32x128xf32, #tpu.memory_space<vmem_shared>>
      %dma_wait3A_277 = arith.constant 0 : i32
      %dma_wait3A_278 = tpu.memref_slice %arg16[%add3A_53, %dma_wait3A_277] : memref<10240x128xf32, #tpu.memory_space<vmem_shared>> -> memref<32x128xf32, #tpu.memory_space<vmem_shared>>
      %dma_wait3A_279 = arith.constant 0 : i32
      %dma_wait3A_280 = arith.constant 0 : i32
      %dma_wait3A_281 = tpu.memref_slice %arg13[%run_scoped3A_54, %dma_wait3A_279, %dma_wait3A_280] : memref<2x32x128xf32, #tpu.memory_space<vmem>> -> memref<1x32x128xf32, #tpu.memory_space<vmem>>
      %dma_wait3A_282 = tpu.memref_squeeze %dma_wait3A_281 : memref<1x32x128xf32, #tpu.memory_space<vmem>> -> memref<32x128xf32, #tpu.memory_space<vmem>>
      tpu.wait_dma2 semaphore(%run_scoped3A_260 : memref<!tpu.dma_semaphore, #tpu.memory_space<semaphore_mem>>) src(%dma_wait3A_282 : memref<32x128xf32, #tpu.memory_space<vmem>>) dst(%dma_wait3A_278 : memref<32x128xf32, #tpu.memory_space<vmem_shared>>)
      tpu.yield
    }) : () -> ()
    %mul3A_55 = arith.constant 640 : i32
    %mul3A_56 = arith.muli %arg1, %mul3A_55 : i32
    %add3A_57 = arith.constant 320 : i32
    %add3A_58 = arith.addi %mul3A_56, %add3A_57 : i32
    %run_scoped3A_59 = arith.constant 0 : i32
    "tpu.region"() ({
      %run_scoped3A_260 = tpu.sem_alloc : memref<!tpu.dma_semaphore, #tpu.memory_space<semaphore_mem>>
      %dma_start3A = arith.constant 0 : i32
      %dma_start3A_261 = arith.constant 0 : i32
      %dma_start3A_262 = tpu.memref_slice %arg13[%run_scoped3A_59, %dma_start3A, %dma_start3A_261] : memref<2x32x128xf32, #tpu.memory_space<vmem>> -> memref<1x32x128xf32, #tpu.memory_space<vmem>>
      %dma_start3A_263 = tpu.memref_squeeze %dma_start3A_262 : memref<1x32x128xf32, #tpu.memory_space<vmem>> -> memref<32x128xf32, #tpu.memory_space<vmem>>
      %dma_start3A_264 = arith.constant 0 : i32
      %dma_start3A_265 = tpu.memref_slice %arg16[%add3A_58, %dma_start3A_264] : memref<10240x128xf32, #tpu.memory_space<vmem_shared>> -> memref<32x128xf32, #tpu.memory_space<vmem_shared>>
      %dma_start3A_266 = arith.constant 0 : i32
      %dma_start3A_267 = tpu.memref_slice %arg16[%add3A_58, %dma_start3A_266] : memref<10240x128xf32, #tpu.memory_space<vmem_shared>> -> memref<32x128xf32, #tpu.memory_space<vmem_shared>>
      %dma_start3A_268 = arith.constant 0 : i32
      %dma_start3A_269 = arith.constant 0 : i32
      %dma_start3A_270 = tpu.memref_slice %arg13[%run_scoped3A_59, %dma_start3A_268, %dma_start3A_269] : memref<2x32x128xf32, #tpu.memory_space<vmem>> -> memref<1x32x128xf32, #tpu.memory_space<vmem>>
      %dma_start3A_271 = tpu.memref_squeeze %dma_start3A_270 : memref<1x32x128xf32, #tpu.memory_space<vmem>> -> memref<32x128xf32, #tpu.memory_space<vmem>>
      tpu.enqueue_dma source(%dma_start3A_271 : memref<32x128xf32, #tpu.memory_space<vmem>>) target(%dma_start3A_267 : memref<32x128xf32, #tpu.memory_space<vmem_shared>>) target_semaphore(%run_scoped3A_260 : memref<!tpu.dma_semaphore, #tpu.memory_space<semaphore_mem>>)
      %dma_wait3A = arith.constant 0 : i32
      %dma_wait3A_272 = arith.constant 0 : i32
      %dma_wait3A_273 = tpu.memref_slice %arg13[%run_scoped3A_59, %dma_wait3A, %dma_wait3A_272] : memref<2x32x128xf32, #tpu.memory_space<vmem>> -> memref<1x32x128xf32, #tpu.memory_space<vmem>>
      %dma_wait3A_274 = tpu.memref_squeeze %dma_wait3A_273 : memref<1x32x128xf32, #tpu.memory_space<vmem>> -> memref<32x128xf32, #tpu.memory_space<vmem>>
      %dma_wait3A_275 = arith.constant 0 : i32
      %dma_wait3A_276 = tpu.memref_slice %arg16[%add3A_58, %dma_wait3A_275] : memref<10240x128xf32, #tpu.memory_space<vmem_shared>> -> memref<32x128xf32, #tpu.memory_space<vmem_shared>>
      %dma_wait3A_277 = arith.constant 0 : i32
      %dma_wait3A_278 = tpu.memref_slice %arg16[%add3A_58, %dma_wait3A_277] : memref<10240x128xf32, #tpu.memory_space<vmem_shared>> -> memref<32x128xf32, #tpu.memory_space<vmem_shared>>
      %dma_wait3A_279 = arith.constant 0 : i32
      %dma_wait3A_280 = arith.constant 0 : i32
      %dma_wait3A_281 = tpu.memref_slice %arg13[%run_scoped3A_59, %dma_wait3A_279, %dma_wait3A_280] : memref<2x32x128xf32, #tpu.memory_space<vmem>> -> memref<1x32x128xf32, #tpu.memory_space<vmem>>
      %dma_wait3A_282 = tpu.memref_squeeze %dma_wait3A_281 : memref<1x32x128xf32, #tpu.memory_space<vmem>> -> memref<32x128xf32, #tpu.memory_space<vmem>>
      tpu.wait_dma2 semaphore(%run_scoped3A_260 : memref<!tpu.dma_semaphore, #tpu.memory_space<semaphore_mem>>) src(%dma_wait3A_282 : memref<32x128xf32, #tpu.memory_space<vmem>>) dst(%dma_wait3A_278 : memref<32x128xf32, #tpu.memory_space<vmem_shared>>)
      tpu.yield
    }) : () -> ()
    %mul3A_60 = arith.constant 640 : i32
    %mul3A_61 = arith.muli %arg1, %mul3A_60 : i32
    %add3A_62 = arith.constant 352 : i32
    %add3A_63 = arith.addi %mul3A_61, %add3A_62 : i32
    %run_scoped3A_64 = arith.constant 0 : i32
    "tpu.region"() ({
      %run_scoped3A_260 = tpu.sem_alloc : memref<!tpu.dma_semaphore, #tpu.memory_space<semaphore_mem>>
      %dma_start3A = arith.constant 0 : i32
      %dma_start3A_261 = arith.constant 0 : i32
      %dma_start3A_262 = tpu.memref_slice %arg13[%run_scoped3A_64, %dma_start3A, %dma_start3A_261] : memref<2x32x128xf32, #tpu.memory_space<vmem>> -> memref<1x32x128xf32, #tpu.memory_space<vmem>>
      %dma_start3A_263 = tpu.memref_squeeze %dma_start3A_262 : memref<1x32x128xf32, #tpu.memory_space<vmem>> -> memref<32x128xf32, #tpu.memory_space<vmem>>
      %dma_start3A_264 = arith.constant 0 : i32
      %dma_start3A_265 = tpu.memref_slice %arg16[%add3A_63, %dma_start3A_264] : memref<10240x128xf32, #tpu.memory_space<vmem_shared>> -> memref<32x128xf32, #tpu.memory_space<vmem_shared>>
      %dma_start3A_266 = arith.constant 0 : i32
      %dma_start3A_267 = tpu.memref_slice %arg16[%add3A_63, %dma_start3A_266] : memref<10240x128xf32, #tpu.memory_space<vmem_shared>> -> memref<32x128xf32, #tpu.memory_space<vmem_shared>>
      %dma_start3A_268 = arith.constant 0 : i32
      %dma_start3A_269 = arith.constant 0 : i32
      %dma_start3A_270 = tpu.memref_slice %arg13[%run_scoped3A_64, %dma_start3A_268, %dma_start3A_269] : memref<2x32x128xf32, #tpu.memory_space<vmem>> -> memref<1x32x128xf32, #tpu.memory_space<vmem>>
      %dma_start3A_271 = tpu.memref_squeeze %dma_start3A_270 : memref<1x32x128xf32, #tpu.memory_space<vmem>> -> memref<32x128xf32, #tpu.memory_space<vmem>>
      tpu.enqueue_dma source(%dma_start3A_271 : memref<32x128xf32, #tpu.memory_space<vmem>>) target(%dma_start3A_267 : memref<32x128xf32, #tpu.memory_space<vmem_shared>>) target_semaphore(%run_scoped3A_260 : memref<!tpu.dma_semaphore, #tpu.memory_space<semaphore_mem>>)
      %dma_wait3A = arith.constant 0 : i32
      %dma_wait3A_272 = arith.constant 0 : i32
      %dma_wait3A_273 = tpu.memref_slice %arg13[%run_scoped3A_64, %dma_wait3A, %dma_wait3A_272] : memref<2x32x128xf32, #tpu.memory_space<vmem>> -> memref<1x32x128xf32, #tpu.memory_space<vmem>>
      %dma_wait3A_274 = tpu.memref_squeeze %dma_wait3A_273 : memref<1x32x128xf32, #tpu.memory_space<vmem>> -> memref<32x128xf32, #tpu.memory_space<vmem>>
      %dma_wait3A_275 = arith.constant 0 : i32
      %dma_wait3A_276 = tpu.memref_slice %arg16[%add3A_63, %dma_wait3A_275] : memref<10240x128xf32, #tpu.memory_space<vmem_shared>> -> memref<32x128xf32, #tpu.memory_space<vmem_shared>>
      %dma_wait3A_277 = arith.constant 0 : i32
      %dma_wait3A_278 = tpu.memref_slice %arg16[%add3A_63, %dma_wait3A_277] : memref<10240x128xf32, #tpu.memory_space<vmem_shared>> -> memref<32x128xf32, #tpu.memory_space<vmem_shared>>
      %dma_wait3A_279 = arith.constant 0 : i32
      %dma_wait3A_280 = arith.constant 0 : i32
      %dma_wait3A_281 = tpu.memref_slice %arg13[%run_scoped3A_64, %dma_wait3A_279, %dma_wait3A_280] : memref<2x32x128xf32, #tpu.memory_space<vmem>> -> memref<1x32x128xf32, #tpu.memory_space<vmem>>
      %dma_wait3A_282 = tpu.memref_squeeze %dma_wait3A_281 : memref<1x32x128xf32, #tpu.memory_space<vmem>> -> memref<32x128xf32, #tpu.memory_space<vmem>>
      tpu.wait_dma2 semaphore(%run_scoped3A_260 : memref<!tpu.dma_semaphore, #tpu.memory_space<semaphore_mem>>) src(%dma_wait3A_282 : memref<32x128xf32, #tpu.memory_space<vmem>>) dst(%dma_wait3A_278 : memref<32x128xf32, #tpu.memory_space<vmem_shared>>)
      tpu.yield
    }) : () -> ()
    %mul3A_65 = arith.constant 640 : i32
    %mul3A_66 = arith.muli %arg1, %mul3A_65 : i32
    %add3A_67 = arith.constant 384 : i32
    %add3A_68 = arith.addi %mul3A_66, %add3A_67 : i32
    %run_scoped3A_69 = arith.constant 0 : i32
    "tpu.region"() ({
      %run_scoped3A_260 = tpu.sem_alloc : memref<!tpu.dma_semaphore, #tpu.memory_space<semaphore_mem>>
      %dma_start3A = arith.constant 0 : i32
      %dma_start3A_261 = arith.constant 0 : i32
      %dma_start3A_262 = tpu.memref_slice %arg13[%run_scoped3A_69, %dma_start3A, %dma_start3A_261] : memref<2x32x128xf32, #tpu.memory_space<vmem>> -> memref<1x32x128xf32, #tpu.memory_space<vmem>>
      %dma_start3A_263 = tpu.memref_squeeze %dma_start3A_262 : memref<1x32x128xf32, #tpu.memory_space<vmem>> -> memref<32x128xf32, #tpu.memory_space<vmem>>
      %dma_start3A_264 = arith.constant 0 : i32
      %dma_start3A_265 = tpu.memref_slice %arg16[%add3A_68, %dma_start3A_264] : memref<10240x128xf32, #tpu.memory_space<vmem_shared>> -> memref<32x128xf32, #tpu.memory_space<vmem_shared>>
      %dma_start3A_266 = arith.constant 0 : i32
      %dma_start3A_267 = tpu.memref_slice %arg16[%add3A_68, %dma_start3A_266] : memref<10240x128xf32, #tpu.memory_space<vmem_shared>> -> memref<32x128xf32, #tpu.memory_space<vmem_shared>>
      %dma_start3A_268 = arith.constant 0 : i32
      %dma_start3A_269 = arith.constant 0 : i32
      %dma_start3A_270 = tpu.memref_slice %arg13[%run_scoped3A_69, %dma_start3A_268, %dma_start3A_269] : memref<2x32x128xf32, #tpu.memory_space<vmem>> -> memref<1x32x128xf32, #tpu.memory_space<vmem>>
      %dma_start3A_271 = tpu.memref_squeeze %dma_start3A_270 : memref<1x32x128xf32, #tpu.memory_space<vmem>> -> memref<32x128xf32, #tpu.memory_space<vmem>>
      tpu.enqueue_dma source(%dma_start3A_271 : memref<32x128xf32, #tpu.memory_space<vmem>>) target(%dma_start3A_267 : memref<32x128xf32, #tpu.memory_space<vmem_shared>>) target_semaphore(%run_scoped3A_260 : memref<!tpu.dma_semaphore, #tpu.memory_space<semaphore_mem>>)
      %dma_wait3A = arith.constant 0 : i32
      %dma_wait3A_272 = arith.constant 0 : i32
      %dma_wait3A_273 = tpu.memref_slice %arg13[%run_scoped3A_69, %dma_wait3A, %dma_wait3A_272] : memref<2x32x128xf32, #tpu.memory_space<vmem>> -> memref<1x32x128xf32, #tpu.memory_space<vmem>>
      %dma_wait3A_274 = tpu.memref_squeeze %dma_wait3A_273 : memref<1x32x128xf32, #tpu.memory_space<vmem>> -> memref<32x128xf32, #tpu.memory_space<vmem>>
      %dma_wait3A_275 = arith.constant 0 : i32
      %dma_wait3A_276 = tpu.memref_slice %arg16[%add3A_68, %dma_wait3A_275] : memref<10240x128xf32, #tpu.memory_space<vmem_shared>> -> memref<32x128xf32, #tpu.memory_space<vmem_shared>>
      %dma_wait3A_277 = arith.constant 0 : i32
      %dma_wait3A_278 = tpu.memref_slice %arg16[%add3A_68, %dma_wait3A_277] : memref<10240x128xf32, #tpu.memory_space<vmem_shared>> -> memref<32x128xf32, #tpu.memory_space<vmem_shared>>
      %dma_wait3A_279 = arith.constant 0 : i32
      %dma_wait3A_280 = arith.constant 0 : i32
      %dma_wait3A_281 = tpu.memref_slice %arg13[%run_scoped3A_69, %dma_wait3A_279, %dma_wait3A_280] : memref<2x32x128xf32, #tpu.memory_space<vmem>> -> memref<1x32x128xf32, #tpu.memory_space<vmem>>
      %dma_wait3A_282 = tpu.memref_squeeze %dma_wait3A_281 : memref<1x32x128xf32, #tpu.memory_space<vmem>> -> memref<32x128xf32, #tpu.memory_space<vmem>>
      tpu.wait_dma2 semaphore(%run_scoped3A_260 : memref<!tpu.dma_semaphore, #tpu.memory_space<semaphore_mem>>) src(%dma_wait3A_282 : memref<32x128xf32, #tpu.memory_space<vmem>>) dst(%dma_wait3A_278 : memref<32x128xf32, #tpu.memory_space<vmem_shared>>)
      tpu.yield
    }) : () -> ()
    %mul3A_70 = arith.constant 640 : i32
    %mul3A_71 = arith.muli %arg1, %mul3A_70 : i32
    %add3A_72 = arith.constant 416 : i32
    %add3A_73 = arith.addi %mul3A_71, %add3A_72 : i32
    %run_scoped3A_74 = arith.constant 0 : i32
    "tpu.region"() ({
      %run_scoped3A_260 = tpu.sem_alloc : memref<!tpu.dma_semaphore, #tpu.memory_space<semaphore_mem>>
      %dma_start3A = arith.constant 0 : i32
      %dma_start3A_261 = arith.constant 0 : i32
      %dma_start3A_262 = tpu.memref_slice %arg13[%run_scoped3A_74, %dma_start3A, %dma_start3A_261] : memref<2x32x128xf32, #tpu.memory_space<vmem>> -> memref<1x32x128xf32, #tpu.memory_space<vmem>>
      %dma_start3A_263 = tpu.memref_squeeze %dma_start3A_262 : memref<1x32x128xf32, #tpu.memory_space<vmem>> -> memref<32x128xf32, #tpu.memory_space<vmem>>
      %dma_start3A_264 = arith.constant 0 : i32
      %dma_start3A_265 = tpu.memref_slice %arg16[%add3A_73, %dma_start3A_264] : memref<10240x128xf32, #tpu.memory_space<vmem_shared>> -> memref<32x128xf32, #tpu.memory_space<vmem_shared>>
      %dma_start3A_266 = arith.constant 0 : i32
      %dma_start3A_267 = tpu.memref_slice %arg16[%add3A_73, %dma_start3A_266] : memref<10240x128xf32, #tpu.memory_space<vmem_shared>> -> memref<32x128xf32, #tpu.memory_space<vmem_shared>>
      %dma_start3A_268 = arith.constant 0 : i32
      %dma_start3A_269 = arith.constant 0 : i32
      %dma_start3A_270 = tpu.memref_slice %arg13[%run_scoped3A_74, %dma_start3A_268, %dma_start3A_269] : memref<2x32x128xf32, #tpu.memory_space<vmem>> -> memref<1x32x128xf32, #tpu.memory_space<vmem>>
      %dma_start3A_271 = tpu.memref_squeeze %dma_start3A_270 : memref<1x32x128xf32, #tpu.memory_space<vmem>> -> memref<32x128xf32, #tpu.memory_space<vmem>>
      tpu.enqueue_dma source(%dma_start3A_271 : memref<32x128xf32, #tpu.memory_space<vmem>>) target(%dma_start3A_267 : memref<32x128xf32, #tpu.memory_space<vmem_shared>>) target_semaphore(%run_scoped3A_260 : memref<!tpu.dma_semaphore, #tpu.memory_space<semaphore_mem>>)
      %dma_wait3A = arith.constant 0 : i32
      %dma_wait3A_272 = arith.constant 0 : i32
      %dma_wait3A_273 = tpu.memref_slice %arg13[%run_scoped3A_74, %dma_wait3A, %dma_wait3A_272] : memref<2x32x128xf32, #tpu.memory_space<vmem>> -> memref<1x32x128xf32, #tpu.memory_space<vmem>>
      %dma_wait3A_274 = tpu.memref_squeeze %dma_wait3A_273 : memref<1x32x128xf32, #tpu.memory_space<vmem>> -> memref<32x128xf32, #tpu.memory_space<vmem>>
      %dma_wait3A_275 = arith.constant 0 : i32
      %dma_wait3A_276 = tpu.memref_slice %arg16[%add3A_73, %dma_wait3A_275] : memref<10240x128xf32, #tpu.memory_space<vmem_shared>> -> memref<32x128xf32, #tpu.memory_space<vmem_shared>>
      %dma_wait3A_277 = arith.constant 0 : i32
      %dma_wait3A_278 = tpu.memref_slice %arg16[%add3A_73, %dma_wait3A_277] : memref<10240x128xf32, #tpu.memory_space<vmem_shared>> -> memref<32x128xf32, #tpu.memory_space<vmem_shared>>
      %dma_wait3A_279 = arith.constant 0 : i32
      %dma_wait3A_280 = arith.constant 0 : i32
      %dma_wait3A_281 = tpu.memref_slice %arg13[%run_scoped3A_74, %dma_wait3A_279, %dma_wait3A_280] : memref<2x32x128xf32, #tpu.memory_space<vmem>> -> memref<1x32x128xf32, #tpu.memory_space<vmem>>
      %dma_wait3A_282 = tpu.memref_squeeze %dma_wait3A_281 : memref<1x32x128xf32, #tpu.memory_space<vmem>> -> memref<32x128xf32, #tpu.memory_space<vmem>>
      tpu.wait_dma2 semaphore(%run_scoped3A_260 : memref<!tpu.dma_semaphore, #tpu.memory_space<semaphore_mem>>) src(%dma_wait3A_282 : memref<32x128xf32, #tpu.memory_space<vmem>>) dst(%dma_wait3A_278 : memref<32x128xf32, #tpu.memory_space<vmem_shared>>)
      tpu.yield
    }) : () -> ()
    %mul3A_75 = arith.constant 640 : i32
    %mul3A_76 = arith.muli %arg1, %mul3A_75 : i32
    %add3A_77 = arith.constant 448 : i32
    %add3A_78 = arith.addi %mul3A_76, %add3A_77 : i32
    %run_scoped3A_79 = arith.constant 0 : i32
    "tpu.region"() ({
      %run_scoped3A_260 = tpu.sem_alloc : memref<!tpu.dma_semaphore, #tpu.memory_space<semaphore_mem>>
      %dma_start3A = arith.constant 0 : i32
      %dma_start3A_261 = arith.constant 0 : i32
      %dma_start3A_262 = tpu.memref_slice %arg13[%run_scoped3A_79, %dma_start3A, %dma_start3A_261] : memref<2x32x128xf32, #tpu.memory_space<vmem>> -> memref<1x32x128xf32, #tpu.memory_space<vmem>>
      %dma_start3A_263 = tpu.memref_squeeze %dma_start3A_262 : memref<1x32x128xf32, #tpu.memory_space<vmem>> -> memref<32x128xf32, #tpu.memory_space<vmem>>
      %dma_start3A_264 = arith.constant 0 : i32
      %dma_start3A_265 = tpu.memref_slice %arg16[%add3A_78, %dma_start3A_264] : memref<10240x128xf32, #tpu.memory_space<vmem_shared>> -> memref<32x128xf32, #tpu.memory_space<vmem_shared>>
      %dma_start3A_266 = arith.constant 0 : i32
      %dma_start3A_267 = tpu.memref_slice %arg16[%add3A_78, %dma_start3A_266] : memref<10240x128xf32, #tpu.memory_space<vmem_shared>> -> memref<32x128xf32, #tpu.memory_space<vmem_shared>>
      %dma_start3A_268 = arith.constant 0 : i32
      %dma_start3A_269 = arith.constant 0 : i32
      %dma_start3A_270 = tpu.memref_slice %arg13[%run_scoped3A_79, %dma_start3A_268, %dma_start3A_269] : memref<2x32x128xf32, #tpu.memory_space<vmem>> -> memref<1x32x128xf32, #tpu.memory_space<vmem>>
      %dma_start3A_271 = tpu.memref_squeeze %dma_start3A_270 : memref<1x32x128xf32, #tpu.memory_space<vmem>> -> memref<32x128xf32, #tpu.memory_space<vmem>>
      tpu.enqueue_dma source(%dma_start3A_271 : memref<32x128xf32, #tpu.memory_space<vmem>>) target(%dma_start3A_267 : memref<32x128xf32, #tpu.memory_space<vmem_shared>>) target_semaphore(%run_scoped3A_260 : memref<!tpu.dma_semaphore, #tpu.memory_space<semaphore_mem>>)
      %dma_wait3A = arith.constant 0 : i32
      %dma_wait3A_272 = arith.constant 0 : i32
      %dma_wait3A_273 = tpu.memref_slice %arg13[%run_scoped3A_79, %dma_wait3A, %dma_wait3A_272] : memref<2x32x128xf32, #tpu.memory_space<vmem>> -> memref<1x32x128xf32, #tpu.memory_space<vmem>>
      %dma_wait3A_274 = tpu.memref_squeeze %dma_wait3A_273 : memref<1x32x128xf32, #tpu.memory_space<vmem>> -> memref<32x128xf32, #tpu.memory_space<vmem>>
      %dma_wait3A_275 = arith.constant 0 : i32
      %dma_wait3A_276 = tpu.memref_slice %arg16[%add3A_78, %dma_wait3A_275] : memref<10240x128xf32, #tpu.memory_space<vmem_shared>> -> memref<32x128xf32, #tpu.memory_space<vmem_shared>>
      %dma_wait3A_277 = arith.constant 0 : i32
      %dma_wait3A_278 = tpu.memref_slice %arg16[%add3A_78, %dma_wait3A_277] : memref<10240x128xf32, #tpu.memory_space<vmem_shared>> -> memref<32x128xf32, #tpu.memory_space<vmem_shared>>
      %dma_wait3A_279 = arith.constant 0 : i32
      %dma_wait3A_280 = arith.constant 0 : i32
      %dma_wait3A_281 = tpu.memref_slice %arg13[%run_scoped3A_79, %dma_wait3A_279, %dma_wait3A_280] : memref<2x32x128xf32, #tpu.memory_space<vmem>> -> memref<1x32x128xf32, #tpu.memory_space<vmem>>
      %dma_wait3A_282 = tpu.memref_squeeze %dma_wait3A_281 : memref<1x32x128xf32, #tpu.memory_space<vmem>> -> memref<32x128xf32, #tpu.memory_space<vmem>>
      tpu.wait_dma2 semaphore(%run_scoped3A_260 : memref<!tpu.dma_semaphore, #tpu.memory_space<semaphore_mem>>) src(%dma_wait3A_282 : memref<32x128xf32, #tpu.memory_space<vmem>>) dst(%dma_wait3A_278 : memref<32x128xf32, #tpu.memory_space<vmem_shared>>)
      tpu.yield
    }) : () -> ()
    %mul3A_80 = arith.constant 640 : i32
    %mul3A_81 = arith.muli %arg1, %mul3A_80 : i32
    %add3A_82 = arith.constant 480 : i32
    %add3A_83 = arith.addi %mul3A_81, %add3A_82 : i32
    %run_scoped3A_84 = arith.constant 0 : i32
    "tpu.region"() ({
      %run_scoped3A_260 = tpu.sem_alloc : memref<!tpu.dma_semaphore, #tpu.memory_space<semaphore_mem>>
      %dma_start3A = arith.constant 0 : i32
      %dma_start3A_261 = arith.constant 0 : i32
      %dma_start3A_262 = tpu.memref_slice %arg13[%run_scoped3A_84, %dma_start3A, %dma_start3A_261] : memref<2x32x128xf32, #tpu.memory_space<vmem>> -> memref<1x32x128xf32, #tpu.memory_space<vmem>>
      %dma_start3A_263 = tpu.memref_squeeze %dma_start3A_262 : memref<1x32x128xf32, #tpu.memory_space<vmem>> -> memref<32x128xf32, #tpu.memory_space<vmem>>
      %dma_start3A_264 = arith.constant 0 : i32
      %dma_start3A_265 = tpu.memref_slice %arg16[%add3A_83, %dma_start3A_264] : memref<10240x128xf32, #tpu.memory_space<vmem_shared>> -> memref<32x128xf32, #tpu.memory_space<vmem_shared>>
      %dma_start3A_266 = arith.constant 0 : i32
      %dma_start3A_267 = tpu.memref_slice %arg16[%add3A_83, %dma_start3A_266] : memref<10240x128xf32, #tpu.memory_space<vmem_shared>> -> memref<32x128xf32, #tpu.memory_space<vmem_shared>>
      %dma_start3A_268 = arith.constant 0 : i32
      %dma_start3A_269 = arith.constant 0 : i32
      %dma_start3A_270 = tpu.memref_slice %arg13[%run_scoped3A_84, %dma_start3A_268, %dma_start3A_269] : memref<2x32x128xf32, #tpu.memory_space<vmem>> -> memref<1x32x128xf32, #tpu.memory_space<vmem>>
      %dma_start3A_271 = tpu.memref_squeeze %dma_start3A_270 : memref<1x32x128xf32, #tpu.memory_space<vmem>> -> memref<32x128xf32, #tpu.memory_space<vmem>>
      tpu.enqueue_dma source(%dma_start3A_271 : memref<32x128xf32, #tpu.memory_space<vmem>>) target(%dma_start3A_267 : memref<32x128xf32, #tpu.memory_space<vmem_shared>>) target_semaphore(%run_scoped3A_260 : memref<!tpu.dma_semaphore, #tpu.memory_space<semaphore_mem>>)
      %dma_wait3A = arith.constant 0 : i32
      %dma_wait3A_272 = arith.constant 0 : i32
      %dma_wait3A_273 = tpu.memref_slice %arg13[%run_scoped3A_84, %dma_wait3A, %dma_wait3A_272] : memref<2x32x128xf32, #tpu.memory_space<vmem>> -> memref<1x32x128xf32, #tpu.memory_space<vmem>>
      %dma_wait3A_274 = tpu.memref_squeeze %dma_wait3A_273 : memref<1x32x128xf32, #tpu.memory_space<vmem>> -> memref<32x128xf32, #tpu.memory_space<vmem>>
      %dma_wait3A_275 = arith.constant 0 : i32
      %dma_wait3A_276 = tpu.memref_slice %arg16[%add3A_83, %dma_wait3A_275] : memref<10240x128xf32, #tpu.memory_space<vmem_shared>> -> memref<32x128xf32, #tpu.memory_space<vmem_shared>>
      %dma_wait3A_277 = arith.constant 0 : i32
      %dma_wait3A_278 = tpu.memref_slice %arg16[%add3A_83, %dma_wait3A_277] : memref<10240x128xf32, #tpu.memory_space<vmem_shared>> -> memref<32x128xf32, #tpu.memory_space<vmem_shared>>
      %dma_wait3A_279 = arith.constant 0 : i32
      %dma_wait3A_280 = arith.constant 0 : i32
      %dma_wait3A_281 = tpu.memref_slice %arg13[%run_scoped3A_84, %dma_wait3A_279, %dma_wait3A_280] : memref<2x32x128xf32, #tpu.memory_space<vmem>> -> memref<1x32x128xf32, #tpu.memory_space<vmem>>
      %dma_wait3A_282 = tpu.memref_squeeze %dma_wait3A_281 : memref<1x32x128xf32, #tpu.memory_space<vmem>> -> memref<32x128xf32, #tpu.memory_space<vmem>>
      tpu.wait_dma2 semaphore(%run_scoped3A_260 : memref<!tpu.dma_semaphore, #tpu.memory_space<semaphore_mem>>) src(%dma_wait3A_282 : memref<32x128xf32, #tpu.memory_space<vmem>>) dst(%dma_wait3A_278 : memref<32x128xf32, #tpu.memory_space<vmem_shared>>)
      tpu.yield
    }) : () -> ()
    %mul3A_85 = arith.constant 640 : i32
    %mul3A_86 = arith.muli %arg1, %mul3A_85 : i32
    %add3A_87 = arith.constant 512 : i32
    %add3A_88 = arith.addi %mul3A_86, %add3A_87 : i32
    %run_scoped3A_89 = arith.constant 0 : i32
    "tpu.region"() ({
      %run_scoped3A_260 = tpu.sem_alloc : memref<!tpu.dma_semaphore, #tpu.memory_space<semaphore_mem>>
      %dma_start3A = arith.constant 0 : i32
      %dma_start3A_261 = arith.constant 0 : i32
      %dma_start3A_262 = tpu.memref_slice %arg13[%run_scoped3A_89, %dma_start3A, %dma_start3A_261] : memref<2x32x128xf32, #tpu.memory_space<vmem>> -> memref<1x32x128xf32, #tpu.memory_space<vmem>>
      %dma_start3A_263 = tpu.memref_squeeze %dma_start3A_262 : memref<1x32x128xf32, #tpu.memory_space<vmem>> -> memref<32x128xf32, #tpu.memory_space<vmem>>
      %dma_start3A_264 = arith.constant 0 : i32
      %dma_start3A_265 = tpu.memref_slice %arg16[%add3A_88, %dma_start3A_264] : memref<10240x128xf32, #tpu.memory_space<vmem_shared>> -> memref<32x128xf32, #tpu.memory_space<vmem_shared>>
      %dma_start3A_266 = arith.constant 0 : i32
      %dma_start3A_267 = tpu.memref_slice %arg16[%add3A_88, %dma_start3A_266] : memref<10240x128xf32, #tpu.memory_space<vmem_shared>> -> memref<32x128xf32, #tpu.memory_space<vmem_shared>>
      %dma_start3A_268 = arith.constant 0 : i32
      %dma_start3A_269 = arith.constant 0 : i32
      %dma_start3A_270 = tpu.memref_slice %arg13[%run_scoped3A_89, %dma_start3A_268, %dma_start3A_269] : memref<2x32x128xf32, #tpu.memory_space<vmem>> -> memref<1x32x128xf32, #tpu.memory_space<vmem>>
      %dma_start3A_271 = tpu.memref_squeeze %dma_start3A_270 : memref<1x32x128xf32, #tpu.memory_space<vmem>> -> memref<32x128xf32, #tpu.memory_space<vmem>>
      tpu.enqueue_dma source(%dma_start3A_271 : memref<32x128xf32, #tpu.memory_space<vmem>>) target(%dma_start3A_267 : memref<32x128xf32, #tpu.memory_space<vmem_shared>>) target_semaphore(%run_scoped3A_260 : memref<!tpu.dma_semaphore, #tpu.memory_space<semaphore_mem>>)
      %dma_wait3A = arith.constant 0 : i32
      %dma_wait3A_272 = arith.constant 0 : i32
      %dma_wait3A_273 = tpu.memref_slice %arg13[%run_scoped3A_89, %dma_wait3A, %dma_wait3A_272] : memref<2x32x128xf32, #tpu.memory_space<vmem>> -> memref<1x32x128xf32, #tpu.memory_space<vmem>>
      %dma_wait3A_274 = tpu.memref_squeeze %dma_wait3A_273 : memref<1x32x128xf32, #tpu.memory_space<vmem>> -> memref<32x128xf32, #tpu.memory_space<vmem>>
      %dma_wait3A_275 = arith.constant 0 : i32
      %dma_wait3A_276 = tpu.memref_slice %arg16[%add3A_88, %dma_wait3A_275] : memref<10240x128xf32, #tpu.memory_space<vmem_shared>> -> memref<32x128xf32, #tpu.memory_space<vmem_shared>>
      %dma_wait3A_277 = arith.constant 0 : i32
      %dma_wait3A_278 = tpu.memref_slice %arg16[%add3A_88, %dma_wait3A_277] : memref<10240x128xf32, #tpu.memory_space<vmem_shared>> -> memref<32x128xf32, #tpu.memory_space<vmem_shared>>
      %dma_wait3A_279 = arith.constant 0 : i32
      %dma_wait3A_280 = arith.constant 0 : i32
      %dma_wait3A_281 = tpu.memref_slice %arg13[%run_scoped3A_89, %dma_wait3A_279, %dma_wait3A_280] : memref<2x32x128xf32, #tpu.memory_space<vmem>> -> memref<1x32x128xf32, #tpu.memory_space<vmem>>
      %dma_wait3A_282 = tpu.memref_squeeze %dma_wait3A_281 : memref<1x32x128xf32, #tpu.memory_space<vmem>> -> memref<32x128xf32, #tpu.memory_space<vmem>>
      tpu.wait_dma2 semaphore(%run_scoped3A_260 : memref<!tpu.dma_semaphore, #tpu.memory_space<semaphore_mem>>) src(%dma_wait3A_282 : memref<32x128xf32, #tpu.memory_space<vmem>>) dst(%dma_wait3A_278 : memref<32x128xf32, #tpu.memory_space<vmem_shared>>)
      tpu.yield
    }) : () -> ()
    %mul3A_90 = arith.constant 640 : i32
    %mul3A_91 = arith.muli %arg1, %mul3A_90 : i32
    %add3A_92 = arith.constant 544 : i32
    %add3A_93 = arith.addi %mul3A_91, %add3A_92 : i32
    %run_scoped3A_94 = arith.constant 0 : i32
    "tpu.region"() ({
      %run_scoped3A_260 = tpu.sem_alloc : memref<!tpu.dma_semaphore, #tpu.memory_space<semaphore_mem>>
      %dma_start3A = arith.constant 0 : i32
      %dma_start3A_261 = arith.constant 0 : i32
      %dma_start3A_262 = tpu.memref_slice %arg13[%run_scoped3A_94, %dma_start3A, %dma_start3A_261] : memref<2x32x128xf32, #tpu.memory_space<vmem>> -> memref<1x32x128xf32, #tpu.memory_space<vmem>>
      %dma_start3A_263 = tpu.memref_squeeze %dma_start3A_262 : memref<1x32x128xf32, #tpu.memory_space<vmem>> -> memref<32x128xf32, #tpu.memory_space<vmem>>
      %dma_start3A_264 = arith.constant 0 : i32
      %dma_start3A_265 = tpu.memref_slice %arg16[%add3A_93, %dma_start3A_264] : memref<10240x128xf32, #tpu.memory_space<vmem_shared>> -> memref<32x128xf32, #tpu.memory_space<vmem_shared>>
      %dma_start3A_266 = arith.constant 0 : i32
      %dma_start3A_267 = tpu.memref_slice %arg16[%add3A_93, %dma_start3A_266] : memref<10240x128xf32, #tpu.memory_space<vmem_shared>> -> memref<32x128xf32, #tpu.memory_space<vmem_shared>>
      %dma_start3A_268 = arith.constant 0 : i32
      %dma_start3A_269 = arith.constant 0 : i32
      %dma_start3A_270 = tpu.memref_slice %arg13[%run_scoped3A_94, %dma_start3A_268, %dma_start3A_269] : memref<2x32x128xf32, #tpu.memory_space<vmem>> -> memref<1x32x128xf32, #tpu.memory_space<vmem>>
      %dma_start3A_271 = tpu.memref_squeeze %dma_start3A_270 : memref<1x32x128xf32, #tpu.memory_space<vmem>> -> memref<32x128xf32, #tpu.memory_space<vmem>>
      tpu.enqueue_dma source(%dma_start3A_271 : memref<32x128xf32, #tpu.memory_space<vmem>>) target(%dma_start3A_267 : memref<32x128xf32, #tpu.memory_space<vmem_shared>>) target_semaphore(%run_scoped3A_260 : memref<!tpu.dma_semaphore, #tpu.memory_space<semaphore_mem>>)
      %dma_wait3A = arith.constant 0 : i32
      %dma_wait3A_272 = arith.constant 0 : i32
      %dma_wait3A_273 = tpu.memref_slice %arg13[%run_scoped3A_94, %dma_wait3A, %dma_wait3A_272] : memref<2x32x128xf32, #tpu.memory_space<vmem>> -> memref<1x32x128xf32, #tpu.memory_space<vmem>>
      %dma_wait3A_274 = tpu.memref_squeeze %dma_wait3A_273 : memref<1x32x128xf32, #tpu.memory_space<vmem>> -> memref<32x128xf32, #tpu.memory_space<vmem>>
      %dma_wait3A_275 = arith.constant 0 : i32
      %dma_wait3A_276 = tpu.memref_slice %arg16[%add3A_93, %dma_wait3A_275] : memref<10240x128xf32, #tpu.memory_space<vmem_shared>> -> memref<32x128xf32, #tpu.memory_space<vmem_shared>>
      %dma_wait3A_277 = arith.constant 0 : i32
      %dma_wait3A_278 = tpu.memref_slice %arg16[%add3A_93, %dma_wait3A_277] : memref<10240x128xf32, #tpu.memory_space<vmem_shared>> -> memref<32x128xf32, #tpu.memory_space<vmem_shared>>
      %dma_wait3A_279 = arith.constant 0 : i32
      %dma_wait3A_280 = arith.constant 0 : i32
      %dma_wait3A_281 = tpu.memref_slice %arg13[%run_scoped3A_94, %dma_wait3A_279, %dma_wait3A_280] : memref<2x32x128xf32, #tpu.memory_space<vmem>> -> memref<1x32x128xf32, #tpu.memory_space<vmem>>
      %dma_wait3A_282 = tpu.memref_squeeze %dma_wait3A_281 : memref<1x32x128xf32, #tpu.memory_space<vmem>> -> memref<32x128xf32, #tpu.memory_space<vmem>>
      tpu.wait_dma2 semaphore(%run_scoped3A_260 : memref<!tpu.dma_semaphore, #tpu.memory_space<semaphore_mem>>) src(%dma_wait3A_282 : memref<32x128xf32, #tpu.memory_space<vmem>>) dst(%dma_wait3A_278 : memref<32x128xf32, #tpu.memory_space<vmem_shared>>)
      tpu.yield
    }) : () -> ()
    %mul3A_95 = arith.constant 640 : i32
    %mul3A_96 = arith.muli %arg1, %mul3A_95 : i32
    %add3A_97 = arith.constant 576 : i32
    %add3A_98 = arith.addi %mul3A_96, %add3A_97 : i32
    %run_scoped3A_99 = arith.constant 0 : i32
    "tpu.region"() ({
      %run_scoped3A_260 = tpu.sem_alloc : memref<!tpu.dma_semaphore, #tpu.memory_space<semaphore_mem>>
      %dma_start3A = arith.constant 0 : i32
      %dma_start3A_261 = arith.constant 0 : i32
      %dma_start3A_262 = tpu.memref_slice %arg13[%run_scoped3A_99, %dma_start3A, %dma_start3A_261] : memref<2x32x128xf32, #tpu.memory_space<vmem>> -> memref<1x32x128xf32, #tpu.memory_space<vmem>>
      %dma_start3A_263 = tpu.memref_squeeze %dma_start3A_262 : memref<1x32x128xf32, #tpu.memory_space<vmem>> -> memref<32x128xf32, #tpu.memory_space<vmem>>
      %dma_start3A_264 = arith.constant 0 : i32
      %dma_start3A_265 = tpu.memref_slice %arg16[%add3A_98, %dma_start3A_264] : memref<10240x128xf32, #tpu.memory_space<vmem_shared>> -> memref<32x128xf32, #tpu.memory_space<vmem_shared>>
      %dma_start3A_266 = arith.constant 0 : i32
      %dma_start3A_267 = tpu.memref_slice %arg16[%add3A_98, %dma_start3A_266] : memref<10240x128xf32, #tpu.memory_space<vmem_shared>> -> memref<32x128xf32, #tpu.memory_space<vmem_shared>>
      %dma_start3A_268 = arith.constant 0 : i32
      %dma_start3A_269 = arith.constant 0 : i32
      %dma_start3A_270 = tpu.memref_slice %arg13[%run_scoped3A_99, %dma_start3A_268, %dma_start3A_269] : memref<2x32x128xf32, #tpu.memory_space<vmem>> -> memref<1x32x128xf32, #tpu.memory_space<vmem>>
      %dma_start3A_271 = tpu.memref_squeeze %dma_start3A_270 : memref<1x32x128xf32, #tpu.memory_space<vmem>> -> memref<32x128xf32, #tpu.memory_space<vmem>>
      tpu.enqueue_dma source(%dma_start3A_271 : memref<32x128xf32, #tpu.memory_space<vmem>>) target(%dma_start3A_267 : memref<32x128xf32, #tpu.memory_space<vmem_shared>>) target_semaphore(%run_scoped3A_260 : memref<!tpu.dma_semaphore, #tpu.memory_space<semaphore_mem>>)
      %dma_wait3A = arith.constant 0 : i32
      %dma_wait3A_272 = arith.constant 0 : i32
      %dma_wait3A_273 = tpu.memref_slice %arg13[%run_scoped3A_99, %dma_wait3A, %dma_wait3A_272] : memref<2x32x128xf32, #tpu.memory_space<vmem>> -> memref<1x32x128xf32, #tpu.memory_space<vmem>>
      %dma_wait3A_274 = tpu.memref_squeeze %dma_wait3A_273 : memref<1x32x128xf32, #tpu.memory_space<vmem>> -> memref<32x128xf32, #tpu.memory_space<vmem>>
      %dma_wait3A_275 = arith.constant 0 : i32
      %dma_wait3A_276 = tpu.memref_slice %arg16[%add3A_98, %dma_wait3A_275] : memref<10240x128xf32, #tpu.memory_space<vmem_shared>> -> memref<32x128xf32, #tpu.memory_space<vmem_shared>>
      %dma_wait3A_277 = arith.constant 0 : i32
      %dma_wait3A_278 = tpu.memref_slice %arg16[%add3A_98, %dma_wait3A_277] : memref<10240x128xf32, #tpu.memory_space<vmem_shared>> -> memref<32x128xf32, #tpu.memory_space<vmem_shared>>
      %dma_wait3A_279 = arith.constant 0 : i32
      %dma_wait3A_280 = arith.constant 0 : i32
      %dma_wait3A_281 = tpu.memref_slice %arg13[%run_scoped3A_99, %dma_wait3A_279, %dma_wait3A_280] : memref<2x32x128xf32, #tpu.memory_space<vmem>> -> memref<1x32x128xf32, #tpu.memory_space<vmem>>
      %dma_wait3A_282 = tpu.memref_squeeze %dma_wait3A_281 : memref<1x32x128xf32, #tpu.memory_space<vmem>> -> memref<32x128xf32, #tpu.memory_space<vmem>>
      tpu.wait_dma2 semaphore(%run_scoped3A_260 : memref<!tpu.dma_semaphore, #tpu.memory_space<semaphore_mem>>) src(%dma_wait3A_282 : memref<32x128xf32, #tpu.memory_space<vmem>>) dst(%dma_wait3A_278 : memref<32x128xf32, #tpu.memory_space<vmem_shared>>)
      tpu.yield
    }) : () -> ()
    %mul3A_100 = arith.constant 640 : i32
    %mul3A_101 = arith.muli %arg1, %mul3A_100 : i32
    %add3A_102 = arith.constant 608 : i32
    %add3A_103 = arith.addi %mul3A_101, %add3A_102 : i32
    %run_scoped3A_104 = arith.constant 0 : i32
    "tpu.region"() ({
      %run_scoped3A_260 = tpu.sem_alloc : memref<!tpu.dma_semaphore, #tpu.memory_space<semaphore_mem>>
      %dma_start3A = arith.constant 0 : i32
      %dma_start3A_261 = arith.constant 0 : i32
      %dma_start3A_262 = tpu.memref_slice %arg13[%run_scoped3A_104, %dma_start3A, %dma_start3A_261] : memref<2x32x128xf32, #tpu.memory_space<vmem>> -> memref<1x32x128xf32, #tpu.memory_space<vmem>>
      %dma_start3A_263 = tpu.memref_squeeze %dma_start3A_262 : memref<1x32x128xf32, #tpu.memory_space<vmem>> -> memref<32x128xf32, #tpu.memory_space<vmem>>
      %dma_start3A_264 = arith.constant 0 : i32
      %dma_start3A_265 = tpu.memref_slice %arg16[%add3A_103, %dma_start3A_264] : memref<10240x128xf32, #tpu.memory_space<vmem_shared>> -> memref<32x128xf32, #tpu.memory_space<vmem_shared>>
      %dma_start3A_266 = arith.constant 0 : i32
      %dma_start3A_267 = tpu.memref_slice %arg16[%add3A_103, %dma_start3A_266] : memref<10240x128xf32, #tpu.memory_space<vmem_shared>> -> memref<32x128xf32, #tpu.memory_space<vmem_shared>>
      %dma_start3A_268 = arith.constant 0 : i32
      %dma_start3A_269 = arith.constant 0 : i32
      %dma_start3A_270 = tpu.memref_slice %arg13[%run_scoped3A_104, %dma_start3A_268, %dma_start3A_269] : memref<2x32x128xf32, #tpu.memory_space<vmem>> -> memref<1x32x128xf32, #tpu.memory_space<vmem>>
      %dma_start3A_271 = tpu.memref_squeeze %dma_start3A_270 : memref<1x32x128xf32, #tpu.memory_space<vmem>> -> memref<32x128xf32, #tpu.memory_space<vmem>>
      tpu.enqueue_dma source(%dma_start3A_271 : memref<32x128xf32, #tpu.memory_space<vmem>>) target(%dma_start3A_267 : memref<32x128xf32, #tpu.memory_space<vmem_shared>>) target_semaphore(%run_scoped3A_260 : memref<!tpu.dma_semaphore, #tpu.memory_space<semaphore_mem>>)
      %dma_wait3A = arith.constant 0 : i32
      %dma_wait3A_272 = arith.constant 0 : i32
      %dma_wait3A_273 = tpu.memref_slice %arg13[%run_scoped3A_104, %dma_wait3A, %dma_wait3A_272] : memref<2x32x128xf32, #tpu.memory_space<vmem>> -> memref<1x32x128xf32, #tpu.memory_space<vmem>>
      %dma_wait3A_274 = tpu.memref_squeeze %dma_wait3A_273 : memref<1x32x128xf32, #tpu.memory_space<vmem>> -> memref<32x128xf32, #tpu.memory_space<vmem>>
      %dma_wait3A_275 = arith.constant 0 : i32
      %dma_wait3A_276 = tpu.memref_slice %arg16[%add3A_103, %dma_wait3A_275] : memref<10240x128xf32, #tpu.memory_space<vmem_shared>> -> memref<32x128xf32, #tpu.memory_space<vmem_shared>>
      %dma_wait3A_277 = arith.constant 0 : i32
      %dma_wait3A_278 = tpu.memref_slice %arg16[%add3A_103, %dma_wait3A_277] : memref<10240x128xf32, #tpu.memory_space<vmem_shared>> -> memref<32x128xf32, #tpu.memory_space<vmem_shared>>
      %dma_wait3A_279 = arith.constant 0 : i32
      %dma_wait3A_280 = arith.constant 0 : i32
      %dma_wait3A_281 = tpu.memref_slice %arg13[%run_scoped3A_104, %dma_wait3A_279, %dma_wait3A_280] : memref<2x32x128xf32, #tpu.memory_space<vmem>> -> memref<1x32x128xf32, #tpu.memory_space<vmem>>
      %dma_wait3A_282 = tpu.memref_squeeze %dma_wait3A_281 : memref<1x32x128xf32, #tpu.memory_space<vmem>> -> memref<32x128xf32, #tpu.memory_space<vmem>>
      tpu.wait_dma2 semaphore(%run_scoped3A_260 : memref<!tpu.dma_semaphore, #tpu.memory_space<semaphore_mem>>) src(%dma_wait3A_282 : memref<32x128xf32, #tpu.memory_space<vmem>>) dst(%dma_wait3A_278 : memref<32x128xf32, #tpu.memory_space<vmem_shared>>)
      tpu.yield
    }) : () -> ()
    %mul3A_105 = arith.constant 40 : i32
    %mul3A_106 = arith.muli %arg1, %mul3A_105 : i32
    %add3A_107 = arith.constant 0 : i32
    %add3A_108 = arith.addi %mul3A_106, %add3A_107 : i32
    %run_scoped3A_109 = arith.constant 0 : i32
    "tpu.region"() ({
      %run_scoped3A_260 = tpu.sem_alloc : memref<!tpu.dma_semaphore, #tpu.memory_space<semaphore_mem>>
      %dma_start3A = arith.constant 0 : i32
      %dma_start3A_261 = arith.constant 0 : i32
      %dma_start3A_262 = tpu.memref_slice %arg13[%run_scoped3A_109, %dma_start3A, %dma_start3A_261] : memref<2x32x128xf32, #tpu.memory_space<vmem>> -> memref<1x32x128xf32, #tpu.memory_space<vmem>>
      %dma_start3A_263 = tpu.memref_squeeze %dma_start3A_262 : memref<1x32x128xf32, #tpu.memory_space<vmem>> -> memref<32x128xf32, #tpu.memory_space<vmem>>
      %dma_start3A_264 = arith.constant 0 : i32
      %dma_start3A_265 = tpu.memref_slice %arg17[%add3A_108, %dma_start3A_264] : memref<640x128xf32, #tpu.memory_space<vmem_shared>> -> memref<32x128xf32, #tpu.memory_space<vmem_shared>>
      %dma_start3A_266 = arith.constant 0 : i32
      %dma_start3A_267 = tpu.memref_slice %arg17[%add3A_108, %dma_start3A_266] : memref<640x128xf32, #tpu.memory_space<vmem_shared>> -> memref<32x128xf32, #tpu.memory_space<vmem_shared>>
      %dma_start3A_268 = arith.constant 0 : i32
      %dma_start3A_269 = arith.constant 0 : i32
      %dma_start3A_270 = tpu.memref_slice %arg13[%run_scoped3A_109, %dma_start3A_268, %dma_start3A_269] : memref<2x32x128xf32, #tpu.memory_space<vmem>> -> memref<1x32x128xf32, #tpu.memory_space<vmem>>
      %dma_start3A_271 = tpu.memref_squeeze %dma_start3A_270 : memref<1x32x128xf32, #tpu.memory_space<vmem>> -> memref<32x128xf32, #tpu.memory_space<vmem>>
      tpu.enqueue_dma source(%dma_start3A_271 : memref<32x128xf32, #tpu.memory_space<vmem>>) target(%dma_start3A_267 : memref<32x128xf32, #tpu.memory_space<vmem_shared>>) target_semaphore(%run_scoped3A_260 : memref<!tpu.dma_semaphore, #tpu.memory_space<semaphore_mem>>)
      %dma_wait3A = arith.constant 0 : i32
      %dma_wait3A_272 = arith.constant 0 : i32
      %dma_wait3A_273 = tpu.memref_slice %arg13[%run_scoped3A_109, %dma_wait3A, %dma_wait3A_272] : memref<2x32x128xf32, #tpu.memory_space<vmem>> -> memref<1x32x128xf32, #tpu.memory_space<vmem>>
      %dma_wait3A_274 = tpu.memref_squeeze %dma_wait3A_273 : memref<1x32x128xf32, #tpu.memory_space<vmem>> -> memref<32x128xf32, #tpu.memory_space<vmem>>
      %dma_wait3A_275 = arith.constant 0 : i32
      %dma_wait3A_276 = tpu.memref_slice %arg17[%add3A_108, %dma_wait3A_275] : memref<640x128xf32, #tpu.memory_space<vmem_shared>> -> memref<32x128xf32, #tpu.memory_space<vmem_shared>>
      %dma_wait3A_277 = arith.constant 0 : i32
      %dma_wait3A_278 = tpu.memref_slice %arg17[%add3A_108, %dma_wait3A_277] : memref<640x128xf32, #tpu.memory_space<vmem_shared>> -> memref<32x128xf32, #tpu.memory_space<vmem_shared>>
      %dma_wait3A_279 = arith.constant 0 : i32
      %dma_wait3A_280 = arith.constant 0 : i32
      %dma_wait3A_281 = tpu.memref_slice %arg13[%run_scoped3A_109, %dma_wait3A_279, %dma_wait3A_280] : memref<2x32x128xf32, #tpu.memory_space<vmem>> -> memref<1x32x128xf32, #tpu.memory_space<vmem>>
      %dma_wait3A_282 = tpu.memref_squeeze %dma_wait3A_281 : memref<1x32x128xf32, #tpu.memory_space<vmem>> -> memref<32x128xf32, #tpu.memory_space<vmem>>
      tpu.wait_dma2 semaphore(%run_scoped3A_260 : memref<!tpu.dma_semaphore, #tpu.memory_space<semaphore_mem>>) src(%dma_wait3A_282 : memref<32x128xf32, #tpu.memory_space<vmem>>) dst(%dma_wait3A_278 : memref<32x128xf32, #tpu.memory_space<vmem_shared>>)
      tpu.yield
    }) : () -> ()
    %mul3A_110 = arith.constant 40 : i32
    %mul3A_111 = arith.muli %arg1, %mul3A_110 : i32
    %add3A_112 = arith.constant 32 : i32
    %add3A_113 = arith.addi %mul3A_111, %add3A_112 : i32
    %run_scoped3A_114 = arith.constant 0 : i32
    "tpu.region"() ({
      %run_scoped3A_260 = tpu.sem_alloc : memref<!tpu.dma_semaphore, #tpu.memory_space<semaphore_mem>>
      %dma_start3A = arith.constant 0 : i32
      %dma_start3A_261 = arith.constant 0 : i32
      %dma_start3A_262 = tpu.memref_slice %arg13[%run_scoped3A_114, %dma_start3A, %dma_start3A_261] : memref<2x32x128xf32, #tpu.memory_space<vmem>> -> memref<1x32x128xf32, #tpu.memory_space<vmem>>
      %dma_start3A_263 = tpu.memref_squeeze %dma_start3A_262 : memref<1x32x128xf32, #tpu.memory_space<vmem>> -> memref<32x128xf32, #tpu.memory_space<vmem>>
      %dma_start3A_264 = arith.constant 0 : i32
      %dma_start3A_265 = arith.constant 0 : i32
      %dma_start3A_266 = tpu.memref_slice %dma_start3A_263[%dma_start3A_264, %dma_start3A_265] : memref<32x128xf32, #tpu.memory_space<vmem>> -> memref<8x128xf32, #tpu.memory_space<vmem>>
      %dma_start3A_267 = arith.constant 0 : i32
      %dma_start3A_268 = tpu.memref_slice %arg17[%add3A_113, %dma_start3A_267] : memref<640x128xf32, #tpu.memory_space<vmem_shared>> -> memref<8x128xf32, #tpu.memory_space<vmem_shared>>
      %dma_start3A_269 = arith.constant 0 : i32
      %dma_start3A_270 = tpu.memref_slice %arg17[%add3A_113, %dma_start3A_269] : memref<640x128xf32, #tpu.memory_space<vmem_shared>> -> memref<8x128xf32, #tpu.memory_space<vmem_shared>>
      %dma_start3A_271 = arith.constant 0 : i32
      %dma_start3A_272 = arith.constant 0 : i32
      %dma_start3A_273 = tpu.memref_slice %arg13[%run_scoped3A_114, %dma_start3A_271, %dma_start3A_272] : memref<2x32x128xf32, #tpu.memory_space<vmem>> -> memref<1x32x128xf32, #tpu.memory_space<vmem>>
      %dma_start3A_274 = tpu.memref_squeeze %dma_start3A_273 : memref<1x32x128xf32, #tpu.memory_space<vmem>> -> memref<32x128xf32, #tpu.memory_space<vmem>>
      %dma_start3A_275 = arith.constant 0 : i32
      %dma_start3A_276 = arith.constant 0 : i32
      %dma_start3A_277 = tpu.memref_slice %dma_start3A_274[%dma_start3A_275, %dma_start3A_276] : memref<32x128xf32, #tpu.memory_space<vmem>> -> memref<8x128xf32, #tpu.memory_space<vmem>>
      tpu.enqueue_dma source(%dma_start3A_277 : memref<8x128xf32, #tpu.memory_space<vmem>>) target(%dma_start3A_270 : memref<8x128xf32, #tpu.memory_space<vmem_shared>>) target_semaphore(%run_scoped3A_260 : memref<!tpu.dma_semaphore, #tpu.memory_space<semaphore_mem>>)
      %dma_wait3A = arith.constant 0 : i32
      %dma_wait3A_278 = arith.constant 0 : i32
      %dma_wait3A_279 = tpu.memref_slice %arg13[%run_scoped3A_114, %dma_wait3A, %dma_wait3A_278] : memref<2x32x128xf32, #tpu.memory_space<vmem>> -> memref<1x32x128xf32, #tpu.memory_space<vmem>>
      %dma_wait3A_280 = tpu.memref_squeeze %dma_wait3A_279 : memref<1x32x128xf32, #tpu.memory_space<vmem>> -> memref<32x128xf32, #tpu.memory_space<vmem>>
      %dma_wait3A_281 = arith.constant 0 : i32
      %dma_wait3A_282 = arith.constant 0 : i32
      %dma_wait3A_283 = tpu.memref_slice %dma_wait3A_280[%dma_wait3A_281, %dma_wait3A_282] : memref<32x128xf32, #tpu.memory_space<vmem>> -> memref<8x128xf32, #tpu.memory_space<vmem>>
      %dma_wait3A_284 = arith.constant 0 : i32
      %dma_wait3A_285 = tpu.memref_slice %arg17[%add3A_113, %dma_wait3A_284] : memref<640x128xf32, #tpu.memory_space<vmem_shared>> -> memref<8x128xf32, #tpu.memory_space<vmem_shared>>
      %dma_wait3A_286 = arith.constant 0 : i32
      %dma_wait3A_287 = tpu.memref_slice %arg17[%add3A_113, %dma_wait3A_286] : memref<640x128xf32, #tpu.memory_space<vmem_shared>> -> memref<8x128xf32, #tpu.memory_space<vmem_shared>>
      %dma_wait3A_288 = arith.constant 0 : i32
      %dma_wait3A_289 = arith.constant 0 : i32
      %dma_wait3A_290 = tpu.memref_slice %arg13[%run_scoped3A_114, %dma_wait3A_288, %dma_wait3A_289] : memref<2x32x128xf32, #tpu.memory_space<vmem>> -> memref<1x32x128xf32, #tpu.memory_space<vmem>>
      %dma_wait3A_291 = tpu.memref_squeeze %dma_wait3A_290 : memref<1x32x128xf32, #tpu.memory_space<vmem>> -> memref<32x128xf32, #tpu.memory_space<vmem>>
      %dma_wait3A_292 = arith.constant 0 : i32
      %dma_wait3A_293 = arith.constant 0 : i32
      %dma_wait3A_294 = tpu.memref_slice %dma_wait3A_291[%dma_wait3A_292, %dma_wait3A_293] : memref<32x128xf32, #tpu.memory_space<vmem>> -> memref<8x128xf32, #tpu.memory_space<vmem>>
      tpu.wait_dma2 semaphore(%run_scoped3A_260 : memref<!tpu.dma_semaphore, #tpu.memory_space<semaphore_mem>>) src(%dma_wait3A_294 : memref<8x128xf32, #tpu.memory_space<vmem>>) dst(%dma_wait3A_287 : memref<8x128xf32, #tpu.memory_space<vmem_shared>>)
      tpu.yield
    }) : () -> ()
    %barrier3A = arith.constant 0 : index
    tpu.barrier barrier_id(%barrier3A)
    %iota3A = tpu.iota {dimensions = array<i32: 0>} : vector<16xi32>
    %shift_right_logical3A = arith.constant 3 : i32
    %shift_right_logical3A_115 = vector.broadcast %shift_right_logical3A : i32 to vector<16xi32>
    %shift_right_logical3A_116 = arith.shrui %iota3A, %shift_right_logical3A_115 : vector<16xi32>
    %sub3A = arith.constant 1 : i32
    %sub3A_117 = vector.broadcast %sub3A : i32 to vector<16xi32>
    %sub3A_118 = arith.subi %sub3A_117, %iota3A : vector<16xi32>
    %max3A = arith.constant 0 : i32
    %max3A_119 = vector.broadcast %max3A : i32 to vector<16xi32>
    %max3A_120 = arith.maxsi %sub3A_118, %max3A_119 : vector<16xi32>
    %convert_element_type3A = arith.sitofp %max3A_120 : vector<16xi32> to vector<16xf32>
    %scan3A_121 = arith.constant 0 : i32
    %scan3A_122 = arith.constant 0 : i32
    %scan3A_123 = arith.constant 10 : i32
    %scan3A_124 = arith.addi %scan3A_122, %scan3A_123 : i32
    %scan3A_125 = arith.constant 1 : i32
    scf.for %scan3A_260 = %scan3A_122 to %scan3A_124 step %scan3A_125  : i32 {
      %mul3A_261 = arith.constant 32 : i32
      %mul3A_262 = arith.muli %scan3A_260, %mul3A_261 : i32
      "tpu.region"() ({
        %run_scoped3A_323 = tpu.sem_alloc : memref<!tpu.dma_semaphore, #tpu.memory_space<semaphore_mem>>
        %dma_start3A_324 = arith.constant 0 : i32
        %dma_start3A_325 = tpu.memref_slice %arg5[%add3A, %mul3A_262, %dma_start3A_324] : memref<32x320x32xi32, #tpu.memory_space<hbm>> -> memref<1x32x32xi32, #tpu.memory_space<hbm>>
        %dma_start3A_326 = tpu.memref_squeeze %dma_start3A_325 : memref<1x32x32xi32, #tpu.memory_space<hbm>> -> memref<32x32xi32, #tpu.memory_space<hbm>>
        %dma_start3A_327 = arith.constant 0 : i32
        %dma_start3A_328 = tpu.memref_slice %arg5[%add3A, %mul3A_262, %dma_start3A_327] : memref<32x320x32xi32, #tpu.memory_space<hbm>> -> memref<1x32x32xi32, #tpu.memory_space<hbm>>
        %dma_start3A_329 = tpu.memref_squeeze %dma_start3A_328 : memref<1x32x32xi32, #tpu.memory_space<hbm>> -> memref<32x32xi32, #tpu.memory_space<hbm>>
        tpu.enqueue_dma source(%dma_start3A_329 : memref<32x32xi32, #tpu.memory_space<hbm>>) target(%arg9 : memref<32x32xi32, #tpu.memory_space<vmem>>) target_semaphore(%run_scoped3A_323 : memref<!tpu.dma_semaphore, #tpu.memory_space<semaphore_mem>>)
        %dma_wait3A_330 = arith.constant 0 : i32
        %dma_wait3A_331 = tpu.memref_slice %arg5[%add3A, %mul3A_262, %dma_wait3A_330] : memref<32x320x32xi32, #tpu.memory_space<hbm>> -> memref<1x32x32xi32, #tpu.memory_space<hbm>>
        %dma_wait3A_332 = tpu.memref_squeeze %dma_wait3A_331 : memref<1x32x32xi32, #tpu.memory_space<hbm>> -> memref<32x32xi32, #tpu.memory_space<hbm>>
        %dma_wait3A_333 = arith.constant 0 : i32
        %dma_wait3A_334 = tpu.memref_slice %arg5[%add3A, %mul3A_262, %dma_wait3A_333] : memref<32x320x32xi32, #tpu.memory_space<hbm>> -> memref<1x32x32xi32, #tpu.memory_space<hbm>>
        %dma_wait3A_335 = tpu.memref_squeeze %dma_wait3A_334 : memref<1x32x32xi32, #tpu.memory_space<hbm>> -> memref<32x32xi32, #tpu.memory_space<hbm>>
        tpu.wait_dma2 semaphore(%run_scoped3A_323 : memref<!tpu.dma_semaphore, #tpu.memory_space<semaphore_mem>>) src(%dma_wait3A_335 : memref<32x32xi32, #tpu.memory_space<hbm>>) dst(%arg9 : memref<32x32xi32, #tpu.memory_space<vmem>>)
        tpu.yield
      }) : () -> ()
      %mul3A_263 = arith.constant 32 : i32
      %mul3A_264 = arith.muli %scan3A_260, %mul3A_263 : i32
      "tpu.region"() ({
        %run_scoped3A_323 = tpu.sem_alloc : memref<!tpu.dma_semaphore, #tpu.memory_space<semaphore_mem>>
        %dma_start3A_324 = arith.constant 0 : i32
        %dma_start3A_325 = tpu.memref_slice %arg6[%add3A, %mul3A_264, %dma_start3A_324] : memref<32x320x32xi32, #tpu.memory_space<hbm>> -> memref<1x32x32xi32, #tpu.memory_space<hbm>>
        %dma_start3A_326 = tpu.memref_squeeze %dma_start3A_325 : memref<1x32x32xi32, #tpu.memory_space<hbm>> -> memref<32x32xi32, #tpu.memory_space<hbm>>
        %dma_start3A_327 = arith.constant 0 : i32
        %dma_start3A_328 = tpu.memref_slice %arg6[%add3A, %mul3A_264, %dma_start3A_327] : memref<32x320x32xi32, #tpu.memory_space<hbm>> -> memref<1x32x32xi32, #tpu.memory_space<hbm>>
        %dma_start3A_329 = tpu.memref_squeeze %dma_start3A_328 : memref<1x32x32xi32, #tpu.memory_space<hbm>> -> memref<32x32xi32, #tpu.memory_space<hbm>>
        tpu.enqueue_dma source(%dma_start3A_329 : memref<32x32xi32, #tpu.memory_space<hbm>>) target(%arg10 : memref<32x32xi32, #tpu.memory_space<vmem>>) target_semaphore(%run_scoped3A_323 : memref<!tpu.dma_semaphore, #tpu.memory_space<semaphore_mem>>)
        %dma_wait3A_330 = arith.constant 0 : i32
        %dma_wait3A_331 = tpu.memref_slice %arg6[%add3A, %mul3A_264, %dma_wait3A_330] : memref<32x320x32xi32, #tpu.memory_space<hbm>> -> memref<1x32x32xi32, #tpu.memory_space<hbm>>
        %dma_wait3A_332 = tpu.memref_squeeze %dma_wait3A_331 : memref<1x32x32xi32, #tpu.memory_space<hbm>> -> memref<32x32xi32, #tpu.memory_space<hbm>>
        %dma_wait3A_333 = arith.constant 0 : i32
        %dma_wait3A_334 = tpu.memref_slice %arg6[%add3A, %mul3A_264, %dma_wait3A_333] : memref<32x320x32xi32, #tpu.memory_space<hbm>> -> memref<1x32x32xi32, #tpu.memory_space<hbm>>
        %dma_wait3A_335 = tpu.memref_squeeze %dma_wait3A_334 : memref<1x32x32xi32, #tpu.memory_space<hbm>> -> memref<32x32xi32, #tpu.memory_space<hbm>>
        tpu.wait_dma2 semaphore(%run_scoped3A_323 : memref<!tpu.dma_semaphore, #tpu.memory_space<semaphore_mem>>) src(%dma_wait3A_335 : memref<32x32xi32, #tpu.memory_space<hbm>>) dst(%arg10 : memref<32x32xi32, #tpu.memory_space<vmem>>)
        tpu.yield
      }) : () -> ()
      %dma_start3A = arith.constant 0 : i32
      %dma_start3A_265 = arith.constant 0 : i32
      %dma_start3A_266 = arith.constant 0 : i32
      %dma_start3A_267 = arith.constant 0 : i32
      %dma_start3A_268 = tpu.memref_slice %arg13[%dma_start3A_265, %dma_start3A_266, %dma_start3A_267] : memref<2x32x128xf32, #tpu.memory_space<vmem>> -> memref<1x32x128xf32, #tpu.memory_space<vmem>>
      %dma_start3A_269 = tpu.memref_squeeze %dma_start3A_268 : memref<1x32x128xf32, #tpu.memory_space<vmem>> -> memref<32x128xf32, #tpu.memory_space<vmem>>
      %dma_start3A_270 = arith.constant 0 : i32
      %dma_start3A_271 = tpu.memref_slice %arg9[%dma_start3A, %dma_start3A_270] : memref<32x32xi32, #tpu.memory_space<vmem>> -> memref<1x32xi32, #tpu.memory_space<vmem>>
      %dma_start3A_272 = tpu.memref_squeeze %dma_start3A_271 : memref<1x32xi32, #tpu.memory_space<vmem>> -> memref<32xi32, #tpu.memory_space<vmem>>
      %dma_start3A_273 = arith.constant 0 : i32
      %dma_start3A_274 = arith.constant 0 : i32
      %dma_start3A_275 = tpu.memref_slice %arg2[%dma_start3A_273, %dma_start3A_274] : memref<40000x128xf32, #tpu.memory_space<hbm>> -> memref<40000x128xf32, #tpu.memory_space<hbm>>
      tpu.enqueue_indirect_dma source(%dma_start3A_275 : memref<40000x128xf32, #tpu.memory_space<hbm>>) target(%dma_start3A_269 : memref<32x128xf32, #tpu.memory_space<vmem>>) offsets(%dma_start3A_272 : memref<32xi32, #tpu.memory_space<vmem>>) semaphore(%arg18 : memref<!tpu.dma_semaphore, #tpu.memory_space<semaphore_mem>>)
      %dma_start3A_276 = arith.constant 0 : i32
      %dma_start3A_277 = arith.constant 0 : i32
      %dma_start3A_278 = arith.constant 0 : i32
      %dma_start3A_279 = arith.constant 0 : i32
      %dma_start3A_280 = tpu.memref_slice %arg14[%dma_start3A_277, %dma_start3A_278, %dma_start3A_279] : memref<2x32x128xf32, #tpu.memory_space<vmem>> -> memref<1x32x128xf32, #tpu.memory_space<vmem>>
      %dma_start3A_281 = tpu.memref_squeeze %dma_start3A_280 : memref<1x32x128xf32, #tpu.memory_space<vmem>> -> memref<32x128xf32, #tpu.memory_space<vmem>>
      %dma_start3A_282 = arith.constant 0 : i32
      %dma_start3A_283 = tpu.memref_slice %arg10[%dma_start3A_276, %dma_start3A_282] : memref<32x32xi32, #tpu.memory_space<vmem>> -> memref<1x32xi32, #tpu.memory_space<vmem>>
      %dma_start3A_284 = tpu.memref_squeeze %dma_start3A_283 : memref<1x32xi32, #tpu.memory_space<vmem>> -> memref<32xi32, #tpu.memory_space<vmem>>
      %dma_start3A_285 = arith.constant 0 : i32
      %dma_start3A_286 = arith.constant 0 : i32
      %dma_start3A_287 = tpu.memref_slice %arg3[%dma_start3A_285, %dma_start3A_286] : memref<40000x128xf32, #tpu.memory_space<hbm>> -> memref<40000x128xf32, #tpu.memory_space<hbm>>
      tpu.enqueue_indirect_dma source(%dma_start3A_287 : memref<40000x128xf32, #tpu.memory_space<hbm>>) target(%dma_start3A_281 : memref<32x128xf32, #tpu.memory_space<vmem>>) offsets(%dma_start3A_284 : memref<32xi32, #tpu.memory_space<vmem>>) semaphore(%arg18 : memref<!tpu.dma_semaphore, #tpu.memory_space<semaphore_mem>>)
      %scan3A_288 = arith.constant 0 : i32
      %scan3A_289 = arith.constant 0 : i32
      %scan3A_290 = arith.constant 32 : i32
      %scan3A_291 = arith.addi %scan3A_289, %scan3A_290 : i32
      %scan3A_292 = arith.constant 1 : i32
      scf.for %scan3A_323 = %scan3A_289 to %scan3A_291 step %scan3A_292  : i32 {
        %and3A = arith.constant 1 : i32
        %and3A_324 = arith.andi %scan3A_323, %and3A : i32
        %dma_wait3A_325 = arith.constant 0 : i32
        %dma_wait3A_326 = arith.constant 0 : i32
        %dma_wait3A_327 = tpu.memref_slice %arg13[%and3A_324, %dma_wait3A_325, %dma_wait3A_326] : memref<2x32x128xf32, #tpu.memory_space<vmem>> -> memref<1x32x128xf32, #tpu.memory_space<vmem>>
        %dma_wait3A_328 = tpu.memref_squeeze %dma_wait3A_327 : memref<1x32x128xf32, #tpu.memory_space<vmem>> -> memref<32x128xf32, #tpu.memory_space<vmem>>
        %dma_wait3A_329 = arith.constant 0 : i32
        %dma_wait3A_330 = arith.constant 0 : i32
        %dma_wait3A_331 = tpu.memref_slice %arg2[%dma_wait3A_329, %dma_wait3A_330] : memref<40000x128xf32, #tpu.memory_space<hbm>> -> memref<32x128xf32, #tpu.memory_space<hbm>>
        %dma_wait3A_332 = arith.constant 0 : i32
        %dma_wait3A_333 = arith.constant 0 : i32
        %dma_wait3A_334 = tpu.memref_slice %arg13[%and3A_324, %dma_wait3A_332, %dma_wait3A_333] : memref<2x32x128xf32, #tpu.memory_space<vmem>> -> memref<1x32x128xf32, #tpu.memory_space<vmem>>
        %dma_wait3A_335 = tpu.memref_squeeze %dma_wait3A_334 : memref<1x32x128xf32, #tpu.memory_space<vmem>> -> memref<32x128xf32, #tpu.memory_space<vmem>>
        %dma_wait3A_336 = arith.constant 0 : i32
        %dma_wait3A_337 = arith.constant 0 : i32
        %dma_wait3A_338 = tpu.memref_slice %arg2[%dma_wait3A_336, %dma_wait3A_337] : memref<40000x128xf32, #tpu.memory_space<hbm>> -> memref<32x128xf32, #tpu.memory_space<hbm>>
        tpu.wait_dma2 semaphore(%arg18 : memref<!tpu.dma_semaphore, #tpu.memory_space<semaphore_mem>>) src(%dma_wait3A_338 : memref<32x128xf32, #tpu.memory_space<hbm>>) dst(%dma_wait3A_335 : memref<32x128xf32, #tpu.memory_space<vmem>>)
        %dma_wait3A_339 = arith.constant 0 : i32
        %dma_wait3A_340 = arith.constant 0 : i32
        %dma_wait3A_341 = tpu.memref_slice %arg14[%and3A_324, %dma_wait3A_339, %dma_wait3A_340] : memref<2x32x128xf32, #tpu.memory_space<vmem>> -> memref<1x32x128xf32, #tpu.memory_space<vmem>>
        %dma_wait3A_342 = tpu.memref_squeeze %dma_wait3A_341 : memref<1x32x128xf32, #tpu.memory_space<vmem>> -> memref<32x128xf32, #tpu.memory_space<vmem>>
        %dma_wait3A_343 = arith.constant 0 : i32
        %dma_wait3A_344 = arith.constant 0 : i32
        %dma_wait3A_345 = tpu.memref_slice %arg2[%dma_wait3A_343, %dma_wait3A_344] : memref<40000x128xf32, #tpu.memory_space<hbm>> -> memref<32x128xf32, #tpu.memory_space<hbm>>
        %dma_wait3A_346 = arith.constant 0 : i32
        %dma_wait3A_347 = arith.constant 0 : i32
        %dma_wait3A_348 = tpu.memref_slice %arg14[%and3A_324, %dma_wait3A_346, %dma_wait3A_347] : memref<2x32x128xf32, #tpu.memory_space<vmem>> -> memref<1x32x128xf32, #tpu.memory_space<vmem>>
        %dma_wait3A_349 = tpu.memref_squeeze %dma_wait3A_348 : memref<1x32x128xf32, #tpu.memory_space<vmem>> -> memref<32x128xf32, #tpu.memory_space<vmem>>
        %dma_wait3A_350 = arith.constant 0 : i32
        %dma_wait3A_351 = arith.constant 0 : i32
        %dma_wait3A_352 = tpu.memref_slice %arg2[%dma_wait3A_350, %dma_wait3A_351] : memref<40000x128xf32, #tpu.memory_space<hbm>> -> memref<32x128xf32, #tpu.memory_space<hbm>>
        tpu.wait_dma2 semaphore(%arg18 : memref<!tpu.dma_semaphore, #tpu.memory_space<semaphore_mem>>) src(%dma_wait3A_352 : memref<32x128xf32, #tpu.memory_space<hbm>>) dst(%dma_wait3A_349 : memref<32x128xf32, #tpu.memory_space<vmem>>)
        %get3A = arith.index_cast %scan3A_323 : i32 to index
        %get3A_353 = arith.constant 0 : index
        %get3A_354 = tpu.vector_load %arg10[%get3A, %get3A_353] {strides = array<i32>} : memref<32x32xi32, #tpu.memory_space<vmem>>, vector<1x16xi32>,
        %get3A_355 = vector.shape_cast %get3A_354 : vector<1x16xi32> to vector<16xi32>
        %shift_right_logical3A_356 = arith.constant 4 : i32
        %shift_right_logical3A_357 = vector.broadcast %shift_right_logical3A_356 : i32 to vector<16xi32>
        %shift_right_logical3A_358 = arith.shrui %get3A_355, %shift_right_logical3A_357 : vector<16xi32>
        %swap3A = arith.index_cast %and3A_324 : i32 to index
        %swap3A_359 = arith.constant 0 : index
        %swap3A_360 = tpu.vector_load %arg11[%swap3A, %swap3A_359] {strides = array<i32>} : memref<2x32xi32, #tpu.memory_space<vmem>>, vector<1x16xi32>,
        %swap3A_361 = vector.shape_cast %swap3A_360 : vector<1x16xi32> to vector<16xi32>
        %swap3A_362 = vector.shape_cast %shift_right_logical3A_358 : vector<16xi32> to vector<1x16xi32>
        tpu.vector_store %arg11[%swap3A, %swap3A_359], %swap3A_362 {strides = array<i32>} : memref<2x32xi32, #tpu.memory_space<vmem>>, vector<1x16xi32>,
        %get3A_363 = arith.index_cast %scan3A_323 : i32 to index
        %get3A_364 = arith.constant 16 : index
        %get3A_365 = tpu.vector_load %arg10[%get3A_363, %get3A_364] {strides = array<i32>} : memref<32x32xi32, #tpu.memory_space<vmem>>, vector<1x16xi32>,
        %get3A_366 = vector.shape_cast %get3A_365 : vector<1x16xi32> to vector<16xi32>
        %shift_right_logical3A_367 = arith.constant 4 : i32
        %shift_right_logical3A_368 = vector.broadcast %shift_right_logical3A_367 : i32 to vector<16xi32>
        %shift_right_logical3A_369 = arith.shrui %get3A_366, %shift_right_logical3A_368 : vector<16xi32>
        %swap3A_370 = arith.index_cast %and3A_324 : i32 to index
        %swap3A_371 = arith.constant 16 : index
        %swap3A_372 = tpu.vector_load %arg11[%swap3A_370, %swap3A_371] {strides = array<i32>} : memref<2x32xi32, #tpu.memory_space<vmem>>, vector<1x16xi32>,
        %swap3A_373 = vector.shape_cast %swap3A_372 : vector<1x16xi32> to vector<16xi32>
        %swap3A_374 = vector.shape_cast %shift_right_logical3A_369 : vector<16xi32> to vector<1x16xi32>
        tpu.vector_store %arg11[%swap3A_370, %swap3A_371], %swap3A_374 {strides = array<i32>} : memref<2x32xi32, #tpu.memory_space<vmem>>, vector<1x16xi32>,
        %scan3A_375 = arith.constant 0 : i32
        %scan3A_376 = arith.constant 0 : i32
        %scan3A_377 = arith.constant 32 : i32
        %scan3A_378 = arith.addi %scan3A_376, %scan3A_377 : i32
        %scan3A_379 = arith.constant 4 : i32
        scf.for %scan3A_408 = %scan3A_376 to %scan3A_378 step %scan3A_379  : i32 {
          %get3A_409 = arith.index_cast %and3A_324 : i32 to index
          %get3A_410 = arith.index_cast %scan3A_408 : i32 to index
          %get3A_411 = arith.constant 0 : index
          %get3A_412 = tpu.vector_load %arg13[%get3A_409, %get3A_410, %get3A_411] {strides = array<i32>} : memref<2x32x128xf32, #tpu.memory_space<vmem>>, vector<1x1x16xf32>,
          %get3A_413 = vector.shape_cast %get3A_412 : vector<1x1x16xf32> to vector<16xf32>
          %get3A_414 = arith.index_cast %and3A_324 : i32 to index
          %get3A_415 = arith.index_cast %scan3A_408 : i32 to index
          %get3A_416 = arith.constant 16 : index
          %get3A_417 = tpu.vector_load %arg13[%get3A_414, %get3A_415, %get3A_416] {strides = array<i32>} : memref<2x32x128xf32, #tpu.memory_space<vmem>>, vector<1x1x16xf32>,
          %get3A_418 = vector.shape_cast %get3A_417 : vector<1x1x16xf32> to vector<16xf32>
          %get3A_419 = arith.index_cast %and3A_324 : i32 to index
          %get3A_420 = arith.index_cast %scan3A_408 : i32 to index
          %get3A_421 = arith.constant 32 : index
          %get3A_422 = tpu.vector_load %arg13[%get3A_419, %get3A_420, %get3A_421] {strides = array<i32>} : memref<2x32x128xf32, #tpu.memory_space<vmem>>, vector<1x1x16xf32>,
          %get3A_423 = vector.shape_cast %get3A_422 : vector<1x1x16xf32> to vector<16xf32>
          %get3A_424 = arith.index_cast %and3A_324 : i32 to index
          %get3A_425 = arith.index_cast %scan3A_408 : i32 to index
          %get3A_426 = arith.constant 48 : index
          %get3A_427 = tpu.vector_load %arg13[%get3A_424, %get3A_425, %get3A_426] {strides = array<i32>} : memref<2x32x128xf32, #tpu.memory_space<vmem>>, vector<1x1x16xf32>,
          %get3A_428 = vector.shape_cast %get3A_427 : vector<1x1x16xf32> to vector<16xf32>
          %get3A_429 = arith.index_cast %and3A_324 : i32 to index
          %get3A_430 = arith.index_cast %scan3A_408 : i32 to index
          %get3A_431 = arith.constant 64 : index
          %get3A_432 = tpu.vector_load %arg13[%get3A_429, %get3A_430, %get3A_431] {strides = array<i32>} : memref<2x32x128xf32, #tpu.memory_space<vmem>>, vector<1x1x16xf32>,
          %get3A_433 = vector.shape_cast %get3A_432 : vector<1x1x16xf32> to vector<16xf32>
          %get3A_434 = arith.index_cast %and3A_324 : i32 to index
          %get3A_435 = arith.index_cast %scan3A_408 : i32 to index
          %get3A_436 = arith.constant 80 : index
          %get3A_437 = tpu.vector_load %arg13[%get3A_434, %get3A_435, %get3A_436] {strides = array<i32>} : memref<2x32x128xf32, #tpu.memory_space<vmem>>, vector<1x1x16xf32>,
          %get3A_438 = vector.shape_cast %get3A_437 : vector<1x1x16xf32> to vector<16xf32>
          %get3A_439 = arith.index_cast %and3A_324 : i32 to index
          %get3A_440 = arith.index_cast %scan3A_408 : i32 to index
          %get3A_441 = arith.constant 96 : index
          %get3A_442 = tpu.vector_load %arg13[%get3A_439, %get3A_440, %get3A_441] {strides = array<i32>} : memref<2x32x128xf32, #tpu.memory_space<vmem>>, vector<1x1x16xf32>,
          %get3A_443 = vector.shape_cast %get3A_442 : vector<1x1x16xf32> to vector<16xf32>
          %get3A_444 = arith.index_cast %and3A_324 : i32 to index
          %get3A_445 = arith.index_cast %scan3A_408 : i32 to index
          %get3A_446 = arith.constant 112 : index
          %get3A_447 = tpu.vector_load %arg13[%get3A_444, %get3A_445, %get3A_446] {strides = array<i32>} : memref<2x32x128xf32, #tpu.memory_space<vmem>>, vector<1x1x16xf32>,
          %get3A_448 = vector.shape_cast %get3A_447 : vector<1x1x16xf32> to vector<16xf32>
          %get3A_449 = arith.index_cast %and3A_324 : i32 to index
          %get3A_450 = arith.index_cast %scan3A_408 : i32 to index
          %get3A_451 = arith.constant 0 : index
          %get3A_452 = tpu.vector_load %arg14[%get3A_449, %get3A_450, %get3A_451] {strides = array<i32>} : memref<2x32x128xf32, #tpu.memory_space<vmem>>, vector<1x1x16xf32>,
          %get3A_453 = vector.shape_cast %get3A_452 : vector<1x1x16xf32> to vector<16xf32>
          %add3A_454 = arith.addf %get3A_413, %get3A_453 : vector<16xf32>
          %mul3A_455 = arith.constant 2.000000e-01 : f32
          %mul3A_456 = vector.broadcast %mul3A_455 : f32 to vector<16xf32>
          %mul3A_457 = arith.mulf %mul3A_456, %add3A_454 : vector<16xf32>
          %max3A_458 = arith.maximumf %add3A_454, %mul3A_457 : vector<16xf32>
          %get3A_459 = arith.constant 0 : index
          %get3A_460 = tpu.vector_load %arg12[%get3A_459] {strides = array<i32>} : memref<128xf32, #tpu.memory_space<vmem>>, vector<16xf32>,
          %get3A_461 = vector.shape_cast %get3A_460 : vector<16xf32> to vector<16xf32>
          %mul3A_462 = arith.mulf %max3A_458, %get3A_461 : vector<16xf32>
          %get3A_463 = arith.index_cast %and3A_324 : i32 to index
          %get3A_464 = arith.index_cast %scan3A_408 : i32 to index
          %get3A_465 = arith.constant 16 : index
          %get3A_466 = tpu.vector_load %arg14[%get3A_463, %get3A_464, %get3A_465] {strides = array<i32>} : memref<2x32x128xf32, #tpu.memory_space<vmem>>, vector<1x1x16xf32>,
          %get3A_467 = vector.shape_cast %get3A_466 : vector<1x1x16xf32> to vector<16xf32>
          %add3A_468 = arith.addf %get3A_418, %get3A_467 : vector<16xf32>
          %mul3A_469 = arith.constant 2.000000e-01 : f32
          %mul3A_470 = vector.broadcast %mul3A_469 : f32 to vector<16xf32>
          %mul3A_471 = arith.mulf %mul3A_470, %add3A_468 : vector<16xf32>
          %max3A_472 = arith.maximumf %add3A_468, %mul3A_471 : vector<16xf32>
          %get3A_473 = arith.constant 16 : index
          %get3A_474 = tpu.vector_load %arg12[%get3A_473] {strides = array<i32>} : memref<128xf32, #tpu.memory_space<vmem>>, vector<16xf32>,
          %get3A_475 = vector.shape_cast %get3A_474 : vector<16xf32> to vector<16xf32>
          %mul3A_476 = arith.mulf %max3A_472, %get3A_475 : vector<16xf32>
          %add3A_477 = arith.addf %mul3A_462, %mul3A_476 : vector<16xf32>
          %get3A_478 = arith.index_cast %and3A_324 : i32 to index
          %get3A_479 = arith.index_cast %scan3A_408 : i32 to index
          %get3A_480 = arith.constant 32 : index
          %get3A_481 = tpu.vector_load %arg14[%get3A_478, %get3A_479, %get3A_480] {strides = array<i32>} : memref<2x32x128xf32, #tpu.memory_space<vmem>>, vector<1x1x16xf32>,
          %get3A_482 = vector.shape_cast %get3A_481 : vector<1x1x16xf32> to vector<16xf32>
          %add3A_483 = arith.addf %get3A_423, %get3A_482 : vector<16xf32>
          %mul3A_484 = arith.constant 2.000000e-01 : f32
          %mul3A_485 = vector.broadcast %mul3A_484 : f32 to vector<16xf32>
          %mul3A_486 = arith.mulf %mul3A_485, %add3A_483 : vector<16xf32>
          %max3A_487 = arith.maximumf %add3A_483, %mul3A_486 : vector<16xf32>
          %get3A_488 = arith.constant 32 : index
          %get3A_489 = tpu.vector_load %arg12[%get3A_488] {strides = array<i32>} : memref<128xf32, #tpu.memory_space<vmem>>, vector<16xf32>,
          %get3A_490 = vector.shape_cast %get3A_489 : vector<16xf32> to vector<16xf32>
          %mul3A_491 = arith.mulf %max3A_487, %get3A_490 : vector<16xf32>
          %add3A_492 = arith.addf %add3A_477, %mul3A_491 : vector<16xf32>
          %get3A_493 = arith.index_cast %and3A_324 : i32 to index
          %get3A_494 = arith.index_cast %scan3A_408 : i32 to index
          %get3A_495 = arith.constant 48 : index
          %get3A_496 = tpu.vector_load %arg14[%get3A_493, %get3A_494, %get3A_495] {strides = array<i32>} : memref<2x32x128xf32, #tpu.memory_space<vmem>>, vector<1x1x16xf32>,
          %get3A_497 = vector.shape_cast %get3A_496 : vector<1x1x16xf32> to vector<16xf32>
          %add3A_498 = arith.addf %get3A_428, %get3A_497 : vector<16xf32>
          %mul3A_499 = arith.constant 2.000000e-01 : f32
          %mul3A_500 = vector.broadcast %mul3A_499 : f32 to vector<16xf32>
          %mul3A_501 = arith.mulf %mul3A_500, %add3A_498 : vector<16xf32>
          %max3A_502 = arith.maximumf %add3A_498, %mul3A_501 : vector<16xf32>
          %get3A_503 = arith.constant 48 : index
          %get3A_504 = tpu.vector_load %arg12[%get3A_503] {strides = array<i32>} : memref<128xf32, #tpu.memory_space<vmem>>, vector<16xf32>,
          %get3A_505 = vector.shape_cast %get3A_504 : vector<16xf32> to vector<16xf32>
          %mul3A_506 = arith.mulf %max3A_502, %get3A_505 : vector<16xf32>
          %add3A_507 = arith.addf %add3A_492, %mul3A_506 : vector<16xf32>
          %get3A_508 = arith.index_cast %and3A_324 : i32 to index
          %get3A_509 = arith.index_cast %scan3A_408 : i32 to index
          %get3A_510 = arith.constant 64 : index
          %get3A_511 = tpu.vector_load %arg14[%get3A_508, %get3A_509, %get3A_510] {strides = array<i32>} : memref<2x32x128xf32, #tpu.memory_space<vmem>>, vector<1x1x16xf32>,
          %get3A_512 = vector.shape_cast %get3A_511 : vector<1x1x16xf32> to vector<16xf32>
          %add3A_513 = arith.addf %get3A_433, %get3A_512 : vector<16xf32>
          %mul3A_514 = arith.constant 2.000000e-01 : f32
          %mul3A_515 = vector.broadcast %mul3A_514 : f32 to vector<16xf32>
          %mul3A_516 = arith.mulf %mul3A_515, %add3A_513 : vector<16xf32>
          %max3A_517 = arith.maximumf %add3A_513, %mul3A_516 : vector<16xf32>
          %get3A_518 = arith.constant 64 : index
          %get3A_519 = tpu.vector_load %arg12[%get3A_518] {strides = array<i32>} : memref<128xf32, #tpu.memory_space<vmem>>, vector<16xf32>,
          %get3A_520 = vector.shape_cast %get3A_519 : vector<16xf32> to vector<16xf32>
          %mul3A_521 = arith.mulf %max3A_517, %get3A_520 : vector<16xf32>
          %add3A_522 = arith.addf %add3A_507, %mul3A_521 : vector<16xf32>
          %get3A_523 = arith.index_cast %and3A_324 : i32 to index
          %get3A_524 = arith.index_cast %scan3A_408 : i32 to index
          %get3A_525 = arith.constant 80 : index
          %get3A_526 = tpu.vector_load %arg14[%get3A_523, %get3A_524, %get3A_525] {strides = array<i32>} : memref<2x32x128xf32, #tpu.memory_space<vmem>>, vector<1x1x16xf32>,
          %get3A_527 = vector.shape_cast %get3A_526 : vector<1x1x16xf32> to vector<16xf32>
          %add3A_528 = arith.addf %get3A_438, %get3A_527 : vector<16xf32>
          %mul3A_529 = arith.constant 2.000000e-01 : f32
          %mul3A_530 = vector.broadcast %mul3A_529 : f32 to vector<16xf32>
          %mul3A_531 = arith.mulf %mul3A_530, %add3A_528 : vector<16xf32>
          %max3A_532 = arith.maximumf %add3A_528, %mul3A_531 : vector<16xf32>
          %get3A_533 = arith.constant 80 : index
          %get3A_534 = tpu.vector_load %arg12[%get3A_533] {strides = array<i32>} : memref<128xf32, #tpu.memory_space<vmem>>, vector<16xf32>,
          %get3A_535 = vector.shape_cast %get3A_534 : vector<16xf32> to vector<16xf32>
          %mul3A_536 = arith.mulf %max3A_532, %get3A_535 : vector<16xf32>
          %add3A_537 = arith.addf %add3A_522, %mul3A_536 : vector<16xf32>
          %get3A_538 = arith.index_cast %and3A_324 : i32 to index
          %get3A_539 = arith.index_cast %scan3A_408 : i32 to index
          %get3A_540 = arith.constant 96 : index
          %get3A_541 = tpu.vector_load %arg14[%get3A_538, %get3A_539, %get3A_540] {strides = array<i32>} : memref<2x32x128xf32, #tpu.memory_space<vmem>>, vector<1x1x16xf32>,
          %get3A_542 = vector.shape_cast %get3A_541 : vector<1x1x16xf32> to vector<16xf32>
          %add3A_543 = arith.addf %get3A_443, %get3A_542 : vector<16xf32>
          %mul3A_544 = arith.constant 2.000000e-01 : f32
          %mul3A_545 = vector.broadcast %mul3A_544 : f32 to vector<16xf32>
          %mul3A_546 = arith.mulf %mul3A_545, %add3A_543 : vector<16xf32>
          %max3A_547 = arith.maximumf %add3A_543, %mul3A_546 : vector<16xf32>
          %get3A_548 = arith.constant 96 : index
          %get3A_549 = tpu.vector_load %arg12[%get3A_548] {strides = array<i32>} : memref<128xf32, #tpu.memory_space<vmem>>, vector<16xf32>,
          %get3A_550 = vector.shape_cast %get3A_549 : vector<16xf32> to vector<16xf32>
          %mul3A_551 = arith.mulf %max3A_547, %get3A_550 : vector<16xf32>
          %add3A_552 = arith.addf %add3A_537, %mul3A_551 : vector<16xf32>
          %get3A_553 = arith.index_cast %and3A_324 : i32 to index
          %get3A_554 = arith.index_cast %scan3A_408 : i32 to index
          %get3A_555 = arith.constant 112 : index
          %get3A_556 = tpu.vector_load %arg14[%get3A_553, %get3A_554, %get3A_555] {strides = array<i32>} : memref<2x32x128xf32, #tpu.memory_space<vmem>>, vector<1x1x16xf32>,
          %get3A_557 = vector.shape_cast %get3A_556 : vector<1x1x16xf32> to vector<16xf32>
          %add3A_558 = arith.addf %get3A_448, %get3A_557 : vector<16xf32>
          %mul3A_559 = arith.constant 2.000000e-01 : f32
          %mul3A_560 = vector.broadcast %mul3A_559 : f32 to vector<16xf32>
          %mul3A_561 = arith.mulf %mul3A_560, %add3A_558 : vector<16xf32>
          %max3A_562 = arith.maximumf %add3A_558, %mul3A_561 : vector<16xf32>
          %get3A_563 = arith.constant 112 : index
          %get3A_564 = tpu.vector_load %arg12[%get3A_563] {strides = array<i32>} : memref<128xf32, #tpu.memory_space<vmem>>, vector<16xf32>,
          %get3A_565 = vector.shape_cast %get3A_564 : vector<16xf32> to vector<16xf32>
          %mul3A_566 = arith.mulf %max3A_562, %get3A_565 : vector<16xf32>
          %add3A_567 = arith.addf %add3A_552, %mul3A_566 : vector<16xf32>
          %xor3A = arith.constant 8 : i32
          %xor3A_568 = vector.broadcast %xor3A : i32 to vector<16xi32>
          %xor3A_569 = arith.xori %iota3A, %xor3A_568 : vector<16xi32>
          %broadcast_in_dim3A = vector.shape_cast %xor3A_569 : vector<16xi32> to vector<16x1xi32>
          %gather3A = vector.shape_cast %broadcast_in_dim3A : vector<16x1xi32> to vector<16xi32>
          %gather3A_570 = tpu.dynamic_gather %add3A_567[%gather3A] in [0] : vector<16xf32>, vector<16xi32> -> vector<16xf32>
          %add3A_571 = arith.addf %add3A_567, %gather3A_570 : vector<16xf32>
          %xor3A_572 = arith.constant 4 : i32
          %xor3A_573 = vector.broadcast %xor3A_572 : i32 to vector<16xi32>
          %xor3A_574 = arith.xori %iota3A, %xor3A_573 : vector<16xi32>
          %broadcast_in_dim3A_575 = vector.shape_cast %xor3A_574 : vector<16xi32> to vector<16x1xi32>
          %gather3A_576 = vector.shape_cast %broadcast_in_dim3A_575 : vector<16x1xi32> to vector<16xi32>
          %gather3A_577 = tpu.dynamic_gather %add3A_571[%gather3A_576] in [0] : vector<16xf32>, vector<16xi32> -> vector<16xf32>
          %add3A_578 = arith.addf %add3A_571, %gather3A_577 : vector<16xf32>
          %xor3A_579 = arith.constant 2 : i32
          %xor3A_580 = vector.broadcast %xor3A_579 : i32 to vector<16xi32>
          %xor3A_581 = arith.xori %iota3A, %xor3A_580 : vector<16xi32>
          %broadcast_in_dim3A_582 = vector.shape_cast %xor3A_581 : vector<16xi32> to vector<16x1xi32>
          %gather3A_583 = vector.shape_cast %broadcast_in_dim3A_582 : vector<16x1xi32> to vector<16xi32>
          %gather3A_584 = tpu.dynamic_gather %add3A_578[%gather3A_583] in [0] : vector<16xf32>, vector<16xi32> -> vector<16xf32>
          %add3A_585 = arith.addf %add3A_578, %gather3A_584 : vector<16xf32>
          %xor3A_586 = arith.constant 1 : i32
          %xor3A_587 = vector.broadcast %xor3A_586 : i32 to vector<16xi32>
          %xor3A_588 = arith.xori %iota3A, %xor3A_587 : vector<16xi32>
          %broadcast_in_dim3A_589 = vector.shape_cast %xor3A_588 : vector<16xi32> to vector<16x1xi32>
          %gather3A_590 = vector.shape_cast %broadcast_in_dim3A_589 : vector<16x1xi32> to vector<16xi32>
          %gather3A_591 = tpu.dynamic_gather %add3A_585[%gather3A_590] in [0] : vector<16xf32>, vector<16xi32> -> vector<16xf32>
          %add3A_592 = arith.addf %add3A_585, %gather3A_591 : vector<16xf32>
          %exp3A = math.exp %add3A_592 : vector<16xf32>
          %jit3A = arith.constant 16 : i32
          %div3A = arith.divsi %scan3A_408, %jit3A : i32
          %sign3A = arith.constant 0 : i32
          %sign3A_593 = arith.cmpi sgt, %scan3A_408, %sign3A : i32
          %sign3A_594 = arith.extui %sign3A_593 : i1 to i32
          %sign3A_595 = arith.constant 0 : i32
          %sign3A_596 = arith.cmpi slt, %scan3A_408, %sign3A_595 : i32
          %sign3A_597 = arith.extui %sign3A_596 : i1 to i32
          %sign3A_598 = arith.subi %sign3A_594, %sign3A_597 : i32
          %sign3A_599 = arith.constant 0 : i32
          %sign3A_600 = arith.cmpi sgt, %jit3A, %sign3A_599 : i32
          %sign3A_601 = arith.extui %sign3A_600 : i1 to i32
          %sign3A_602 = arith.constant 0 : i32
          %sign3A_603 = arith.cmpi slt, %jit3A, %sign3A_602 : i32
          %sign3A_604 = arith.extui %sign3A_603 : i1 to i32
          %sign3A_605 = arith.subi %sign3A_601, %sign3A_604 : i32
          %ne3A = arith.cmpi ne, %sign3A_598, %sign3A_605 : i32
          %rem3A = arith.remsi %scan3A_408, %jit3A : i32
          %ne3A_606 = arith.constant 0 : i32
          %ne3A_607 = arith.cmpi ne, %rem3A, %ne3A_606 : i32
          %and3A_608 = arith.andi %ne3A, %ne3A_607 : i1
          %sub3A_609 = arith.constant 1 : i32
          %sub3A_610 = arith.subi %div3A, %sub3A_609 : i32
          %select_n3A = arith.select %and3A_608, %sub3A_610, %div3A : i32
          %mul3A_611 = arith.constant 16 : i32
          %mul3A_612 = arith.muli %select_n3A, %mul3A_611 : i32
          %get3A_613 = arith.index_cast %scan3A_323 : i32 to index
          %get3A_614 = arith.index_cast %mul3A_612 : i32 to index
          %get3A_615 = tpu.vector_load %arg10[%get3A_613, %get3A_614] {strides = array<i32>} : memref<32x32xi32, #tpu.memory_space<vmem>>, vector<1x16xi32>,
          %get3A_616 = vector.shape_cast %get3A_615 : vector<1x16xi32> to vector<16xi32>
          %broadcast_in_dim3A_617 = arith.constant 0 : i32
          %broadcast_in_dim3A_618 = vector.broadcast %broadcast_in_dim3A_617 : i32 to vector<16xi32>
          %sub3A_619 = arith.subi %scan3A_408, %mul3A_612 : i32
          %add3A_620 = vector.broadcast %sub3A_619 : i32 to vector<16xi32>
          %add3A_621 = arith.addi %broadcast_in_dim3A_618, %add3A_620 : vector<16xi32>
          %broadcast_in_dim3A_622 = vector.shape_cast %add3A_621 : vector<16xi32> to vector<16x1xi32>
          %gather3A_623 = vector.shape_cast %broadcast_in_dim3A_622 : vector<16x1xi32> to vector<16xi32>
          %gather3A_624 = tpu.dynamic_gather %get3A_616[%gather3A_623] in [0] : vector<16xi32>, vector<16xi32> -> vector<16xi32>
          %and3A_625 = arith.constant 15 : i32
          %and3A_626 = vector.broadcast %and3A_625 : i32 to vector<16xi32>
          %and3A_627 = arith.andi %gather3A_624, %and3A_626 : vector<16xi32>
          %xor3A_628 = arith.xori %and3A_627, %shift_right_logical3A_116 : vector<16xi32>
          %xor3A_629 = arith.constant 0 : i32
          %xor3A_630 = vector.broadcast %xor3A_629 : i32 to vector<16xi32>
          %xor3A_631 = arith.xori %xor3A_628, %xor3A_630 : vector<16xi32>
          %broadcast_in_dim3A_632 = vector.shape_cast %xor3A_631 : vector<16xi32> to vector<16x1xi32>
          %gather3A_633 = vector.shape_cast %broadcast_in_dim3A_632 : vector<16x1xi32> to vector<16xi32>
          %gather3A_634 = tpu.dynamic_gather %convert_element_type3A[%gather3A_633] in [0] : vector<16xf32>, vector<16xi32> -> vector<16xf32>
          %mul3A_635 = arith.mulf %exp3A, %gather3A_634 : vector<16xf32>
          %swap3A_636 = arith.index_cast %and3A_324 : i32 to index
          %swap3A_637 = arith.index_cast %scan3A_408 : i32 to index
          %swap3A_638 = arith.constant 0 : index
          %swap3A_639 = tpu.vector_load %arg15[%swap3A_636, %swap3A_637, %swap3A_638] {strides = array<i32>} : memref<2x32x128xf32, #tpu.memory_space<vmem>>, vector<1x1x16xf32>,
          %swap3A_640 = vector.shape_cast %swap3A_639 : vector<1x1x16xf32> to vector<16xf32>
          %swap3A_641 = vector.shape_cast %mul3A_635 : vector<16xf32> to vector<1x1x16xf32>
          tpu.vector_store %arg15[%swap3A_636, %swap3A_637, %swap3A_638], %swap3A_641 {strides = array<i32>} : memref<2x32x128xf32, #tpu.memory_space<vmem>>, vector<1x1x16xf32>,
          %xor3A_642 = arith.constant 2 : i32
          %xor3A_643 = vector.broadcast %xor3A_642 : i32 to vector<16xi32>
          %xor3A_644 = arith.xori %xor3A_628, %xor3A_643 : vector<16xi32>
          %broadcast_in_dim3A_645 = vector.shape_cast %xor3A_644 : vector<16xi32> to vector<16x1xi32>
          %gather3A_646 = vector.shape_cast %broadcast_in_dim3A_645 : vector<16x1xi32> to vector<16xi32>
          %gather3A_647 = tpu.dynamic_gather %convert_element_type3A[%gather3A_646] in [0] : vector<16xf32>, vector<16xi32> -> vector<16xf32>
          %mul3A_648 = arith.mulf %exp3A, %gather3A_647 : vector<16xf32>
          %swap3A_649 = arith.index_cast %and3A_324 : i32 to index
          %swap3A_650 = arith.index_cast %scan3A_408 : i32 to index
          %swap3A_651 = arith.constant 16 : index
          %swap3A_652 = tpu.vector_load %arg15[%swap3A_649, %swap3A_650, %swap3A_651] {strides = array<i32>} : memref<2x32x128xf32, #tpu.memory_space<vmem>>, vector<1x1x16xf32>,
          %swap3A_653 = vector.shape_cast %swap3A_652 : vector<1x1x16xf32> to vector<16xf32>
          %swap3A_654 = vector.shape_cast %mul3A_648 : vector<16xf32> to vector<1x1x16xf32>
          tpu.vector_store %arg15[%swap3A_649, %swap3A_650, %swap3A_651], %swap3A_654 {strides = array<i32>} : memref<2x32x128xf32, #tpu.memory_space<vmem>>, vector<1x1x16xf32>,
          %xor3A_655 = arith.constant 4 : i32
          %xor3A_656 = vector.broadcast %xor3A_655 : i32 to vector<16xi32>
          %xor3A_657 = arith.xori %xor3A_628, %xor3A_656 : vector<16xi32>
          %broadcast_in_dim3A_658 = vector.shape_cast %xor3A_657 : vector<16xi32> to vector<16x1xi32>
          %gather3A_659 = vector.shape_cast %broadcast_in_dim3A_658 : vector<16x1xi32> to vector<16xi32>
          %gather3A_660 = tpu.dynamic_gather %convert_element_type3A[%gather3A_659] in [0] : vector<16xf32>, vector<16xi32> -> vector<16xf32>
          %mul3A_661 = arith.mulf %exp3A, %gather3A_660 : vector<16xf32>
          %swap3A_662 = arith.index_cast %and3A_324 : i32 to index
          %swap3A_663 = arith.index_cast %scan3A_408 : i32 to index
          %swap3A_664 = arith.constant 32 : index
          %swap3A_665 = tpu.vector_load %arg15[%swap3A_662, %swap3A_663, %swap3A_664] {strides = array<i32>} : memref<2x32x128xf32, #tpu.memory_space<vmem>>, vector<1x1x16xf32>,
          %swap3A_666 = vector.shape_cast %swap3A_665 : vector<1x1x16xf32> to vector<16xf32>
          %swap3A_667 = vector.shape_cast %mul3A_661 : vector<16xf32> to vector<1x1x16xf32>
          tpu.vector_store %arg15[%swap3A_662, %swap3A_663, %swap3A_664], %swap3A_667 {strides = array<i32>} : memref<2x32x128xf32, #tpu.memory_space<vmem>>, vector<1x1x16xf32>,
          %xor3A_668 = arith.constant 6 : i32
          %xor3A_669 = vector.broadcast %xor3A_668 : i32 to vector<16xi32>
          %xor3A_670 = arith.xori %xor3A_628, %xor3A_669 : vector<16xi32>
          %broadcast_in_dim3A_671 = vector.shape_cast %xor3A_670 : vector<16xi32> to vector<16x1xi32>
          %gather3A_672 = vector.shape_cast %broadcast_in_dim3A_671 : vector<16x1xi32> to vector<16xi32>
          %gather3A_673 = tpu.dynamic_gather %convert_element_type3A[%gather3A_672] in [0] : vector<16xf32>, vector<16xi32> -> vector<16xf32>
          %mul3A_674 = arith.mulf %exp3A, %gather3A_673 : vector<16xf32>
          %swap3A_675 = arith.index_cast %and3A_324 : i32 to index
          %swap3A_676 = arith.index_cast %scan3A_408 : i32 to index
          %swap3A_677 = arith.constant 48 : index
          %swap3A_678 = tpu.vector_load %arg15[%swap3A_675, %swap3A_676, %swap3A_677] {strides = array<i32>} : memref<2x32x128xf32, #tpu.memory_space<vmem>>, vector<1x1x16xf32>,
          %swap3A_679 = vector.shape_cast %swap3A_678 : vector<1x1x16xf32> to vector<16xf32>
          %swap3A_680 = vector.shape_cast %mul3A_674 : vector<16xf32> to vector<1x1x16xf32>
          tpu.vector_store %arg15[%swap3A_675, %swap3A_676, %swap3A_677], %swap3A_680 {strides = array<i32>} : memref<2x32x128xf32, #tpu.memory_space<vmem>>, vector<1x1x16xf32>,
          %xor3A_681 = arith.constant 8 : i32
          %xor3A_682 = vector.broadcast %xor3A_681 : i32 to vector<16xi32>
          %xor3A_683 = arith.xori %xor3A_628, %xor3A_682 : vector<16xi32>
          %broadcast_in_dim3A_684 = vector.shape_cast %xor3A_683 : vector<16xi32> to vector<16x1xi32>
          %gather3A_685 = vector.shape_cast %broadcast_in_dim3A_684 : vector<16x1xi32> to vector<16xi32>
          %gather3A_686 = tpu.dynamic_gather %convert_element_type3A[%gather3A_685] in [0] : vector<16xf32>, vector<16xi32> -> vector<16xf32>
          %mul3A_687 = arith.mulf %exp3A, %gather3A_686 : vector<16xf32>
          %swap3A_688 = arith.index_cast %and3A_324 : i32 to index
          %swap3A_689 = arith.index_cast %scan3A_408 : i32 to index
          %swap3A_690 = arith.constant 64 : index
          %swap3A_691 = tpu.vector_load %arg15[%swap3A_688, %swap3A_689, %swap3A_690] {strides = array<i32>} : memref<2x32x128xf32, #tpu.memory_space<vmem>>, vector<1x1x16xf32>,
          %swap3A_692 = vector.shape_cast %swap3A_691 : vector<1x1x16xf32> to vector<16xf32>
          %swap3A_693 = vector.shape_cast %mul3A_687 : vector<16xf32> to vector<1x1x16xf32>
          tpu.vector_store %arg15[%swap3A_688, %swap3A_689, %swap3A_690], %swap3A_693 {strides = array<i32>} : memref<2x32x128xf32, #tpu.memory_space<vmem>>, vector<1x1x16xf32>,
          %xor3A_694 = arith.constant 10 : i32
          %xor3A_695 = vector.broadcast %xor3A_694 : i32 to vector<16xi32>
          %xor3A_696 = arith.xori %xor3A_628, %xor3A_695 : vector<16xi32>
          %broadcast_in_dim3A_697 = vector.shape_cast %xor3A_696 : vector<16xi32> to vector<16x1xi32>
          %gather3A_698 = vector.shape_cast %broadcast_in_dim3A_697 : vector<16x1xi32> to vector<16xi32>
          %gather3A_699 = tpu.dynamic_gather %convert_element_type3A[%gather3A_698] in [0] : vector<16xf32>, vector<16xi32> -> vector<16xf32>
          %mul3A_700 = arith.mulf %exp3A, %gather3A_699 : vector<16xf32>
          %swap3A_701 = arith.index_cast %and3A_324 : i32 to index
          %swap3A_702 = arith.index_cast %scan3A_408 : i32 to index
          %swap3A_703 = arith.constant 80 : index
          %swap3A_704 = tpu.vector_load %arg15[%swap3A_701, %swap3A_702, %swap3A_703] {strides = array<i32>} : memref<2x32x128xf32, #tpu.memory_space<vmem>>, vector<1x1x16xf32>,
          %swap3A_705 = vector.shape_cast %swap3A_704 : vector<1x1x16xf32> to vector<16xf32>
          %swap3A_706 = vector.shape_cast %mul3A_700 : vector<16xf32> to vector<1x1x16xf32>
          tpu.vector_store %arg15[%swap3A_701, %swap3A_702, %swap3A_703], %swap3A_706 {strides = array<i32>} : memref<2x32x128xf32, #tpu.memory_space<vmem>>, vector<1x1x16xf32>,
          %xor3A_707 = arith.constant 12 : i32
          %xor3A_708 = vector.broadcast %xor3A_707 : i32 to vector<16xi32>
          %xor3A_709 = arith.xori %xor3A_628, %xor3A_708 : vector<16xi32>
          %broadcast_in_dim3A_710 = vector.shape_cast %xor3A_709 : vector<16xi32> to vector<16x1xi32>
          %gather3A_711 = vector.shape_cast %broadcast_in_dim3A_710 : vector<16x1xi32> to vector<16xi32>
          %gather3A_712 = tpu.dynamic_gather %convert_element_type3A[%gather3A_711] in [0] : vector<16xf32>, vector<16xi32> -> vector<16xf32>
          %mul3A_713 = arith.mulf %exp3A, %gather3A_712 : vector<16xf32>
          %swap3A_714 = arith.index_cast %and3A_324 : i32 to index
          %swap3A_715 = arith.index_cast %scan3A_408 : i32 to index
          %swap3A_716 = arith.constant 96 : index
          %swap3A_717 = tpu.vector_load %arg15[%swap3A_714, %swap3A_715, %swap3A_716] {strides = array<i32>} : memref<2x32x128xf32, #tpu.memory_space<vmem>>, vector<1x1x16xf32>,
          %swap3A_718 = vector.shape_cast %swap3A_717 : vector<1x1x16xf32> to vector<16xf32>
          %swap3A_719 = vector.shape_cast %mul3A_713 : vector<16xf32> to vector<1x1x16xf32>
          tpu.vector_store %arg15[%swap3A_714, %swap3A_715, %swap3A_716], %swap3A_719 {strides = array<i32>} : memref<2x32x128xf32, #tpu.memory_space<vmem>>, vector<1x1x16xf32>,
          %xor3A_720 = arith.constant 14 : i32
          %xor3A_721 = vector.broadcast %xor3A_720 : i32 to vector<16xi32>
          %xor3A_722 = arith.xori %xor3A_628, %xor3A_721 : vector<16xi32>
          %broadcast_in_dim3A_723 = vector.shape_cast %xor3A_722 : vector<16xi32> to vector<16x1xi32>
          %gather3A_724 = vector.shape_cast %broadcast_in_dim3A_723 : vector<16x1xi32> to vector<16xi32>
          %gather3A_725 = tpu.dynamic_gather %convert_element_type3A[%gather3A_724] in [0] : vector<16xf32>, vector<16xi32> -> vector<16xf32>
          %mul3A_726 = arith.mulf %exp3A, %gather3A_725 : vector<16xf32>
          %swap3A_727 = arith.index_cast %and3A_324 : i32 to index
          %swap3A_728 = arith.index_cast %scan3A_408 : i32 to index
          %swap3A_729 = arith.constant 112 : index
          %swap3A_730 = tpu.vector_load %arg15[%swap3A_727, %swap3A_728, %swap3A_729] {strides = array<i32>} : memref<2x32x128xf32, #tpu.memory_space<vmem>>, vector<1x1x16xf32>,
          %swap3A_731 = vector.shape_cast %swap3A_730 : vector<1x1x16xf32> to vector<16xf32>
          %swap3A_732 = vector.shape_cast %mul3A_726 : vector<16xf32> to vector<1x1x16xf32>
          tpu.vector_store %arg15[%swap3A_727, %swap3A_728, %swap3A_729], %swap3A_732 {strides = array<i32>} : memref<2x32x128xf32, #tpu.memory_space<vmem>>, vector<1x1x16xf32>,
          %mul3A_733 = arith.mulf %exp3A, %get3A_413 : vector<16xf32>
          %swap3A_734 = arith.index_cast %and3A_324 : i32 to index
          %swap3A_735 = arith.index_cast %scan3A_408 : i32 to index
          %swap3A_736 = arith.constant 0 : index
          %swap3A_737 = tpu.vector_load %arg13[%swap3A_734, %swap3A_735, %swap3A_736] {strides = array<i32>} : memref<2x32x128xf32, #tpu.memory_space<vmem>>, vector<1x1x16xf32>,
          %swap3A_738 = vector.shape_cast %swap3A_737 : vector<1x1x16xf32> to vector<16xf32>
          %swap3A_739 = vector.shape_cast %mul3A_733 : vector<16xf32> to vector<1x1x16xf32>
          tpu.vector_store %arg13[%swap3A_734, %swap3A_735, %swap3A_736], %swap3A_739 {strides = array<i32>} : memref<2x32x128xf32, #tpu.memory_space<vmem>>, vector<1x1x16xf32>,
          %mul3A_740 = arith.mulf %exp3A, %get3A_418 : vector<16xf32>
          %swap3A_741 = arith.index_cast %and3A_324 : i32 to index
          %swap3A_742 = arith.index_cast %scan3A_408 : i32 to index
          %swap3A_743 = arith.constant 16 : index
          %swap3A_744 = tpu.vector_load %arg13[%swap3A_741, %swap3A_742, %swap3A_743] {strides = array<i32>} : memref<2x32x128xf32, #tpu.memory_space<vmem>>, vector<1x1x16xf32>,
          %swap3A_745 = vector.shape_cast %swap3A_744 : vector<1x1x16xf32> to vector<16xf32>
          %swap3A_746 = vector.shape_cast %mul3A_740 : vector<16xf32> to vector<1x1x16xf32>
          tpu.vector_store %arg13[%swap3A_741, %swap3A_742, %swap3A_743], %swap3A_746 {strides = array<i32>} : memref<2x32x128xf32, #tpu.memory_space<vmem>>, vector<1x1x16xf32>,
          %mul3A_747 = arith.mulf %exp3A, %get3A_423 : vector<16xf32>
          %swap3A_748 = arith.index_cast %and3A_324 : i32 to index
          %swap3A_749 = arith.index_cast %scan3A_408 : i32 to index
          %swap3A_750 = arith.constant 32 : index
          %swap3A_751 = tpu.vector_load %arg13[%swap3A_748, %swap3A_749, %swap3A_750] {strides = array<i32>} : memref<2x32x128xf32, #tpu.memory_space<vmem>>, vector<1x1x16xf32>,
          %swap3A_752 = vector.shape_cast %swap3A_751 : vector<1x1x16xf32> to vector<16xf32>
          %swap3A_753 = vector.shape_cast %mul3A_747 : vector<16xf32> to vector<1x1x16xf32>
          tpu.vector_store %arg13[%swap3A_748, %swap3A_749, %swap3A_750], %swap3A_753 {strides = array<i32>} : memref<2x32x128xf32, #tpu.memory_space<vmem>>, vector<1x1x16xf32>,
          %mul3A_754 = arith.mulf %exp3A, %get3A_428 : vector<16xf32>
          %swap3A_755 = arith.index_cast %and3A_324 : i32 to index
          %swap3A_756 = arith.index_cast %scan3A_408 : i32 to index
          %swap3A_757 = arith.constant 48 : index
          %swap3A_758 = tpu.vector_load %arg13[%swap3A_755, %swap3A_756, %swap3A_757] {strides = array<i32>} : memref<2x32x128xf32, #tpu.memory_space<vmem>>, vector<1x1x16xf32>,
          %swap3A_759 = vector.shape_cast %swap3A_758 : vector<1x1x16xf32> to vector<16xf32>
          %swap3A_760 = vector.shape_cast %mul3A_754 : vector<16xf32> to vector<1x1x16xf32>
          tpu.vector_store %arg13[%swap3A_755, %swap3A_756, %swap3A_757], %swap3A_760 {strides = array<i32>} : memref<2x32x128xf32, #tpu.memory_space<vmem>>, vector<1x1x16xf32>,
          %mul3A_761 = arith.mulf %exp3A, %get3A_433 : vector<16xf32>
          %swap3A_762 = arith.index_cast %and3A_324 : i32 to index
          %swap3A_763 = arith.index_cast %scan3A_408 : i32 to index
          %swap3A_764 = arith.constant 64 : index
          %swap3A_765 = tpu.vector_load %arg13[%swap3A_762, %swap3A_763, %swap3A_764] {strides = array<i32>} : memref<2x32x128xf32, #tpu.memory_space<vmem>>, vector<1x1x16xf32>,
          %swap3A_766 = vector.shape_cast %swap3A_765 : vector<1x1x16xf32> to vector<16xf32>
          %swap3A_767 = vector.shape_cast %mul3A_761 : vector<16xf32> to vector<1x1x16xf32>
          tpu.vector_store %arg13[%swap3A_762, %swap3A_763, %swap3A_764], %swap3A_767 {strides = array<i32>} : memref<2x32x128xf32, #tpu.memory_space<vmem>>, vector<1x1x16xf32>,
          %mul3A_768 = arith.mulf %exp3A, %get3A_438 : vector<16xf32>
          %swap3A_769 = arith.index_cast %and3A_324 : i32 to index
          %swap3A_770 = arith.index_cast %scan3A_408 : i32 to index
          %swap3A_771 = arith.constant 80 : index
          %swap3A_772 = tpu.vector_load %arg13[%swap3A_769, %swap3A_770, %swap3A_771] {strides = array<i32>} : memref<2x32x128xf32, #tpu.memory_space<vmem>>, vector<1x1x16xf32>,
          %swap3A_773 = vector.shape_cast %swap3A_772 : vector<1x1x16xf32> to vector<16xf32>
          %swap3A_774 = vector.shape_cast %mul3A_768 : vector<16xf32> to vector<1x1x16xf32>
          tpu.vector_store %arg13[%swap3A_769, %swap3A_770, %swap3A_771], %swap3A_774 {strides = array<i32>} : memref<2x32x128xf32, #tpu.memory_space<vmem>>, vector<1x1x16xf32>,
          %mul3A_775 = arith.mulf %exp3A, %get3A_443 : vector<16xf32>
          %swap3A_776 = arith.index_cast %and3A_324 : i32 to index
          %swap3A_777 = arith.index_cast %scan3A_408 : i32 to index
          %swap3A_778 = arith.constant 96 : index
          %swap3A_779 = tpu.vector_load %arg13[%swap3A_776, %swap3A_777, %swap3A_778] {strides = array<i32>} : memref<2x32x128xf32, #tpu.memory_space<vmem>>, vector<1x1x16xf32>,
          %swap3A_780 = vector.shape_cast %swap3A_779 : vector<1x1x16xf32> to vector<16xf32>
          %swap3A_781 = vector.shape_cast %mul3A_775 : vector<16xf32> to vector<1x1x16xf32>
          tpu.vector_store %arg13[%swap3A_776, %swap3A_777, %swap3A_778], %swap3A_781 {strides = array<i32>} : memref<2x32x128xf32, #tpu.memory_space<vmem>>, vector<1x1x16xf32>,
          %mul3A_782 = arith.mulf %exp3A, %get3A_448 : vector<16xf32>
          %swap3A_783 = arith.index_cast %and3A_324 : i32 to index
          %swap3A_784 = arith.index_cast %scan3A_408 : i32 to index
          %swap3A_785 = arith.constant 112 : index
          %swap3A_786 = tpu.vector_load %arg13[%swap3A_783, %swap3A_784, %swap3A_785] {strides = array<i32>} : memref<2x32x128xf32, #tpu.memory_space<vmem>>, vector<1x1x16xf32>,
          %swap3A_787 = vector.shape_cast %swap3A_786 : vector<1x1x16xf32> to vector<16xf32>
          %swap3A_788 = vector.shape_cast %mul3A_782 : vector<16xf32> to vector<1x1x16xf32>
          tpu.vector_store %arg13[%swap3A_783, %swap3A_784, %swap3A_785], %swap3A_788 {strides = array<i32>} : memref<2x32x128xf32, #tpu.memory_space<vmem>>, vector<1x1x16xf32>,
          %scan3A_789 = arith.constant 1 : i32
          %scan3A_790 = arith.addi %scan3A_408, %scan3A_789 : i32
          %get3A_791 = arith.index_cast %and3A_324 : i32 to index
          %get3A_792 = arith.index_cast %scan3A_790 : i32 to index
          %get3A_793 = arith.constant 0 : index
          %get3A_794 = tpu.vector_load %arg13[%get3A_791, %get3A_792, %get3A_793] {strides = array<i32>} : memref<2x32x128xf32, #tpu.memory_space<vmem>>, vector<1x1x16xf32>,
          %get3A_795 = vector.shape_cast %get3A_794 : vector<1x1x16xf32> to vector<16xf32>
          %get3A_796 = arith.index_cast %and3A_324 : i32 to index
          %get3A_797 = arith.index_cast %scan3A_790 : i32 to index
          %get3A_798 = arith.constant 16 : index
          %get3A_799 = tpu.vector_load %arg13[%get3A_796, %get3A_797, %get3A_798] {strides = array<i32>} : memref<2x32x128xf32, #tpu.memory_space<vmem>>, vector<1x1x16xf32>,
          %get3A_800 = vector.shape_cast %get3A_799 : vector<1x1x16xf32> to vector<16xf32>
          %get3A_801 = arith.index_cast %and3A_324 : i32 to index
          %get3A_802 = arith.index_cast %scan3A_790 : i32 to index
          %get3A_803 = arith.constant 32 : index
          %get3A_804 = tpu.vector_load %arg13[%get3A_801, %get3A_802, %get3A_803] {strides = array<i32>} : memref<2x32x128xf32, #tpu.memory_space<vmem>>, vector<1x1x16xf32>,
          %get3A_805 = vector.shape_cast %get3A_804 : vector<1x1x16xf32> to vector<16xf32>
          %get3A_806 = arith.index_cast %and3A_324 : i32 to index
          %get3A_807 = arith.index_cast %scan3A_790 : i32 to index
          %get3A_808 = arith.constant 48 : index
          %get3A_809 = tpu.vector_load %arg13[%get3A_806, %get3A_807, %get3A_808] {strides = array<i32>} : memref<2x32x128xf32, #tpu.memory_space<vmem>>, vector<1x1x16xf32>,
          %get3A_810 = vector.shape_cast %get3A_809 : vector<1x1x16xf32> to vector<16xf32>
          %get3A_811 = arith.index_cast %and3A_324 : i32 to index
          %get3A_812 = arith.index_cast %scan3A_790 : i32 to index
          %get3A_813 = arith.constant 64 : index
          %get3A_814 = tpu.vector_load %arg13[%get3A_811, %get3A_812, %get3A_813] {strides = array<i32>} : memref<2x32x128xf32, #tpu.memory_space<vmem>>, vector<1x1x16xf32>,
          %get3A_815 = vector.shape_cast %get3A_814 : vector<1x1x16xf32> to vector<16xf32>
          %get3A_816 = arith.index_cast %and3A_324 : i32 to index
          %get3A_817 = arith.index_cast %scan3A_790 : i32 to index
          %get3A_818 = arith.constant 80 : index
          %get3A_819 = tpu.vector_load %arg13[%get3A_816, %get3A_817, %get3A_818] {strides = array<i32>} : memref<2x32x128xf32, #tpu.memory_space<vmem>>, vector<1x1x16xf32>,
          %get3A_820 = vector.shape_cast %get3A_819 : vector<1x1x16xf32> to vector<16xf32>
          %get3A_821 = arith.index_cast %and3A_324 : i32 to index
          %get3A_822 = arith.index_cast %scan3A_790 : i32 to index
          %get3A_823 = arith.constant 96 : index
          %get3A_824 = tpu.vector_load %arg13[%get3A_821, %get3A_822, %get3A_823] {strides = array<i32>} : memref<2x32x128xf32, #tpu.memory_space<vmem>>, vector<1x1x16xf32>,
          %get3A_825 = vector.shape_cast %get3A_824 : vector<1x1x16xf32> to vector<16xf32>
          %get3A_826 = arith.index_cast %and3A_324 : i32 to index
          %get3A_827 = arith.index_cast %scan3A_790 : i32 to index
          %get3A_828 = arith.constant 112 : index
          %get3A_829 = tpu.vector_load %arg13[%get3A_826, %get3A_827, %get3A_828] {strides = array<i32>} : memref<2x32x128xf32, #tpu.memory_space<vmem>>, vector<1x1x16xf32>,
          %get3A_830 = vector.shape_cast %get3A_829 : vector<1x1x16xf32> to vector<16xf32>
          %get3A_831 = arith.index_cast %and3A_324 : i32 to index
          %get3A_832 = arith.index_cast %scan3A_790 : i32 to index
          %get3A_833 = arith.constant 0 : index
          %get3A_834 = tpu.vector_load %arg14[%get3A_831, %get3A_832, %get3A_833] {strides = array<i32>} : memref<2x32x128xf32, #tpu.memory_space<vmem>>, vector<1x1x16xf32>,
          %get3A_835 = vector.shape_cast %get3A_834 : vector<1x1x16xf32> to vector<16xf32>
          %add3A_836 = arith.addf %get3A_795, %get3A_835 : vector<16xf32>
          %mul3A_837 = arith.constant 2.000000e-01 : f32
          %mul3A_838 = vector.broadcast %mul3A_837 : f32 to vector<16xf32>
          %mul3A_839 = arith.mulf %mul3A_838, %add3A_836 : vector<16xf32>
          %max3A_840 = arith.maximumf %add3A_836, %mul3A_839 : vector<16xf32>
          %get3A_841 = arith.constant 0 : index
          %get3A_842 = tpu.vector_load %arg12[%get3A_841] {strides = array<i32>} : memref<128xf32, #tpu.memory_space<vmem>>, vector<16xf32>,
          %get3A_843 = vector.shape_cast %get3A_842 : vector<16xf32> to vector<16xf32>
          %mul3A_844 = arith.mulf %max3A_840, %get3A_843 : vector<16xf32>
          %get3A_845 = arith.index_cast %and3A_324 : i32 to index
          %get3A_846 = arith.index_cast %scan3A_790 : i32 to index
          %get3A_847 = arith.constant 16 : index
          %get3A_848 = tpu.vector_load %arg14[%get3A_845, %get3A_846, %get3A_847] {strides = array<i32>} : memref<2x32x128xf32, #tpu.memory_space<vmem>>, vector<1x1x16xf32>,
          %get3A_849 = vector.shape_cast %get3A_848 : vector<1x1x16xf32> to vector<16xf32>
          %add3A_850 = arith.addf %get3A_800, %get3A_849 : vector<16xf32>
          %mul3A_851 = arith.constant 2.000000e-01 : f32
          %mul3A_852 = vector.broadcast %mul3A_851 : f32 to vector<16xf32>
          %mul3A_853 = arith.mulf %mul3A_852, %add3A_850 : vector<16xf32>
          %max3A_854 = arith.maximumf %add3A_850, %mul3A_853 : vector<16xf32>
          %get3A_855 = arith.constant 16 : index
          %get3A_856 = tpu.vector_load %arg12[%get3A_855] {strides = array<i32>} : memref<128xf32, #tpu.memory_space<vmem>>, vector<16xf32>,
          %get3A_857 = vector.shape_cast %get3A_856 : vector<16xf32> to vector<16xf32>
          %mul3A_858 = arith.mulf %max3A_854, %get3A_857 : vector<16xf32>
          %add3A_859 = arith.addf %mul3A_844, %mul3A_858 : vector<16xf32>
          %get3A_860 = arith.index_cast %and3A_324 : i32 to index
          %get3A_861 = arith.index_cast %scan3A_790 : i32 to index
          %get3A_862 = arith.constant 32 : index
          %get3A_863 = tpu.vector_load %arg14[%get3A_860, %get3A_861, %get3A_862] {strides = array<i32>} : memref<2x32x128xf32, #tpu.memory_space<vmem>>, vector<1x1x16xf32>,
          %get3A_864 = vector.shape_cast %get3A_863 : vector<1x1x16xf32> to vector<16xf32>
          %add3A_865 = arith.addf %get3A_805, %get3A_864 : vector<16xf32>
          %mul3A_866 = arith.constant 2.000000e-01 : f32
          %mul3A_867 = vector.broadcast %mul3A_866 : f32 to vector<16xf32>
          %mul3A_868 = arith.mulf %mul3A_867, %add3A_865 : vector<16xf32>
          %max3A_869 = arith.maximumf %add3A_865, %mul3A_868 : vector<16xf32>
          %get3A_870 = arith.constant 32 : index
          %get3A_871 = tpu.vector_load %arg12[%get3A_870] {strides = array<i32>} : memref<128xf32, #tpu.memory_space<vmem>>, vector<16xf32>,
          %get3A_872 = vector.shape_cast %get3A_871 : vector<16xf32> to vector<16xf32>
          %mul3A_873 = arith.mulf %max3A_869, %get3A_872 : vector<16xf32>
          %add3A_874 = arith.addf %add3A_859, %mul3A_873 : vector<16xf32>
          %get3A_875 = arith.index_cast %and3A_324 : i32 to index
          %get3A_876 = arith.index_cast %scan3A_790 : i32 to index
          %get3A_877 = arith.constant 48 : index
          %get3A_878 = tpu.vector_load %arg14[%get3A_875, %get3A_876, %get3A_877] {strides = array<i32>} : memref<2x32x128xf32, #tpu.memory_space<vmem>>, vector<1x1x16xf32>,
          %get3A_879 = vector.shape_cast %get3A_878 : vector<1x1x16xf32> to vector<16xf32>
          %add3A_880 = arith.addf %get3A_810, %get3A_879 : vector<16xf32>
          %mul3A_881 = arith.constant 2.000000e-01 : f32
          %mul3A_882 = vector.broadcast %mul3A_881 : f32 to vector<16xf32>
          %mul3A_883 = arith.mulf %mul3A_882, %add3A_880 : vector<16xf32>
          %max3A_884 = arith.maximumf %add3A_880, %mul3A_883 : vector<16xf32>
          %get3A_885 = arith.constant 48 : index
          %get3A_886 = tpu.vector_load %arg12[%get3A_885] {strides = array<i32>} : memref<128xf32, #tpu.memory_space<vmem>>, vector<16xf32>,
          %get3A_887 = vector.shape_cast %get3A_886 : vector<16xf32> to vector<16xf32>
          %mul3A_888 = arith.mulf %max3A_884, %get3A_887 : vector<16xf32>
          %add3A_889 = arith.addf %add3A_874, %mul3A_888 : vector<16xf32>
          %get3A_890 = arith.index_cast %and3A_324 : i32 to index
          %get3A_891 = arith.index_cast %scan3A_790 : i32 to index
          %get3A_892 = arith.constant 64 : index
          %get3A_893 = tpu.vector_load %arg14[%get3A_890, %get3A_891, %get3A_892] {strides = array<i32>} : memref<2x32x128xf32, #tpu.memory_space<vmem>>, vector<1x1x16xf32>,
          %get3A_894 = vector.shape_cast %get3A_893 : vector<1x1x16xf32> to vector<16xf32>
          %add3A_895 = arith.addf %get3A_815, %get3A_894 : vector<16xf32>
          %mul3A_896 = arith.constant 2.000000e-01 : f32
          %mul3A_897 = vector.broadcast %mul3A_896 : f32 to vector<16xf32>
          %mul3A_898 = arith.mulf %mul3A_897, %add3A_895 : vector<16xf32>
          %max3A_899 = arith.maximumf %add3A_895, %mul3A_898 : vector<16xf32>
          %get3A_900 = arith.constant 64 : index
          %get3A_901 = tpu.vector_load %arg12[%get3A_900] {strides = array<i32>} : memref<128xf32, #tpu.memory_space<vmem>>, vector<16xf32>,
          %get3A_902 = vector.shape_cast %get3A_901 : vector<16xf32> to vector<16xf32>
          %mul3A_903 = arith.mulf %max3A_899, %get3A_902 : vector<16xf32>
          %add3A_904 = arith.addf %add3A_889, %mul3A_903 : vector<16xf32>
          %get3A_905 = arith.index_cast %and3A_324 : i32 to index
          %get3A_906 = arith.index_cast %scan3A_790 : i32 to index
          %get3A_907 = arith.constant 80 : index
          %get3A_908 = tpu.vector_load %arg14[%get3A_905, %get3A_906, %get3A_907] {strides = array<i32>} : memref<2x32x128xf32, #tpu.memory_space<vmem>>, vector<1x1x16xf32>,
          %get3A_909 = vector.shape_cast %get3A_908 : vector<1x1x16xf32> to vector<16xf32>
          %add3A_910 = arith.addf %get3A_820, %get3A_909 : vector<16xf32>
          %mul3A_911 = arith.constant 2.000000e-01 : f32
          %mul3A_912 = vector.broadcast %mul3A_911 : f32 to vector<16xf32>
          %mul3A_913 = arith.mulf %mul3A_912, %add3A_910 : vector<16xf32>
          %max3A_914 = arith.maximumf %add3A_910, %mul3A_913 : vector<16xf32>
          %get3A_915 = arith.constant 80 : index
          %get3A_916 = tpu.vector_load %arg12[%get3A_915] {strides = array<i32>} : memref<128xf32, #tpu.memory_space<vmem>>, vector<16xf32>,
          %get3A_917 = vector.shape_cast %get3A_916 : vector<16xf32> to vector<16xf32>
          %mul3A_918 = arith.mulf %max3A_914, %get3A_917 : vector<16xf32>
          %add3A_919 = arith.addf %add3A_904, %mul3A_918 : vector<16xf32>
          %get3A_920 = arith.index_cast %and3A_324 : i32 to index
          %get3A_921 = arith.index_cast %scan3A_790 : i32 to index
          %get3A_922 = arith.constant 96 : index
          %get3A_923 = tpu.vector_load %arg14[%get3A_920, %get3A_921, %get3A_922] {strides = array<i32>} : memref<2x32x128xf32, #tpu.memory_space<vmem>>, vector<1x1x16xf32>,
          %get3A_924 = vector.shape_cast %get3A_923 : vector<1x1x16xf32> to vector<16xf32>
          %add3A_925 = arith.addf %get3A_825, %get3A_924 : vector<16xf32>
          %mul3A_926 = arith.constant 2.000000e-01 : f32
          %mul3A_927 = vector.broadcast %mul3A_926 : f32 to vector<16xf32>
          %mul3A_928 = arith.mulf %mul3A_927, %add3A_925 : vector<16xf32>
          %max3A_929 = arith.maximumf %add3A_925, %mul3A_928 : vector<16xf32>
          %get3A_930 = arith.constant 96 : index
          %get3A_931 = tpu.vector_load %arg12[%get3A_930] {strides = array<i32>} : memref<128xf32, #tpu.memory_space<vmem>>, vector<16xf32>,
          %get3A_932 = vector.shape_cast %get3A_931 : vector<16xf32> to vector<16xf32>
          %mul3A_933 = arith.mulf %max3A_929, %get3A_932 : vector<16xf32>
          %add3A_934 = arith.addf %add3A_919, %mul3A_933 : vector<16xf32>
          %get3A_935 = arith.index_cast %and3A_324 : i32 to index
          %get3A_936 = arith.index_cast %scan3A_790 : i32 to index
          %get3A_937 = arith.constant 112 : index
          %get3A_938 = tpu.vector_load %arg14[%get3A_935, %get3A_936, %get3A_937] {strides = array<i32>} : memref<2x32x128xf32, #tpu.memory_space<vmem>>, vector<1x1x16xf32>,
          %get3A_939 = vector.shape_cast %get3A_938 : vector<1x1x16xf32> to vector<16xf32>
          %add3A_940 = arith.addf %get3A_830, %get3A_939 : vector<16xf32>
          %mul3A_941 = arith.constant 2.000000e-01 : f32
          %mul3A_942 = vector.broadcast %mul3A_941 : f32 to vector<16xf32>
          %mul3A_943 = arith.mulf %mul3A_942, %add3A_940 : vector<16xf32>
          %max3A_944 = arith.maximumf %add3A_940, %mul3A_943 : vector<16xf32>
          %get3A_945 = arith.constant 112 : index
          %get3A_946 = tpu.vector_load %arg12[%get3A_945] {strides = array<i32>} : memref<128xf32, #tpu.memory_space<vmem>>, vector<16xf32>,
          %get3A_947 = vector.shape_cast %get3A_946 : vector<16xf32> to vector<16xf32>
          %mul3A_948 = arith.mulf %max3A_944, %get3A_947 : vector<16xf32>
          %add3A_949 = arith.addf %add3A_934, %mul3A_948 : vector<16xf32>
          %xor3A_950 = arith.constant 8 : i32
          %xor3A_951 = vector.broadcast %xor3A_950 : i32 to vector<16xi32>
          %xor3A_952 = arith.xori %iota3A, %xor3A_951 : vector<16xi32>
          %broadcast_in_dim3A_953 = vector.shape_cast %xor3A_952 : vector<16xi32> to vector<16x1xi32>
          %gather3A_954 = vector.shape_cast %broadcast_in_dim3A_953 : vector<16x1xi32> to vector<16xi32>
          %gather3A_955 = tpu.dynamic_gather %add3A_949[%gather3A_954] in [0] : vector<16xf32>, vector<16xi32> -> vector<16xf32>
          %add3A_956 = arith.addf %add3A_949, %gather3A_955 : vector<16xf32>
          %xor3A_957 = arith.constant 4 : i32
          %xor3A_958 = vector.broadcast %xor3A_957 : i32 to vector<16xi32>
          %xor3A_959 = arith.xori %iota3A, %xor3A_958 : vector<16xi32>
          %broadcast_in_dim3A_960 = vector.shape_cast %xor3A_959 : vector<16xi32> to vector<16x1xi32>
          %gather3A_961 = vector.shape_cast %broadcast_in_dim3A_960 : vector<16x1xi32> to vector<16xi32>
          %gather3A_962 = tpu.dynamic_gather %add3A_956[%gather3A_961] in [0] : vector<16xf32>, vector<16xi32> -> vector<16xf32>
          %add3A_963 = arith.addf %add3A_956, %gather3A_962 : vector<16xf32>
          %xor3A_964 = arith.constant 2 : i32
          %xor3A_965 = vector.broadcast %xor3A_964 : i32 to vector<16xi32>
          %xor3A_966 = arith.xori %iota3A, %xor3A_965 : vector<16xi32>
          %broadcast_in_dim3A_967 = vector.shape_cast %xor3A_966 : vector<16xi32> to vector<16x1xi32>
          %gather3A_968 = vector.shape_cast %broadcast_in_dim3A_967 : vector<16x1xi32> to vector<16xi32>
          %gather3A_969 = tpu.dynamic_gather %add3A_963[%gather3A_968] in [0] : vector<16xf32>, vector<16xi32> -> vector<16xf32>
          %add3A_970 = arith.addf %add3A_963, %gather3A_969 : vector<16xf32>
          %xor3A_971 = arith.constant 1 : i32
          %xor3A_972 = vector.broadcast %xor3A_971 : i32 to vector<16xi32>
          %xor3A_973 = arith.xori %iota3A, %xor3A_972 : vector<16xi32>
          %broadcast_in_dim3A_974 = vector.shape_cast %xor3A_973 : vector<16xi32> to vector<16x1xi32>
          %gather3A_975 = vector.shape_cast %broadcast_in_dim3A_974 : vector<16x1xi32> to vector<16xi32>
          %gather3A_976 = tpu.dynamic_gather %add3A_970[%gather3A_975] in [0] : vector<16xf32>, vector<16xi32> -> vector<16xf32>
          %add3A_977 = arith.addf %add3A_970, %gather3A_976 : vector<16xf32>
          %exp3A_978 = math.exp %add3A_977 : vector<16xf32>
          %jit3A_979 = arith.constant 16 : i32
          %div3A_980 = arith.divsi %scan3A_790, %jit3A_979 : i32
          %sign3A_981 = arith.constant 0 : i32
          %sign3A_982 = arith.cmpi sgt, %scan3A_790, %sign3A_981 : i32
          %sign3A_983 = arith.extui %sign3A_982 : i1 to i32
          %sign3A_984 = arith.constant 0 : i32
          %sign3A_985 = arith.cmpi slt, %scan3A_790, %sign3A_984 : i32
          %sign3A_986 = arith.extui %sign3A_985 : i1 to i32
          %sign3A_987 = arith.subi %sign3A_983, %sign3A_986 : i32
          %sign3A_988 = arith.constant 0 : i32
          %sign3A_989 = arith.cmpi sgt, %jit3A_979, %sign3A_988 : i32
          %sign3A_990 = arith.extui %sign3A_989 : i1 to i32
          %sign3A_991 = arith.constant 0 : i32
          %sign3A_992 = arith.cmpi slt, %jit3A_979, %sign3A_991 : i32
          %sign3A_993 = arith.extui %sign3A_992 : i1 to i32
          %sign3A_994 = arith.subi %sign3A_990, %sign3A_993 : i32
          %ne3A_995 = arith.cmpi ne, %sign3A_987, %sign3A_994 : i32
          %rem3A_996 = arith.remsi %scan3A_790, %jit3A_979 : i32
          %ne3A_997 = arith.constant 0 : i32
          %ne3A_998 = arith.cmpi ne, %rem3A_996, %ne3A_997 : i32
          %and3A_999 = arith.andi %ne3A_995, %ne3A_998 : i1
          %sub3A_1000 = arith.constant 1 : i32
          %sub3A_1001 = arith.subi %div3A_980, %sub3A_1000 : i32
          %select_n3A_1002 = arith.select %and3A_999, %sub3A_1001, %div3A_980 : i32
          %mul3A_1003 = arith.constant 16 : i32
          %mul3A_1004 = arith.muli %select_n3A_1002, %mul3A_1003 : i32
          %get3A_1005 = arith.index_cast %scan3A_323 : i32 to index
          %get3A_1006 = arith.index_cast %mul3A_1004 : i32 to index
          %get3A_1007 = tpu.vector_load %arg10[%get3A_1005, %get3A_1006] {strides = array<i32>} : memref<32x32xi32, #tpu.memory_space<vmem>>, vector<1x16xi32>,
          %get3A_1008 = vector.shape_cast %get3A_1007 : vector<1x16xi32> to vector<16xi32>
          %broadcast_in_dim3A_1009 = arith.constant 0 : i32
          %broadcast_in_dim3A_1010 = vector.broadcast %broadcast_in_dim3A_1009 : i32 to vector<16xi32>
          %sub3A_1011 = arith.subi %scan3A_790, %mul3A_1004 : i32
          %add3A_1012 = vector.broadcast %sub3A_1011 : i32 to vector<16xi32>
          %add3A_1013 = arith.addi %broadcast_in_dim3A_1010, %add3A_1012 : vector<16xi32>
          %broadcast_in_dim3A_1014 = vector.shape_cast %add3A_1013 : vector<16xi32> to vector<16x1xi32>
          %gather3A_1015 = vector.shape_cast %broadcast_in_dim3A_1014 : vector<16x1xi32> to vector<16xi32>
          %gather3A_1016 = tpu.dynamic_gather %get3A_1008[%gather3A_1015] in [0] : vector<16xi32>, vector<16xi32> -> vector<16xi32>
          %and3A_1017 = arith.constant 15 : i32
          %and3A_1018 = vector.broadcast %and3A_1017 : i32 to vector<16xi32>
          %and3A_1019 = arith.andi %gather3A_1016, %and3A_1018 : vector<16xi32>
          %xor3A_1020 = arith.xori %and3A_1019, %shift_right_logical3A_116 : vector<16xi32>
          %xor3A_1021 = arith.constant 0 : i32
          %xor3A_1022 = vector.broadcast %xor3A_1021 : i32 to vector<16xi32>
          %xor3A_1023 = arith.xori %xor3A_1020, %xor3A_1022 : vector<16xi32>
          %broadcast_in_dim3A_1024 = vector.shape_cast %xor3A_1023 : vector<16xi32> to vector<16x1xi32>
          %gather3A_1025 = vector.shape_cast %broadcast_in_dim3A_1024 : vector<16x1xi32> to vector<16xi32>
          %gather3A_1026 = tpu.dynamic_gather %convert_element_type3A[%gather3A_1025] in [0] : vector<16xf32>, vector<16xi32> -> vector<16xf32>
          %mul3A_1027 = arith.mulf %exp3A_978, %gather3A_1026 : vector<16xf32>
          %swap3A_1028 = arith.index_cast %and3A_324 : i32 to index
          %swap3A_1029 = arith.index_cast %scan3A_790 : i32 to index
          %swap3A_1030 = arith.constant 0 : index
          %swap3A_1031 = tpu.vector_load %arg15[%swap3A_1028, %swap3A_1029, %swap3A_1030] {strides = array<i32>} : memref<2x32x128xf32, #tpu.memory_space<vmem>>, vector<1x1x16xf32>,
          %swap3A_1032 = vector.shape_cast %swap3A_1031 : vector<1x1x16xf32> to vector<16xf32>
          %swap3A_1033 = vector.shape_cast %mul3A_1027 : vector<16xf32> to vector<1x1x16xf32>
          tpu.vector_store %arg15[%swap3A_1028, %swap3A_1029, %swap3A_1030], %swap3A_1033 {strides = array<i32>} : memref<2x32x128xf32, #tpu.memory_space<vmem>>, vector<1x1x16xf32>,
          %xor3A_1034 = arith.constant 2 : i32
          %xor3A_1035 = vector.broadcast %xor3A_1034 : i32 to vector<16xi32>
          %xor3A_1036 = arith.xori %xor3A_1020, %xor3A_1035 : vector<16xi32>
          %broadcast_in_dim3A_1037 = vector.shape_cast %xor3A_1036 : vector<16xi32> to vector<16x1xi32>
          %gather3A_1038 = vector.shape_cast %broadcast_in_dim3A_1037 : vector<16x1xi32> to vector<16xi32>
          %gather3A_1039 = tpu.dynamic_gather %convert_element_type3A[%gather3A_1038] in [0] : vector<16xf32>, vector<16xi32> -> vector<16xf32>
          %mul3A_1040 = arith.mulf %exp3A_978, %gather3A_1039 : vector<16xf32>
          %swap3A_1041 = arith.index_cast %and3A_324 : i32 to index
          %swap3A_1042 = arith.index_cast %scan3A_790 : i32 to index
          %swap3A_1043 = arith.constant 16 : index
          %swap3A_1044 = tpu.vector_load %arg15[%swap3A_1041, %swap3A_1042, %swap3A_1043] {strides = array<i32>} : memref<2x32x128xf32, #tpu.memory_space<vmem>>, vector<1x1x16xf32>,
          %swap3A_1045 = vector.shape_cast %swap3A_1044 : vector<1x1x16xf32> to vector<16xf32>
          %swap3A_1046 = vector.shape_cast %mul3A_1040 : vector<16xf32> to vector<1x1x16xf32>
          tpu.vector_store %arg15[%swap3A_1041, %swap3A_1042, %swap3A_1043], %swap3A_1046 {strides = array<i32>} : memref<2x32x128xf32, #tpu.memory_space<vmem>>, vector<1x1x16xf32>,
          %xor3A_1047 = arith.constant 4 : i32
          %xor3A_1048 = vector.broadcast %xor3A_1047 : i32 to vector<16xi32>
          %xor3A_1049 = arith.xori %xor3A_1020, %xor3A_1048 : vector<16xi32>
          %broadcast_in_dim3A_1050 = vector.shape_cast %xor3A_1049 : vector<16xi32> to vector<16x1xi32>
          %gather3A_1051 = vector.shape_cast %broadcast_in_dim3A_1050 : vector<16x1xi32> to vector<16xi32>
          %gather3A_1052 = tpu.dynamic_gather %convert_element_type3A[%gather3A_1051] in [0] : vector<16xf32>, vector<16xi32> -> vector<16xf32>
          %mul3A_1053 = arith.mulf %exp3A_978, %gather3A_1052 : vector<16xf32>
          %swap3A_1054 = arith.index_cast %and3A_324 : i32 to index
          %swap3A_1055 = arith.index_cast %scan3A_790 : i32 to index
          %swap3A_1056 = arith.constant 32 : index
          %swap3A_1057 = tpu.vector_load %arg15[%swap3A_1054, %swap3A_1055, %swap3A_1056] {strides = array<i32>} : memref<2x32x128xf32, #tpu.memory_space<vmem>>, vector<1x1x16xf32>,
          %swap3A_1058 = vector.shape_cast %swap3A_1057 : vector<1x1x16xf32> to vector<16xf32>
          %swap3A_1059 = vector.shape_cast %mul3A_1053 : vector<16xf32> to vector<1x1x16xf32>
          tpu.vector_store %arg15[%swap3A_1054, %swap3A_1055, %swap3A_1056], %swap3A_1059 {strides = array<i32>} : memref<2x32x128xf32, #tpu.memory_space<vmem>>, vector<1x1x16xf32>,
          %xor3A_1060 = arith.constant 6 : i32
          %xor3A_1061 = vector.broadcast %xor3A_1060 : i32 to vector<16xi32>
          %xor3A_1062 = arith.xori %xor3A_1020, %xor3A_1061 : vector<16xi32>
          %broadcast_in_dim3A_1063 = vector.shape_cast %xor3A_1062 : vector<16xi32> to vector<16x1xi32>
          %gather3A_1064 = vector.shape_cast %broadcast_in_dim3A_1063 : vector<16x1xi32> to vector<16xi32>
          %gather3A_1065 = tpu.dynamic_gather %convert_element_type3A[%gather3A_1064] in [0] : vector<16xf32>, vector<16xi32> -> vector<16xf32>
          %mul3A_1066 = arith.mulf %exp3A_978, %gather3A_1065 : vector<16xf32>
          %swap3A_1067 = arith.index_cast %and3A_324 : i32 to index
          %swap3A_1068 = arith.index_cast %scan3A_790 : i32 to index
          %swap3A_1069 = arith.constant 48 : index
          %swap3A_1070 = tpu.vector_load %arg15[%swap3A_1067, %swap3A_1068, %swap3A_1069] {strides = array<i32>} : memref<2x32x128xf32, #tpu.memory_space<vmem>>, vector<1x1x16xf32>,
          %swap3A_1071 = vector.shape_cast %swap3A_1070 : vector<1x1x16xf32> to vector<16xf32>
          %swap3A_1072 = vector.shape_cast %mul3A_1066 : vector<16xf32> to vector<1x1x16xf32>
          tpu.vector_store %arg15[%swap3A_1067, %swap3A_1068, %swap3A_1069], %swap3A_1072 {strides = array<i32>} : memref<2x32x128xf32, #tpu.memory_space<vmem>>, vector<1x1x16xf32>,
          %xor3A_1073 = arith.constant 8 : i32
          %xor3A_1074 = vector.broadcast %xor3A_1073 : i32 to vector<16xi32>
          %xor3A_1075 = arith.xori %xor3A_1020, %xor3A_1074 : vector<16xi32>
          %broadcast_in_dim3A_1076 = vector.shape_cast %xor3A_1075 : vector<16xi32> to vector<16x1xi32>
          %gather3A_1077 = vector.shape_cast %broadcast_in_dim3A_1076 : vector<16x1xi32> to vector<16xi32>
          %gather3A_1078 = tpu.dynamic_gather %convert_element_type3A[%gather3A_1077] in [0] : vector<16xf32>, vector<16xi32> -> vector<16xf32>
          %mul3A_1079 = arith.mulf %exp3A_978, %gather3A_1078 : vector<16xf32>
          %swap3A_1080 = arith.index_cast %and3A_324 : i32 to index
          %swap3A_1081 = arith.index_cast %scan3A_790 : i32 to index
          %swap3A_1082 = arith.constant 64 : index
          %swap3A_1083 = tpu.vector_load %arg15[%swap3A_1080, %swap3A_1081, %swap3A_1082] {strides = array<i32>} : memref<2x32x128xf32, #tpu.memory_space<vmem>>, vector<1x1x16xf32>,
          %swap3A_1084 = vector.shape_cast %swap3A_1083 : vector<1x1x16xf32> to vector<16xf32>
          %swap3A_1085 = vector.shape_cast %mul3A_1079 : vector<16xf32> to vector<1x1x16xf32>
          tpu.vector_store %arg15[%swap3A_1080, %swap3A_1081, %swap3A_1082], %swap3A_1085 {strides = array<i32>} : memref<2x32x128xf32, #tpu.memory_space<vmem>>, vector<1x1x16xf32>,
          %xor3A_1086 = arith.constant 10 : i32
          %xor3A_1087 = vector.broadcast %xor3A_1086 : i32 to vector<16xi32>
          %xor3A_1088 = arith.xori %xor3A_1020, %xor3A_1087 : vector<16xi32>
          %broadcast_in_dim3A_1089 = vector.shape_cast %xor3A_1088 : vector<16xi32> to vector<16x1xi32>
          %gather3A_1090 = vector.shape_cast %broadcast_in_dim3A_1089 : vector<16x1xi32> to vector<16xi32>
          %gather3A_1091 = tpu.dynamic_gather %convert_element_type3A[%gather3A_1090] in [0] : vector<16xf32>, vector<16xi32> -> vector<16xf32>
          %mul3A_1092 = arith.mulf %exp3A_978, %gather3A_1091 : vector<16xf32>
          %swap3A_1093 = arith.index_cast %and3A_324 : i32 to index
          %swap3A_1094 = arith.index_cast %scan3A_790 : i32 to index
          %swap3A_1095 = arith.constant 80 : index
          %swap3A_1096 = tpu.vector_load %arg15[%swap3A_1093, %swap3A_1094, %swap3A_1095] {strides = array<i32>} : memref<2x32x128xf32, #tpu.memory_space<vmem>>, vector<1x1x16xf32>,
          %swap3A_1097 = vector.shape_cast %swap3A_1096 : vector<1x1x16xf32> to vector<16xf32>
          %swap3A_1098 = vector.shape_cast %mul3A_1092 : vector<16xf32> to vector<1x1x16xf32>
          tpu.vector_store %arg15[%swap3A_1093, %swap3A_1094, %swap3A_1095], %swap3A_1098 {strides = array<i32>} : memref<2x32x128xf32, #tpu.memory_space<vmem>>, vector<1x1x16xf32>,
          %xor3A_1099 = arith.constant 12 : i32
          %xor3A_1100 = vector.broadcast %xor3A_1099 : i32 to vector<16xi32>
          %xor3A_1101 = arith.xori %xor3A_1020, %xor3A_1100 : vector<16xi32>
          %broadcast_in_dim3A_1102 = vector.shape_cast %xor3A_1101 : vector<16xi32> to vector<16x1xi32>
          %gather3A_1103 = vector.shape_cast %broadcast_in_dim3A_1102 : vector<16x1xi32> to vector<16xi32>
          %gather3A_1104 = tpu.dynamic_gather %convert_element_type3A[%gather3A_1103] in [0] : vector<16xf32>, vector<16xi32> -> vector<16xf32>
          %mul3A_1105 = arith.mulf %exp3A_978, %gather3A_1104 : vector<16xf32>
          %swap3A_1106 = arith.index_cast %and3A_324 : i32 to index
          %swap3A_1107 = arith.index_cast %scan3A_790 : i32 to index
          %swap3A_1108 = arith.constant 96 : index
          %swap3A_1109 = tpu.vector_load %arg15[%swap3A_1106, %swap3A_1107, %swap3A_1108] {strides = array<i32>} : memref<2x32x128xf32, #tpu.memory_space<vmem>>, vector<1x1x16xf32>,
          %swap3A_1110 = vector.shape_cast %swap3A_1109 : vector<1x1x16xf32> to vector<16xf32>
          %swap3A_1111 = vector.shape_cast %mul3A_1105 : vector<16xf32> to vector<1x1x16xf32>
          tpu.vector_store %arg15[%swap3A_1106, %swap3A_1107, %swap3A_1108], %swap3A_1111 {strides = array<i32>} : memref<2x32x128xf32, #tpu.memory_space<vmem>>, vector<1x1x16xf32>,
          %xor3A_1112 = arith.constant 14 : i32
          %xor3A_1113 = vector.broadcast %xor3A_1112 : i32 to vector<16xi32>
          %xor3A_1114 = arith.xori %xor3A_1020, %xor3A_1113 : vector<16xi32>
          %broadcast_in_dim3A_1115 = vector.shape_cast %xor3A_1114 : vector<16xi32> to vector<16x1xi32>
          %gather3A_1116 = vector.shape_cast %broadcast_in_dim3A_1115 : vector<16x1xi32> to vector<16xi32>
          %gather3A_1117 = tpu.dynamic_gather %convert_element_type3A[%gather3A_1116] in [0] : vector<16xf32>, vector<16xi32> -> vector<16xf32>
          %mul3A_1118 = arith.mulf %exp3A_978, %gather3A_1117 : vector<16xf32>
          %swap3A_1119 = arith.index_cast %and3A_324 : i32 to index
          %swap3A_1120 = arith.index_cast %scan3A_790 : i32 to index
          %swap3A_1121 = arith.constant 112 : index
          %swap3A_1122 = tpu.vector_load %arg15[%swap3A_1119, %swap3A_1120, %swap3A_1121] {strides = array<i32>} : memref<2x32x128xf32, #tpu.memory_space<vmem>>, vector<1x1x16xf32>,
          %swap3A_1123 = vector.shape_cast %swap3A_1122 : vector<1x1x16xf32> to vector<16xf32>
          %swap3A_1124 = vector.shape_cast %mul3A_1118 : vector<16xf32> to vector<1x1x16xf32>
          tpu.vector_store %arg15[%swap3A_1119, %swap3A_1120, %swap3A_1121], %swap3A_1124 {strides = array<i32>} : memref<2x32x128xf32, #tpu.memory_space<vmem>>, vector<1x1x16xf32>,
          %mul3A_1125 = arith.mulf %exp3A_978, %get3A_795 : vector<16xf32>
          %swap3A_1126 = arith.index_cast %and3A_324 : i32 to index
          %swap3A_1127 = arith.index_cast %scan3A_790 : i32 to index
          %swap3A_1128 = arith.constant 0 : index
          %swap3A_1129 = tpu.vector_load %arg13[%swap3A_1126, %swap3A_1127, %swap3A_1128] {strides = array<i32>} : memref<2x32x128xf32, #tpu.memory_space<vmem>>, vector<1x1x16xf32>,
          %swap3A_1130 = vector.shape_cast %swap3A_1129 : vector<1x1x16xf32> to vector<16xf32>
          %swap3A_1131 = vector.shape_cast %mul3A_1125 : vector<16xf32> to vector<1x1x16xf32>
          tpu.vector_store %arg13[%swap3A_1126, %swap3A_1127, %swap3A_1128], %swap3A_1131 {strides = array<i32>} : memref<2x32x128xf32, #tpu.memory_space<vmem>>, vector<1x1x16xf32>,
          %mul3A_1132 = arith.mulf %exp3A_978, %get3A_800 : vector<16xf32>
          %swap3A_1133 = arith.index_cast %and3A_324 : i32 to index
          %swap3A_1134 = arith.index_cast %scan3A_790 : i32 to index
          %swap3A_1135 = arith.constant 16 : index
          %swap3A_1136 = tpu.vector_load %arg13[%swap3A_1133, %swap3A_1134, %swap3A_1135] {strides = array<i32>} : memref<2x32x128xf32, #tpu.memory_space<vmem>>, vector<1x1x16xf32>,
          %swap3A_1137 = vector.shape_cast %swap3A_1136 : vector<1x1x16xf32> to vector<16xf32>
          %swap3A_1138 = vector.shape_cast %mul3A_1132 : vector<16xf32> to vector<1x1x16xf32>
          tpu.vector_store %arg13[%swap3A_1133, %swap3A_1134, %swap3A_1135], %swap3A_1138 {strides = array<i32>} : memref<2x32x128xf32, #tpu.memory_space<vmem>>, vector<1x1x16xf32>,
          %mul3A_1139 = arith.mulf %exp3A_978, %get3A_805 : vector<16xf32>
          %swap3A_1140 = arith.index_cast %and3A_324 : i32 to index
          %swap3A_1141 = arith.index_cast %scan3A_790 : i32 to index
          %swap3A_1142 = arith.constant 32 : index
          %swap3A_1143 = tpu.vector_load %arg13[%swap3A_1140, %swap3A_1141, %swap3A_1142] {strides = array<i32>} : memref<2x32x128xf32, #tpu.memory_space<vmem>>, vector<1x1x16xf32>,
          %swap3A_1144 = vector.shape_cast %swap3A_1143 : vector<1x1x16xf32> to vector<16xf32>
          %swap3A_1145 = vector.shape_cast %mul3A_1139 : vector<16xf32> to vector<1x1x16xf32>
          tpu.vector_store %arg13[%swap3A_1140, %swap3A_1141, %swap3A_1142], %swap3A_1145 {strides = array<i32>} : memref<2x32x128xf32, #tpu.memory_space<vmem>>, vector<1x1x16xf32>,
          %mul3A_1146 = arith.mulf %exp3A_978, %get3A_810 : vector<16xf32>
          %swap3A_1147 = arith.index_cast %and3A_324 : i32 to index
          %swap3A_1148 = arith.index_cast %scan3A_790 : i32 to index
          %swap3A_1149 = arith.constant 48 : index
          %swap3A_1150 = tpu.vector_load %arg13[%swap3A_1147, %swap3A_1148, %swap3A_1149] {strides = array<i32>} : memref<2x32x128xf32, #tpu.memory_space<vmem>>, vector<1x1x16xf32>,
          %swap3A_1151 = vector.shape_cast %swap3A_1150 : vector<1x1x16xf32> to vector<16xf32>
          %swap3A_1152 = vector.shape_cast %mul3A_1146 : vector<16xf32> to vector<1x1x16xf32>
          tpu.vector_store %arg13[%swap3A_1147, %swap3A_1148, %swap3A_1149], %swap3A_1152 {strides = array<i32>} : memref<2x32x128xf32, #tpu.memory_space<vmem>>, vector<1x1x16xf32>,
          %mul3A_1153 = arith.mulf %exp3A_978, %get3A_815 : vector<16xf32>
          %swap3A_1154 = arith.index_cast %and3A_324 : i32 to index
          %swap3A_1155 = arith.index_cast %scan3A_790 : i32 to index
          %swap3A_1156 = arith.constant 64 : index
          %swap3A_1157 = tpu.vector_load %arg13[%swap3A_1154, %swap3A_1155, %swap3A_1156] {strides = array<i32>} : memref<2x32x128xf32, #tpu.memory_space<vmem>>, vector<1x1x16xf32>,
          %swap3A_1158 = vector.shape_cast %swap3A_1157 : vector<1x1x16xf32> to vector<16xf32>
          %swap3A_1159 = vector.shape_cast %mul3A_1153 : vector<16xf32> to vector<1x1x16xf32>
          tpu.vector_store %arg13[%swap3A_1154, %swap3A_1155, %swap3A_1156], %swap3A_1159 {strides = array<i32>} : memref<2x32x128xf32, #tpu.memory_space<vmem>>, vector<1x1x16xf32>,
          %mul3A_1160 = arith.mulf %exp3A_978, %get3A_820 : vector<16xf32>
          %swap3A_1161 = arith.index_cast %and3A_324 : i32 to index
          %swap3A_1162 = arith.index_cast %scan3A_790 : i32 to index
          %swap3A_1163 = arith.constant 80 : index
          %swap3A_1164 = tpu.vector_load %arg13[%swap3A_1161, %swap3A_1162, %swap3A_1163] {strides = array<i32>} : memref<2x32x128xf32, #tpu.memory_space<vmem>>, vector<1x1x16xf32>,
          %swap3A_1165 = vector.shape_cast %swap3A_1164 : vector<1x1x16xf32> to vector<16xf32>
          %swap3A_1166 = vector.shape_cast %mul3A_1160 : vector<16xf32> to vector<1x1x16xf32>
          tpu.vector_store %arg13[%swap3A_1161, %swap3A_1162, %swap3A_1163], %swap3A_1166 {strides = array<i32>} : memref<2x32x128xf32, #tpu.memory_space<vmem>>, vector<1x1x16xf32>,
          %mul3A_1167 = arith.mulf %exp3A_978, %get3A_825 : vector<16xf32>
          %swap3A_1168 = arith.index_cast %and3A_324 : i32 to index
          %swap3A_1169 = arith.index_cast %scan3A_790 : i32 to index
          %swap3A_1170 = arith.constant 96 : index
          %swap3A_1171 = tpu.vector_load %arg13[%swap3A_1168, %swap3A_1169, %swap3A_1170] {strides = array<i32>} : memref<2x32x128xf32, #tpu.memory_space<vmem>>, vector<1x1x16xf32>,
          %swap3A_1172 = vector.shape_cast %swap3A_1171 : vector<1x1x16xf32> to vector<16xf32>
          %swap3A_1173 = vector.shape_cast %mul3A_1167 : vector<16xf32> to vector<1x1x16xf32>
          tpu.vector_store %arg13[%swap3A_1168, %swap3A_1169, %swap3A_1170], %swap3A_1173 {strides = array<i32>} : memref<2x32x128xf32, #tpu.memory_space<vmem>>, vector<1x1x16xf32>,
          %mul3A_1174 = arith.mulf %exp3A_978, %get3A_830 : vector<16xf32>
          %swap3A_1175 = arith.index_cast %and3A_324 : i32 to index
          %swap3A_1176 = arith.index_cast %scan3A_790 : i32 to index
          %swap3A_1177 = arith.constant 112 : index
          %swap3A_1178 = tpu.vector_load %arg13[%swap3A_1175, %swap3A_1176, %swap3A_1177] {strides = array<i32>} : memref<2x32x128xf32, #tpu.memory_space<vmem>>, vector<1x1x16xf32>,
          %swap3A_1179 = vector.shape_cast %swap3A_1178 : vector<1x1x16xf32> to vector<16xf32>
          %swap3A_1180 = vector.shape_cast %mul3A_1174 : vector<16xf32> to vector<1x1x16xf32>
          tpu.vector_store %arg13[%swap3A_1175, %swap3A_1176, %swap3A_1177], %swap3A_1180 {strides = array<i32>} : memref<2x32x128xf32, #tpu.memory_space<vmem>>, vector<1x1x16xf32>,
          %scan3A_1181 = arith.constant 2 : i32
          %scan3A_1182 = arith.addi %scan3A_408, %scan3A_1181 : i32
          %get3A_1183 = arith.index_cast %and3A_324 : i32 to index
          %get3A_1184 = arith.index_cast %scan3A_1182 : i32 to index
          %get3A_1185 = arith.constant 0 : index
          %get3A_1186 = tpu.vector_load %arg13[%get3A_1183, %get3A_1184, %get3A_1185] {strides = array<i32>} : memref<2x32x128xf32, #tpu.memory_space<vmem>>, vector<1x1x16xf32>,
          %get3A_1187 = vector.shape_cast %get3A_1186 : vector<1x1x16xf32> to vector<16xf32>
          %get3A_1188 = arith.index_cast %and3A_324 : i32 to index
          %get3A_1189 = arith.index_cast %scan3A_1182 : i32 to index
          %get3A_1190 = arith.constant 16 : index
          %get3A_1191 = tpu.vector_load %arg13[%get3A_1188, %get3A_1189, %get3A_1190] {strides = array<i32>} : memref<2x32x128xf32, #tpu.memory_space<vmem>>, vector<1x1x16xf32>,
          %get3A_1192 = vector.shape_cast %get3A_1191 : vector<1x1x16xf32> to vector<16xf32>
          %get3A_1193 = arith.index_cast %and3A_324 : i32 to index
          %get3A_1194 = arith.index_cast %scan3A_1182 : i32 to index
          %get3A_1195 = arith.constant 32 : index
          %get3A_1196 = tpu.vector_load %arg13[%get3A_1193, %get3A_1194, %get3A_1195] {strides = array<i32>} : memref<2x32x128xf32, #tpu.memory_space<vmem>>, vector<1x1x16xf32>,
          %get3A_1197 = vector.shape_cast %get3A_1196 : vector<1x1x16xf32> to vector<16xf32>
          %get3A_1198 = arith.index_cast %and3A_324 : i32 to index
          %get3A_1199 = arith.index_cast %scan3A_1182 : i32 to index
          %get3A_1200 = arith.constant 48 : index
          %get3A_1201 = tpu.vector_load %arg13[%get3A_1198, %get3A_1199, %get3A_1200] {strides = array<i32>} : memref<2x32x128xf32, #tpu.memory_space<vmem>>, vector<1x1x16xf32>,
          %get3A_1202 = vector.shape_cast %get3A_1201 : vector<1x1x16xf32> to vector<16xf32>
          %get3A_1203 = arith.index_cast %and3A_324 : i32 to index
          %get3A_1204 = arith.index_cast %scan3A_1182 : i32 to index
          %get3A_1205 = arith.constant 64 : index
          %get3A_1206 = tpu.vector_load %arg13[%get3A_1203, %get3A_1204, %get3A_1205] {strides = array<i32>} : memref<2x32x128xf32, #tpu.memory_space<vmem>>, vector<1x1x16xf32>,
          %get3A_1207 = vector.shape_cast %get3A_1206 : vector<1x1x16xf32> to vector<16xf32>
          %get3A_1208 = arith.index_cast %and3A_324 : i32 to index
          %get3A_1209 = arith.index_cast %scan3A_1182 : i32 to index
          %get3A_1210 = arith.constant 80 : index
          %get3A_1211 = tpu.vector_load %arg13[%get3A_1208, %get3A_1209, %get3A_1210] {strides = array<i32>} : memref<2x32x128xf32, #tpu.memory_space<vmem>>, vector<1x1x16xf32>,
          %get3A_1212 = vector.shape_cast %get3A_1211 : vector<1x1x16xf32> to vector<16xf32>
          %get3A_1213 = arith.index_cast %and3A_324 : i32 to index
          %get3A_1214 = arith.index_cast %scan3A_1182 : i32 to index
          %get3A_1215 = arith.constant 96 : index
          %get3A_1216 = tpu.vector_load %arg13[%get3A_1213, %get3A_1214, %get3A_1215] {strides = array<i32>} : memref<2x32x128xf32, #tpu.memory_space<vmem>>, vector<1x1x16xf32>,
          %get3A_1217 = vector.shape_cast %get3A_1216 : vector<1x1x16xf32> to vector<16xf32>
          %get3A_1218 = arith.index_cast %and3A_324 : i32 to index
          %get3A_1219 = arith.index_cast %scan3A_1182 : i32 to index
          %get3A_1220 = arith.constant 112 : index
          %get3A_1221 = tpu.vector_load %arg13[%get3A_1218, %get3A_1219, %get3A_1220] {strides = array<i32>} : memref<2x32x128xf32, #tpu.memory_space<vmem>>, vector<1x1x16xf32>,
          %get3A_1222 = vector.shape_cast %get3A_1221 : vector<1x1x16xf32> to vector<16xf32>
          %get3A_1223 = arith.index_cast %and3A_324 : i32 to index
          %get3A_1224 = arith.index_cast %scan3A_1182 : i32 to index
          %get3A_1225 = arith.constant 0 : index
          %get3A_1226 = tpu.vector_load %arg14[%get3A_1223, %get3A_1224, %get3A_1225] {strides = array<i32>} : memref<2x32x128xf32, #tpu.memory_space<vmem>>, vector<1x1x16xf32>,
          %get3A_1227 = vector.shape_cast %get3A_1226 : vector<1x1x16xf32> to vector<16xf32>
          %add3A_1228 = arith.addf %get3A_1187, %get3A_1227 : vector<16xf32>
          %mul3A_1229 = arith.constant 2.000000e-01 : f32
          %mul3A_1230 = vector.broadcast %mul3A_1229 : f32 to vector<16xf32>
          %mul3A_1231 = arith.mulf %mul3A_1230, %add3A_1228 : vector<16xf32>
          %max3A_1232 = arith.maximumf %add3A_1228, %mul3A_1231 : vector<16xf32>
          %get3A_1233 = arith.constant 0 : index
          %get3A_1234 = tpu.vector_load %arg12[%get3A_1233] {strides = array<i32>} : memref<128xf32, #tpu.memory_space<vmem>>, vector<16xf32>,
          %get3A_1235 = vector.shape_cast %get3A_1234 : vector<16xf32> to vector<16xf32>
          %mul3A_1236 = arith.mulf %max3A_1232, %get3A_1235 : vector<16xf32>
          %get3A_1237 = arith.index_cast %and3A_324 : i32 to index
          %get3A_1238 = arith.index_cast %scan3A_1182 : i32 to index
          %get3A_1239 = arith.constant 16 : index
          %get3A_1240 = tpu.vector_load %arg14[%get3A_1237, %get3A_1238, %get3A_1239] {strides = array<i32>} : memref<2x32x128xf32, #tpu.memory_space<vmem>>, vector<1x1x16xf32>,
          %get3A_1241 = vector.shape_cast %get3A_1240 : vector<1x1x16xf32> to vector<16xf32>
          %add3A_1242 = arith.addf %get3A_1192, %get3A_1241 : vector<16xf32>
          %mul3A_1243 = arith.constant 2.000000e-01 : f32
          %mul3A_1244 = vector.broadcast %mul3A_1243 : f32 to vector<16xf32>
          %mul3A_1245 = arith.mulf %mul3A_1244, %add3A_1242 : vector<16xf32>
          %max3A_1246 = arith.maximumf %add3A_1242, %mul3A_1245 : vector<16xf32>
          %get3A_1247 = arith.constant 16 : index
          %get3A_1248 = tpu.vector_load %arg12[%get3A_1247] {strides = array<i32>} : memref<128xf32, #tpu.memory_space<vmem>>, vector<16xf32>,
          %get3A_1249 = vector.shape_cast %get3A_1248 : vector<16xf32> to vector<16xf32>
          %mul3A_1250 = arith.mulf %max3A_1246, %get3A_1249 : vector<16xf32>
          %add3A_1251 = arith.addf %mul3A_1236, %mul3A_1250 : vector<16xf32>
          %get3A_1252 = arith.index_cast %and3A_324 : i32 to index
          %get3A_1253 = arith.index_cast %scan3A_1182 : i32 to index
          %get3A_1254 = arith.constant 32 : index
          %get3A_1255 = tpu.vector_load %arg14[%get3A_1252, %get3A_1253, %get3A_1254] {strides = array<i32>} : memref<2x32x128xf32, #tpu.memory_space<vmem>>, vector<1x1x16xf32>,
          %get3A_1256 = vector.shape_cast %get3A_1255 : vector<1x1x16xf32> to vector<16xf32>
          %add3A_1257 = arith.addf %get3A_1197, %get3A_1256 : vector<16xf32>
          %mul3A_1258 = arith.constant 2.000000e-01 : f32
          %mul3A_1259 = vector.broadcast %mul3A_1258 : f32 to vector<16xf32>
          %mul3A_1260 = arith.mulf %mul3A_1259, %add3A_1257 : vector<16xf32>
          %max3A_1261 = arith.maximumf %add3A_1257, %mul3A_1260 : vector<16xf32>
          %get3A_1262 = arith.constant 32 : index
          %get3A_1263 = tpu.vector_load %arg12[%get3A_1262] {strides = array<i32>} : memref<128xf32, #tpu.memory_space<vmem>>, vector<16xf32>,
          %get3A_1264 = vector.shape_cast %get3A_1263 : vector<16xf32> to vector<16xf32>
          %mul3A_1265 = arith.mulf %max3A_1261, %get3A_1264 : vector<16xf32>
          %add3A_1266 = arith.addf %add3A_1251, %mul3A_1265 : vector<16xf32>
          %get3A_1267 = arith.index_cast %and3A_324 : i32 to index
          %get3A_1268 = arith.index_cast %scan3A_1182 : i32 to index
          %get3A_1269 = arith.constant 48 : index
          %get3A_1270 = tpu.vector_load %arg14[%get3A_1267, %get3A_1268, %get3A_1269] {strides = array<i32>} : memref<2x32x128xf32, #tpu.memory_space<vmem>>, vector<1x1x16xf32>,
          %get3A_1271 = vector.shape_cast %get3A_1270 : vector<1x1x16xf32> to vector<16xf32>
          %add3A_1272 = arith.addf %get3A_1202, %get3A_1271 : vector<16xf32>
          %mul3A_1273 = arith.constant 2.000000e-01 : f32
          %mul3A_1274 = vector.broadcast %mul3A_1273 : f32 to vector<16xf32>
          %mul3A_1275 = arith.mulf %mul3A_1274, %add3A_1272 : vector<16xf32>
          %max3A_1276 = arith.maximumf %add3A_1272, %mul3A_1275 : vector<16xf32>
          %get3A_1277 = arith.constant 48 : index
          %get3A_1278 = tpu.vector_load %arg12[%get3A_1277] {strides = array<i32>} : memref<128xf32, #tpu.memory_space<vmem>>, vector<16xf32>,
          %get3A_1279 = vector.shape_cast %get3A_1278 : vector<16xf32> to vector<16xf32>
          %mul3A_1280 = arith.mulf %max3A_1276, %get3A_1279 : vector<16xf32>
          %add3A_1281 = arith.addf %add3A_1266, %mul3A_1280 : vector<16xf32>
          %get3A_1282 = arith.index_cast %and3A_324 : i32 to index
          %get3A_1283 = arith.index_cast %scan3A_1182 : i32 to index
          %get3A_1284 = arith.constant 64 : index
          %get3A_1285 = tpu.vector_load %arg14[%get3A_1282, %get3A_1283, %get3A_1284] {strides = array<i32>} : memref<2x32x128xf32, #tpu.memory_space<vmem>>, vector<1x1x16xf32>,
          %get3A_1286 = vector.shape_cast %get3A_1285 : vector<1x1x16xf32> to vector<16xf32>
          %add3A_1287 = arith.addf %get3A_1207, %get3A_1286 : vector<16xf32>
          %mul3A_1288 = arith.constant 2.000000e-01 : f32
          %mul3A_1289 = vector.broadcast %mul3A_1288 : f32 to vector<16xf32>
          %mul3A_1290 = arith.mulf %mul3A_1289, %add3A_1287 : vector<16xf32>
          %max3A_1291 = arith.maximumf %add3A_1287, %mul3A_1290 : vector<16xf32>
          %get3A_1292 = arith.constant 64 : index
          %get3A_1293 = tpu.vector_load %arg12[%get3A_1292] {strides = array<i32>} : memref<128xf32, #tpu.memory_space<vmem>>, vector<16xf32>,
          %get3A_1294 = vector.shape_cast %get3A_1293 : vector<16xf32> to vector<16xf32>
          %mul3A_1295 = arith.mulf %max3A_1291, %get3A_1294 : vector<16xf32>
          %add3A_1296 = arith.addf %add3A_1281, %mul3A_1295 : vector<16xf32>
          %get3A_1297 = arith.index_cast %and3A_324 : i32 to index
          %get3A_1298 = arith.index_cast %scan3A_1182 : i32 to index
          %get3A_1299 = arith.constant 80 : index
          %get3A_1300 = tpu.vector_load %arg14[%get3A_1297, %get3A_1298, %get3A_1299] {strides = array<i32>} : memref<2x32x128xf32, #tpu.memory_space<vmem>>, vector<1x1x16xf32>,
          %get3A_1301 = vector.shape_cast %get3A_1300 : vector<1x1x16xf32> to vector<16xf32>
          %add3A_1302 = arith.addf %get3A_1212, %get3A_1301 : vector<16xf32>
          %mul3A_1303 = arith.constant 2.000000e-01 : f32
          %mul3A_1304 = vector.broadcast %mul3A_1303 : f32 to vector<16xf32>
          %mul3A_1305 = arith.mulf %mul3A_1304, %add3A_1302 : vector<16xf32>
          %max3A_1306 = arith.maximumf %add3A_1302, %mul3A_1305 : vector<16xf32>
          %get3A_1307 = arith.constant 80 : index
          %get3A_1308 = tpu.vector_load %arg12[%get3A_1307] {strides = array<i32>} : memref<128xf32, #tpu.memory_space<vmem>>, vector<16xf32>,
          %get3A_1309 = vector.shape_cast %get3A_1308 : vector<16xf32> to vector<16xf32>
          %mul3A_1310 = arith.mulf %max3A_1306, %get3A_1309 : vector<16xf32>
          %add3A_1311 = arith.addf %add3A_1296, %mul3A_1310 : vector<16xf32>
          %get3A_1312 = arith.index_cast %and3A_324 : i32 to index
          %get3A_1313 = arith.index_cast %scan3A_1182 : i32 to index
          %get3A_1314 = arith.constant 96 : index
          %get3A_1315 = tpu.vector_load %arg14[%get3A_1312, %get3A_1313, %get3A_1314] {strides = array<i32>} : memref<2x32x128xf32, #tpu.memory_space<vmem>>, vector<1x1x16xf32>,
          %get3A_1316 = vector.shape_cast %get3A_1315 : vector<1x1x16xf32> to vector<16xf32>
          %add3A_1317 = arith.addf %get3A_1217, %get3A_1316 : vector<16xf32>
          %mul3A_1318 = arith.constant 2.000000e-01 : f32
          %mul3A_1319 = vector.broadcast %mul3A_1318 : f32 to vector<16xf32>
          %mul3A_1320 = arith.mulf %mul3A_1319, %add3A_1317 : vector<16xf32>
          %max3A_1321 = arith.maximumf %add3A_1317, %mul3A_1320 : vector<16xf32>
          %get3A_1322 = arith.constant 96 : index
          %get3A_1323 = tpu.vector_load %arg12[%get3A_1322] {strides = array<i32>} : memref<128xf32, #tpu.memory_space<vmem>>, vector<16xf32>,
          %get3A_1324 = vector.shape_cast %get3A_1323 : vector<16xf32> to vector<16xf32>
          %mul3A_1325 = arith.mulf %max3A_1321, %get3A_1324 : vector<16xf32>
          %add3A_1326 = arith.addf %add3A_1311, %mul3A_1325 : vector<16xf32>
          %get3A_1327 = arith.index_cast %and3A_324 : i32 to index
          %get3A_1328 = arith.index_cast %scan3A_1182 : i32 to index
          %get3A_1329 = arith.constant 112 : index
          %get3A_1330 = tpu.vector_load %arg14[%get3A_1327, %get3A_1328, %get3A_1329] {strides = array<i32>} : memref<2x32x128xf32, #tpu.memory_space<vmem>>, vector<1x1x16xf32>,
          %get3A_1331 = vector.shape_cast %get3A_1330 : vector<1x1x16xf32> to vector<16xf32>
          %add3A_1332 = arith.addf %get3A_1222, %get3A_1331 : vector<16xf32>
          %mul3A_1333 = arith.constant 2.000000e-01 : f32
          %mul3A_1334 = vector.broadcast %mul3A_1333 : f32 to vector<16xf32>
          %mul3A_1335 = arith.mulf %mul3A_1334, %add3A_1332 : vector<16xf32>
          %max3A_1336 = arith.maximumf %add3A_1332, %mul3A_1335 : vector<16xf32>
          %get3A_1337 = arith.constant 112 : index
          %get3A_1338 = tpu.vector_load %arg12[%get3A_1337] {strides = array<i32>} : memref<128xf32, #tpu.memory_space<vmem>>, vector<16xf32>,
          %get3A_1339 = vector.shape_cast %get3A_1338 : vector<16xf32> to vector<16xf32>
          %mul3A_1340 = arith.mulf %max3A_1336, %get3A_1339 : vector<16xf32>
          %add3A_1341 = arith.addf %add3A_1326, %mul3A_1340 : vector<16xf32>
          %xor3A_1342 = arith.constant 8 : i32
          %xor3A_1343 = vector.broadcast %xor3A_1342 : i32 to vector<16xi32>
          %xor3A_1344 = arith.xori %iota3A, %xor3A_1343 : vector<16xi32>
          %broadcast_in_dim3A_1345 = vector.shape_cast %xor3A_1344 : vector<16xi32> to vector<16x1xi32>
          %gather3A_1346 = vector.shape_cast %broadcast_in_dim3A_1345 : vector<16x1xi32> to vector<16xi32>
          %gather3A_1347 = tpu.dynamic_gather %add3A_1341[%gather3A_1346] in [0] : vector<16xf32>, vector<16xi32> -> vector<16xf32>
          %add3A_1348 = arith.addf %add3A_1341, %gather3A_1347 : vector<16xf32>
          %xor3A_1349 = arith.constant 4 : i32
          %xor3A_1350 = vector.broadcast %xor3A_1349 : i32 to vector<16xi32>
          %xor3A_1351 = arith.xori %iota3A, %xor3A_1350 : vector<16xi32>
          %broadcast_in_dim3A_1352 = vector.shape_cast %xor3A_1351 : vector<16xi32> to vector<16x1xi32>
          %gather3A_1353 = vector.shape_cast %broadcast_in_dim3A_1352 : vector<16x1xi32> to vector<16xi32>
          %gather3A_1354 = tpu.dynamic_gather %add3A_1348[%gather3A_1353] in [0] : vector<16xf32>, vector<16xi32> -> vector<16xf32>
          %add3A_1355 = arith.addf %add3A_1348, %gather3A_1354 : vector<16xf32>
          %xor3A_1356 = arith.constant 2 : i32
          %xor3A_1357 = vector.broadcast %xor3A_1356 : i32 to vector<16xi32>
          %xor3A_1358 = arith.xori %iota3A, %xor3A_1357 : vector<16xi32>
          %broadcast_in_dim3A_1359 = vector.shape_cast %xor3A_1358 : vector<16xi32> to vector<16x1xi32>
          %gather3A_1360 = vector.shape_cast %broadcast_in_dim3A_1359 : vector<16x1xi32> to vector<16xi32>
          %gather3A_1361 = tpu.dynamic_gather %add3A_1355[%gather3A_1360] in [0] : vector<16xf32>, vector<16xi32> -> vector<16xf32>
          %add3A_1362 = arith.addf %add3A_1355, %gather3A_1361 : vector<16xf32>
          %xor3A_1363 = arith.constant 1 : i32
          %xor3A_1364 = vector.broadcast %xor3A_1363 : i32 to vector<16xi32>
          %xor3A_1365 = arith.xori %iota3A, %xor3A_1364 : vector<16xi32>
          %broadcast_in_dim3A_1366 = vector.shape_cast %xor3A_1365 : vector<16xi32> to vector<16x1xi32>
          %gather3A_1367 = vector.shape_cast %broadcast_in_dim3A_1366 : vector<16x1xi32> to vector<16xi32>
          %gather3A_1368 = tpu.dynamic_gather %add3A_1362[%gather3A_1367] in [0] : vector<16xf32>, vector<16xi32> -> vector<16xf32>
          %add3A_1369 = arith.addf %add3A_1362, %gather3A_1368 : vector<16xf32>
          %exp3A_1370 = math.exp %add3A_1369 : vector<16xf32>
          %jit3A_1371 = arith.constant 16 : i32
          %div3A_1372 = arith.divsi %scan3A_1182, %jit3A_1371 : i32
          %sign3A_1373 = arith.constant 0 : i32
          %sign3A_1374 = arith.cmpi sgt, %scan3A_1182, %sign3A_1373 : i32
          %sign3A_1375 = arith.extui %sign3A_1374 : i1 to i32
          %sign3A_1376 = arith.constant 0 : i32
          %sign3A_1377 = arith.cmpi slt, %scan3A_1182, %sign3A_1376 : i32
          %sign3A_1378 = arith.extui %sign3A_1377 : i1 to i32
          %sign3A_1379 = arith.subi %sign3A_1375, %sign3A_1378 : i32
          %sign3A_1380 = arith.constant 0 : i32
          %sign3A_1381 = arith.cmpi sgt, %jit3A_1371, %sign3A_1380 : i32
          %sign3A_1382 = arith.extui %sign3A_1381 : i1 to i32
          %sign3A_1383 = arith.constant 0 : i32
          %sign3A_1384 = arith.cmpi slt, %jit3A_1371, %sign3A_1383 : i32
          %sign3A_1385 = arith.extui %sign3A_1384 : i1 to i32
          %sign3A_1386 = arith.subi %sign3A_1382, %sign3A_1385 : i32
          %ne3A_1387 = arith.cmpi ne, %sign3A_1379, %sign3A_1386 : i32
          %rem3A_1388 = arith.remsi %scan3A_1182, %jit3A_1371 : i32
          %ne3A_1389 = arith.constant 0 : i32
          %ne3A_1390 = arith.cmpi ne, %rem3A_1388, %ne3A_1389 : i32
          %and3A_1391 = arith.andi %ne3A_1387, %ne3A_1390 : i1
          %sub3A_1392 = arith.constant 1 : i32
          %sub3A_1393 = arith.subi %div3A_1372, %sub3A_1392 : i32
          %select_n3A_1394 = arith.select %and3A_1391, %sub3A_1393, %div3A_1372 : i32
          %mul3A_1395 = arith.constant 16 : i32
          %mul3A_1396 = arith.muli %select_n3A_1394, %mul3A_1395 : i32
          %get3A_1397 = arith.index_cast %scan3A_323 : i32 to index
          %get3A_1398 = arith.index_cast %mul3A_1396 : i32 to index
          %get3A_1399 = tpu.vector_load %arg10[%get3A_1397, %get3A_1398] {strides = array<i32>} : memref<32x32xi32, #tpu.memory_space<vmem>>, vector<1x16xi32>,
          %get3A_1400 = vector.shape_cast %get3A_1399 : vector<1x16xi32> to vector<16xi32>
          %broadcast_in_dim3A_1401 = arith.constant 0 : i32
          %broadcast_in_dim3A_1402 = vector.broadcast %broadcast_in_dim3A_1401 : i32 to vector<16xi32>
          %sub3A_1403 = arith.subi %scan3A_1182, %mul3A_1396 : i32
          %add3A_1404 = vector.broadcast %sub3A_1403 : i32 to vector<16xi32>
          %add3A_1405 = arith.addi %broadcast_in_dim3A_1402, %add3A_1404 : vector<16xi32>
          %broadcast_in_dim3A_1406 = vector.shape_cast %add3A_1405 : vector<16xi32> to vector<16x1xi32>
          %gather3A_1407 = vector.shape_cast %broadcast_in_dim3A_1406 : vector<16x1xi32> to vector<16xi32>
          %gather3A_1408 = tpu.dynamic_gather %get3A_1400[%gather3A_1407] in [0] : vector<16xi32>, vector<16xi32> -> vector<16xi32>
          %and3A_1409 = arith.constant 15 : i32
          %and3A_1410 = vector.broadcast %and3A_1409 : i32 to vector<16xi32>
          %and3A_1411 = arith.andi %gather3A_1408, %and3A_1410 : vector<16xi32>
          %xor3A_1412 = arith.xori %and3A_1411, %shift_right_logical3A_116 : vector<16xi32>
          %xor3A_1413 = arith.constant 0 : i32
          %xor3A_1414 = vector.broadcast %xor3A_1413 : i32 to vector<16xi32>
          %xor3A_1415 = arith.xori %xor3A_1412, %xor3A_1414 : vector<16xi32>
          %broadcast_in_dim3A_1416 = vector.shape_cast %xor3A_1415 : vector<16xi32> to vector<16x1xi32>
          %gather3A_1417 = vector.shape_cast %broadcast_in_dim3A_1416 : vector<16x1xi32> to vector<16xi32>
          %gather3A_1418 = tpu.dynamic_gather %convert_element_type3A[%gather3A_1417] in [0] : vector<16xf32>, vector<16xi32> -> vector<16xf32>
          %mul3A_1419 = arith.mulf %exp3A_1370, %gather3A_1418 : vector<16xf32>
          %swap3A_1420 = arith.index_cast %and3A_324 : i32 to index
          %swap3A_1421 = arith.index_cast %scan3A_1182 : i32 to index
          %swap3A_1422 = arith.constant 0 : index
          %swap3A_1423 = tpu.vector_load %arg15[%swap3A_1420, %swap3A_1421, %swap3A_1422] {strides = array<i32>} : memref<2x32x128xf32, #tpu.memory_space<vmem>>, vector<1x1x16xf32>,
          %swap3A_1424 = vector.shape_cast %swap3A_1423 : vector<1x1x16xf32> to vector<16xf32>
          %swap3A_1425 = vector.shape_cast %mul3A_1419 : vector<16xf32> to vector<1x1x16xf32>
          tpu.vector_store %arg15[%swap3A_1420, %swap3A_1421, %swap3A_1422], %swap3A_1425 {strides = array<i32>} : memref<2x32x128xf32, #tpu.memory_space<vmem>>, vector<1x1x16xf32>,
          %xor3A_1426 = arith.constant 2 : i32
          %xor3A_1427 = vector.broadcast %xor3A_1426 : i32 to vector<16xi32>
          %xor3A_1428 = arith.xori %xor3A_1412, %xor3A_1427 : vector<16xi32>
          %broadcast_in_dim3A_1429 = vector.shape_cast %xor3A_1428 : vector<16xi32> to vector<16x1xi32>
          %gather3A_1430 = vector.shape_cast %broadcast_in_dim3A_1429 : vector<16x1xi32> to vector<16xi32>
          %gather3A_1431 = tpu.dynamic_gather %convert_element_type3A[%gather3A_1430] in [0] : vector<16xf32>, vector<16xi32> -> vector<16xf32>
          %mul3A_1432 = arith.mulf %exp3A_1370, %gather3A_1431 : vector<16xf32>
          %swap3A_1433 = arith.index_cast %and3A_324 : i32 to index
          %swap3A_1434 = arith.index_cast %scan3A_1182 : i32 to index
          %swap3A_1435 = arith.constant 16 : index
          %swap3A_1436 = tpu.vector_load %arg15[%swap3A_1433, %swap3A_1434, %swap3A_1435] {strides = array<i32>} : memref<2x32x128xf32, #tpu.memory_space<vmem>>, vector<1x1x16xf32>,
          %swap3A_1437 = vector.shape_cast %swap3A_1436 : vector<1x1x16xf32> to vector<16xf32>
          %swap3A_1438 = vector.shape_cast %mul3A_1432 : vector<16xf32> to vector<1x1x16xf32>
          tpu.vector_store %arg15[%swap3A_1433, %swap3A_1434, %swap3A_1435], %swap3A_1438 {strides = array<i32>} : memref<2x32x128xf32, #tpu.memory_space<vmem>>, vector<1x1x16xf32>,
          %xor3A_1439 = arith.constant 4 : i32
          %xor3A_1440 = vector.broadcast %xor3A_1439 : i32 to vector<16xi32>
          %xor3A_1441 = arith.xori %xor3A_1412, %xor3A_1440 : vector<16xi32>
          %broadcast_in_dim3A_1442 = vector.shape_cast %xor3A_1441 : vector<16xi32> to vector<16x1xi32>
          %gather3A_1443 = vector.shape_cast %broadcast_in_dim3A_1442 : vector<16x1xi32> to vector<16xi32>
          %gather3A_1444 = tpu.dynamic_gather %convert_element_type3A[%gather3A_1443] in [0] : vector<16xf32>, vector<16xi32> -> vector<16xf32>
          %mul3A_1445 = arith.mulf %exp3A_1370, %gather3A_1444 : vector<16xf32>
          %swap3A_1446 = arith.index_cast %and3A_324 : i32 to index
          %swap3A_1447 = arith.index_cast %scan3A_1182 : i32 to index
          %swap3A_1448 = arith.constant 32 : index
          %swap3A_1449 = tpu.vector_load %arg15[%swap3A_1446, %swap3A_1447, %swap3A_1448] {strides = array<i32>} : memref<2x32x128xf32, #tpu.memory_space<vmem>>, vector<1x1x16xf32>,
          %swap3A_1450 = vector.shape_cast %swap3A_1449 : vector<1x1x16xf32> to vector<16xf32>
          %swap3A_1451 = vector.shape_cast %mul3A_1445 : vector<16xf32> to vector<1x1x16xf32>
          tpu.vector_store %arg15[%swap3A_1446, %swap3A_1447, %swap3A_1448], %swap3A_1451 {strides = array<i32>} : memref<2x32x128xf32, #tpu.memory_space<vmem>>, vector<1x1x16xf32>,
          %xor3A_1452 = arith.constant 6 : i32
          %xor3A_1453 = vector.broadcast %xor3A_1452 : i32 to vector<16xi32>
          %xor3A_1454 = arith.xori %xor3A_1412, %xor3A_1453 : vector<16xi32>
          %broadcast_in_dim3A_1455 = vector.shape_cast %xor3A_1454 : vector<16xi32> to vector<16x1xi32>
          %gather3A_1456 = vector.shape_cast %broadcast_in_dim3A_1455 : vector<16x1xi32> to vector<16xi32>
          %gather3A_1457 = tpu.dynamic_gather %convert_element_type3A[%gather3A_1456] in [0] : vector<16xf32>, vector<16xi32> -> vector<16xf32>
          %mul3A_1458 = arith.mulf %exp3A_1370, %gather3A_1457 : vector<16xf32>
          %swap3A_1459 = arith.index_cast %and3A_324 : i32 to index
          %swap3A_1460 = arith.index_cast %scan3A_1182 : i32 to index
          %swap3A_1461 = arith.constant 48 : index
          %swap3A_1462 = tpu.vector_load %arg15[%swap3A_1459, %swap3A_1460, %swap3A_1461] {strides = array<i32>} : memref<2x32x128xf32, #tpu.memory_space<vmem>>, vector<1x1x16xf32>,
          %swap3A_1463 = vector.shape_cast %swap3A_1462 : vector<1x1x16xf32> to vector<16xf32>
          %swap3A_1464 = vector.shape_cast %mul3A_1458 : vector<16xf32> to vector<1x1x16xf32>
          tpu.vector_store %arg15[%swap3A_1459, %swap3A_1460, %swap3A_1461], %swap3A_1464 {strides = array<i32>} : memref<2x32x128xf32, #tpu.memory_space<vmem>>, vector<1x1x16xf32>,
          %xor3A_1465 = arith.constant 8 : i32
          %xor3A_1466 = vector.broadcast %xor3A_1465 : i32 to vector<16xi32>
          %xor3A_1467 = arith.xori %xor3A_1412, %xor3A_1466 : vector<16xi32>
          %broadcast_in_dim3A_1468 = vector.shape_cast %xor3A_1467 : vector<16xi32> to vector<16x1xi32>
          %gather3A_1469 = vector.shape_cast %broadcast_in_dim3A_1468 : vector<16x1xi32> to vector<16xi32>
          %gather3A_1470 = tpu.dynamic_gather %convert_element_type3A[%gather3A_1469] in [0] : vector<16xf32>, vector<16xi32> -> vector<16xf32>
          %mul3A_1471 = arith.mulf %exp3A_1370, %gather3A_1470 : vector<16xf32>
          %swap3A_1472 = arith.index_cast %and3A_324 : i32 to index
          %swap3A_1473 = arith.index_cast %scan3A_1182 : i32 to index
          %swap3A_1474 = arith.constant 64 : index
          %swap3A_1475 = tpu.vector_load %arg15[%swap3A_1472, %swap3A_1473, %swap3A_1474] {strides = array<i32>} : memref<2x32x128xf32, #tpu.memory_space<vmem>>, vector<1x1x16xf32>,
          %swap3A_1476 = vector.shape_cast %swap3A_1475 : vector<1x1x16xf32> to vector<16xf32>
          %swap3A_1477 = vector.shape_cast %mul3A_1471 : vector<16xf32> to vector<1x1x16xf32>
          tpu.vector_store %arg15[%swap3A_1472, %swap3A_1473, %swap3A_1474], %swap3A_1477 {strides = array<i32>} : memref<2x32x128xf32, #tpu.memory_space<vmem>>, vector<1x1x16xf32>,
          %xor3A_1478 = arith.constant 10 : i32
          %xor3A_1479 = vector.broadcast %xor3A_1478 : i32 to vector<16xi32>
          %xor3A_1480 = arith.xori %xor3A_1412, %xor3A_1479 : vector<16xi32>
          %broadcast_in_dim3A_1481 = vector.shape_cast %xor3A_1480 : vector<16xi32> to vector<16x1xi32>
          %gather3A_1482 = vector.shape_cast %broadcast_in_dim3A_1481 : vector<16x1xi32> to vector<16xi32>
          %gather3A_1483 = tpu.dynamic_gather %convert_element_type3A[%gather3A_1482] in [0] : vector<16xf32>, vector<16xi32> -> vector<16xf32>
          %mul3A_1484 = arith.mulf %exp3A_1370, %gather3A_1483 : vector<16xf32>
          %swap3A_1485 = arith.index_cast %and3A_324 : i32 to index
          %swap3A_1486 = arith.index_cast %scan3A_1182 : i32 to index
          %swap3A_1487 = arith.constant 80 : index
          %swap3A_1488 = tpu.vector_load %arg15[%swap3A_1485, %swap3A_1486, %swap3A_1487] {strides = array<i32>} : memref<2x32x128xf32, #tpu.memory_space<vmem>>, vector<1x1x16xf32>,
          %swap3A_1489 = vector.shape_cast %swap3A_1488 : vector<1x1x16xf32> to vector<16xf32>
          %swap3A_1490 = vector.shape_cast %mul3A_1484 : vector<16xf32> to vector<1x1x16xf32>
          tpu.vector_store %arg15[%swap3A_1485, %swap3A_1486, %swap3A_1487], %swap3A_1490 {strides = array<i32>} : memref<2x32x128xf32, #tpu.memory_space<vmem>>, vector<1x1x16xf32>,
          %xor3A_1491 = arith.constant 12 : i32
          %xor3A_1492 = vector.broadcast %xor3A_1491 : i32 to vector<16xi32>
          %xor3A_1493 = arith.xori %xor3A_1412, %xor3A_1492 : vector<16xi32>
          %broadcast_in_dim3A_1494 = vector.shape_cast %xor3A_1493 : vector<16xi32> to vector<16x1xi32>
          %gather3A_1495 = vector.shape_cast %broadcast_in_dim3A_1494 : vector<16x1xi32> to vector<16xi32>
          %gather3A_1496 = tpu.dynamic_gather %convert_element_type3A[%gather3A_1495] in [0] : vector<16xf32>, vector<16xi32> -> vector<16xf32>
          %mul3A_1497 = arith.mulf %exp3A_1370, %gather3A_1496 : vector<16xf32>
          %swap3A_1498 = arith.index_cast %and3A_324 : i32 to index
          %swap3A_1499 = arith.index_cast %scan3A_1182 : i32 to index
          %swap3A_1500 = arith.constant 96 : index
          %swap3A_1501 = tpu.vector_load %arg15[%swap3A_1498, %swap3A_1499, %swap3A_1500] {strides = array<i32>} : memref<2x32x128xf32, #tpu.memory_space<vmem>>, vector<1x1x16xf32>,
          %swap3A_1502 = vector.shape_cast %swap3A_1501 : vector<1x1x16xf32> to vector<16xf32>
          %swap3A_1503 = vector.shape_cast %mul3A_1497 : vector<16xf32> to vector<1x1x16xf32>
          tpu.vector_store %arg15[%swap3A_1498, %swap3A_1499, %swap3A_1500], %swap3A_1503 {strides = array<i32>} : memref<2x32x128xf32, #tpu.memory_space<vmem>>, vector<1x1x16xf32>,
          %xor3A_1504 = arith.constant 14 : i32
          %xor3A_1505 = vector.broadcast %xor3A_1504 : i32 to vector<16xi32>
          %xor3A_1506 = arith.xori %xor3A_1412, %xor3A_1505 : vector<16xi32>
          %broadcast_in_dim3A_1507 = vector.shape_cast %xor3A_1506 : vector<16xi32> to vector<16x1xi32>
          %gather3A_1508 = vector.shape_cast %broadcast_in_dim3A_1507 : vector<16x1xi32> to vector<16xi32>
          %gather3A_1509 = tpu.dynamic_gather %convert_element_type3A[%gather3A_1508] in [0] : vector<16xf32>, vector<16xi32> -> vector<16xf32>
          %mul3A_1510 = arith.mulf %exp3A_1370, %gather3A_1509 : vector<16xf32>
          %swap3A_1511 = arith.index_cast %and3A_324 : i32 to index
          %swap3A_1512 = arith.index_cast %scan3A_1182 : i32 to index
          %swap3A_1513 = arith.constant 112 : index
          %swap3A_1514 = tpu.vector_load %arg15[%swap3A_1511, %swap3A_1512, %swap3A_1513] {strides = array<i32>} : memref<2x32x128xf32, #tpu.memory_space<vmem>>, vector<1x1x16xf32>,
          %swap3A_1515 = vector.shape_cast %swap3A_1514 : vector<1x1x16xf32> to vector<16xf32>
          %swap3A_1516 = vector.shape_cast %mul3A_1510 : vector<16xf32> to vector<1x1x16xf32>
          tpu.vector_store %arg15[%swap3A_1511, %swap3A_1512, %swap3A_1513], %swap3A_1516 {strides = array<i32>} : memref<2x32x128xf32, #tpu.memory_space<vmem>>, vector<1x1x16xf32>,
          %mul3A_1517 = arith.mulf %exp3A_1370, %get3A_1187 : vector<16xf32>
          %swap3A_1518 = arith.index_cast %and3A_324 : i32 to index
          %swap3A_1519 = arith.index_cast %scan3A_1182 : i32 to index
          %swap3A_1520 = arith.constant 0 : index
          %swap3A_1521 = tpu.vector_load %arg13[%swap3A_1518, %swap3A_1519, %swap3A_1520] {strides = array<i32>} : memref<2x32x128xf32, #tpu.memory_space<vmem>>, vector<1x1x16xf32>,
          %swap3A_1522 = vector.shape_cast %swap3A_1521 : vector<1x1x16xf32> to vector<16xf32>
          %swap3A_1523 = vector.shape_cast %mul3A_1517 : vector<16xf32> to vector<1x1x16xf32>
          tpu.vector_store %arg13[%swap3A_1518, %swap3A_1519, %swap3A_1520], %swap3A_1523 {strides = array<i32>} : memref<2x32x128xf32, #tpu.memory_space<vmem>>, vector<1x1x16xf32>,
          %mul3A_1524 = arith.mulf %exp3A_1370, %get3A_1192 : vector<16xf32>
          %swap3A_1525 = arith.index_cast %and3A_324 : i32 to index
          %swap3A_1526 = arith.index_cast %scan3A_1182 : i32 to index
          %swap3A_1527 = arith.constant 16 : index
          %swap3A_1528 = tpu.vector_load %arg13[%swap3A_1525, %swap3A_1526, %swap3A_1527] {strides = array<i32>} : memref<2x32x128xf32, #tpu.memory_space<vmem>>, vector<1x1x16xf32>,
          %swap3A_1529 = vector.shape_cast %swap3A_1528 : vector<1x1x16xf32> to vector<16xf32>
          %swap3A_1530 = vector.shape_cast %mul3A_1524 : vector<16xf32> to vector<1x1x16xf32>
          tpu.vector_store %arg13[%swap3A_1525, %swap3A_1526, %swap3A_1527], %swap3A_1530 {strides = array<i32>} : memref<2x32x128xf32, #tpu.memory_space<vmem>>, vector<1x1x16xf32>,
          %mul3A_1531 = arith.mulf %exp3A_1370, %get3A_1197 : vector<16xf32>
          %swap3A_1532 = arith.index_cast %and3A_324 : i32 to index
          %swap3A_1533 = arith.index_cast %scan3A_1182 : i32 to index
          %swap3A_1534 = arith.constant 32 : index
          %swap3A_1535 = tpu.vector_load %arg13[%swap3A_1532, %swap3A_1533, %swap3A_1534] {strides = array<i32>} : memref<2x32x128xf32, #tpu.memory_space<vmem>>, vector<1x1x16xf32>,
          %swap3A_1536 = vector.shape_cast %swap3A_1535 : vector<1x1x16xf32> to vector<16xf32>
          %swap3A_1537 = vector.shape_cast %mul3A_1531 : vector<16xf32> to vector<1x1x16xf32>
          tpu.vector_store %arg13[%swap3A_1532, %swap3A_1533, %swap3A_1534], %swap3A_1537 {strides = array<i32>} : memref<2x32x128xf32, #tpu.memory_space<vmem>>, vector<1x1x16xf32>,
          %mul3A_1538 = arith.mulf %exp3A_1370, %get3A_1202 : vector<16xf32>
          %swap3A_1539 = arith.index_cast %and3A_324 : i32 to index
          %swap3A_1540 = arith.index_cast %scan3A_1182 : i32 to index
          %swap3A_1541 = arith.constant 48 : index
          %swap3A_1542 = tpu.vector_load %arg13[%swap3A_1539, %swap3A_1540, %swap3A_1541] {strides = array<i32>} : memref<2x32x128xf32, #tpu.memory_space<vmem>>, vector<1x1x16xf32>,
          %swap3A_1543 = vector.shape_cast %swap3A_1542 : vector<1x1x16xf32> to vector<16xf32>
          %swap3A_1544 = vector.shape_cast %mul3A_1538 : vector<16xf32> to vector<1x1x16xf32>
          tpu.vector_store %arg13[%swap3A_1539, %swap3A_1540, %swap3A_1541], %swap3A_1544 {strides = array<i32>} : memref<2x32x128xf32, #tpu.memory_space<vmem>>, vector<1x1x16xf32>,
          %mul3A_1545 = arith.mulf %exp3A_1370, %get3A_1207 : vector<16xf32>
          %swap3A_1546 = arith.index_cast %and3A_324 : i32 to index
          %swap3A_1547 = arith.index_cast %scan3A_1182 : i32 to index
          %swap3A_1548 = arith.constant 64 : index
          %swap3A_1549 = tpu.vector_load %arg13[%swap3A_1546, %swap3A_1547, %swap3A_1548] {strides = array<i32>} : memref<2x32x128xf32, #tpu.memory_space<vmem>>, vector<1x1x16xf32>,
          %swap3A_1550 = vector.shape_cast %swap3A_1549 : vector<1x1x16xf32> to vector<16xf32>
          %swap3A_1551 = vector.shape_cast %mul3A_1545 : vector<16xf32> to vector<1x1x16xf32>
          tpu.vector_store %arg13[%swap3A_1546, %swap3A_1547, %swap3A_1548], %swap3A_1551 {strides = array<i32>} : memref<2x32x128xf32, #tpu.memory_space<vmem>>, vector<1x1x16xf32>,
          %mul3A_1552 = arith.mulf %exp3A_1370, %get3A_1212 : vector<16xf32>
          %swap3A_1553 = arith.index_cast %and3A_324 : i32 to index
          %swap3A_1554 = arith.index_cast %scan3A_1182 : i32 to index
          %swap3A_1555 = arith.constant 80 : index
          %swap3A_1556 = tpu.vector_load %arg13[%swap3A_1553, %swap3A_1554, %swap3A_1555] {strides = array<i32>} : memref<2x32x128xf32, #tpu.memory_space<vmem>>, vector<1x1x16xf32>,
          %swap3A_1557 = vector.shape_cast %swap3A_1556 : vector<1x1x16xf32> to vector<16xf32>
          %swap3A_1558 = vector.shape_cast %mul3A_1552 : vector<16xf32> to vector<1x1x16xf32>
          tpu.vector_store %arg13[%swap3A_1553, %swap3A_1554, %swap3A_1555], %swap3A_1558 {strides = array<i32>} : memref<2x32x128xf32, #tpu.memory_space<vmem>>, vector<1x1x16xf32>,
          %mul3A_1559 = arith.mulf %exp3A_1370, %get3A_1217 : vector<16xf32>
          %swap3A_1560 = arith.index_cast %and3A_324 : i32 to index
          %swap3A_1561 = arith.index_cast %scan3A_1182 : i32 to index
          %swap3A_1562 = arith.constant 96 : index
          %swap3A_1563 = tpu.vector_load %arg13[%swap3A_1560, %swap3A_1561, %swap3A_1562] {strides = array<i32>} : memref<2x32x128xf32, #tpu.memory_space<vmem>>, vector<1x1x16xf32>,
          %swap3A_1564 = vector.shape_cast %swap3A_1563 : vector<1x1x16xf32> to vector<16xf32>
          %swap3A_1565 = vector.shape_cast %mul3A_1559 : vector<16xf32> to vector<1x1x16xf32>
          tpu.vector_store %arg13[%swap3A_1560, %swap3A_1561, %swap3A_1562], %swap3A_1565 {strides = array<i32>} : memref<2x32x128xf32, #tpu.memory_space<vmem>>, vector<1x1x16xf32>,
          %mul3A_1566 = arith.mulf %exp3A_1370, %get3A_1222 : vector<16xf32>
          %swap3A_1567 = arith.index_cast %and3A_324 : i32 to index
          %swap3A_1568 = arith.index_cast %scan3A_1182 : i32 to index
          %swap3A_1569 = arith.constant 112 : index
          %swap3A_1570 = tpu.vector_load %arg13[%swap3A_1567, %swap3A_1568, %swap3A_1569] {strides = array<i32>} : memref<2x32x128xf32, #tpu.memory_space<vmem>>, vector<1x1x16xf32>,
          %swap3A_1571 = vector.shape_cast %swap3A_1570 : vector<1x1x16xf32> to vector<16xf32>
          %swap3A_1572 = vector.shape_cast %mul3A_1566 : vector<16xf32> to vector<1x1x16xf32>
          tpu.vector_store %arg13[%swap3A_1567, %swap3A_1568, %swap3A_1569], %swap3A_1572 {strides = array<i32>} : memref<2x32x128xf32, #tpu.memory_space<vmem>>, vector<1x1x16xf32>,
          %scan3A_1573 = arith.constant 3 : i32
          %scan3A_1574 = arith.addi %scan3A_408, %scan3A_1573 : i32
          %get3A_1575 = arith.index_cast %and3A_324 : i32 to index
          %get3A_1576 = arith.index_cast %scan3A_1574 : i32 to index
          %get3A_1577 = arith.constant 0 : index
          %get3A_1578 = tpu.vector_load %arg13[%get3A_1575, %get3A_1576, %get3A_1577] {strides = array<i32>} : memref<2x32x128xf32, #tpu.memory_space<vmem>>, vector<1x1x16xf32>,
          %get3A_1579 = vector.shape_cast %get3A_1578 : vector<1x1x16xf32> to vector<16xf32>
          %get3A_1580 = arith.index_cast %and3A_324 : i32 to index
          %get3A_1581 = arith.index_cast %scan3A_1574 : i32 to index
          %get3A_1582 = arith.constant 16 : index
          %get3A_1583 = tpu.vector_load %arg13[%get3A_1580, %get3A_1581, %get3A_1582] {strides = array<i32>} : memref<2x32x128xf32, #tpu.memory_space<vmem>>, vector<1x1x16xf32>,
          %get3A_1584 = vector.shape_cast %get3A_1583 : vector<1x1x16xf32> to vector<16xf32>
          %get3A_1585 = arith.index_cast %and3A_324 : i32 to index
          %get3A_1586 = arith.index_cast %scan3A_1574 : i32 to index
          %get3A_1587 = arith.constant 32 : index
          %get3A_1588 = tpu.vector_load %arg13[%get3A_1585, %get3A_1586, %get3A_1587] {strides = array<i32>} : memref<2x32x128xf32, #tpu.memory_space<vmem>>, vector<1x1x16xf32>,
          %get3A_1589 = vector.shape_cast %get3A_1588 : vector<1x1x16xf32> to vector<16xf32>
          %get3A_1590 = arith.index_cast %and3A_324 : i32 to index
          %get3A_1591 = arith.index_cast %scan3A_1574 : i32 to index
          %get3A_1592 = arith.constant 48 : index
          %get3A_1593 = tpu.vector_load %arg13[%get3A_1590, %get3A_1591, %get3A_1592] {strides = array<i32>} : memref<2x32x128xf32, #tpu.memory_space<vmem>>, vector<1x1x16xf32>,
          %get3A_1594 = vector.shape_cast %get3A_1593 : vector<1x1x16xf32> to vector<16xf32>
          %get3A_1595 = arith.index_cast %and3A_324 : i32 to index
          %get3A_1596 = arith.index_cast %scan3A_1574 : i32 to index
          %get3A_1597 = arith.constant 64 : index
          %get3A_1598 = tpu.vector_load %arg13[%get3A_1595, %get3A_1596, %get3A_1597] {strides = array<i32>} : memref<2x32x128xf32, #tpu.memory_space<vmem>>, vector<1x1x16xf32>,
          %get3A_1599 = vector.shape_cast %get3A_1598 : vector<1x1x16xf32> to vector<16xf32>
          %get3A_1600 = arith.index_cast %and3A_324 : i32 to index
          %get3A_1601 = arith.index_cast %scan3A_1574 : i32 to index
          %get3A_1602 = arith.constant 80 : index
          %get3A_1603 = tpu.vector_load %arg13[%get3A_1600, %get3A_1601, %get3A_1602] {strides = array<i32>} : memref<2x32x128xf32, #tpu.memory_space<vmem>>, vector<1x1x16xf32>,
          %get3A_1604 = vector.shape_cast %get3A_1603 : vector<1x1x16xf32> to vector<16xf32>
          %get3A_1605 = arith.index_cast %and3A_324 : i32 to index
          %get3A_1606 = arith.index_cast %scan3A_1574 : i32 to index
          %get3A_1607 = arith.constant 96 : index
          %get3A_1608 = tpu.vector_load %arg13[%get3A_1605, %get3A_1606, %get3A_1607] {strides = array<i32>} : memref<2x32x128xf32, #tpu.memory_space<vmem>>, vector<1x1x16xf32>,
          %get3A_1609 = vector.shape_cast %get3A_1608 : vector<1x1x16xf32> to vector<16xf32>
          %get3A_1610 = arith.index_cast %and3A_324 : i32 to index
          %get3A_1611 = arith.index_cast %scan3A_1574 : i32 to index
          %get3A_1612 = arith.constant 112 : index
          %get3A_1613 = tpu.vector_load %arg13[%get3A_1610, %get3A_1611, %get3A_1612] {strides = array<i32>} : memref<2x32x128xf32, #tpu.memory_space<vmem>>, vector<1x1x16xf32>,
          %get3A_1614 = vector.shape_cast %get3A_1613 : vector<1x1x16xf32> to vector<16xf32>
          %get3A_1615 = arith.index_cast %and3A_324 : i32 to index
          %get3A_1616 = arith.index_cast %scan3A_1574 : i32 to index
          %get3A_1617 = arith.constant 0 : index
          %get3A_1618 = tpu.vector_load %arg14[%get3A_1615, %get3A_1616, %get3A_1617] {strides = array<i32>} : memref<2x32x128xf32, #tpu.memory_space<vmem>>, vector<1x1x16xf32>,
          %get3A_1619 = vector.shape_cast %get3A_1618 : vector<1x1x16xf32> to vector<16xf32>
          %add3A_1620 = arith.addf %get3A_1579, %get3A_1619 : vector<16xf32>
          %mul3A_1621 = arith.constant 2.000000e-01 : f32
          %mul3A_1622 = vector.broadcast %mul3A_1621 : f32 to vector<16xf32>
          %mul3A_1623 = arith.mulf %mul3A_1622, %add3A_1620 : vector<16xf32>
          %max3A_1624 = arith.maximumf %add3A_1620, %mul3A_1623 : vector<16xf32>
          %get3A_1625 = arith.constant 0 : index
          %get3A_1626 = tpu.vector_load %arg12[%get3A_1625] {strides = array<i32>} : memref<128xf32, #tpu.memory_space<vmem>>, vector<16xf32>,
          %get3A_1627 = vector.shape_cast %get3A_1626 : vector<16xf32> to vector<16xf32>
          %mul3A_1628 = arith.mulf %max3A_1624, %get3A_1627 : vector<16xf32>
          %get3A_1629 = arith.index_cast %and3A_324 : i32 to index
          %get3A_1630 = arith.index_cast %scan3A_1574 : i32 to index
          %get3A_1631 = arith.constant 16 : index
          %get3A_1632 = tpu.vector_load %arg14[%get3A_1629, %get3A_1630, %get3A_1631] {strides = array<i32>} : memref<2x32x128xf32, #tpu.memory_space<vmem>>, vector<1x1x16xf32>,
          %get3A_1633 = vector.shape_cast %get3A_1632 : vector<1x1x16xf32> to vector<16xf32>
          %add3A_1634 = arith.addf %get3A_1584, %get3A_1633 : vector<16xf32>
          %mul3A_1635 = arith.constant 2.000000e-01 : f32
          %mul3A_1636 = vector.broadcast %mul3A_1635 : f32 to vector<16xf32>
          %mul3A_1637 = arith.mulf %mul3A_1636, %add3A_1634 : vector<16xf32>
          %max3A_1638 = arith.maximumf %add3A_1634, %mul3A_1637 : vector<16xf32>
          %get3A_1639 = arith.constant 16 : index
          %get3A_1640 = tpu.vector_load %arg12[%get3A_1639] {strides = array<i32>} : memref<128xf32, #tpu.memory_space<vmem>>, vector<16xf32>,
          %get3A_1641 = vector.shape_cast %get3A_1640 : vector<16xf32> to vector<16xf32>
          %mul3A_1642 = arith.mulf %max3A_1638, %get3A_1641 : vector<16xf32>
          %add3A_1643 = arith.addf %mul3A_1628, %mul3A_1642 : vector<16xf32>
          %get3A_1644 = arith.index_cast %and3A_324 : i32 to index
          %get3A_1645 = arith.index_cast %scan3A_1574 : i32 to index
          %get3A_1646 = arith.constant 32 : index
          %get3A_1647 = tpu.vector_load %arg14[%get3A_1644, %get3A_1645, %get3A_1646] {strides = array<i32>} : memref<2x32x128xf32, #tpu.memory_space<vmem>>, vector<1x1x16xf32>,
          %get3A_1648 = vector.shape_cast %get3A_1647 : vector<1x1x16xf32> to vector<16xf32>
          %add3A_1649 = arith.addf %get3A_1589, %get3A_1648 : vector<16xf32>
          %mul3A_1650 = arith.constant 2.000000e-01 : f32
          %mul3A_1651 = vector.broadcast %mul3A_1650 : f32 to vector<16xf32>
          %mul3A_1652 = arith.mulf %mul3A_1651, %add3A_1649 : vector<16xf32>
          %max3A_1653 = arith.maximumf %add3A_1649, %mul3A_1652 : vector<16xf32>
          %get3A_1654 = arith.constant 32 : index
          %get3A_1655 = tpu.vector_load %arg12[%get3A_1654] {strides = array<i32>} : memref<128xf32, #tpu.memory_space<vmem>>, vector<16xf32>,
          %get3A_1656 = vector.shape_cast %get3A_1655 : vector<16xf32> to vector<16xf32>
          %mul3A_1657 = arith.mulf %max3A_1653, %get3A_1656 : vector<16xf32>
          %add3A_1658 = arith.addf %add3A_1643, %mul3A_1657 : vector<16xf32>
          %get3A_1659 = arith.index_cast %and3A_324 : i32 to index
          %get3A_1660 = arith.index_cast %scan3A_1574 : i32 to index
          %get3A_1661 = arith.constant 48 : index
          %get3A_1662 = tpu.vector_load %arg14[%get3A_1659, %get3A_1660, %get3A_1661] {strides = array<i32>} : memref<2x32x128xf32, #tpu.memory_space<vmem>>, vector<1x1x16xf32>,
          %get3A_1663 = vector.shape_cast %get3A_1662 : vector<1x1x16xf32> to vector<16xf32>
          %add3A_1664 = arith.addf %get3A_1594, %get3A_1663 : vector<16xf32>
          %mul3A_1665 = arith.constant 2.000000e-01 : f32
          %mul3A_1666 = vector.broadcast %mul3A_1665 : f32 to vector<16xf32>
          %mul3A_1667 = arith.mulf %mul3A_1666, %add3A_1664 : vector<16xf32>
          %max3A_1668 = arith.maximumf %add3A_1664, %mul3A_1667 : vector<16xf32>
          %get3A_1669 = arith.constant 48 : index
          %get3A_1670 = tpu.vector_load %arg12[%get3A_1669] {strides = array<i32>} : memref<128xf32, #tpu.memory_space<vmem>>, vector<16xf32>,
          %get3A_1671 = vector.shape_cast %get3A_1670 : vector<16xf32> to vector<16xf32>
          %mul3A_1672 = arith.mulf %max3A_1668, %get3A_1671 : vector<16xf32>
          %add3A_1673 = arith.addf %add3A_1658, %mul3A_1672 : vector<16xf32>
          %get3A_1674 = arith.index_cast %and3A_324 : i32 to index
          %get3A_1675 = arith.index_cast %scan3A_1574 : i32 to index
          %get3A_1676 = arith.constant 64 : index
          %get3A_1677 = tpu.vector_load %arg14[%get3A_1674, %get3A_1675, %get3A_1676] {strides = array<i32>} : memref<2x32x128xf32, #tpu.memory_space<vmem>>, vector<1x1x16xf32>,
          %get3A_1678 = vector.shape_cast %get3A_1677 : vector<1x1x16xf32> to vector<16xf32>
          %add3A_1679 = arith.addf %get3A_1599, %get3A_1678 : vector<16xf32>
          %mul3A_1680 = arith.constant 2.000000e-01 : f32
          %mul3A_1681 = vector.broadcast %mul3A_1680 : f32 to vector<16xf32>
          %mul3A_1682 = arith.mulf %mul3A_1681, %add3A_1679 : vector<16xf32>
          %max3A_1683 = arith.maximumf %add3A_1679, %mul3A_1682 : vector<16xf32>
          %get3A_1684 = arith.constant 64 : index
          %get3A_1685 = tpu.vector_load %arg12[%get3A_1684] {strides = array<i32>} : memref<128xf32, #tpu.memory_space<vmem>>, vector<16xf32>,
          %get3A_1686 = vector.shape_cast %get3A_1685 : vector<16xf32> to vector<16xf32>
          %mul3A_1687 = arith.mulf %max3A_1683, %get3A_1686 : vector<16xf32>
          %add3A_1688 = arith.addf %add3A_1673, %mul3A_1687 : vector<16xf32>
          %get3A_1689 = arith.index_cast %and3A_324 : i32 to index
          %get3A_1690 = arith.index_cast %scan3A_1574 : i32 to index
          %get3A_1691 = arith.constant 80 : index
          %get3A_1692 = tpu.vector_load %arg14[%get3A_1689, %get3A_1690, %get3A_1691] {strides = array<i32>} : memref<2x32x128xf32, #tpu.memory_space<vmem>>, vector<1x1x16xf32>,
          %get3A_1693 = vector.shape_cast %get3A_1692 : vector<1x1x16xf32> to vector<16xf32>
          %add3A_1694 = arith.addf %get3A_1604, %get3A_1693 : vector<16xf32>
          %mul3A_1695 = arith.constant 2.000000e-01 : f32
          %mul3A_1696 = vector.broadcast %mul3A_1695 : f32 to vector<16xf32>
          %mul3A_1697 = arith.mulf %mul3A_1696, %add3A_1694 : vector<16xf32>
          %max3A_1698 = arith.maximumf %add3A_1694, %mul3A_1697 : vector<16xf32>
          %get3A_1699 = arith.constant 80 : index
          %get3A_1700 = tpu.vector_load %arg12[%get3A_1699] {strides = array<i32>} : memref<128xf32, #tpu.memory_space<vmem>>, vector<16xf32>,
          %get3A_1701 = vector.shape_cast %get3A_1700 : vector<16xf32> to vector<16xf32>
          %mul3A_1702 = arith.mulf %max3A_1698, %get3A_1701 : vector<16xf32>
          %add3A_1703 = arith.addf %add3A_1688, %mul3A_1702 : vector<16xf32>
          %get3A_1704 = arith.index_cast %and3A_324 : i32 to index
          %get3A_1705 = arith.index_cast %scan3A_1574 : i32 to index
          %get3A_1706 = arith.constant 96 : index
          %get3A_1707 = tpu.vector_load %arg14[%get3A_1704, %get3A_1705, %get3A_1706] {strides = array<i32>} : memref<2x32x128xf32, #tpu.memory_space<vmem>>, vector<1x1x16xf32>,
          %get3A_1708 = vector.shape_cast %get3A_1707 : vector<1x1x16xf32> to vector<16xf32>
          %add3A_1709 = arith.addf %get3A_1609, %get3A_1708 : vector<16xf32>
          %mul3A_1710 = arith.constant 2.000000e-01 : f32
          %mul3A_1711 = vector.broadcast %mul3A_1710 : f32 to vector<16xf32>
          %mul3A_1712 = arith.mulf %mul3A_1711, %add3A_1709 : vector<16xf32>
          %max3A_1713 = arith.maximumf %add3A_1709, %mul3A_1712 : vector<16xf32>
          %get3A_1714 = arith.constant 96 : index
          %get3A_1715 = tpu.vector_load %arg12[%get3A_1714] {strides = array<i32>} : memref<128xf32, #tpu.memory_space<vmem>>, vector<16xf32>,
          %get3A_1716 = vector.shape_cast %get3A_1715 : vector<16xf32> to vector<16xf32>
          %mul3A_1717 = arith.mulf %max3A_1713, %get3A_1716 : vector<16xf32>
          %add3A_1718 = arith.addf %add3A_1703, %mul3A_1717 : vector<16xf32>
          %get3A_1719 = arith.index_cast %and3A_324 : i32 to index
          %get3A_1720 = arith.index_cast %scan3A_1574 : i32 to index
          %get3A_1721 = arith.constant 112 : index
          %get3A_1722 = tpu.vector_load %arg14[%get3A_1719, %get3A_1720, %get3A_1721] {strides = array<i32>} : memref<2x32x128xf32, #tpu.memory_space<vmem>>, vector<1x1x16xf32>,
          %get3A_1723 = vector.shape_cast %get3A_1722 : vector<1x1x16xf32> to vector<16xf32>
          %add3A_1724 = arith.addf %get3A_1614, %get3A_1723 : vector<16xf32>
          %mul3A_1725 = arith.constant 2.000000e-01 : f32
          %mul3A_1726 = vector.broadcast %mul3A_1725 : f32 to vector<16xf32>
          %mul3A_1727 = arith.mulf %mul3A_1726, %add3A_1724 : vector<16xf32>
          %max3A_1728 = arith.maximumf %add3A_1724, %mul3A_1727 : vector<16xf32>
          %get3A_1729 = arith.constant 112 : index
          %get3A_1730 = tpu.vector_load %arg12[%get3A_1729] {strides = array<i32>} : memref<128xf32, #tpu.memory_space<vmem>>, vector<16xf32>,
          %get3A_1731 = vector.shape_cast %get3A_1730 : vector<16xf32> to vector<16xf32>
          %mul3A_1732 = arith.mulf %max3A_1728, %get3A_1731 : vector<16xf32>
          %add3A_1733 = arith.addf %add3A_1718, %mul3A_1732 : vector<16xf32>
          %xor3A_1734 = arith.constant 8 : i32
          %xor3A_1735 = vector.broadcast %xor3A_1734 : i32 to vector<16xi32>
          %xor3A_1736 = arith.xori %iota3A, %xor3A_1735 : vector<16xi32>
          %broadcast_in_dim3A_1737 = vector.shape_cast %xor3A_1736 : vector<16xi32> to vector<16x1xi32>
          %gather3A_1738 = vector.shape_cast %broadcast_in_dim3A_1737 : vector<16x1xi32> to vector<16xi32>
          %gather3A_1739 = tpu.dynamic_gather %add3A_1733[%gather3A_1738] in [0] : vector<16xf32>, vector<16xi32> -> vector<16xf32>
          %add3A_1740 = arith.addf %add3A_1733, %gather3A_1739 : vector<16xf32>
          %xor3A_1741 = arith.constant 4 : i32
          %xor3A_1742 = vector.broadcast %xor3A_1741 : i32 to vector<16xi32>
          %xor3A_1743 = arith.xori %iota3A, %xor3A_1742 : vector<16xi32>
          %broadcast_in_dim3A_1744 = vector.shape_cast %xor3A_1743 : vector<16xi32> to vector<16x1xi32>
          %gather3A_1745 = vector.shape_cast %broadcast_in_dim3A_1744 : vector<16x1xi32> to vector<16xi32>
          %gather3A_1746 = tpu.dynamic_gather %add3A_1740[%gather3A_1745] in [0] : vector<16xf32>, vector<16xi32> -> vector<16xf32>
          %add3A_1747 = arith.addf %add3A_1740, %gather3A_1746 : vector<16xf32>
          %xor3A_1748 = arith.constant 2 : i32
          %xor3A_1749 = vector.broadcast %xor3A_1748 : i32 to vector<16xi32>
          %xor3A_1750 = arith.xori %iota3A, %xor3A_1749 : vector<16xi32>
          %broadcast_in_dim3A_1751 = vector.shape_cast %xor3A_1750 : vector<16xi32> to vector<16x1xi32>
          %gather3A_1752 = vector.shape_cast %broadcast_in_dim3A_1751 : vector<16x1xi32> to vector<16xi32>
          %gather3A_1753 = tpu.dynamic_gather %add3A_1747[%gather3A_1752] in [0] : vector<16xf32>, vector<16xi32> -> vector<16xf32>
          %add3A_1754 = arith.addf %add3A_1747, %gather3A_1753 : vector<16xf32>
          %xor3A_1755 = arith.constant 1 : i32
          %xor3A_1756 = vector.broadcast %xor3A_1755 : i32 to vector<16xi32>
          %xor3A_1757 = arith.xori %iota3A, %xor3A_1756 : vector<16xi32>
          %broadcast_in_dim3A_1758 = vector.shape_cast %xor3A_1757 : vector<16xi32> to vector<16x1xi32>
          %gather3A_1759 = vector.shape_cast %broadcast_in_dim3A_1758 : vector<16x1xi32> to vector<16xi32>
          %gather3A_1760 = tpu.dynamic_gather %add3A_1754[%gather3A_1759] in [0] : vector<16xf32>, vector<16xi32> -> vector<16xf32>
          %add3A_1761 = arith.addf %add3A_1754, %gather3A_1760 : vector<16xf32>
          %exp3A_1762 = math.exp %add3A_1761 : vector<16xf32>
          %jit3A_1763 = arith.constant 16 : i32
          %div3A_1764 = arith.divsi %scan3A_1574, %jit3A_1763 : i32
          %sign3A_1765 = arith.constant 0 : i32
          %sign3A_1766 = arith.cmpi sgt, %scan3A_1574, %sign3A_1765 : i32
          %sign3A_1767 = arith.extui %sign3A_1766 : i1 to i32
          %sign3A_1768 = arith.constant 0 : i32
          %sign3A_1769 = arith.cmpi slt, %scan3A_1574, %sign3A_1768 : i32
          %sign3A_1770 = arith.extui %sign3A_1769 : i1 to i32
          %sign3A_1771 = arith.subi %sign3A_1767, %sign3A_1770 : i32
          %sign3A_1772 = arith.constant 0 : i32
          %sign3A_1773 = arith.cmpi sgt, %jit3A_1763, %sign3A_1772 : i32
          %sign3A_1774 = arith.extui %sign3A_1773 : i1 to i32
          %sign3A_1775 = arith.constant 0 : i32
          %sign3A_1776 = arith.cmpi slt, %jit3A_1763, %sign3A_1775 : i32
          %sign3A_1777 = arith.extui %sign3A_1776 : i1 to i32
          %sign3A_1778 = arith.subi %sign3A_1774, %sign3A_1777 : i32
          %ne3A_1779 = arith.cmpi ne, %sign3A_1771, %sign3A_1778 : i32
          %rem3A_1780 = arith.remsi %scan3A_1574, %jit3A_1763 : i32
          %ne3A_1781 = arith.constant 0 : i32
          %ne3A_1782 = arith.cmpi ne, %rem3A_1780, %ne3A_1781 : i32
          %and3A_1783 = arith.andi %ne3A_1779, %ne3A_1782 : i1
          %sub3A_1784 = arith.constant 1 : i32
          %sub3A_1785 = arith.subi %div3A_1764, %sub3A_1784 : i32
          %select_n3A_1786 = arith.select %and3A_1783, %sub3A_1785, %div3A_1764 : i32
          %mul3A_1787 = arith.constant 16 : i32
          %mul3A_1788 = arith.muli %select_n3A_1786, %mul3A_1787 : i32
          %get3A_1789 = arith.index_cast %scan3A_323 : i32 to index
          %get3A_1790 = arith.index_cast %mul3A_1788 : i32 to index
          %get3A_1791 = tpu.vector_load %arg10[%get3A_1789, %get3A_1790] {strides = array<i32>} : memref<32x32xi32, #tpu.memory_space<vmem>>, vector<1x16xi32>,
          %get3A_1792 = vector.shape_cast %get3A_1791 : vector<1x16xi32> to vector<16xi32>
          %broadcast_in_dim3A_1793 = arith.constant 0 : i32
          %broadcast_in_dim3A_1794 = vector.broadcast %broadcast_in_dim3A_1793 : i32 to vector<16xi32>
          %sub3A_1795 = arith.subi %scan3A_1574, %mul3A_1788 : i32
          %add3A_1796 = vector.broadcast %sub3A_1795 : i32 to vector<16xi32>
          %add3A_1797 = arith.addi %broadcast_in_dim3A_1794, %add3A_1796 : vector<16xi32>
          %broadcast_in_dim3A_1798 = vector.shape_cast %add3A_1797 : vector<16xi32> to vector<16x1xi32>
          %gather3A_1799 = vector.shape_cast %broadcast_in_dim3A_1798 : vector<16x1xi32> to vector<16xi32>
          %gather3A_1800 = tpu.dynamic_gather %get3A_1792[%gather3A_1799] in [0] : vector<16xi32>, vector<16xi32> -> vector<16xi32>
          %and3A_1801 = arith.constant 15 : i32
          %and3A_1802 = vector.broadcast %and3A_1801 : i32 to vector<16xi32>
          %and3A_1803 = arith.andi %gather3A_1800, %and3A_1802 : vector<16xi32>
          %xor3A_1804 = arith.xori %and3A_1803, %shift_right_logical3A_116 : vector<16xi32>
          %xor3A_1805 = arith.constant 0 : i32
          %xor3A_1806 = vector.broadcast %xor3A_1805 : i32 to vector<16xi32>
          %xor3A_1807 = arith.xori %xor3A_1804, %xor3A_1806 : vector<16xi32>
          %broadcast_in_dim3A_1808 = vector.shape_cast %xor3A_1807 : vector<16xi32> to vector<16x1xi32>
          %gather3A_1809 = vector.shape_cast %broadcast_in_dim3A_1808 : vector<16x1xi32> to vector<16xi32>
          %gather3A_1810 = tpu.dynamic_gather %convert_element_type3A[%gather3A_1809] in [0] : vector<16xf32>, vector<16xi32> -> vector<16xf32>
          %mul3A_1811 = arith.mulf %exp3A_1762, %gather3A_1810 : vector<16xf32>
          %swap3A_1812 = arith.index_cast %and3A_324 : i32 to index
          %swap3A_1813 = arith.index_cast %scan3A_1574 : i32 to index
          %swap3A_1814 = arith.constant 0 : index
          %swap3A_1815 = tpu.vector_load %arg15[%swap3A_1812, %swap3A_1813, %swap3A_1814] {strides = array<i32>} : memref<2x32x128xf32, #tpu.memory_space<vmem>>, vector<1x1x16xf32>,
          %swap3A_1816 = vector.shape_cast %swap3A_1815 : vector<1x1x16xf32> to vector<16xf32>
          %swap3A_1817 = vector.shape_cast %mul3A_1811 : vector<16xf32> to vector<1x1x16xf32>
          tpu.vector_store %arg15[%swap3A_1812, %swap3A_1813, %swap3A_1814], %swap3A_1817 {strides = array<i32>} : memref<2x32x128xf32, #tpu.memory_space<vmem>>, vector<1x1x16xf32>,
          %xor3A_1818 = arith.constant 2 : i32
          %xor3A_1819 = vector.broadcast %xor3A_1818 : i32 to vector<16xi32>
          %xor3A_1820 = arith.xori %xor3A_1804, %xor3A_1819 : vector<16xi32>
          %broadcast_in_dim3A_1821 = vector.shape_cast %xor3A_1820 : vector<16xi32> to vector<16x1xi32>
          %gather3A_1822 = vector.shape_cast %broadcast_in_dim3A_1821 : vector<16x1xi32> to vector<16xi32>
          %gather3A_1823 = tpu.dynamic_gather %convert_element_type3A[%gather3A_1822] in [0] : vector<16xf32>, vector<16xi32> -> vector<16xf32>
          %mul3A_1824 = arith.mulf %exp3A_1762, %gather3A_1823 : vector<16xf32>
          %swap3A_1825 = arith.index_cast %and3A_324 : i32 to index
          %swap3A_1826 = arith.index_cast %scan3A_1574 : i32 to index
          %swap3A_1827 = arith.constant 16 : index
          %swap3A_1828 = tpu.vector_load %arg15[%swap3A_1825, %swap3A_1826, %swap3A_1827] {strides = array<i32>} : memref<2x32x128xf32, #tpu.memory_space<vmem>>, vector<1x1x16xf32>,
          %swap3A_1829 = vector.shape_cast %swap3A_1828 : vector<1x1x16xf32> to vector<16xf32>
          %swap3A_1830 = vector.shape_cast %mul3A_1824 : vector<16xf32> to vector<1x1x16xf32>
          tpu.vector_store %arg15[%swap3A_1825, %swap3A_1826, %swap3A_1827], %swap3A_1830 {strides = array<i32>} : memref<2x32x128xf32, #tpu.memory_space<vmem>>, vector<1x1x16xf32>,
          %xor3A_1831 = arith.constant 4 : i32
          %xor3A_1832 = vector.broadcast %xor3A_1831 : i32 to vector<16xi32>
          %xor3A_1833 = arith.xori %xor3A_1804, %xor3A_1832 : vector<16xi32>
          %broadcast_in_dim3A_1834 = vector.shape_cast %xor3A_1833 : vector<16xi32> to vector<16x1xi32>
          %gather3A_1835 = vector.shape_cast %broadcast_in_dim3A_1834 : vector<16x1xi32> to vector<16xi32>
          %gather3A_1836 = tpu.dynamic_gather %convert_element_type3A[%gather3A_1835] in [0] : vector<16xf32>, vector<16xi32> -> vector<16xf32>
          %mul3A_1837 = arith.mulf %exp3A_1762, %gather3A_1836 : vector<16xf32>
          %swap3A_1838 = arith.index_cast %and3A_324 : i32 to index
          %swap3A_1839 = arith.index_cast %scan3A_1574 : i32 to index
          %swap3A_1840 = arith.constant 32 : index
          %swap3A_1841 = tpu.vector_load %arg15[%swap3A_1838, %swap3A_1839, %swap3A_1840] {strides = array<i32>} : memref<2x32x128xf32, #tpu.memory_space<vmem>>, vector<1x1x16xf32>,
          %swap3A_1842 = vector.shape_cast %swap3A_1841 : vector<1x1x16xf32> to vector<16xf32>
          %swap3A_1843 = vector.shape_cast %mul3A_1837 : vector<16xf32> to vector<1x1x16xf32>
          tpu.vector_store %arg15[%swap3A_1838, %swap3A_1839, %swap3A_1840], %swap3A_1843 {strides = array<i32>} : memref<2x32x128xf32, #tpu.memory_space<vmem>>, vector<1x1x16xf32>,
          %xor3A_1844 = arith.constant 6 : i32
          %xor3A_1845 = vector.broadcast %xor3A_1844 : i32 to vector<16xi32>
          %xor3A_1846 = arith.xori %xor3A_1804, %xor3A_1845 : vector<16xi32>
          %broadcast_in_dim3A_1847 = vector.shape_cast %xor3A_1846 : vector<16xi32> to vector<16x1xi32>
          %gather3A_1848 = vector.shape_cast %broadcast_in_dim3A_1847 : vector<16x1xi32> to vector<16xi32>
          %gather3A_1849 = tpu.dynamic_gather %convert_element_type3A[%gather3A_1848] in [0] : vector<16xf32>, vector<16xi32> -> vector<16xf32>
          %mul3A_1850 = arith.mulf %exp3A_1762, %gather3A_1849 : vector<16xf32>
          %swap3A_1851 = arith.index_cast %and3A_324 : i32 to index
          %swap3A_1852 = arith.index_cast %scan3A_1574 : i32 to index
          %swap3A_1853 = arith.constant 48 : index
          %swap3A_1854 = tpu.vector_load %arg15[%swap3A_1851, %swap3A_1852, %swap3A_1853] {strides = array<i32>} : memref<2x32x128xf32, #tpu.memory_space<vmem>>, vector<1x1x16xf32>,
          %swap3A_1855 = vector.shape_cast %swap3A_1854 : vector<1x1x16xf32> to vector<16xf32>
          %swap3A_1856 = vector.shape_cast %mul3A_1850 : vector<16xf32> to vector<1x1x16xf32>
          tpu.vector_store %arg15[%swap3A_1851, %swap3A_1852, %swap3A_1853], %swap3A_1856 {strides = array<i32>} : memref<2x32x128xf32, #tpu.memory_space<vmem>>, vector<1x1x16xf32>,
          %xor3A_1857 = arith.constant 8 : i32
          %xor3A_1858 = vector.broadcast %xor3A_1857 : i32 to vector<16xi32>
          %xor3A_1859 = arith.xori %xor3A_1804, %xor3A_1858 : vector<16xi32>
          %broadcast_in_dim3A_1860 = vector.shape_cast %xor3A_1859 : vector<16xi32> to vector<16x1xi32>
          %gather3A_1861 = vector.shape_cast %broadcast_in_dim3A_1860 : vector<16x1xi32> to vector<16xi32>
          %gather3A_1862 = tpu.dynamic_gather %convert_element_type3A[%gather3A_1861] in [0] : vector<16xf32>, vector<16xi32> -> vector<16xf32>
          %mul3A_1863 = arith.mulf %exp3A_1762, %gather3A_1862 : vector<16xf32>
          %swap3A_1864 = arith.index_cast %and3A_324 : i32 to index
          %swap3A_1865 = arith.index_cast %scan3A_1574 : i32 to index
          %swap3A_1866 = arith.constant 64 : index
          %swap3A_1867 = tpu.vector_load %arg15[%swap3A_1864, %swap3A_1865, %swap3A_1866] {strides = array<i32>} : memref<2x32x128xf32, #tpu.memory_space<vmem>>, vector<1x1x16xf32>,
          %swap3A_1868 = vector.shape_cast %swap3A_1867 : vector<1x1x16xf32> to vector<16xf32>
          %swap3A_1869 = vector.shape_cast %mul3A_1863 : vector<16xf32> to vector<1x1x16xf32>
          tpu.vector_store %arg15[%swap3A_1864, %swap3A_1865, %swap3A_1866], %swap3A_1869 {strides = array<i32>} : memref<2x32x128xf32, #tpu.memory_space<vmem>>, vector<1x1x16xf32>,
          %xor3A_1870 = arith.constant 10 : i32
          %xor3A_1871 = vector.broadcast %xor3A_1870 : i32 to vector<16xi32>
          %xor3A_1872 = arith.xori %xor3A_1804, %xor3A_1871 : vector<16xi32>
          %broadcast_in_dim3A_1873 = vector.shape_cast %xor3A_1872 : vector<16xi32> to vector<16x1xi32>
          %gather3A_1874 = vector.shape_cast %broadcast_in_dim3A_1873 : vector<16x1xi32> to vector<16xi32>
          %gather3A_1875 = tpu.dynamic_gather %convert_element_type3A[%gather3A_1874] in [0] : vector<16xf32>, vector<16xi32> -> vector<16xf32>
          %mul3A_1876 = arith.mulf %exp3A_1762, %gather3A_1875 : vector<16xf32>
          %swap3A_1877 = arith.index_cast %and3A_324 : i32 to index
          %swap3A_1878 = arith.index_cast %scan3A_1574 : i32 to index
          %swap3A_1879 = arith.constant 80 : index
          %swap3A_1880 = tpu.vector_load %arg15[%swap3A_1877, %swap3A_1878, %swap3A_1879] {strides = array<i32>} : memref<2x32x128xf32, #tpu.memory_space<vmem>>, vector<1x1x16xf32>,
          %swap3A_1881 = vector.shape_cast %swap3A_1880 : vector<1x1x16xf32> to vector<16xf32>
          %swap3A_1882 = vector.shape_cast %mul3A_1876 : vector<16xf32> to vector<1x1x16xf32>
          tpu.vector_store %arg15[%swap3A_1877, %swap3A_1878, %swap3A_1879], %swap3A_1882 {strides = array<i32>} : memref<2x32x128xf32, #tpu.memory_space<vmem>>, vector<1x1x16xf32>,
          %xor3A_1883 = arith.constant 12 : i32
          %xor3A_1884 = vector.broadcast %xor3A_1883 : i32 to vector<16xi32>
          %xor3A_1885 = arith.xori %xor3A_1804, %xor3A_1884 : vector<16xi32>
          %broadcast_in_dim3A_1886 = vector.shape_cast %xor3A_1885 : vector<16xi32> to vector<16x1xi32>
          %gather3A_1887 = vector.shape_cast %broadcast_in_dim3A_1886 : vector<16x1xi32> to vector<16xi32>
          %gather3A_1888 = tpu.dynamic_gather %convert_element_type3A[%gather3A_1887] in [0] : vector<16xf32>, vector<16xi32> -> vector<16xf32>
          %mul3A_1889 = arith.mulf %exp3A_1762, %gather3A_1888 : vector<16xf32>
          %swap3A_1890 = arith.index_cast %and3A_324 : i32 to index
          %swap3A_1891 = arith.index_cast %scan3A_1574 : i32 to index
          %swap3A_1892 = arith.constant 96 : index
          %swap3A_1893 = tpu.vector_load %arg15[%swap3A_1890, %swap3A_1891, %swap3A_1892] {strides = array<i32>} : memref<2x32x128xf32, #tpu.memory_space<vmem>>, vector<1x1x16xf32>,
          %swap3A_1894 = vector.shape_cast %swap3A_1893 : vector<1x1x16xf32> to vector<16xf32>
          %swap3A_1895 = vector.shape_cast %mul3A_1889 : vector<16xf32> to vector<1x1x16xf32>
          tpu.vector_store %arg15[%swap3A_1890, %swap3A_1891, %swap3A_1892], %swap3A_1895 {strides = array<i32>} : memref<2x32x128xf32, #tpu.memory_space<vmem>>, vector<1x1x16xf32>,
          %xor3A_1896 = arith.constant 14 : i32
          %xor3A_1897 = vector.broadcast %xor3A_1896 : i32 to vector<16xi32>
          %xor3A_1898 = arith.xori %xor3A_1804, %xor3A_1897 : vector<16xi32>
          %broadcast_in_dim3A_1899 = vector.shape_cast %xor3A_1898 : vector<16xi32> to vector<16x1xi32>
          %gather3A_1900 = vector.shape_cast %broadcast_in_dim3A_1899 : vector<16x1xi32> to vector<16xi32>
          %gather3A_1901 = tpu.dynamic_gather %convert_element_type3A[%gather3A_1900] in [0] : vector<16xf32>, vector<16xi32> -> vector<16xf32>
          %mul3A_1902 = arith.mulf %exp3A_1762, %gather3A_1901 : vector<16xf32>
          %swap3A_1903 = arith.index_cast %and3A_324 : i32 to index
          %swap3A_1904 = arith.index_cast %scan3A_1574 : i32 to index
          %swap3A_1905 = arith.constant 112 : index
          %swap3A_1906 = tpu.vector_load %arg15[%swap3A_1903, %swap3A_1904, %swap3A_1905] {strides = array<i32>} : memref<2x32x128xf32, #tpu.memory_space<vmem>>, vector<1x1x16xf32>,
          %swap3A_1907 = vector.shape_cast %swap3A_1906 : vector<1x1x16xf32> to vector<16xf32>
          %swap3A_1908 = vector.shape_cast %mul3A_1902 : vector<16xf32> to vector<1x1x16xf32>
          tpu.vector_store %arg15[%swap3A_1903, %swap3A_1904, %swap3A_1905], %swap3A_1908 {strides = array<i32>} : memref<2x32x128xf32, #tpu.memory_space<vmem>>, vector<1x1x16xf32>,
          %mul3A_1909 = arith.mulf %exp3A_1762, %get3A_1579 : vector<16xf32>
          %swap3A_1910 = arith.index_cast %and3A_324 : i32 to index
          %swap3A_1911 = arith.index_cast %scan3A_1574 : i32 to index
          %swap3A_1912 = arith.constant 0 : index
          %swap3A_1913 = tpu.vector_load %arg13[%swap3A_1910, %swap3A_1911, %swap3A_1912] {strides = array<i32>} : memref<2x32x128xf32, #tpu.memory_space<vmem>>, vector<1x1x16xf32>,
          %swap3A_1914 = vector.shape_cast %swap3A_1913 : vector<1x1x16xf32> to vector<16xf32>
          %swap3A_1915 = vector.shape_cast %mul3A_1909 : vector<16xf32> to vector<1x1x16xf32>
          tpu.vector_store %arg13[%swap3A_1910, %swap3A_1911, %swap3A_1912], %swap3A_1915 {strides = array<i32>} : memref<2x32x128xf32, #tpu.memory_space<vmem>>, vector<1x1x16xf32>,
          %mul3A_1916 = arith.mulf %exp3A_1762, %get3A_1584 : vector<16xf32>
          %swap3A_1917 = arith.index_cast %and3A_324 : i32 to index
          %swap3A_1918 = arith.index_cast %scan3A_1574 : i32 to index
          %swap3A_1919 = arith.constant 16 : index
          %swap3A_1920 = tpu.vector_load %arg13[%swap3A_1917, %swap3A_1918, %swap3A_1919] {strides = array<i32>} : memref<2x32x128xf32, #tpu.memory_space<vmem>>, vector<1x1x16xf32>,
          %swap3A_1921 = vector.shape_cast %swap3A_1920 : vector<1x1x16xf32> to vector<16xf32>
          %swap3A_1922 = vector.shape_cast %mul3A_1916 : vector<16xf32> to vector<1x1x16xf32>
          tpu.vector_store %arg13[%swap3A_1917, %swap3A_1918, %swap3A_1919], %swap3A_1922 {strides = array<i32>} : memref<2x32x128xf32, #tpu.memory_space<vmem>>, vector<1x1x16xf32>,
          %mul3A_1923 = arith.mulf %exp3A_1762, %get3A_1589 : vector<16xf32>
          %swap3A_1924 = arith.index_cast %and3A_324 : i32 to index
          %swap3A_1925 = arith.index_cast %scan3A_1574 : i32 to index
          %swap3A_1926 = arith.constant 32 : index
          %swap3A_1927 = tpu.vector_load %arg13[%swap3A_1924, %swap3A_1925, %swap3A_1926] {strides = array<i32>} : memref<2x32x128xf32, #tpu.memory_space<vmem>>, vector<1x1x16xf32>,
          %swap3A_1928 = vector.shape_cast %swap3A_1927 : vector<1x1x16xf32> to vector<16xf32>
          %swap3A_1929 = vector.shape_cast %mul3A_1923 : vector<16xf32> to vector<1x1x16xf32>
          tpu.vector_store %arg13[%swap3A_1924, %swap3A_1925, %swap3A_1926], %swap3A_1929 {strides = array<i32>} : memref<2x32x128xf32, #tpu.memory_space<vmem>>, vector<1x1x16xf32>,
          %mul3A_1930 = arith.mulf %exp3A_1762, %get3A_1594 : vector<16xf32>
          %swap3A_1931 = arith.index_cast %and3A_324 : i32 to index
          %swap3A_1932 = arith.index_cast %scan3A_1574 : i32 to index
          %swap3A_1933 = arith.constant 48 : index
          %swap3A_1934 = tpu.vector_load %arg13[%swap3A_1931, %swap3A_1932, %swap3A_1933] {strides = array<i32>} : memref<2x32x128xf32, #tpu.memory_space<vmem>>, vector<1x1x16xf32>,
          %swap3A_1935 = vector.shape_cast %swap3A_1934 : vector<1x1x16xf32> to vector<16xf32>
          %swap3A_1936 = vector.shape_cast %mul3A_1930 : vector<16xf32> to vector<1x1x16xf32>
          tpu.vector_store %arg13[%swap3A_1931, %swap3A_1932, %swap3A_1933], %swap3A_1936 {strides = array<i32>} : memref<2x32x128xf32, #tpu.memory_space<vmem>>, vector<1x1x16xf32>,
          %mul3A_1937 = arith.mulf %exp3A_1762, %get3A_1599 : vector<16xf32>
          %swap3A_1938 = arith.index_cast %and3A_324 : i32 to index
          %swap3A_1939 = arith.index_cast %scan3A_1574 : i32 to index
          %swap3A_1940 = arith.constant 64 : index
          %swap3A_1941 = tpu.vector_load %arg13[%swap3A_1938, %swap3A_1939, %swap3A_1940] {strides = array<i32>} : memref<2x32x128xf32, #tpu.memory_space<vmem>>, vector<1x1x16xf32>,
          %swap3A_1942 = vector.shape_cast %swap3A_1941 : vector<1x1x16xf32> to vector<16xf32>
          %swap3A_1943 = vector.shape_cast %mul3A_1937 : vector<16xf32> to vector<1x1x16xf32>
          tpu.vector_store %arg13[%swap3A_1938, %swap3A_1939, %swap3A_1940], %swap3A_1943 {strides = array<i32>} : memref<2x32x128xf32, #tpu.memory_space<vmem>>, vector<1x1x16xf32>,
          %mul3A_1944 = arith.mulf %exp3A_1762, %get3A_1604 : vector<16xf32>
          %swap3A_1945 = arith.index_cast %and3A_324 : i32 to index
          %swap3A_1946 = arith.index_cast %scan3A_1574 : i32 to index
          %swap3A_1947 = arith.constant 80 : index
          %swap3A_1948 = tpu.vector_load %arg13[%swap3A_1945, %swap3A_1946, %swap3A_1947] {strides = array<i32>} : memref<2x32x128xf32, #tpu.memory_space<vmem>>, vector<1x1x16xf32>,
          %swap3A_1949 = vector.shape_cast %swap3A_1948 : vector<1x1x16xf32> to vector<16xf32>
          %swap3A_1950 = vector.shape_cast %mul3A_1944 : vector<16xf32> to vector<1x1x16xf32>
          tpu.vector_store %arg13[%swap3A_1945, %swap3A_1946, %swap3A_1947], %swap3A_1950 {strides = array<i32>} : memref<2x32x128xf32, #tpu.memory_space<vmem>>, vector<1x1x16xf32>,
          %mul3A_1951 = arith.mulf %exp3A_1762, %get3A_1609 : vector<16xf32>
          %swap3A_1952 = arith.index_cast %and3A_324 : i32 to index
          %swap3A_1953 = arith.index_cast %scan3A_1574 : i32 to index
          %swap3A_1954 = arith.constant 96 : index
          %swap3A_1955 = tpu.vector_load %arg13[%swap3A_1952, %swap3A_1953, %swap3A_1954] {strides = array<i32>} : memref<2x32x128xf32, #tpu.memory_space<vmem>>, vector<1x1x16xf32>,
          %swap3A_1956 = vector.shape_cast %swap3A_1955 : vector<1x1x16xf32> to vector<16xf32>
          %swap3A_1957 = vector.shape_cast %mul3A_1951 : vector<16xf32> to vector<1x1x16xf32>
          tpu.vector_store %arg13[%swap3A_1952, %swap3A_1953, %swap3A_1954], %swap3A_1957 {strides = array<i32>} : memref<2x32x128xf32, #tpu.memory_space<vmem>>, vector<1x1x16xf32>,
          %mul3A_1958 = arith.mulf %exp3A_1762, %get3A_1614 : vector<16xf32>
          %swap3A_1959 = arith.index_cast %and3A_324 : i32 to index
          %swap3A_1960 = arith.index_cast %scan3A_1574 : i32 to index
          %swap3A_1961 = arith.constant 112 : index
          %swap3A_1962 = tpu.vector_load %arg13[%swap3A_1959, %swap3A_1960, %swap3A_1961] {strides = array<i32>} : memref<2x32x128xf32, #tpu.memory_space<vmem>>, vector<1x1x16xf32>,
          %swap3A_1963 = vector.shape_cast %swap3A_1962 : vector<1x1x16xf32> to vector<16xf32>
          %swap3A_1964 = vector.shape_cast %mul3A_1958 : vector<16xf32> to vector<1x1x16xf32>
          tpu.vector_store %arg13[%swap3A_1959, %swap3A_1960, %swap3A_1961], %swap3A_1964 {strides = array<i32>} : memref<2x32x128xf32, #tpu.memory_space<vmem>>, vector<1x1x16xf32>,
        }
        %scan3A_380 = arith.constant 32 : i32
        %gt3A = arith.constant 0 : i32
        %gt3A_381 = arith.cmpi sgt, %scan3A_323, %gt3A : i32
        %convert_element_type3A_382 = arith.extui %gt3A_381 : i1 to i32
        %cond3A = arith.constant 0 : i32
        %cond3A_383 = arith.cmpi ne, %convert_element_type3A_382, %cond3A : i32
        scf.if %cond3A_383 {
          %xor3A = arith.constant 1 : i32
          %xor3A_408 = arith.xori %and3A_324, %xor3A : i32
          %dma_wait3A_409 = arith.constant 0 : i32
          %dma_wait3A_410 = arith.constant 0 : i32
          %dma_wait3A_411 = tpu.memref_slice %arg13[%xor3A_408, %dma_wait3A_409, %dma_wait3A_410] : memref<2x32x128xf32, #tpu.memory_space<vmem>> -> memref<1x32x128xf32, #tpu.memory_space<vmem>>
          %dma_wait3A_412 = tpu.memref_squeeze %dma_wait3A_411 : memref<1x32x128xf32, #tpu.memory_space<vmem>> -> memref<32x128xf32, #tpu.memory_space<vmem>>
          %dma_wait3A_413 = arith.constant 0 : i32
          %dma_wait3A_414 = arith.constant 0 : i32
          %dma_wait3A_415 = tpu.memref_slice %arg2[%dma_wait3A_413, %dma_wait3A_414] : memref<40000x128xf32, #tpu.memory_space<hbm>> -> memref<32x128xf32, #tpu.memory_space<hbm>>
          %dma_wait3A_416 = arith.constant 0 : i32
          %dma_wait3A_417 = arith.constant 0 : i32
          %dma_wait3A_418 = tpu.memref_slice %arg13[%xor3A_408, %dma_wait3A_416, %dma_wait3A_417] : memref<2x32x128xf32, #tpu.memory_space<vmem>> -> memref<1x32x128xf32, #tpu.memory_space<vmem>>
          %dma_wait3A_419 = tpu.memref_squeeze %dma_wait3A_418 : memref<1x32x128xf32, #tpu.memory_space<vmem>> -> memref<32x128xf32, #tpu.memory_space<vmem>>
          %dma_wait3A_420 = arith.constant 0 : i32
          %dma_wait3A_421 = arith.constant 0 : i32
          %dma_wait3A_422 = tpu.memref_slice %arg2[%dma_wait3A_420, %dma_wait3A_421] : memref<40000x128xf32, #tpu.memory_space<hbm>> -> memref<32x128xf32, #tpu.memory_space<hbm>>
          tpu.wait_dma2 semaphore(%arg19 : memref<!tpu.dma_semaphore, #tpu.memory_space<semaphore_mem>>) src(%dma_wait3A_422 : memref<32x128xf32, #tpu.memory_space<hbm>>) dst(%dma_wait3A_419 : memref<32x128xf32, #tpu.memory_space<vmem>>)
          %dma_wait3A_423 = arith.constant 0 : i32
          %dma_wait3A_424 = arith.constant 0 : i32
          %dma_wait3A_425 = tpu.memref_slice %arg14[%xor3A_408, %dma_wait3A_423, %dma_wait3A_424] : memref<2x32x128xf32, #tpu.memory_space<vmem>> -> memref<1x32x128xf32, #tpu.memory_space<vmem>>
          %dma_wait3A_426 = tpu.memref_squeeze %dma_wait3A_425 : memref<1x32x128xf32, #tpu.memory_space<vmem>> -> memref<32x128xf32, #tpu.memory_space<vmem>>
          %dma_wait3A_427 = arith.constant 0 : i32
          %dma_wait3A_428 = arith.constant 0 : i32
          %dma_wait3A_429 = tpu.memref_slice %arg2[%dma_wait3A_427, %dma_wait3A_428] : memref<40000x128xf32, #tpu.memory_space<hbm>> -> memref<32x128xf32, #tpu.memory_space<hbm>>
          %dma_wait3A_430 = arith.constant 0 : i32
          %dma_wait3A_431 = arith.constant 0 : i32
          %dma_wait3A_432 = tpu.memref_slice %arg14[%xor3A_408, %dma_wait3A_430, %dma_wait3A_431] : memref<2x32x128xf32, #tpu.memory_space<vmem>> -> memref<1x32x128xf32, #tpu.memory_space<vmem>>
          %dma_wait3A_433 = tpu.memref_squeeze %dma_wait3A_432 : memref<1x32x128xf32, #tpu.memory_space<vmem>> -> memref<32x128xf32, #tpu.memory_space<vmem>>
          %dma_wait3A_434 = arith.constant 0 : i32
          %dma_wait3A_435 = arith.constant 0 : i32
          %dma_wait3A_436 = tpu.memref_slice %arg2[%dma_wait3A_434, %dma_wait3A_435] : memref<40000x128xf32, #tpu.memory_space<hbm>> -> memref<32x128xf32, #tpu.memory_space<hbm>>
          tpu.wait_dma2 semaphore(%arg19 : memref<!tpu.dma_semaphore, #tpu.memory_space<semaphore_mem>>) src(%dma_wait3A_436 : memref<32x128xf32, #tpu.memory_space<hbm>>) dst(%dma_wait3A_433 : memref<32x128xf32, #tpu.memory_space<vmem>>)
        } else {
        }
        %lt3A = arith.constant 31 : i32
        %lt3A_384 = arith.cmpi slt, %scan3A_323, %lt3A : i32
        %convert_element_type3A_385 = arith.extui %lt3A_384 : i1 to i32
        %cond3A_386 = arith.constant 0 : i32
        %cond3A_387 = arith.cmpi ne, %convert_element_type3A_385, %cond3A_386 : i32
        scf.if %cond3A_387 {
          %add3A_408 = arith.constant 1 : i32
          %add3A_409 = arith.addi %scan3A_323, %add3A_408 : i32
          %xor3A = arith.constant 1 : i32
          %xor3A_410 = arith.xori %and3A_324, %xor3A : i32
          %dma_start3A_411 = arith.constant 0 : i32
          %dma_start3A_412 = arith.constant 0 : i32
          %dma_start3A_413 = tpu.memref_slice %arg13[%xor3A_410, %dma_start3A_411, %dma_start3A_412] : memref<2x32x128xf32, #tpu.memory_space<vmem>> -> memref<1x32x128xf32, #tpu.memory_space<vmem>>
          %dma_start3A_414 = tpu.memref_squeeze %dma_start3A_413 : memref<1x32x128xf32, #tpu.memory_space<vmem>> -> memref<32x128xf32, #tpu.memory_space<vmem>>
          %dma_start3A_415 = arith.constant 0 : i32
          %dma_start3A_416 = tpu.memref_slice %arg9[%add3A_409, %dma_start3A_415] : memref<32x32xi32, #tpu.memory_space<vmem>> -> memref<1x32xi32, #tpu.memory_space<vmem>>
          %dma_start3A_417 = tpu.memref_squeeze %dma_start3A_416 : memref<1x32xi32, #tpu.memory_space<vmem>> -> memref<32xi32, #tpu.memory_space<vmem>>
          %dma_start3A_418 = arith.constant 0 : i32
          %dma_start3A_419 = arith.constant 0 : i32
          %dma_start3A_420 = tpu.memref_slice %arg2[%dma_start3A_418, %dma_start3A_419] : memref<40000x128xf32, #tpu.memory_space<hbm>> -> memref<40000x128xf32, #tpu.memory_space<hbm>>
          tpu.enqueue_indirect_dma source(%dma_start3A_420 : memref<40000x128xf32, #tpu.memory_space<hbm>>) target(%dma_start3A_414 : memref<32x128xf32, #tpu.memory_space<vmem>>) offsets(%dma_start3A_417 : memref<32xi32, #tpu.memory_space<vmem>>) semaphore(%arg18 : memref<!tpu.dma_semaphore, #tpu.memory_space<semaphore_mem>>)
          %dma_start3A_421 = arith.constant 0 : i32
          %dma_start3A_422 = arith.constant 0 : i32
          %dma_start3A_423 = tpu.memref_slice %arg14[%xor3A_410, %dma_start3A_421, %dma_start3A_422] : memref<2x32x128xf32, #tpu.memory_space<vmem>> -> memref<1x32x128xf32, #tpu.memory_space<vmem>>
          %dma_start3A_424 = tpu.memref_squeeze %dma_start3A_423 : memref<1x32x128xf32, #tpu.memory_space<vmem>> -> memref<32x128xf32, #tpu.memory_space<vmem>>
          %dma_start3A_425 = arith.constant 0 : i32
          %dma_start3A_426 = tpu.memref_slice %arg10[%add3A_409, %dma_start3A_425] : memref<32x32xi32, #tpu.memory_space<vmem>> -> memref<1x32xi32, #tpu.memory_space<vmem>>
          %dma_start3A_427 = tpu.memref_squeeze %dma_start3A_426 : memref<1x32xi32, #tpu.memory_space<vmem>> -> memref<32xi32, #tpu.memory_space<vmem>>
          %dma_start3A_428 = arith.constant 0 : i32
          %dma_start3A_429 = arith.constant 0 : i32
          %dma_start3A_430 = tpu.memref_slice %arg3[%dma_start3A_428, %dma_start3A_429] : memref<40000x128xf32, #tpu.memory_space<hbm>> -> memref<40000x128xf32, #tpu.memory_space<hbm>>
          tpu.enqueue_indirect_dma source(%dma_start3A_430 : memref<40000x128xf32, #tpu.memory_space<hbm>>) target(%dma_start3A_424 : memref<32x128xf32, #tpu.memory_space<vmem>>) offsets(%dma_start3A_427 : memref<32xi32, #tpu.memory_space<vmem>>) semaphore(%arg18 : memref<!tpu.dma_semaphore, #tpu.memory_space<semaphore_mem>>)
        } else {
        }
        %dma_start3A_388 = arith.constant 0 : i32
        %dma_start3A_389 = arith.constant 0 : i32
        %dma_start3A_390 = tpu.memref_slice %arg13[%and3A_324, %dma_start3A_388, %dma_start3A_389] : memref<2x32x128xf32, #tpu.memory_space<vmem>> -> memref<1x32x128xf32, #tpu.memory_space<vmem>>
        %dma_start3A_391 = tpu.memref_squeeze %dma_start3A_390 : memref<1x32x128xf32, #tpu.memory_space<vmem>> -> memref<32x128xf32, #tpu.memory_space<vmem>>
        %dma_start3A_392 = arith.constant 0 : i32
        %dma_start3A_393 = tpu.memref_slice %arg10[%scan3A_323, %dma_start3A_392] : memref<32x32xi32, #tpu.memory_space<vmem>> -> memref<1x32xi32, #tpu.memory_space<vmem>>
        %dma_start3A_394 = tpu.memref_squeeze %dma_start3A_393 : memref<1x32xi32, #tpu.memory_space<vmem>> -> memref<32xi32, #tpu.memory_space<vmem>>
        %dma_start3A_395 = arith.constant 0 : i32
        %dma_start3A_396 = arith.constant 0 : i32
        %dma_start3A_397 = tpu.memref_slice %arg16[%dma_start3A_395, %dma_start3A_396] : memref<10240x128xf32, #tpu.memory_space<vmem_shared>> -> memref<10240x128xf32, #tpu.memory_space<vmem_shared>>
        tpu.enqueue_indirect_dma source(%dma_start3A_391 : memref<32x128xf32, #tpu.memory_space<vmem>>) target(%dma_start3A_397 : memref<10240x128xf32, #tpu.memory_space<vmem_shared>>) offsets(%dma_start3A_394 : memref<32xi32, #tpu.memory_space<vmem>>) semaphore(%arg19 : memref<!tpu.dma_semaphore, #tpu.memory_space<semaphore_mem>>) {add = true}
        %dma_start3A_398 = arith.constant 0 : i32
        %dma_start3A_399 = arith.constant 0 : i32
        %dma_start3A_400 = tpu.memref_slice %arg15[%and3A_324, %dma_start3A_398, %dma_start3A_399] : memref<2x32x128xf32, #tpu.memory_space<vmem>> -> memref<1x32x128xf32, #tpu.memory_space<vmem>>
        %dma_start3A_401 = tpu.memref_squeeze %dma_start3A_400 : memref<1x32x128xf32, #tpu.memory_space<vmem>> -> memref<32x128xf32, #tpu.memory_space<vmem>>
        %dma_start3A_402 = arith.constant 0 : i32
        %dma_start3A_403 = tpu.memref_slice %arg11[%and3A_324, %dma_start3A_402] : memref<2x32xi32, #tpu.memory_space<vmem>> -> memref<1x32xi32, #tpu.memory_space<vmem>>
        %dma_start3A_404 = tpu.memref_squeeze %dma_start3A_403 : memref<1x32xi32, #tpu.memory_space<vmem>> -> memref<32xi32, #tpu.memory_space<vmem>>
        %dma_start3A_405 = arith.constant 0 : i32
        %dma_start3A_406 = arith.constant 0 : i32
        %dma_start3A_407 = tpu.memref_slice %arg17[%dma_start3A_405, %dma_start3A_406] : memref<640x128xf32, #tpu.memory_space<vmem_shared>> -> memref<640x128xf32, #tpu.memory_space<vmem_shared>>
        tpu.enqueue_indirect_dma source(%dma_start3A_401 : memref<32x128xf32, #tpu.memory_space<vmem>>) target(%dma_start3A_407 : memref<640x128xf32, #tpu.memory_space<vmem_shared>>) offsets(%dma_start3A_404 : memref<32xi32, #tpu.memory_space<vmem>>) semaphore(%arg19 : memref<!tpu.dma_semaphore, #tpu.memory_space<semaphore_mem>>) {add = true}
      }
      %scan3A_293 = arith.constant 32 : i32
      %dma_wait3A = arith.constant 1 : i32
      %dma_wait3A_294 = arith.constant 0 : i32
      %dma_wait3A_295 = arith.constant 0 : i32
      %dma_wait3A_296 = tpu.memref_slice %arg13[%dma_wait3A, %dma_wait3A_294, %dma_wait3A_295] : memref<2x32x128xf32, #tpu.memory_space<vmem>> -> memref<1x32x128xf32, #tpu.memory_space<vmem>>
      %dma_wait3A_297 = tpu.memref_squeeze %dma_wait3A_296 : memref<1x32x128xf32, #tpu.memory_space<vmem>> -> memref<32x128xf32, #tpu.memory_space<vmem>>
      %dma_wait3A_298 = arith.constant 0 : i32
      %dma_wait3A_299 = arith.constant 0 : i32
      %dma_wait3A_300 = tpu.memref_slice %arg2[%dma_wait3A_298, %dma_wait3A_299] : memref<40000x128xf32, #tpu.memory_space<hbm>> -> memref<32x128xf32, #tpu.memory_space<hbm>>
      %dma_wait3A_301 = arith.constant 0 : i32
      %dma_wait3A_302 = arith.constant 0 : i32
      %dma_wait3A_303 = tpu.memref_slice %arg13[%dma_wait3A, %dma_wait3A_301, %dma_wait3A_302] : memref<2x32x128xf32, #tpu.memory_space<vmem>> -> memref<1x32x128xf32, #tpu.memory_space<vmem>>
      %dma_wait3A_304 = tpu.memref_squeeze %dma_wait3A_303 : memref<1x32x128xf32, #tpu.memory_space<vmem>> -> memref<32x128xf32, #tpu.memory_space<vmem>>
      %dma_wait3A_305 = arith.constant 0 : i32
      %dma_wait3A_306 = arith.constant 0 : i32
      %dma_wait3A_307 = tpu.memref_slice %arg2[%dma_wait3A_305, %dma_wait3A_306] : memref<40000x128xf32, #tpu.memory_space<hbm>> -> memref<32x128xf32, #tpu.memory_space<hbm>>
      tpu.wait_dma2 semaphore(%arg19 : memref<!tpu.dma_semaphore, #tpu.memory_space<semaphore_mem>>) src(%dma_wait3A_307 : memref<32x128xf32, #tpu.memory_space<hbm>>) dst(%dma_wait3A_304 : memref<32x128xf32, #tpu.memory_space<vmem>>)
      %dma_wait3A_308 = arith.constant 1 : i32
      %dma_wait3A_309 = arith.constant 0 : i32
      %dma_wait3A_310 = arith.constant 0 : i32
      %dma_wait3A_311 = tpu.memref_slice %arg14[%dma_wait3A_308, %dma_wait3A_309, %dma_wait3A_310] : memref<2x32x128xf32, #tpu.memory_space<vmem>> -> memref<1x32x128xf32, #tpu.memory_space<vmem>>
      %dma_wait3A_312 = tpu.memref_squeeze %dma_wait3A_311 : memref<1x32x128xf32, #tpu.memory_space<vmem>> -> memref<32x128xf32, #tpu.memory_space<vmem>>
      %dma_wait3A_313 = arith.constant 0 : i32
      %dma_wait3A_314 = arith.constant 0 : i32
      %dma_wait3A_315 = tpu.memref_slice %arg2[%dma_wait3A_313, %dma_wait3A_314] : memref<40000x128xf32, #tpu.memory_space<hbm>> -> memref<32x128xf32, #tpu.memory_space<hbm>>
      %dma_wait3A_316 = arith.constant 0 : i32
      %dma_wait3A_317 = arith.constant 0 : i32
      %dma_wait3A_318 = tpu.memref_slice %arg14[%dma_wait3A_308, %dma_wait3A_316, %dma_wait3A_317] : memref<2x32x128xf32, #tpu.memory_space<vmem>> -> memref<1x32x128xf32, #tpu.memory_space<vmem>>
      %dma_wait3A_319 = tpu.memref_squeeze %dma_wait3A_318 : memref<1x32x128xf32, #tpu.memory_space<vmem>> -> memref<32x128xf32, #tpu.memory_space<vmem>>
      %dma_wait3A_320 = arith.constant 0 : i32
      %dma_wait3A_321 = arith.constant 0 : i32
      %dma_wait3A_322 = tpu.memref_slice %arg2[%dma_wait3A_320, %dma_wait3A_321] : memref<40000x128xf32, #tpu.memory_space<hbm>> -> memref<32x128xf32, #tpu.memory_space<hbm>>
      tpu.wait_dma2 semaphore(%arg19 : memref<!tpu.dma_semaphore, #tpu.memory_space<semaphore_mem>>) src(%dma_wait3A_322 : memref<32x128xf32, #tpu.memory_space<hbm>>) dst(%dma_wait3A_319 : memref<32x128xf32, #tpu.memory_space<vmem>>)
    }
    %scan3A_126 = arith.constant 10 : i32
    %barrier3A_127 = arith.constant 0 : index
    tpu.barrier barrier_id(%barrier3A_127)
    %mul3A_128 = arith.constant 640 : i32
    %mul3A_129 = arith.muli %arg1, %mul3A_128 : i32
    %add3A_130 = arith.constant 0 : i32
    %add3A_131 = arith.addi %mul3A_129, %add3A_130 : i32
    %run_scoped3A_132 = arith.constant 0 : i32
    "tpu.region"() ({
      %run_scoped3A_260 = tpu.sem_alloc : memref<!tpu.dma_semaphore, #tpu.memory_space<semaphore_mem>>
      %dma_start3A = arith.constant 0 : i32
      %dma_start3A_261 = arith.constant 0 : i32
      %dma_start3A_262 = tpu.memref_slice %arg13[%run_scoped3A_132, %dma_start3A, %dma_start3A_261] : memref<2x32x128xf32, #tpu.memory_space<vmem>> -> memref<1x32x128xf32, #tpu.memory_space<vmem>>
      %dma_start3A_263 = tpu.memref_squeeze %dma_start3A_262 : memref<1x32x128xf32, #tpu.memory_space<vmem>> -> memref<32x128xf32, #tpu.memory_space<vmem>>
      %dma_start3A_264 = arith.constant 0 : i32
      %dma_start3A_265 = tpu.memref_slice %arg16[%add3A_131, %dma_start3A_264] : memref<10240x128xf32, #tpu.memory_space<vmem_shared>> -> memref<32x128xf32, #tpu.memory_space<vmem_shared>>
      %dma_start3A_266 = arith.constant 0 : i32
      %dma_start3A_267 = arith.constant 0 : i32
      %dma_start3A_268 = tpu.memref_slice %arg13[%run_scoped3A_132, %dma_start3A_266, %dma_start3A_267] : memref<2x32x128xf32, #tpu.memory_space<vmem>> -> memref<1x32x128xf32, #tpu.memory_space<vmem>>
      %dma_start3A_269 = tpu.memref_squeeze %dma_start3A_268 : memref<1x32x128xf32, #tpu.memory_space<vmem>> -> memref<32x128xf32, #tpu.memory_space<vmem>>
      %dma_start3A_270 = arith.constant 0 : i32
      %dma_start3A_271 = tpu.memref_slice %arg16[%add3A_131, %dma_start3A_270] : memref<10240x128xf32, #tpu.memory_space<vmem_shared>> -> memref<32x128xf32, #tpu.memory_space<vmem_shared>>
      tpu.enqueue_dma source(%dma_start3A_271 : memref<32x128xf32, #tpu.memory_space<vmem_shared>>) target(%dma_start3A_269 : memref<32x128xf32, #tpu.memory_space<vmem>>) target_semaphore(%run_scoped3A_260 : memref<!tpu.dma_semaphore, #tpu.memory_space<semaphore_mem>>)
      %dma_wait3A = arith.constant 0 : i32
      %dma_wait3A_272 = arith.constant 0 : i32
      %dma_wait3A_273 = tpu.memref_slice %arg13[%run_scoped3A_132, %dma_wait3A, %dma_wait3A_272] : memref<2x32x128xf32, #tpu.memory_space<vmem>> -> memref<1x32x128xf32, #tpu.memory_space<vmem>>
      %dma_wait3A_274 = tpu.memref_squeeze %dma_wait3A_273 : memref<1x32x128xf32, #tpu.memory_space<vmem>> -> memref<32x128xf32, #tpu.memory_space<vmem>>
      %dma_wait3A_275 = arith.constant 0 : i32
      %dma_wait3A_276 = tpu.memref_slice %arg16[%add3A_131, %dma_wait3A_275] : memref<10240x128xf32, #tpu.memory_space<vmem_shared>> -> memref<32x128xf32, #tpu.memory_space<vmem_shared>>
      %dma_wait3A_277 = arith.constant 0 : i32
      %dma_wait3A_278 = arith.constant 0 : i32
      %dma_wait3A_279 = tpu.memref_slice %arg13[%run_scoped3A_132, %dma_wait3A_277, %dma_wait3A_278] : memref<2x32x128xf32, #tpu.memory_space<vmem>> -> memref<1x32x128xf32, #tpu.memory_space<vmem>>
      %dma_wait3A_280 = tpu.memref_squeeze %dma_wait3A_279 : memref<1x32x128xf32, #tpu.memory_space<vmem>> -> memref<32x128xf32, #tpu.memory_space<vmem>>
      %dma_wait3A_281 = arith.constant 0 : i32
      %dma_wait3A_282 = tpu.memref_slice %arg16[%add3A_131, %dma_wait3A_281] : memref<10240x128xf32, #tpu.memory_space<vmem_shared>> -> memref<32x128xf32, #tpu.memory_space<vmem_shared>>
      tpu.wait_dma2 semaphore(%run_scoped3A_260 : memref<!tpu.dma_semaphore, #tpu.memory_space<semaphore_mem>>) src(%dma_wait3A_282 : memref<32x128xf32, #tpu.memory_space<vmem_shared>>) dst(%dma_wait3A_280 : memref<32x128xf32, #tpu.memory_space<vmem>>)
      tpu.yield
    }) : () -> ()
    %run_scoped3A_133 = arith.constant 0 : i32
    "tpu.region"() ({
      %run_scoped3A_260 = tpu.sem_alloc : memref<!tpu.dma_semaphore, #tpu.memory_space<semaphore_mem>>
      %dma_start3A = arith.constant 0 : i32
      %dma_start3A_261 = arith.constant 0 : i32
      %dma_start3A_262 = tpu.memref_slice %arg13[%run_scoped3A_133, %dma_start3A, %dma_start3A_261] : memref<2x32x128xf32, #tpu.memory_space<vmem>> -> memref<1x32x128xf32, #tpu.memory_space<vmem>>
      %dma_start3A_263 = tpu.memref_squeeze %dma_start3A_262 : memref<1x32x128xf32, #tpu.memory_space<vmem>> -> memref<32x128xf32, #tpu.memory_space<vmem>>
      %dma_start3A_264 = arith.constant 0 : i32
      %dma_start3A_265 = tpu.memref_slice %arg7[%arg0, %add3A_131, %dma_start3A_264] : memref<2x10240x128xf32, #tpu.memory_space<hbm>> -> memref<1x32x128xf32, #tpu.memory_space<hbm>>
      %dma_start3A_266 = tpu.memref_squeeze %dma_start3A_265 : memref<1x32x128xf32, #tpu.memory_space<hbm>> -> memref<32x128xf32, #tpu.memory_space<hbm>>
      %dma_start3A_267 = arith.constant 0 : i32
      %dma_start3A_268 = tpu.memref_slice %arg7[%arg0, %add3A_131, %dma_start3A_267] : memref<2x10240x128xf32, #tpu.memory_space<hbm>> -> memref<1x32x128xf32, #tpu.memory_space<hbm>>
      %dma_start3A_269 = tpu.memref_squeeze %dma_start3A_268 : memref<1x32x128xf32, #tpu.memory_space<hbm>> -> memref<32x128xf32, #tpu.memory_space<hbm>>
      %dma_start3A_270 = arith.constant 0 : i32
      %dma_start3A_271 = arith.constant 0 : i32
      %dma_start3A_272 = tpu.memref_slice %arg13[%run_scoped3A_133, %dma_start3A_270, %dma_start3A_271] : memref<2x32x128xf32, #tpu.memory_space<vmem>> -> memref<1x32x128xf32, #tpu.memory_space<vmem>>
      %dma_start3A_273 = tpu.memref_squeeze %dma_start3A_272 : memref<1x32x128xf32, #tpu.memory_space<vmem>> -> memref<32x128xf32, #tpu.memory_space<vmem>>
      tpu.enqueue_dma source(%dma_start3A_273 : memref<32x128xf32, #tpu.memory_space<vmem>>) target(%dma_start3A_269 : memref<32x128xf32, #tpu.memory_space<hbm>>) target_semaphore(%run_scoped3A_260 : memref<!tpu.dma_semaphore, #tpu.memory_space<semaphore_mem>>)
      %dma_wait3A = arith.constant 0 : i32
      %dma_wait3A_274 = arith.constant 0 : i32
      %dma_wait3A_275 = tpu.memref_slice %arg13[%run_scoped3A_133, %dma_wait3A, %dma_wait3A_274] : memref<2x32x128xf32, #tpu.memory_space<vmem>> -> memref<1x32x128xf32, #tpu.memory_space<vmem>>
      %dma_wait3A_276 = tpu.memref_squeeze %dma_wait3A_275 : memref<1x32x128xf32, #tpu.memory_space<vmem>> -> memref<32x128xf32, #tpu.memory_space<vmem>>
      %dma_wait3A_277 = arith.constant 0 : i32
      %dma_wait3A_278 = tpu.memref_slice %arg7[%arg0, %add3A_131, %dma_wait3A_277] : memref<2x10240x128xf32, #tpu.memory_space<hbm>> -> memref<1x32x128xf32, #tpu.memory_space<hbm>>
      %dma_wait3A_279 = tpu.memref_squeeze %dma_wait3A_278 : memref<1x32x128xf32, #tpu.memory_space<hbm>> -> memref<32x128xf32, #tpu.memory_space<hbm>>
      %dma_wait3A_280 = arith.constant 0 : i32
      %dma_wait3A_281 = tpu.memref_slice %arg7[%arg0, %add3A_131, %dma_wait3A_280] : memref<2x10240x128xf32, #tpu.memory_space<hbm>> -> memref<1x32x128xf32, #tpu.memory_space<hbm>>
      %dma_wait3A_282 = tpu.memref_squeeze %dma_wait3A_281 : memref<1x32x128xf32, #tpu.memory_space<hbm>> -> memref<32x128xf32, #tpu.memory_space<hbm>>
      %dma_wait3A_283 = arith.constant 0 : i32
      %dma_wait3A_284 = arith.constant 0 : i32
      %dma_wait3A_285 = tpu.memref_slice %arg13[%run_scoped3A_133, %dma_wait3A_283, %dma_wait3A_284] : memref<2x32x128xf32, #tpu.memory_space<vmem>> -> memref<1x32x128xf32, #tpu.memory_space<vmem>>
      %dma_wait3A_286 = tpu.memref_squeeze %dma_wait3A_285 : memref<1x32x128xf32, #tpu.memory_space<vmem>> -> memref<32x128xf32, #tpu.memory_space<vmem>>
      tpu.wait_dma2 semaphore(%run_scoped3A_260 : memref<!tpu.dma_semaphore, #tpu.memory_space<semaphore_mem>>) src(%dma_wait3A_286 : memref<32x128xf32, #tpu.memory_space<vmem>>) dst(%dma_wait3A_282 : memref<32x128xf32, #tpu.memory_space<hbm>>)
      tpu.yield
    }) : () -> ()
    %mul3A_134 = arith.constant 640 : i32
    %mul3A_135 = arith.muli %arg1, %mul3A_134 : i32
    %add3A_136 = arith.constant 32 : i32
    %add3A_137 = arith.addi %mul3A_135, %add3A_136 : i32
    %run_scoped3A_138 = arith.constant 0 : i32
    "tpu.region"() ({
      %run_scoped3A_260 = tpu.sem_alloc : memref<!tpu.dma_semaphore, #tpu.memory_space<semaphore_mem>>
      %dma_start3A = arith.constant 0 : i32
      %dma_start3A_261 = arith.constant 0 : i32
      %dma_start3A_262 = tpu.memref_slice %arg13[%run_scoped3A_138, %dma_start3A, %dma_start3A_261] : memref<2x32x128xf32, #tpu.memory_space<vmem>> -> memref<1x32x128xf32, #tpu.memory_space<vmem>>
      %dma_start3A_263 = tpu.memref_squeeze %dma_start3A_262 : memref<1x32x128xf32, #tpu.memory_space<vmem>> -> memref<32x128xf32, #tpu.memory_space<vmem>>
      %dma_start3A_264 = arith.constant 0 : i32
      %dma_start3A_265 = tpu.memref_slice %arg16[%add3A_137, %dma_start3A_264] : memref<10240x128xf32, #tpu.memory_space<vmem_shared>> -> memref<32x128xf32, #tpu.memory_space<vmem_shared>>
      %dma_start3A_266 = arith.constant 0 : i32
      %dma_start3A_267 = arith.constant 0 : i32
      %dma_start3A_268 = tpu.memref_slice %arg13[%run_scoped3A_138, %dma_start3A_266, %dma_start3A_267] : memref<2x32x128xf32, #tpu.memory_space<vmem>> -> memref<1x32x128xf32, #tpu.memory_space<vmem>>
      %dma_start3A_269 = tpu.memref_squeeze %dma_start3A_268 : memref<1x32x128xf32, #tpu.memory_space<vmem>> -> memref<32x128xf32, #tpu.memory_space<vmem>>
      %dma_start3A_270 = arith.constant 0 : i32
      %dma_start3A_271 = tpu.memref_slice %arg16[%add3A_137, %dma_start3A_270] : memref<10240x128xf32, #tpu.memory_space<vmem_shared>> -> memref<32x128xf32, #tpu.memory_space<vmem_shared>>
      tpu.enqueue_dma source(%dma_start3A_271 : memref<32x128xf32, #tpu.memory_space<vmem_shared>>) target(%dma_start3A_269 : memref<32x128xf32, #tpu.memory_space<vmem>>) target_semaphore(%run_scoped3A_260 : memref<!tpu.dma_semaphore, #tpu.memory_space<semaphore_mem>>)
      %dma_wait3A = arith.constant 0 : i32
      %dma_wait3A_272 = arith.constant 0 : i32
      %dma_wait3A_273 = tpu.memref_slice %arg13[%run_scoped3A_138, %dma_wait3A, %dma_wait3A_272] : memref<2x32x128xf32, #tpu.memory_space<vmem>> -> memref<1x32x128xf32, #tpu.memory_space<vmem>>
      %dma_wait3A_274 = tpu.memref_squeeze %dma_wait3A_273 : memref<1x32x128xf32, #tpu.memory_space<vmem>> -> memref<32x128xf32, #tpu.memory_space<vmem>>
      %dma_wait3A_275 = arith.constant 0 : i32
      %dma_wait3A_276 = tpu.memref_slice %arg16[%add3A_137, %dma_wait3A_275] : memref<10240x128xf32, #tpu.memory_space<vmem_shared>> -> memref<32x128xf32, #tpu.memory_space<vmem_shared>>
      %dma_wait3A_277 = arith.constant 0 : i32
      %dma_wait3A_278 = arith.constant 0 : i32
      %dma_wait3A_279 = tpu.memref_slice %arg13[%run_scoped3A_138, %dma_wait3A_277, %dma_wait3A_278] : memref<2x32x128xf32, #tpu.memory_space<vmem>> -> memref<1x32x128xf32, #tpu.memory_space<vmem>>
      %dma_wait3A_280 = tpu.memref_squeeze %dma_wait3A_279 : memref<1x32x128xf32, #tpu.memory_space<vmem>> -> memref<32x128xf32, #tpu.memory_space<vmem>>
      %dma_wait3A_281 = arith.constant 0 : i32
      %dma_wait3A_282 = tpu.memref_slice %arg16[%add3A_137, %dma_wait3A_281] : memref<10240x128xf32, #tpu.memory_space<vmem_shared>> -> memref<32x128xf32, #tpu.memory_space<vmem_shared>>
      tpu.wait_dma2 semaphore(%run_scoped3A_260 : memref<!tpu.dma_semaphore, #tpu.memory_space<semaphore_mem>>) src(%dma_wait3A_282 : memref<32x128xf32, #tpu.memory_space<vmem_shared>>) dst(%dma_wait3A_280 : memref<32x128xf32, #tpu.memory_space<vmem>>)
      tpu.yield
    }) : () -> ()
    %run_scoped3A_139 = arith.constant 0 : i32
    "tpu.region"() ({
      %run_scoped3A_260 = tpu.sem_alloc : memref<!tpu.dma_semaphore, #tpu.memory_space<semaphore_mem>>
      %dma_start3A = arith.constant 0 : i32
      %dma_start3A_261 = arith.constant 0 : i32
      %dma_start3A_262 = tpu.memref_slice %arg13[%run_scoped3A_139, %dma_start3A, %dma_start3A_261] : memref<2x32x128xf32, #tpu.memory_space<vmem>> -> memref<1x32x128xf32, #tpu.memory_space<vmem>>
      %dma_start3A_263 = tpu.memref_squeeze %dma_start3A_262 : memref<1x32x128xf32, #tpu.memory_space<vmem>> -> memref<32x128xf32, #tpu.memory_space<vmem>>
      %dma_start3A_264 = arith.constant 0 : i32
      %dma_start3A_265 = tpu.memref_slice %arg7[%arg0, %add3A_137, %dma_start3A_264] : memref<2x10240x128xf32, #tpu.memory_space<hbm>> -> memref<1x32x128xf32, #tpu.memory_space<hbm>>
      %dma_start3A_266 = tpu.memref_squeeze %dma_start3A_265 : memref<1x32x128xf32, #tpu.memory_space<hbm>> -> memref<32x128xf32, #tpu.memory_space<hbm>>
      %dma_start3A_267 = arith.constant 0 : i32
      %dma_start3A_268 = tpu.memref_slice %arg7[%arg0, %add3A_137, %dma_start3A_267] : memref<2x10240x128xf32, #tpu.memory_space<hbm>> -> memref<1x32x128xf32, #tpu.memory_space<hbm>>
      %dma_start3A_269 = tpu.memref_squeeze %dma_start3A_268 : memref<1x32x128xf32, #tpu.memory_space<hbm>> -> memref<32x128xf32, #tpu.memory_space<hbm>>
      %dma_start3A_270 = arith.constant 0 : i32
      %dma_start3A_271 = arith.constant 0 : i32
      %dma_start3A_272 = tpu.memref_slice %arg13[%run_scoped3A_139, %dma_start3A_270, %dma_start3A_271] : memref<2x32x128xf32, #tpu.memory_space<vmem>> -> memref<1x32x128xf32, #tpu.memory_space<vmem>>
      %dma_start3A_273 = tpu.memref_squeeze %dma_start3A_272 : memref<1x32x128xf32, #tpu.memory_space<vmem>> -> memref<32x128xf32, #tpu.memory_space<vmem>>
      tpu.enqueue_dma source(%dma_start3A_273 : memref<32x128xf32, #tpu.memory_space<vmem>>) target(%dma_start3A_269 : memref<32x128xf32, #tpu.memory_space<hbm>>) target_semaphore(%run_scoped3A_260 : memref<!tpu.dma_semaphore, #tpu.memory_space<semaphore_mem>>)
      %dma_wait3A = arith.constant 0 : i32
      %dma_wait3A_274 = arith.constant 0 : i32
      %dma_wait3A_275 = tpu.memref_slice %arg13[%run_scoped3A_139, %dma_wait3A, %dma_wait3A_274] : memref<2x32x128xf32, #tpu.memory_space<vmem>> -> memref<1x32x128xf32, #tpu.memory_space<vmem>>
      %dma_wait3A_276 = tpu.memref_squeeze %dma_wait3A_275 : memref<1x32x128xf32, #tpu.memory_space<vmem>> -> memref<32x128xf32, #tpu.memory_space<vmem>>
      %dma_wait3A_277 = arith.constant 0 : i32
      %dma_wait3A_278 = tpu.memref_slice %arg7[%arg0, %add3A_137, %dma_wait3A_277] : memref<2x10240x128xf32, #tpu.memory_space<hbm>> -> memref<1x32x128xf32, #tpu.memory_space<hbm>>
      %dma_wait3A_279 = tpu.memref_squeeze %dma_wait3A_278 : memref<1x32x128xf32, #tpu.memory_space<hbm>> -> memref<32x128xf32, #tpu.memory_space<hbm>>
      %dma_wait3A_280 = arith.constant 0 : i32
      %dma_wait3A_281 = tpu.memref_slice %arg7[%arg0, %add3A_137, %dma_wait3A_280] : memref<2x10240x128xf32, #tpu.memory_space<hbm>> -> memref<1x32x128xf32, #tpu.memory_space<hbm>>
      %dma_wait3A_282 = tpu.memref_squeeze %dma_wait3A_281 : memref<1x32x128xf32, #tpu.memory_space<hbm>> -> memref<32x128xf32, #tpu.memory_space<hbm>>
      %dma_wait3A_283 = arith.constant 0 : i32
      %dma_wait3A_284 = arith.constant 0 : i32
      %dma_wait3A_285 = tpu.memref_slice %arg13[%run_scoped3A_139, %dma_wait3A_283, %dma_wait3A_284] : memref<2x32x128xf32, #tpu.memory_space<vmem>> -> memref<1x32x128xf32, #tpu.memory_space<vmem>>
      %dma_wait3A_286 = tpu.memref_squeeze %dma_wait3A_285 : memref<1x32x128xf32, #tpu.memory_space<vmem>> -> memref<32x128xf32, #tpu.memory_space<vmem>>
      tpu.wait_dma2 semaphore(%run_scoped3A_260 : memref<!tpu.dma_semaphore, #tpu.memory_space<semaphore_mem>>) src(%dma_wait3A_286 : memref<32x128xf32, #tpu.memory_space<vmem>>) dst(%dma_wait3A_282 : memref<32x128xf32, #tpu.memory_space<hbm>>)
      tpu.yield
    }) : () -> ()
    %mul3A_140 = arith.constant 640 : i32
    %mul3A_141 = arith.muli %arg1, %mul3A_140 : i32
    %add3A_142 = arith.constant 64 : i32
    %add3A_143 = arith.addi %mul3A_141, %add3A_142 : i32
    %run_scoped3A_144 = arith.constant 0 : i32
    "tpu.region"() ({
      %run_scoped3A_260 = tpu.sem_alloc : memref<!tpu.dma_semaphore, #tpu.memory_space<semaphore_mem>>
      %dma_start3A = arith.constant 0 : i32
      %dma_start3A_261 = arith.constant 0 : i32
      %dma_start3A_262 = tpu.memref_slice %arg13[%run_scoped3A_144, %dma_start3A, %dma_start3A_261] : memref<2x32x128xf32, #tpu.memory_space<vmem>> -> memref<1x32x128xf32, #tpu.memory_space<vmem>>
      %dma_start3A_263 = tpu.memref_squeeze %dma_start3A_262 : memref<1x32x128xf32, #tpu.memory_space<vmem>> -> memref<32x128xf32, #tpu.memory_space<vmem>>
      %dma_start3A_264 = arith.constant 0 : i32
      %dma_start3A_265 = tpu.memref_slice %arg16[%add3A_143, %dma_start3A_264] : memref<10240x128xf32, #tpu.memory_space<vmem_shared>> -> memref<32x128xf32, #tpu.memory_space<vmem_shared>>
      %dma_start3A_266 = arith.constant 0 : i32
      %dma_start3A_267 = arith.constant 0 : i32
      %dma_start3A_268 = tpu.memref_slice %arg13[%run_scoped3A_144, %dma_start3A_266, %dma_start3A_267] : memref<2x32x128xf32, #tpu.memory_space<vmem>> -> memref<1x32x128xf32, #tpu.memory_space<vmem>>
      %dma_start3A_269 = tpu.memref_squeeze %dma_start3A_268 : memref<1x32x128xf32, #tpu.memory_space<vmem>> -> memref<32x128xf32, #tpu.memory_space<vmem>>
      %dma_start3A_270 = arith.constant 0 : i32
      %dma_start3A_271 = tpu.memref_slice %arg16[%add3A_143, %dma_start3A_270] : memref<10240x128xf32, #tpu.memory_space<vmem_shared>> -> memref<32x128xf32, #tpu.memory_space<vmem_shared>>
      tpu.enqueue_dma source(%dma_start3A_271 : memref<32x128xf32, #tpu.memory_space<vmem_shared>>) target(%dma_start3A_269 : memref<32x128xf32, #tpu.memory_space<vmem>>) target_semaphore(%run_scoped3A_260 : memref<!tpu.dma_semaphore, #tpu.memory_space<semaphore_mem>>)
      %dma_wait3A = arith.constant 0 : i32
      %dma_wait3A_272 = arith.constant 0 : i32
      %dma_wait3A_273 = tpu.memref_slice %arg13[%run_scoped3A_144, %dma_wait3A, %dma_wait3A_272] : memref<2x32x128xf32, #tpu.memory_space<vmem>> -> memref<1x32x128xf32, #tpu.memory_space<vmem>>
      %dma_wait3A_274 = tpu.memref_squeeze %dma_wait3A_273 : memref<1x32x128xf32, #tpu.memory_space<vmem>> -> memref<32x128xf32, #tpu.memory_space<vmem>>
      %dma_wait3A_275 = arith.constant 0 : i32
      %dma_wait3A_276 = tpu.memref_slice %arg16[%add3A_143, %dma_wait3A_275] : memref<10240x128xf32, #tpu.memory_space<vmem_shared>> -> memref<32x128xf32, #tpu.memory_space<vmem_shared>>
      %dma_wait3A_277 = arith.constant 0 : i32
      %dma_wait3A_278 = arith.constant 0 : i32
      %dma_wait3A_279 = tpu.memref_slice %arg13[%run_scoped3A_144, %dma_wait3A_277, %dma_wait3A_278] : memref<2x32x128xf32, #tpu.memory_space<vmem>> -> memref<1x32x128xf32, #tpu.memory_space<vmem>>
      %dma_wait3A_280 = tpu.memref_squeeze %dma_wait3A_279 : memref<1x32x128xf32, #tpu.memory_space<vmem>> -> memref<32x128xf32, #tpu.memory_space<vmem>>
      %dma_wait3A_281 = arith.constant 0 : i32
      %dma_wait3A_282 = tpu.memref_slice %arg16[%add3A_143, %dma_wait3A_281] : memref<10240x128xf32, #tpu.memory_space<vmem_shared>> -> memref<32x128xf32, #tpu.memory_space<vmem_shared>>
      tpu.wait_dma2 semaphore(%run_scoped3A_260 : memref<!tpu.dma_semaphore, #tpu.memory_space<semaphore_mem>>) src(%dma_wait3A_282 : memref<32x128xf32, #tpu.memory_space<vmem_shared>>) dst(%dma_wait3A_280 : memref<32x128xf32, #tpu.memory_space<vmem>>)
      tpu.yield
    }) : () -> ()
    %run_scoped3A_145 = arith.constant 0 : i32
    "tpu.region"() ({
      %run_scoped3A_260 = tpu.sem_alloc : memref<!tpu.dma_semaphore, #tpu.memory_space<semaphore_mem>>
      %dma_start3A = arith.constant 0 : i32
      %dma_start3A_261 = arith.constant 0 : i32
      %dma_start3A_262 = tpu.memref_slice %arg13[%run_scoped3A_145, %dma_start3A, %dma_start3A_261] : memref<2x32x128xf32, #tpu.memory_space<vmem>> -> memref<1x32x128xf32, #tpu.memory_space<vmem>>
      %dma_start3A_263 = tpu.memref_squeeze %dma_start3A_262 : memref<1x32x128xf32, #tpu.memory_space<vmem>> -> memref<32x128xf32, #tpu.memory_space<vmem>>
      %dma_start3A_264 = arith.constant 0 : i32
      %dma_start3A_265 = tpu.memref_slice %arg7[%arg0, %add3A_143, %dma_start3A_264] : memref<2x10240x128xf32, #tpu.memory_space<hbm>> -> memref<1x32x128xf32, #tpu.memory_space<hbm>>
      %dma_start3A_266 = tpu.memref_squeeze %dma_start3A_265 : memref<1x32x128xf32, #tpu.memory_space<hbm>> -> memref<32x128xf32, #tpu.memory_space<hbm>>
      %dma_start3A_267 = arith.constant 0 : i32
      %dma_start3A_268 = tpu.memref_slice %arg7[%arg0, %add3A_143, %dma_start3A_267] : memref<2x10240x128xf32, #tpu.memory_space<hbm>> -> memref<1x32x128xf32, #tpu.memory_space<hbm>>
      %dma_start3A_269 = tpu.memref_squeeze %dma_start3A_268 : memref<1x32x128xf32, #tpu.memory_space<hbm>> -> memref<32x128xf32, #tpu.memory_space<hbm>>
      %dma_start3A_270 = arith.constant 0 : i32
      %dma_start3A_271 = arith.constant 0 : i32
      %dma_start3A_272 = tpu.memref_slice %arg13[%run_scoped3A_145, %dma_start3A_270, %dma_start3A_271] : memref<2x32x128xf32, #tpu.memory_space<vmem>> -> memref<1x32x128xf32, #tpu.memory_space<vmem>>
      %dma_start3A_273 = tpu.memref_squeeze %dma_start3A_272 : memref<1x32x128xf32, #tpu.memory_space<vmem>> -> memref<32x128xf32, #tpu.memory_space<vmem>>
      tpu.enqueue_dma source(%dma_start3A_273 : memref<32x128xf32, #tpu.memory_space<vmem>>) target(%dma_start3A_269 : memref<32x128xf32, #tpu.memory_space<hbm>>) target_semaphore(%run_scoped3A_260 : memref<!tpu.dma_semaphore, #tpu.memory_space<semaphore_mem>>)
      %dma_wait3A = arith.constant 0 : i32
      %dma_wait3A_274 = arith.constant 0 : i32
      %dma_wait3A_275 = tpu.memref_slice %arg13[%run_scoped3A_145, %dma_wait3A, %dma_wait3A_274] : memref<2x32x128xf32, #tpu.memory_space<vmem>> -> memref<1x32x128xf32, #tpu.memory_space<vmem>>
      %dma_wait3A_276 = tpu.memref_squeeze %dma_wait3A_275 : memref<1x32x128xf32, #tpu.memory_space<vmem>> -> memref<32x128xf32, #tpu.memory_space<vmem>>
      %dma_wait3A_277 = arith.constant 0 : i32
      %dma_wait3A_278 = tpu.memref_slice %arg7[%arg0, %add3A_143, %dma_wait3A_277] : memref<2x10240x128xf32, #tpu.memory_space<hbm>> -> memref<1x32x128xf32, #tpu.memory_space<hbm>>
      %dma_wait3A_279 = tpu.memref_squeeze %dma_wait3A_278 : memref<1x32x128xf32, #tpu.memory_space<hbm>> -> memref<32x128xf32, #tpu.memory_space<hbm>>
      %dma_wait3A_280 = arith.constant 0 : i32
      %dma_wait3A_281 = tpu.memref_slice %arg7[%arg0, %add3A_143, %dma_wait3A_280] : memref<2x10240x128xf32, #tpu.memory_space<hbm>> -> memref<1x32x128xf32, #tpu.memory_space<hbm>>
      %dma_wait3A_282 = tpu.memref_squeeze %dma_wait3A_281 : memref<1x32x128xf32, #tpu.memory_space<hbm>> -> memref<32x128xf32, #tpu.memory_space<hbm>>
      %dma_wait3A_283 = arith.constant 0 : i32
      %dma_wait3A_284 = arith.constant 0 : i32
      %dma_wait3A_285 = tpu.memref_slice %arg13[%run_scoped3A_145, %dma_wait3A_283, %dma_wait3A_284] : memref<2x32x128xf32, #tpu.memory_space<vmem>> -> memref<1x32x128xf32, #tpu.memory_space<vmem>>
      %dma_wait3A_286 = tpu.memref_squeeze %dma_wait3A_285 : memref<1x32x128xf32, #tpu.memory_space<vmem>> -> memref<32x128xf32, #tpu.memory_space<vmem>>
      tpu.wait_dma2 semaphore(%run_scoped3A_260 : memref<!tpu.dma_semaphore, #tpu.memory_space<semaphore_mem>>) src(%dma_wait3A_286 : memref<32x128xf32, #tpu.memory_space<vmem>>) dst(%dma_wait3A_282 : memref<32x128xf32, #tpu.memory_space<hbm>>)
      tpu.yield
    }) : () -> ()
    %mul3A_146 = arith.constant 640 : i32
    %mul3A_147 = arith.muli %arg1, %mul3A_146 : i32
    %add3A_148 = arith.constant 96 : i32
    %add3A_149 = arith.addi %mul3A_147, %add3A_148 : i32
    %run_scoped3A_150 = arith.constant 0 : i32
    "tpu.region"() ({
      %run_scoped3A_260 = tpu.sem_alloc : memref<!tpu.dma_semaphore, #tpu.memory_space<semaphore_mem>>
      %dma_start3A = arith.constant 0 : i32
      %dma_start3A_261 = arith.constant 0 : i32
      %dma_start3A_262 = tpu.memref_slice %arg13[%run_scoped3A_150, %dma_start3A, %dma_start3A_261] : memref<2x32x128xf32, #tpu.memory_space<vmem>> -> memref<1x32x128xf32, #tpu.memory_space<vmem>>
      %dma_start3A_263 = tpu.memref_squeeze %dma_start3A_262 : memref<1x32x128xf32, #tpu.memory_space<vmem>> -> memref<32x128xf32, #tpu.memory_space<vmem>>
      %dma_start3A_264 = arith.constant 0 : i32
      %dma_start3A_265 = tpu.memref_slice %arg16[%add3A_149, %dma_start3A_264] : memref<10240x128xf32, #tpu.memory_space<vmem_shared>> -> memref<32x128xf32, #tpu.memory_space<vmem_shared>>
      %dma_start3A_266 = arith.constant 0 : i32
      %dma_start3A_267 = arith.constant 0 : i32
      %dma_start3A_268 = tpu.memref_slice %arg13[%run_scoped3A_150, %dma_start3A_266, %dma_start3A_267] : memref<2x32x128xf32, #tpu.memory_space<vmem>> -> memref<1x32x128xf32, #tpu.memory_space<vmem>>
      %dma_start3A_269 = tpu.memref_squeeze %dma_start3A_268 : memref<1x32x128xf32, #tpu.memory_space<vmem>> -> memref<32x128xf32, #tpu.memory_space<vmem>>
      %dma_start3A_270 = arith.constant 0 : i32
      %dma_start3A_271 = tpu.memref_slice %arg16[%add3A_149, %dma_start3A_270] : memref<10240x128xf32, #tpu.memory_space<vmem_shared>> -> memref<32x128xf32, #tpu.memory_space<vmem_shared>>
      tpu.enqueue_dma source(%dma_start3A_271 : memref<32x128xf32, #tpu.memory_space<vmem_shared>>) target(%dma_start3A_269 : memref<32x128xf32, #tpu.memory_space<vmem>>) target_semaphore(%run_scoped3A_260 : memref<!tpu.dma_semaphore, #tpu.memory_space<semaphore_mem>>)
      %dma_wait3A = arith.constant 0 : i32
      %dma_wait3A_272 = arith.constant 0 : i32
      %dma_wait3A_273 = tpu.memref_slice %arg13[%run_scoped3A_150, %dma_wait3A, %dma_wait3A_272] : memref<2x32x128xf32, #tpu.memory_space<vmem>> -> memref<1x32x128xf32, #tpu.memory_space<vmem>>
      %dma_wait3A_274 = tpu.memref_squeeze %dma_wait3A_273 : memref<1x32x128xf32, #tpu.memory_space<vmem>> -> memref<32x128xf32, #tpu.memory_space<vmem>>
      %dma_wait3A_275 = arith.constant 0 : i32
      %dma_wait3A_276 = tpu.memref_slice %arg16[%add3A_149, %dma_wait3A_275] : memref<10240x128xf32, #tpu.memory_space<vmem_shared>> -> memref<32x128xf32, #tpu.memory_space<vmem_shared>>
      %dma_wait3A_277 = arith.constant 0 : i32
      %dma_wait3A_278 = arith.constant 0 : i32
      %dma_wait3A_279 = tpu.memref_slice %arg13[%run_scoped3A_150, %dma_wait3A_277, %dma_wait3A_278] : memref<2x32x128xf32, #tpu.memory_space<vmem>> -> memref<1x32x128xf32, #tpu.memory_space<vmem>>
      %dma_wait3A_280 = tpu.memref_squeeze %dma_wait3A_279 : memref<1x32x128xf32, #tpu.memory_space<vmem>> -> memref<32x128xf32, #tpu.memory_space<vmem>>
      %dma_wait3A_281 = arith.constant 0 : i32
      %dma_wait3A_282 = tpu.memref_slice %arg16[%add3A_149, %dma_wait3A_281] : memref<10240x128xf32, #tpu.memory_space<vmem_shared>> -> memref<32x128xf32, #tpu.memory_space<vmem_shared>>
      tpu.wait_dma2 semaphore(%run_scoped3A_260 : memref<!tpu.dma_semaphore, #tpu.memory_space<semaphore_mem>>) src(%dma_wait3A_282 : memref<32x128xf32, #tpu.memory_space<vmem_shared>>) dst(%dma_wait3A_280 : memref<32x128xf32, #tpu.memory_space<vmem>>)
      tpu.yield
    }) : () -> ()
    %run_scoped3A_151 = arith.constant 0 : i32
    "tpu.region"() ({
      %run_scoped3A_260 = tpu.sem_alloc : memref<!tpu.dma_semaphore, #tpu.memory_space<semaphore_mem>>
      %dma_start3A = arith.constant 0 : i32
      %dma_start3A_261 = arith.constant 0 : i32
      %dma_start3A_262 = tpu.memref_slice %arg13[%run_scoped3A_151, %dma_start3A, %dma_start3A_261] : memref<2x32x128xf32, #tpu.memory_space<vmem>> -> memref<1x32x128xf32, #tpu.memory_space<vmem>>
      %dma_start3A_263 = tpu.memref_squeeze %dma_start3A_262 : memref<1x32x128xf32, #tpu.memory_space<vmem>> -> memref<32x128xf32, #tpu.memory_space<vmem>>
      %dma_start3A_264 = arith.constant 0 : i32
      %dma_start3A_265 = tpu.memref_slice %arg7[%arg0, %add3A_149, %dma_start3A_264] : memref<2x10240x128xf32, #tpu.memory_space<hbm>> -> memref<1x32x128xf32, #tpu.memory_space<hbm>>
      %dma_start3A_266 = tpu.memref_squeeze %dma_start3A_265 : memref<1x32x128xf32, #tpu.memory_space<hbm>> -> memref<32x128xf32, #tpu.memory_space<hbm>>
      %dma_start3A_267 = arith.constant 0 : i32
      %dma_start3A_268 = tpu.memref_slice %arg7[%arg0, %add3A_149, %dma_start3A_267] : memref<2x10240x128xf32, #tpu.memory_space<hbm>> -> memref<1x32x128xf32, #tpu.memory_space<hbm>>
      %dma_start3A_269 = tpu.memref_squeeze %dma_start3A_268 : memref<1x32x128xf32, #tpu.memory_space<hbm>> -> memref<32x128xf32, #tpu.memory_space<hbm>>
      %dma_start3A_270 = arith.constant 0 : i32
      %dma_start3A_271 = arith.constant 0 : i32
      %dma_start3A_272 = tpu.memref_slice %arg13[%run_scoped3A_151, %dma_start3A_270, %dma_start3A_271] : memref<2x32x128xf32, #tpu.memory_space<vmem>> -> memref<1x32x128xf32, #tpu.memory_space<vmem>>
      %dma_start3A_273 = tpu.memref_squeeze %dma_start3A_272 : memref<1x32x128xf32, #tpu.memory_space<vmem>> -> memref<32x128xf32, #tpu.memory_space<vmem>>
      tpu.enqueue_dma source(%dma_start3A_273 : memref<32x128xf32, #tpu.memory_space<vmem>>) target(%dma_start3A_269 : memref<32x128xf32, #tpu.memory_space<hbm>>) target_semaphore(%run_scoped3A_260 : memref<!tpu.dma_semaphore, #tpu.memory_space<semaphore_mem>>)
      %dma_wait3A = arith.constant 0 : i32
      %dma_wait3A_274 = arith.constant 0 : i32
      %dma_wait3A_275 = tpu.memref_slice %arg13[%run_scoped3A_151, %dma_wait3A, %dma_wait3A_274] : memref<2x32x128xf32, #tpu.memory_space<vmem>> -> memref<1x32x128xf32, #tpu.memory_space<vmem>>
      %dma_wait3A_276 = tpu.memref_squeeze %dma_wait3A_275 : memref<1x32x128xf32, #tpu.memory_space<vmem>> -> memref<32x128xf32, #tpu.memory_space<vmem>>
      %dma_wait3A_277 = arith.constant 0 : i32
      %dma_wait3A_278 = tpu.memref_slice %arg7[%arg0, %add3A_149, %dma_wait3A_277] : memref<2x10240x128xf32, #tpu.memory_space<hbm>> -> memref<1x32x128xf32, #tpu.memory_space<hbm>>
      %dma_wait3A_279 = tpu.memref_squeeze %dma_wait3A_278 : memref<1x32x128xf32, #tpu.memory_space<hbm>> -> memref<32x128xf32, #tpu.memory_space<hbm>>
      %dma_wait3A_280 = arith.constant 0 : i32
      %dma_wait3A_281 = tpu.memref_slice %arg7[%arg0, %add3A_149, %dma_wait3A_280] : memref<2x10240x128xf32, #tpu.memory_space<hbm>> -> memref<1x32x128xf32, #tpu.memory_space<hbm>>
      %dma_wait3A_282 = tpu.memref_squeeze %dma_wait3A_281 : memref<1x32x128xf32, #tpu.memory_space<hbm>> -> memref<32x128xf32, #tpu.memory_space<hbm>>
      %dma_wait3A_283 = arith.constant 0 : i32
      %dma_wait3A_284 = arith.constant 0 : i32
      %dma_wait3A_285 = tpu.memref_slice %arg13[%run_scoped3A_151, %dma_wait3A_283, %dma_wait3A_284] : memref<2x32x128xf32, #tpu.memory_space<vmem>> -> memref<1x32x128xf32, #tpu.memory_space<vmem>>
      %dma_wait3A_286 = tpu.memref_squeeze %dma_wait3A_285 : memref<1x32x128xf32, #tpu.memory_space<vmem>> -> memref<32x128xf32, #tpu.memory_space<vmem>>
      tpu.wait_dma2 semaphore(%run_scoped3A_260 : memref<!tpu.dma_semaphore, #tpu.memory_space<semaphore_mem>>) src(%dma_wait3A_286 : memref<32x128xf32, #tpu.memory_space<vmem>>) dst(%dma_wait3A_282 : memref<32x128xf32, #tpu.memory_space<hbm>>)
      tpu.yield
    }) : () -> ()
    %mul3A_152 = arith.constant 640 : i32
    %mul3A_153 = arith.muli %arg1, %mul3A_152 : i32
    %add3A_154 = arith.constant 128 : i32
    %add3A_155 = arith.addi %mul3A_153, %add3A_154 : i32
    %run_scoped3A_156 = arith.constant 0 : i32
    "tpu.region"() ({
      %run_scoped3A_260 = tpu.sem_alloc : memref<!tpu.dma_semaphore, #tpu.memory_space<semaphore_mem>>
      %dma_start3A = arith.constant 0 : i32
      %dma_start3A_261 = arith.constant 0 : i32
      %dma_start3A_262 = tpu.memref_slice %arg13[%run_scoped3A_156, %dma_start3A, %dma_start3A_261] : memref<2x32x128xf32, #tpu.memory_space<vmem>> -> memref<1x32x128xf32, #tpu.memory_space<vmem>>
      %dma_start3A_263 = tpu.memref_squeeze %dma_start3A_262 : memref<1x32x128xf32, #tpu.memory_space<vmem>> -> memref<32x128xf32, #tpu.memory_space<vmem>>
      %dma_start3A_264 = arith.constant 0 : i32
      %dma_start3A_265 = tpu.memref_slice %arg16[%add3A_155, %dma_start3A_264] : memref<10240x128xf32, #tpu.memory_space<vmem_shared>> -> memref<32x128xf32, #tpu.memory_space<vmem_shared>>
      %dma_start3A_266 = arith.constant 0 : i32
      %dma_start3A_267 = arith.constant 0 : i32
      %dma_start3A_268 = tpu.memref_slice %arg13[%run_scoped3A_156, %dma_start3A_266, %dma_start3A_267] : memref<2x32x128xf32, #tpu.memory_space<vmem>> -> memref<1x32x128xf32, #tpu.memory_space<vmem>>
      %dma_start3A_269 = tpu.memref_squeeze %dma_start3A_268 : memref<1x32x128xf32, #tpu.memory_space<vmem>> -> memref<32x128xf32, #tpu.memory_space<vmem>>
      %dma_start3A_270 = arith.constant 0 : i32
      %dma_start3A_271 = tpu.memref_slice %arg16[%add3A_155, %dma_start3A_270] : memref<10240x128xf32, #tpu.memory_space<vmem_shared>> -> memref<32x128xf32, #tpu.memory_space<vmem_shared>>
      tpu.enqueue_dma source(%dma_start3A_271 : memref<32x128xf32, #tpu.memory_space<vmem_shared>>) target(%dma_start3A_269 : memref<32x128xf32, #tpu.memory_space<vmem>>) target_semaphore(%run_scoped3A_260 : memref<!tpu.dma_semaphore, #tpu.memory_space<semaphore_mem>>)
      %dma_wait3A = arith.constant 0 : i32
      %dma_wait3A_272 = arith.constant 0 : i32
      %dma_wait3A_273 = tpu.memref_slice %arg13[%run_scoped3A_156, %dma_wait3A, %dma_wait3A_272] : memref<2x32x128xf32, #tpu.memory_space<vmem>> -> memref<1x32x128xf32, #tpu.memory_space<vmem>>
      %dma_wait3A_274 = tpu.memref_squeeze %dma_wait3A_273 : memref<1x32x128xf32, #tpu.memory_space<vmem>> -> memref<32x128xf32, #tpu.memory_space<vmem>>
      %dma_wait3A_275 = arith.constant 0 : i32
      %dma_wait3A_276 = tpu.memref_slice %arg16[%add3A_155, %dma_wait3A_275] : memref<10240x128xf32, #tpu.memory_space<vmem_shared>> -> memref<32x128xf32, #tpu.memory_space<vmem_shared>>
      %dma_wait3A_277 = arith.constant 0 : i32
      %dma_wait3A_278 = arith.constant 0 : i32
      %dma_wait3A_279 = tpu.memref_slice %arg13[%run_scoped3A_156, %dma_wait3A_277, %dma_wait3A_278] : memref<2x32x128xf32, #tpu.memory_space<vmem>> -> memref<1x32x128xf32, #tpu.memory_space<vmem>>
      %dma_wait3A_280 = tpu.memref_squeeze %dma_wait3A_279 : memref<1x32x128xf32, #tpu.memory_space<vmem>> -> memref<32x128xf32, #tpu.memory_space<vmem>>
      %dma_wait3A_281 = arith.constant 0 : i32
      %dma_wait3A_282 = tpu.memref_slice %arg16[%add3A_155, %dma_wait3A_281] : memref<10240x128xf32, #tpu.memory_space<vmem_shared>> -> memref<32x128xf32, #tpu.memory_space<vmem_shared>>
      tpu.wait_dma2 semaphore(%run_scoped3A_260 : memref<!tpu.dma_semaphore, #tpu.memory_space<semaphore_mem>>) src(%dma_wait3A_282 : memref<32x128xf32, #tpu.memory_space<vmem_shared>>) dst(%dma_wait3A_280 : memref<32x128xf32, #tpu.memory_space<vmem>>)
      tpu.yield
    }) : () -> ()
    %run_scoped3A_157 = arith.constant 0 : i32
    "tpu.region"() ({
      %run_scoped3A_260 = tpu.sem_alloc : memref<!tpu.dma_semaphore, #tpu.memory_space<semaphore_mem>>
      %dma_start3A = arith.constant 0 : i32
      %dma_start3A_261 = arith.constant 0 : i32
      %dma_start3A_262 = tpu.memref_slice %arg13[%run_scoped3A_157, %dma_start3A, %dma_start3A_261] : memref<2x32x128xf32, #tpu.memory_space<vmem>> -> memref<1x32x128xf32, #tpu.memory_space<vmem>>
      %dma_start3A_263 = tpu.memref_squeeze %dma_start3A_262 : memref<1x32x128xf32, #tpu.memory_space<vmem>> -> memref<32x128xf32, #tpu.memory_space<vmem>>
      %dma_start3A_264 = arith.constant 0 : i32
      %dma_start3A_265 = tpu.memref_slice %arg7[%arg0, %add3A_155, %dma_start3A_264] : memref<2x10240x128xf32, #tpu.memory_space<hbm>> -> memref<1x32x128xf32, #tpu.memory_space<hbm>>
      %dma_start3A_266 = tpu.memref_squeeze %dma_start3A_265 : memref<1x32x128xf32, #tpu.memory_space<hbm>> -> memref<32x128xf32, #tpu.memory_space<hbm>>
      %dma_start3A_267 = arith.constant 0 : i32
      %dma_start3A_268 = tpu.memref_slice %arg7[%arg0, %add3A_155, %dma_start3A_267] : memref<2x10240x128xf32, #tpu.memory_space<hbm>> -> memref<1x32x128xf32, #tpu.memory_space<hbm>>
      %dma_start3A_269 = tpu.memref_squeeze %dma_start3A_268 : memref<1x32x128xf32, #tpu.memory_space<hbm>> -> memref<32x128xf32, #tpu.memory_space<hbm>>
      %dma_start3A_270 = arith.constant 0 : i32
      %dma_start3A_271 = arith.constant 0 : i32
      %dma_start3A_272 = tpu.memref_slice %arg13[%run_scoped3A_157, %dma_start3A_270, %dma_start3A_271] : memref<2x32x128xf32, #tpu.memory_space<vmem>> -> memref<1x32x128xf32, #tpu.memory_space<vmem>>
      %dma_start3A_273 = tpu.memref_squeeze %dma_start3A_272 : memref<1x32x128xf32, #tpu.memory_space<vmem>> -> memref<32x128xf32, #tpu.memory_space<vmem>>
      tpu.enqueue_dma source(%dma_start3A_273 : memref<32x128xf32, #tpu.memory_space<vmem>>) target(%dma_start3A_269 : memref<32x128xf32, #tpu.memory_space<hbm>>) target_semaphore(%run_scoped3A_260 : memref<!tpu.dma_semaphore, #tpu.memory_space<semaphore_mem>>)
      %dma_wait3A = arith.constant 0 : i32
      %dma_wait3A_274 = arith.constant 0 : i32
      %dma_wait3A_275 = tpu.memref_slice %arg13[%run_scoped3A_157, %dma_wait3A, %dma_wait3A_274] : memref<2x32x128xf32, #tpu.memory_space<vmem>> -> memref<1x32x128xf32, #tpu.memory_space<vmem>>
      %dma_wait3A_276 = tpu.memref_squeeze %dma_wait3A_275 : memref<1x32x128xf32, #tpu.memory_space<vmem>> -> memref<32x128xf32, #tpu.memory_space<vmem>>
      %dma_wait3A_277 = arith.constant 0 : i32
      %dma_wait3A_278 = tpu.memref_slice %arg7[%arg0, %add3A_155, %dma_wait3A_277] : memref<2x10240x128xf32, #tpu.memory_space<hbm>> -> memref<1x32x128xf32, #tpu.memory_space<hbm>>
      %dma_wait3A_279 = tpu.memref_squeeze %dma_wait3A_278 : memref<1x32x128xf32, #tpu.memory_space<hbm>> -> memref<32x128xf32, #tpu.memory_space<hbm>>
      %dma_wait3A_280 = arith.constant 0 : i32
      %dma_wait3A_281 = tpu.memref_slice %arg7[%arg0, %add3A_155, %dma_wait3A_280] : memref<2x10240x128xf32, #tpu.memory_space<hbm>> -> memref<1x32x128xf32, #tpu.memory_space<hbm>>
      %dma_wait3A_282 = tpu.memref_squeeze %dma_wait3A_281 : memref<1x32x128xf32, #tpu.memory_space<hbm>> -> memref<32x128xf32, #tpu.memory_space<hbm>>
      %dma_wait3A_283 = arith.constant 0 : i32
      %dma_wait3A_284 = arith.constant 0 : i32
      %dma_wait3A_285 = tpu.memref_slice %arg13[%run_scoped3A_157, %dma_wait3A_283, %dma_wait3A_284] : memref<2x32x128xf32, #tpu.memory_space<vmem>> -> memref<1x32x128xf32, #tpu.memory_space<vmem>>
      %dma_wait3A_286 = tpu.memref_squeeze %dma_wait3A_285 : memref<1x32x128xf32, #tpu.memory_space<vmem>> -> memref<32x128xf32, #tpu.memory_space<vmem>>
      tpu.wait_dma2 semaphore(%run_scoped3A_260 : memref<!tpu.dma_semaphore, #tpu.memory_space<semaphore_mem>>) src(%dma_wait3A_286 : memref<32x128xf32, #tpu.memory_space<vmem>>) dst(%dma_wait3A_282 : memref<32x128xf32, #tpu.memory_space<hbm>>)
      tpu.yield
    }) : () -> ()
    %mul3A_158 = arith.constant 640 : i32
    %mul3A_159 = arith.muli %arg1, %mul3A_158 : i32
    %add3A_160 = arith.constant 160 : i32
    %add3A_161 = arith.addi %mul3A_159, %add3A_160 : i32
    %run_scoped3A_162 = arith.constant 0 : i32
    "tpu.region"() ({
      %run_scoped3A_260 = tpu.sem_alloc : memref<!tpu.dma_semaphore, #tpu.memory_space<semaphore_mem>>
      %dma_start3A = arith.constant 0 : i32
      %dma_start3A_261 = arith.constant 0 : i32
      %dma_start3A_262 = tpu.memref_slice %arg13[%run_scoped3A_162, %dma_start3A, %dma_start3A_261] : memref<2x32x128xf32, #tpu.memory_space<vmem>> -> memref<1x32x128xf32, #tpu.memory_space<vmem>>
      %dma_start3A_263 = tpu.memref_squeeze %dma_start3A_262 : memref<1x32x128xf32, #tpu.memory_space<vmem>> -> memref<32x128xf32, #tpu.memory_space<vmem>>
      %dma_start3A_264 = arith.constant 0 : i32
      %dma_start3A_265 = tpu.memref_slice %arg16[%add3A_161, %dma_start3A_264] : memref<10240x128xf32, #tpu.memory_space<vmem_shared>> -> memref<32x128xf32, #tpu.memory_space<vmem_shared>>
      %dma_start3A_266 = arith.constant 0 : i32
      %dma_start3A_267 = arith.constant 0 : i32
      %dma_start3A_268 = tpu.memref_slice %arg13[%run_scoped3A_162, %dma_start3A_266, %dma_start3A_267] : memref<2x32x128xf32, #tpu.memory_space<vmem>> -> memref<1x32x128xf32, #tpu.memory_space<vmem>>
      %dma_start3A_269 = tpu.memref_squeeze %dma_start3A_268 : memref<1x32x128xf32, #tpu.memory_space<vmem>> -> memref<32x128xf32, #tpu.memory_space<vmem>>
      %dma_start3A_270 = arith.constant 0 : i32
      %dma_start3A_271 = tpu.memref_slice %arg16[%add3A_161, %dma_start3A_270] : memref<10240x128xf32, #tpu.memory_space<vmem_shared>> -> memref<32x128xf32, #tpu.memory_space<vmem_shared>>
      tpu.enqueue_dma source(%dma_start3A_271 : memref<32x128xf32, #tpu.memory_space<vmem_shared>>) target(%dma_start3A_269 : memref<32x128xf32, #tpu.memory_space<vmem>>) target_semaphore(%run_scoped3A_260 : memref<!tpu.dma_semaphore, #tpu.memory_space<semaphore_mem>>)
      %dma_wait3A = arith.constant 0 : i32
      %dma_wait3A_272 = arith.constant 0 : i32
      %dma_wait3A_273 = tpu.memref_slice %arg13[%run_scoped3A_162, %dma_wait3A, %dma_wait3A_272] : memref<2x32x128xf32, #tpu.memory_space<vmem>> -> memref<1x32x128xf32, #tpu.memory_space<vmem>>
      %dma_wait3A_274 = tpu.memref_squeeze %dma_wait3A_273 : memref<1x32x128xf32, #tpu.memory_space<vmem>> -> memref<32x128xf32, #tpu.memory_space<vmem>>
      %dma_wait3A_275 = arith.constant 0 : i32
      %dma_wait3A_276 = tpu.memref_slice %arg16[%add3A_161, %dma_wait3A_275] : memref<10240x128xf32, #tpu.memory_space<vmem_shared>> -> memref<32x128xf32, #tpu.memory_space<vmem_shared>>
      %dma_wait3A_277 = arith.constant 0 : i32
      %dma_wait3A_278 = arith.constant 0 : i32
      %dma_wait3A_279 = tpu.memref_slice %arg13[%run_scoped3A_162, %dma_wait3A_277, %dma_wait3A_278] : memref<2x32x128xf32, #tpu.memory_space<vmem>> -> memref<1x32x128xf32, #tpu.memory_space<vmem>>
      %dma_wait3A_280 = tpu.memref_squeeze %dma_wait3A_279 : memref<1x32x128xf32, #tpu.memory_space<vmem>> -> memref<32x128xf32, #tpu.memory_space<vmem>>
      %dma_wait3A_281 = arith.constant 0 : i32
      %dma_wait3A_282 = tpu.memref_slice %arg16[%add3A_161, %dma_wait3A_281] : memref<10240x128xf32, #tpu.memory_space<vmem_shared>> -> memref<32x128xf32, #tpu.memory_space<vmem_shared>>
      tpu.wait_dma2 semaphore(%run_scoped3A_260 : memref<!tpu.dma_semaphore, #tpu.memory_space<semaphore_mem>>) src(%dma_wait3A_282 : memref<32x128xf32, #tpu.memory_space<vmem_shared>>) dst(%dma_wait3A_280 : memref<32x128xf32, #tpu.memory_space<vmem>>)
      tpu.yield
    }) : () -> ()
    %run_scoped3A_163 = arith.constant 0 : i32
    "tpu.region"() ({
      %run_scoped3A_260 = tpu.sem_alloc : memref<!tpu.dma_semaphore, #tpu.memory_space<semaphore_mem>>
      %dma_start3A = arith.constant 0 : i32
      %dma_start3A_261 = arith.constant 0 : i32
      %dma_start3A_262 = tpu.memref_slice %arg13[%run_scoped3A_163, %dma_start3A, %dma_start3A_261] : memref<2x32x128xf32, #tpu.memory_space<vmem>> -> memref<1x32x128xf32, #tpu.memory_space<vmem>>
      %dma_start3A_263 = tpu.memref_squeeze %dma_start3A_262 : memref<1x32x128xf32, #tpu.memory_space<vmem>> -> memref<32x128xf32, #tpu.memory_space<vmem>>
      %dma_start3A_264 = arith.constant 0 : i32
      %dma_start3A_265 = tpu.memref_slice %arg7[%arg0, %add3A_161, %dma_start3A_264] : memref<2x10240x128xf32, #tpu.memory_space<hbm>> -> memref<1x32x128xf32, #tpu.memory_space<hbm>>
      %dma_start3A_266 = tpu.memref_squeeze %dma_start3A_265 : memref<1x32x128xf32, #tpu.memory_space<hbm>> -> memref<32x128xf32, #tpu.memory_space<hbm>>
      %dma_start3A_267 = arith.constant 0 : i32
      %dma_start3A_268 = tpu.memref_slice %arg7[%arg0, %add3A_161, %dma_start3A_267] : memref<2x10240x128xf32, #tpu.memory_space<hbm>> -> memref<1x32x128xf32, #tpu.memory_space<hbm>>
      %dma_start3A_269 = tpu.memref_squeeze %dma_start3A_268 : memref<1x32x128xf32, #tpu.memory_space<hbm>> -> memref<32x128xf32, #tpu.memory_space<hbm>>
      %dma_start3A_270 = arith.constant 0 : i32
      %dma_start3A_271 = arith.constant 0 : i32
      %dma_start3A_272 = tpu.memref_slice %arg13[%run_scoped3A_163, %dma_start3A_270, %dma_start3A_271] : memref<2x32x128xf32, #tpu.memory_space<vmem>> -> memref<1x32x128xf32, #tpu.memory_space<vmem>>
      %dma_start3A_273 = tpu.memref_squeeze %dma_start3A_272 : memref<1x32x128xf32, #tpu.memory_space<vmem>> -> memref<32x128xf32, #tpu.memory_space<vmem>>
      tpu.enqueue_dma source(%dma_start3A_273 : memref<32x128xf32, #tpu.memory_space<vmem>>) target(%dma_start3A_269 : memref<32x128xf32, #tpu.memory_space<hbm>>) target_semaphore(%run_scoped3A_260 : memref<!tpu.dma_semaphore, #tpu.memory_space<semaphore_mem>>)
      %dma_wait3A = arith.constant 0 : i32
      %dma_wait3A_274 = arith.constant 0 : i32
      %dma_wait3A_275 = tpu.memref_slice %arg13[%run_scoped3A_163, %dma_wait3A, %dma_wait3A_274] : memref<2x32x128xf32, #tpu.memory_space<vmem>> -> memref<1x32x128xf32, #tpu.memory_space<vmem>>
      %dma_wait3A_276 = tpu.memref_squeeze %dma_wait3A_275 : memref<1x32x128xf32, #tpu.memory_space<vmem>> -> memref<32x128xf32, #tpu.memory_space<vmem>>
      %dma_wait3A_277 = arith.constant 0 : i32
      %dma_wait3A_278 = tpu.memref_slice %arg7[%arg0, %add3A_161, %dma_wait3A_277] : memref<2x10240x128xf32, #tpu.memory_space<hbm>> -> memref<1x32x128xf32, #tpu.memory_space<hbm>>
      %dma_wait3A_279 = tpu.memref_squeeze %dma_wait3A_278 : memref<1x32x128xf32, #tpu.memory_space<hbm>> -> memref<32x128xf32, #tpu.memory_space<hbm>>
      %dma_wait3A_280 = arith.constant 0 : i32
      %dma_wait3A_281 = tpu.memref_slice %arg7[%arg0, %add3A_161, %dma_wait3A_280] : memref<2x10240x128xf32, #tpu.memory_space<hbm>> -> memref<1x32x128xf32, #tpu.memory_space<hbm>>
      %dma_wait3A_282 = tpu.memref_squeeze %dma_wait3A_281 : memref<1x32x128xf32, #tpu.memory_space<hbm>> -> memref<32x128xf32, #tpu.memory_space<hbm>>
      %dma_wait3A_283 = arith.constant 0 : i32
      %dma_wait3A_284 = arith.constant 0 : i32
      %dma_wait3A_285 = tpu.memref_slice %arg13[%run_scoped3A_163, %dma_wait3A_283, %dma_wait3A_284] : memref<2x32x128xf32, #tpu.memory_space<vmem>> -> memref<1x32x128xf32, #tpu.memory_space<vmem>>
      %dma_wait3A_286 = tpu.memref_squeeze %dma_wait3A_285 : memref<1x32x128xf32, #tpu.memory_space<vmem>> -> memref<32x128xf32, #tpu.memory_space<vmem>>
      tpu.wait_dma2 semaphore(%run_scoped3A_260 : memref<!tpu.dma_semaphore, #tpu.memory_space<semaphore_mem>>) src(%dma_wait3A_286 : memref<32x128xf32, #tpu.memory_space<vmem>>) dst(%dma_wait3A_282 : memref<32x128xf32, #tpu.memory_space<hbm>>)
      tpu.yield
    }) : () -> ()
    %mul3A_164 = arith.constant 640 : i32
    %mul3A_165 = arith.muli %arg1, %mul3A_164 : i32
    %add3A_166 = arith.constant 192 : i32
    %add3A_167 = arith.addi %mul3A_165, %add3A_166 : i32
    %run_scoped3A_168 = arith.constant 0 : i32
    "tpu.region"() ({
      %run_scoped3A_260 = tpu.sem_alloc : memref<!tpu.dma_semaphore, #tpu.memory_space<semaphore_mem>>
      %dma_start3A = arith.constant 0 : i32
      %dma_start3A_261 = arith.constant 0 : i32
      %dma_start3A_262 = tpu.memref_slice %arg13[%run_scoped3A_168, %dma_start3A, %dma_start3A_261] : memref<2x32x128xf32, #tpu.memory_space<vmem>> -> memref<1x32x128xf32, #tpu.memory_space<vmem>>
      %dma_start3A_263 = tpu.memref_squeeze %dma_start3A_262 : memref<1x32x128xf32, #tpu.memory_space<vmem>> -> memref<32x128xf32, #tpu.memory_space<vmem>>
      %dma_start3A_264 = arith.constant 0 : i32
      %dma_start3A_265 = tpu.memref_slice %arg16[%add3A_167, %dma_start3A_264] : memref<10240x128xf32, #tpu.memory_space<vmem_shared>> -> memref<32x128xf32, #tpu.memory_space<vmem_shared>>
      %dma_start3A_266 = arith.constant 0 : i32
      %dma_start3A_267 = arith.constant 0 : i32
      %dma_start3A_268 = tpu.memref_slice %arg13[%run_scoped3A_168, %dma_start3A_266, %dma_start3A_267] : memref<2x32x128xf32, #tpu.memory_space<vmem>> -> memref<1x32x128xf32, #tpu.memory_space<vmem>>
      %dma_start3A_269 = tpu.memref_squeeze %dma_start3A_268 : memref<1x32x128xf32, #tpu.memory_space<vmem>> -> memref<32x128xf32, #tpu.memory_space<vmem>>
      %dma_start3A_270 = arith.constant 0 : i32
      %dma_start3A_271 = tpu.memref_slice %arg16[%add3A_167, %dma_start3A_270] : memref<10240x128xf32, #tpu.memory_space<vmem_shared>> -> memref<32x128xf32, #tpu.memory_space<vmem_shared>>
      tpu.enqueue_dma source(%dma_start3A_271 : memref<32x128xf32, #tpu.memory_space<vmem_shared>>) target(%dma_start3A_269 : memref<32x128xf32, #tpu.memory_space<vmem>>) target_semaphore(%run_scoped3A_260 : memref<!tpu.dma_semaphore, #tpu.memory_space<semaphore_mem>>)
      %dma_wait3A = arith.constant 0 : i32
      %dma_wait3A_272 = arith.constant 0 : i32
      %dma_wait3A_273 = tpu.memref_slice %arg13[%run_scoped3A_168, %dma_wait3A, %dma_wait3A_272] : memref<2x32x128xf32, #tpu.memory_space<vmem>> -> memref<1x32x128xf32, #tpu.memory_space<vmem>>
      %dma_wait3A_274 = tpu.memref_squeeze %dma_wait3A_273 : memref<1x32x128xf32, #tpu.memory_space<vmem>> -> memref<32x128xf32, #tpu.memory_space<vmem>>
      %dma_wait3A_275 = arith.constant 0 : i32
      %dma_wait3A_276 = tpu.memref_slice %arg16[%add3A_167, %dma_wait3A_275] : memref<10240x128xf32, #tpu.memory_space<vmem_shared>> -> memref<32x128xf32, #tpu.memory_space<vmem_shared>>
      %dma_wait3A_277 = arith.constant 0 : i32
      %dma_wait3A_278 = arith.constant 0 : i32
      %dma_wait3A_279 = tpu.memref_slice %arg13[%run_scoped3A_168, %dma_wait3A_277, %dma_wait3A_278] : memref<2x32x128xf32, #tpu.memory_space<vmem>> -> memref<1x32x128xf32, #tpu.memory_space<vmem>>
      %dma_wait3A_280 = tpu.memref_squeeze %dma_wait3A_279 : memref<1x32x128xf32, #tpu.memory_space<vmem>> -> memref<32x128xf32, #tpu.memory_space<vmem>>
      %dma_wait3A_281 = arith.constant 0 : i32
      %dma_wait3A_282 = tpu.memref_slice %arg16[%add3A_167, %dma_wait3A_281] : memref<10240x128xf32, #tpu.memory_space<vmem_shared>> -> memref<32x128xf32, #tpu.memory_space<vmem_shared>>
      tpu.wait_dma2 semaphore(%run_scoped3A_260 : memref<!tpu.dma_semaphore, #tpu.memory_space<semaphore_mem>>) src(%dma_wait3A_282 : memref<32x128xf32, #tpu.memory_space<vmem_shared>>) dst(%dma_wait3A_280 : memref<32x128xf32, #tpu.memory_space<vmem>>)
      tpu.yield
    }) : () -> ()
    %run_scoped3A_169 = arith.constant 0 : i32
    "tpu.region"() ({
      %run_scoped3A_260 = tpu.sem_alloc : memref<!tpu.dma_semaphore, #tpu.memory_space<semaphore_mem>>
      %dma_start3A = arith.constant 0 : i32
      %dma_start3A_261 = arith.constant 0 : i32
      %dma_start3A_262 = tpu.memref_slice %arg13[%run_scoped3A_169, %dma_start3A, %dma_start3A_261] : memref<2x32x128xf32, #tpu.memory_space<vmem>> -> memref<1x32x128xf32, #tpu.memory_space<vmem>>
      %dma_start3A_263 = tpu.memref_squeeze %dma_start3A_262 : memref<1x32x128xf32, #tpu.memory_space<vmem>> -> memref<32x128xf32, #tpu.memory_space<vmem>>
      %dma_start3A_264 = arith.constant 0 : i32
      %dma_start3A_265 = tpu.memref_slice %arg7[%arg0, %add3A_167, %dma_start3A_264] : memref<2x10240x128xf32, #tpu.memory_space<hbm>> -> memref<1x32x128xf32, #tpu.memory_space<hbm>>
      %dma_start3A_266 = tpu.memref_squeeze %dma_start3A_265 : memref<1x32x128xf32, #tpu.memory_space<hbm>> -> memref<32x128xf32, #tpu.memory_space<hbm>>
      %dma_start3A_267 = arith.constant 0 : i32
      %dma_start3A_268 = tpu.memref_slice %arg7[%arg0, %add3A_167, %dma_start3A_267] : memref<2x10240x128xf32, #tpu.memory_space<hbm>> -> memref<1x32x128xf32, #tpu.memory_space<hbm>>
      %dma_start3A_269 = tpu.memref_squeeze %dma_start3A_268 : memref<1x32x128xf32, #tpu.memory_space<hbm>> -> memref<32x128xf32, #tpu.memory_space<hbm>>
      %dma_start3A_270 = arith.constant 0 : i32
      %dma_start3A_271 = arith.constant 0 : i32
      %dma_start3A_272 = tpu.memref_slice %arg13[%run_scoped3A_169, %dma_start3A_270, %dma_start3A_271] : memref<2x32x128xf32, #tpu.memory_space<vmem>> -> memref<1x32x128xf32, #tpu.memory_space<vmem>>
      %dma_start3A_273 = tpu.memref_squeeze %dma_start3A_272 : memref<1x32x128xf32, #tpu.memory_space<vmem>> -> memref<32x128xf32, #tpu.memory_space<vmem>>
      tpu.enqueue_dma source(%dma_start3A_273 : memref<32x128xf32, #tpu.memory_space<vmem>>) target(%dma_start3A_269 : memref<32x128xf32, #tpu.memory_space<hbm>>) target_semaphore(%run_scoped3A_260 : memref<!tpu.dma_semaphore, #tpu.memory_space<semaphore_mem>>)
      %dma_wait3A = arith.constant 0 : i32
      %dma_wait3A_274 = arith.constant 0 : i32
      %dma_wait3A_275 = tpu.memref_slice %arg13[%run_scoped3A_169, %dma_wait3A, %dma_wait3A_274] : memref<2x32x128xf32, #tpu.memory_space<vmem>> -> memref<1x32x128xf32, #tpu.memory_space<vmem>>
      %dma_wait3A_276 = tpu.memref_squeeze %dma_wait3A_275 : memref<1x32x128xf32, #tpu.memory_space<vmem>> -> memref<32x128xf32, #tpu.memory_space<vmem>>
      %dma_wait3A_277 = arith.constant 0 : i32
      %dma_wait3A_278 = tpu.memref_slice %arg7[%arg0, %add3A_167, %dma_wait3A_277] : memref<2x10240x128xf32, #tpu.memory_space<hbm>> -> memref<1x32x128xf32, #tpu.memory_space<hbm>>
      %dma_wait3A_279 = tpu.memref_squeeze %dma_wait3A_278 : memref<1x32x128xf32, #tpu.memory_space<hbm>> -> memref<32x128xf32, #tpu.memory_space<hbm>>
      %dma_wait3A_280 = arith.constant 0 : i32
      %dma_wait3A_281 = tpu.memref_slice %arg7[%arg0, %add3A_167, %dma_wait3A_280] : memref<2x10240x128xf32, #tpu.memory_space<hbm>> -> memref<1x32x128xf32, #tpu.memory_space<hbm>>
      %dma_wait3A_282 = tpu.memref_squeeze %dma_wait3A_281 : memref<1x32x128xf32, #tpu.memory_space<hbm>> -> memref<32x128xf32, #tpu.memory_space<hbm>>
      %dma_wait3A_283 = arith.constant 0 : i32
      %dma_wait3A_284 = arith.constant 0 : i32
      %dma_wait3A_285 = tpu.memref_slice %arg13[%run_scoped3A_169, %dma_wait3A_283, %dma_wait3A_284] : memref<2x32x128xf32, #tpu.memory_space<vmem>> -> memref<1x32x128xf32, #tpu.memory_space<vmem>>
      %dma_wait3A_286 = tpu.memref_squeeze %dma_wait3A_285 : memref<1x32x128xf32, #tpu.memory_space<vmem>> -> memref<32x128xf32, #tpu.memory_space<vmem>>
      tpu.wait_dma2 semaphore(%run_scoped3A_260 : memref<!tpu.dma_semaphore, #tpu.memory_space<semaphore_mem>>) src(%dma_wait3A_286 : memref<32x128xf32, #tpu.memory_space<vmem>>) dst(%dma_wait3A_282 : memref<32x128xf32, #tpu.memory_space<hbm>>)
      tpu.yield
    }) : () -> ()
    %mul3A_170 = arith.constant 640 : i32
    %mul3A_171 = arith.muli %arg1, %mul3A_170 : i32
    %add3A_172 = arith.constant 224 : i32
    %add3A_173 = arith.addi %mul3A_171, %add3A_172 : i32
    %run_scoped3A_174 = arith.constant 0 : i32
    "tpu.region"() ({
      %run_scoped3A_260 = tpu.sem_alloc : memref<!tpu.dma_semaphore, #tpu.memory_space<semaphore_mem>>
      %dma_start3A = arith.constant 0 : i32
      %dma_start3A_261 = arith.constant 0 : i32
      %dma_start3A_262 = tpu.memref_slice %arg13[%run_scoped3A_174, %dma_start3A, %dma_start3A_261] : memref<2x32x128xf32, #tpu.memory_space<vmem>> -> memref<1x32x128xf32, #tpu.memory_space<vmem>>
      %dma_start3A_263 = tpu.memref_squeeze %dma_start3A_262 : memref<1x32x128xf32, #tpu.memory_space<vmem>> -> memref<32x128xf32, #tpu.memory_space<vmem>>
      %dma_start3A_264 = arith.constant 0 : i32
      %dma_start3A_265 = tpu.memref_slice %arg16[%add3A_173, %dma_start3A_264] : memref<10240x128xf32, #tpu.memory_space<vmem_shared>> -> memref<32x128xf32, #tpu.memory_space<vmem_shared>>
      %dma_start3A_266 = arith.constant 0 : i32
      %dma_start3A_267 = arith.constant 0 : i32
      %dma_start3A_268 = tpu.memref_slice %arg13[%run_scoped3A_174, %dma_start3A_266, %dma_start3A_267] : memref<2x32x128xf32, #tpu.memory_space<vmem>> -> memref<1x32x128xf32, #tpu.memory_space<vmem>>
      %dma_start3A_269 = tpu.memref_squeeze %dma_start3A_268 : memref<1x32x128xf32, #tpu.memory_space<vmem>> -> memref<32x128xf32, #tpu.memory_space<vmem>>
      %dma_start3A_270 = arith.constant 0 : i32
      %dma_start3A_271 = tpu.memref_slice %arg16[%add3A_173, %dma_start3A_270] : memref<10240x128xf32, #tpu.memory_space<vmem_shared>> -> memref<32x128xf32, #tpu.memory_space<vmem_shared>>
      tpu.enqueue_dma source(%dma_start3A_271 : memref<32x128xf32, #tpu.memory_space<vmem_shared>>) target(%dma_start3A_269 : memref<32x128xf32, #tpu.memory_space<vmem>>) target_semaphore(%run_scoped3A_260 : memref<!tpu.dma_semaphore, #tpu.memory_space<semaphore_mem>>)
      %dma_wait3A = arith.constant 0 : i32
      %dma_wait3A_272 = arith.constant 0 : i32
      %dma_wait3A_273 = tpu.memref_slice %arg13[%run_scoped3A_174, %dma_wait3A, %dma_wait3A_272] : memref<2x32x128xf32, #tpu.memory_space<vmem>> -> memref<1x32x128xf32, #tpu.memory_space<vmem>>
      %dma_wait3A_274 = tpu.memref_squeeze %dma_wait3A_273 : memref<1x32x128xf32, #tpu.memory_space<vmem>> -> memref<32x128xf32, #tpu.memory_space<vmem>>
      %dma_wait3A_275 = arith.constant 0 : i32
      %dma_wait3A_276 = tpu.memref_slice %arg16[%add3A_173, %dma_wait3A_275] : memref<10240x128xf32, #tpu.memory_space<vmem_shared>> -> memref<32x128xf32, #tpu.memory_space<vmem_shared>>
      %dma_wait3A_277 = arith.constant 0 : i32
      %dma_wait3A_278 = arith.constant 0 : i32
      %dma_wait3A_279 = tpu.memref_slice %arg13[%run_scoped3A_174, %dma_wait3A_277, %dma_wait3A_278] : memref<2x32x128xf32, #tpu.memory_space<vmem>> -> memref<1x32x128xf32, #tpu.memory_space<vmem>>
      %dma_wait3A_280 = tpu.memref_squeeze %dma_wait3A_279 : memref<1x32x128xf32, #tpu.memory_space<vmem>> -> memref<32x128xf32, #tpu.memory_space<vmem>>
      %dma_wait3A_281 = arith.constant 0 : i32
      %dma_wait3A_282 = tpu.memref_slice %arg16[%add3A_173, %dma_wait3A_281] : memref<10240x128xf32, #tpu.memory_space<vmem_shared>> -> memref<32x128xf32, #tpu.memory_space<vmem_shared>>
      tpu.wait_dma2 semaphore(%run_scoped3A_260 : memref<!tpu.dma_semaphore, #tpu.memory_space<semaphore_mem>>) src(%dma_wait3A_282 : memref<32x128xf32, #tpu.memory_space<vmem_shared>>) dst(%dma_wait3A_280 : memref<32x128xf32, #tpu.memory_space<vmem>>)
      tpu.yield
    }) : () -> ()
    %run_scoped3A_175 = arith.constant 0 : i32
    "tpu.region"() ({
      %run_scoped3A_260 = tpu.sem_alloc : memref<!tpu.dma_semaphore, #tpu.memory_space<semaphore_mem>>
      %dma_start3A = arith.constant 0 : i32
      %dma_start3A_261 = arith.constant 0 : i32
      %dma_start3A_262 = tpu.memref_slice %arg13[%run_scoped3A_175, %dma_start3A, %dma_start3A_261] : memref<2x32x128xf32, #tpu.memory_space<vmem>> -> memref<1x32x128xf32, #tpu.memory_space<vmem>>
      %dma_start3A_263 = tpu.memref_squeeze %dma_start3A_262 : memref<1x32x128xf32, #tpu.memory_space<vmem>> -> memref<32x128xf32, #tpu.memory_space<vmem>>
      %dma_start3A_264 = arith.constant 0 : i32
      %dma_start3A_265 = tpu.memref_slice %arg7[%arg0, %add3A_173, %dma_start3A_264] : memref<2x10240x128xf32, #tpu.memory_space<hbm>> -> memref<1x32x128xf32, #tpu.memory_space<hbm>>
      %dma_start3A_266 = tpu.memref_squeeze %dma_start3A_265 : memref<1x32x128xf32, #tpu.memory_space<hbm>> -> memref<32x128xf32, #tpu.memory_space<hbm>>
      %dma_start3A_267 = arith.constant 0 : i32
      %dma_start3A_268 = tpu.memref_slice %arg7[%arg0, %add3A_173, %dma_start3A_267] : memref<2x10240x128xf32, #tpu.memory_space<hbm>> -> memref<1x32x128xf32, #tpu.memory_space<hbm>>
      %dma_start3A_269 = tpu.memref_squeeze %dma_start3A_268 : memref<1x32x128xf32, #tpu.memory_space<hbm>> -> memref<32x128xf32, #tpu.memory_space<hbm>>
      %dma_start3A_270 = arith.constant 0 : i32
      %dma_start3A_271 = arith.constant 0 : i32
      %dma_start3A_272 = tpu.memref_slice %arg13[%run_scoped3A_175, %dma_start3A_270, %dma_start3A_271] : memref<2x32x128xf32, #tpu.memory_space<vmem>> -> memref<1x32x128xf32, #tpu.memory_space<vmem>>
      %dma_start3A_273 = tpu.memref_squeeze %dma_start3A_272 : memref<1x32x128xf32, #tpu.memory_space<vmem>> -> memref<32x128xf32, #tpu.memory_space<vmem>>
      tpu.enqueue_dma source(%dma_start3A_273 : memref<32x128xf32, #tpu.memory_space<vmem>>) target(%dma_start3A_269 : memref<32x128xf32, #tpu.memory_space<hbm>>) target_semaphore(%run_scoped3A_260 : memref<!tpu.dma_semaphore, #tpu.memory_space<semaphore_mem>>)
      %dma_wait3A = arith.constant 0 : i32
      %dma_wait3A_274 = arith.constant 0 : i32
      %dma_wait3A_275 = tpu.memref_slice %arg13[%run_scoped3A_175, %dma_wait3A, %dma_wait3A_274] : memref<2x32x128xf32, #tpu.memory_space<vmem>> -> memref<1x32x128xf32, #tpu.memory_space<vmem>>
      %dma_wait3A_276 = tpu.memref_squeeze %dma_wait3A_275 : memref<1x32x128xf32, #tpu.memory_space<vmem>> -> memref<32x128xf32, #tpu.memory_space<vmem>>
      %dma_wait3A_277 = arith.constant 0 : i32
      %dma_wait3A_278 = tpu.memref_slice %arg7[%arg0, %add3A_173, %dma_wait3A_277] : memref<2x10240x128xf32, #tpu.memory_space<hbm>> -> memref<1x32x128xf32, #tpu.memory_space<hbm>>
      %dma_wait3A_279 = tpu.memref_squeeze %dma_wait3A_278 : memref<1x32x128xf32, #tpu.memory_space<hbm>> -> memref<32x128xf32, #tpu.memory_space<hbm>>
      %dma_wait3A_280 = arith.constant 0 : i32
      %dma_wait3A_281 = tpu.memref_slice %arg7[%arg0, %add3A_173, %dma_wait3A_280] : memref<2x10240x128xf32, #tpu.memory_space<hbm>> -> memref<1x32x128xf32, #tpu.memory_space<hbm>>
      %dma_wait3A_282 = tpu.memref_squeeze %dma_wait3A_281 : memref<1x32x128xf32, #tpu.memory_space<hbm>> -> memref<32x128xf32, #tpu.memory_space<hbm>>
      %dma_wait3A_283 = arith.constant 0 : i32
      %dma_wait3A_284 = arith.constant 0 : i32
      %dma_wait3A_285 = tpu.memref_slice %arg13[%run_scoped3A_175, %dma_wait3A_283, %dma_wait3A_284] : memref<2x32x128xf32, #tpu.memory_space<vmem>> -> memref<1x32x128xf32, #tpu.memory_space<vmem>>
      %dma_wait3A_286 = tpu.memref_squeeze %dma_wait3A_285 : memref<1x32x128xf32, #tpu.memory_space<vmem>> -> memref<32x128xf32, #tpu.memory_space<vmem>>
      tpu.wait_dma2 semaphore(%run_scoped3A_260 : memref<!tpu.dma_semaphore, #tpu.memory_space<semaphore_mem>>) src(%dma_wait3A_286 : memref<32x128xf32, #tpu.memory_space<vmem>>) dst(%dma_wait3A_282 : memref<32x128xf32, #tpu.memory_space<hbm>>)
      tpu.yield
    }) : () -> ()
    %mul3A_176 = arith.constant 640 : i32
    %mul3A_177 = arith.muli %arg1, %mul3A_176 : i32
    %add3A_178 = arith.constant 256 : i32
    %add3A_179 = arith.addi %mul3A_177, %add3A_178 : i32
    %run_scoped3A_180 = arith.constant 0 : i32
    "tpu.region"() ({
      %run_scoped3A_260 = tpu.sem_alloc : memref<!tpu.dma_semaphore, #tpu.memory_space<semaphore_mem>>
      %dma_start3A = arith.constant 0 : i32
      %dma_start3A_261 = arith.constant 0 : i32
      %dma_start3A_262 = tpu.memref_slice %arg13[%run_scoped3A_180, %dma_start3A, %dma_start3A_261] : memref<2x32x128xf32, #tpu.memory_space<vmem>> -> memref<1x32x128xf32, #tpu.memory_space<vmem>>
      %dma_start3A_263 = tpu.memref_squeeze %dma_start3A_262 : memref<1x32x128xf32, #tpu.memory_space<vmem>> -> memref<32x128xf32, #tpu.memory_space<vmem>>
      %dma_start3A_264 = arith.constant 0 : i32
      %dma_start3A_265 = tpu.memref_slice %arg16[%add3A_179, %dma_start3A_264] : memref<10240x128xf32, #tpu.memory_space<vmem_shared>> -> memref<32x128xf32, #tpu.memory_space<vmem_shared>>
      %dma_start3A_266 = arith.constant 0 : i32
      %dma_start3A_267 = arith.constant 0 : i32
      %dma_start3A_268 = tpu.memref_slice %arg13[%run_scoped3A_180, %dma_start3A_266, %dma_start3A_267] : memref<2x32x128xf32, #tpu.memory_space<vmem>> -> memref<1x32x128xf32, #tpu.memory_space<vmem>>
      %dma_start3A_269 = tpu.memref_squeeze %dma_start3A_268 : memref<1x32x128xf32, #tpu.memory_space<vmem>> -> memref<32x128xf32, #tpu.memory_space<vmem>>
      %dma_start3A_270 = arith.constant 0 : i32
      %dma_start3A_271 = tpu.memref_slice %arg16[%add3A_179, %dma_start3A_270] : memref<10240x128xf32, #tpu.memory_space<vmem_shared>> -> memref<32x128xf32, #tpu.memory_space<vmem_shared>>
      tpu.enqueue_dma source(%dma_start3A_271 : memref<32x128xf32, #tpu.memory_space<vmem_shared>>) target(%dma_start3A_269 : memref<32x128xf32, #tpu.memory_space<vmem>>) target_semaphore(%run_scoped3A_260 : memref<!tpu.dma_semaphore, #tpu.memory_space<semaphore_mem>>)
      %dma_wait3A = arith.constant 0 : i32
      %dma_wait3A_272 = arith.constant 0 : i32
      %dma_wait3A_273 = tpu.memref_slice %arg13[%run_scoped3A_180, %dma_wait3A, %dma_wait3A_272] : memref<2x32x128xf32, #tpu.memory_space<vmem>> -> memref<1x32x128xf32, #tpu.memory_space<vmem>>
      %dma_wait3A_274 = tpu.memref_squeeze %dma_wait3A_273 : memref<1x32x128xf32, #tpu.memory_space<vmem>> -> memref<32x128xf32, #tpu.memory_space<vmem>>
      %dma_wait3A_275 = arith.constant 0 : i32
      %dma_wait3A_276 = tpu.memref_slice %arg16[%add3A_179, %dma_wait3A_275] : memref<10240x128xf32, #tpu.memory_space<vmem_shared>> -> memref<32x128xf32, #tpu.memory_space<vmem_shared>>
      %dma_wait3A_277 = arith.constant 0 : i32
      %dma_wait3A_278 = arith.constant 0 : i32
      %dma_wait3A_279 = tpu.memref_slice %arg13[%run_scoped3A_180, %dma_wait3A_277, %dma_wait3A_278] : memref<2x32x128xf32, #tpu.memory_space<vmem>> -> memref<1x32x128xf32, #tpu.memory_space<vmem>>
      %dma_wait3A_280 = tpu.memref_squeeze %dma_wait3A_279 : memref<1x32x128xf32, #tpu.memory_space<vmem>> -> memref<32x128xf32, #tpu.memory_space<vmem>>
      %dma_wait3A_281 = arith.constant 0 : i32
      %dma_wait3A_282 = tpu.memref_slice %arg16[%add3A_179, %dma_wait3A_281] : memref<10240x128xf32, #tpu.memory_space<vmem_shared>> -> memref<32x128xf32, #tpu.memory_space<vmem_shared>>
      tpu.wait_dma2 semaphore(%run_scoped3A_260 : memref<!tpu.dma_semaphore, #tpu.memory_space<semaphore_mem>>) src(%dma_wait3A_282 : memref<32x128xf32, #tpu.memory_space<vmem_shared>>) dst(%dma_wait3A_280 : memref<32x128xf32, #tpu.memory_space<vmem>>)
      tpu.yield
    }) : () -> ()
    %run_scoped3A_181 = arith.constant 0 : i32
    "tpu.region"() ({
      %run_scoped3A_260 = tpu.sem_alloc : memref<!tpu.dma_semaphore, #tpu.memory_space<semaphore_mem>>
      %dma_start3A = arith.constant 0 : i32
      %dma_start3A_261 = arith.constant 0 : i32
      %dma_start3A_262 = tpu.memref_slice %arg13[%run_scoped3A_181, %dma_start3A, %dma_start3A_261] : memref<2x32x128xf32, #tpu.memory_space<vmem>> -> memref<1x32x128xf32, #tpu.memory_space<vmem>>
      %dma_start3A_263 = tpu.memref_squeeze %dma_start3A_262 : memref<1x32x128xf32, #tpu.memory_space<vmem>> -> memref<32x128xf32, #tpu.memory_space<vmem>>
      %dma_start3A_264 = arith.constant 0 : i32
      %dma_start3A_265 = tpu.memref_slice %arg7[%arg0, %add3A_179, %dma_start3A_264] : memref<2x10240x128xf32, #tpu.memory_space<hbm>> -> memref<1x32x128xf32, #tpu.memory_space<hbm>>
      %dma_start3A_266 = tpu.memref_squeeze %dma_start3A_265 : memref<1x32x128xf32, #tpu.memory_space<hbm>> -> memref<32x128xf32, #tpu.memory_space<hbm>>
      %dma_start3A_267 = arith.constant 0 : i32
      %dma_start3A_268 = tpu.memref_slice %arg7[%arg0, %add3A_179, %dma_start3A_267] : memref<2x10240x128xf32, #tpu.memory_space<hbm>> -> memref<1x32x128xf32, #tpu.memory_space<hbm>>
      %dma_start3A_269 = tpu.memref_squeeze %dma_start3A_268 : memref<1x32x128xf32, #tpu.memory_space<hbm>> -> memref<32x128xf32, #tpu.memory_space<hbm>>
      %dma_start3A_270 = arith.constant 0 : i32
      %dma_start3A_271 = arith.constant 0 : i32
      %dma_start3A_272 = tpu.memref_slice %arg13[%run_scoped3A_181, %dma_start3A_270, %dma_start3A_271] : memref<2x32x128xf32, #tpu.memory_space<vmem>> -> memref<1x32x128xf32, #tpu.memory_space<vmem>>
      %dma_start3A_273 = tpu.memref_squeeze %dma_start3A_272 : memref<1x32x128xf32, #tpu.memory_space<vmem>> -> memref<32x128xf32, #tpu.memory_space<vmem>>
      tpu.enqueue_dma source(%dma_start3A_273 : memref<32x128xf32, #tpu.memory_space<vmem>>) target(%dma_start3A_269 : memref<32x128xf32, #tpu.memory_space<hbm>>) target_semaphore(%run_scoped3A_260 : memref<!tpu.dma_semaphore, #tpu.memory_space<semaphore_mem>>)
      %dma_wait3A = arith.constant 0 : i32
      %dma_wait3A_274 = arith.constant 0 : i32
      %dma_wait3A_275 = tpu.memref_slice %arg13[%run_scoped3A_181, %dma_wait3A, %dma_wait3A_274] : memref<2x32x128xf32, #tpu.memory_space<vmem>> -> memref<1x32x128xf32, #tpu.memory_space<vmem>>
      %dma_wait3A_276 = tpu.memref_squeeze %dma_wait3A_275 : memref<1x32x128xf32, #tpu.memory_space<vmem>> -> memref<32x128xf32, #tpu.memory_space<vmem>>
      %dma_wait3A_277 = arith.constant 0 : i32
      %dma_wait3A_278 = tpu.memref_slice %arg7[%arg0, %add3A_179, %dma_wait3A_277] : memref<2x10240x128xf32, #tpu.memory_space<hbm>> -> memref<1x32x128xf32, #tpu.memory_space<hbm>>
      %dma_wait3A_279 = tpu.memref_squeeze %dma_wait3A_278 : memref<1x32x128xf32, #tpu.memory_space<hbm>> -> memref<32x128xf32, #tpu.memory_space<hbm>>
      %dma_wait3A_280 = arith.constant 0 : i32
      %dma_wait3A_281 = tpu.memref_slice %arg7[%arg0, %add3A_179, %dma_wait3A_280] : memref<2x10240x128xf32, #tpu.memory_space<hbm>> -> memref<1x32x128xf32, #tpu.memory_space<hbm>>
      %dma_wait3A_282 = tpu.memref_squeeze %dma_wait3A_281 : memref<1x32x128xf32, #tpu.memory_space<hbm>> -> memref<32x128xf32, #tpu.memory_space<hbm>>
      %dma_wait3A_283 = arith.constant 0 : i32
      %dma_wait3A_284 = arith.constant 0 : i32
      %dma_wait3A_285 = tpu.memref_slice %arg13[%run_scoped3A_181, %dma_wait3A_283, %dma_wait3A_284] : memref<2x32x128xf32, #tpu.memory_space<vmem>> -> memref<1x32x128xf32, #tpu.memory_space<vmem>>
      %dma_wait3A_286 = tpu.memref_squeeze %dma_wait3A_285 : memref<1x32x128xf32, #tpu.memory_space<vmem>> -> memref<32x128xf32, #tpu.memory_space<vmem>>
      tpu.wait_dma2 semaphore(%run_scoped3A_260 : memref<!tpu.dma_semaphore, #tpu.memory_space<semaphore_mem>>) src(%dma_wait3A_286 : memref<32x128xf32, #tpu.memory_space<vmem>>) dst(%dma_wait3A_282 : memref<32x128xf32, #tpu.memory_space<hbm>>)
      tpu.yield
    }) : () -> ()
    %mul3A_182 = arith.constant 640 : i32
    %mul3A_183 = arith.muli %arg1, %mul3A_182 : i32
    %add3A_184 = arith.constant 288 : i32
    %add3A_185 = arith.addi %mul3A_183, %add3A_184 : i32
    %run_scoped3A_186 = arith.constant 0 : i32
    "tpu.region"() ({
      %run_scoped3A_260 = tpu.sem_alloc : memref<!tpu.dma_semaphore, #tpu.memory_space<semaphore_mem>>
      %dma_start3A = arith.constant 0 : i32
      %dma_start3A_261 = arith.constant 0 : i32
      %dma_start3A_262 = tpu.memref_slice %arg13[%run_scoped3A_186, %dma_start3A, %dma_start3A_261] : memref<2x32x128xf32, #tpu.memory_space<vmem>> -> memref<1x32x128xf32, #tpu.memory_space<vmem>>
      %dma_start3A_263 = tpu.memref_squeeze %dma_start3A_262 : memref<1x32x128xf32, #tpu.memory_space<vmem>> -> memref<32x128xf32, #tpu.memory_space<vmem>>
      %dma_start3A_264 = arith.constant 0 : i32
      %dma_start3A_265 = tpu.memref_slice %arg16[%add3A_185, %dma_start3A_264] : memref<10240x128xf32, #tpu.memory_space<vmem_shared>> -> memref<32x128xf32, #tpu.memory_space<vmem_shared>>
      %dma_start3A_266 = arith.constant 0 : i32
      %dma_start3A_267 = arith.constant 0 : i32
      %dma_start3A_268 = tpu.memref_slice %arg13[%run_scoped3A_186, %dma_start3A_266, %dma_start3A_267] : memref<2x32x128xf32, #tpu.memory_space<vmem>> -> memref<1x32x128xf32, #tpu.memory_space<vmem>>
      %dma_start3A_269 = tpu.memref_squeeze %dma_start3A_268 : memref<1x32x128xf32, #tpu.memory_space<vmem>> -> memref<32x128xf32, #tpu.memory_space<vmem>>
      %dma_start3A_270 = arith.constant 0 : i32
      %dma_start3A_271 = tpu.memref_slice %arg16[%add3A_185, %dma_start3A_270] : memref<10240x128xf32, #tpu.memory_space<vmem_shared>> -> memref<32x128xf32, #tpu.memory_space<vmem_shared>>
      tpu.enqueue_dma source(%dma_start3A_271 : memref<32x128xf32, #tpu.memory_space<vmem_shared>>) target(%dma_start3A_269 : memref<32x128xf32, #tpu.memory_space<vmem>>) target_semaphore(%run_scoped3A_260 : memref<!tpu.dma_semaphore, #tpu.memory_space<semaphore_mem>>)
      %dma_wait3A = arith.constant 0 : i32
      %dma_wait3A_272 = arith.constant 0 : i32
      %dma_wait3A_273 = tpu.memref_slice %arg13[%run_scoped3A_186, %dma_wait3A, %dma_wait3A_272] : memref<2x32x128xf32, #tpu.memory_space<vmem>> -> memref<1x32x128xf32, #tpu.memory_space<vmem>>
      %dma_wait3A_274 = tpu.memref_squeeze %dma_wait3A_273 : memref<1x32x128xf32, #tpu.memory_space<vmem>> -> memref<32x128xf32, #tpu.memory_space<vmem>>
      %dma_wait3A_275 = arith.constant 0 : i32
      %dma_wait3A_276 = tpu.memref_slice %arg16[%add3A_185, %dma_wait3A_275] : memref<10240x128xf32, #tpu.memory_space<vmem_shared>> -> memref<32x128xf32, #tpu.memory_space<vmem_shared>>
      %dma_wait3A_277 = arith.constant 0 : i32
      %dma_wait3A_278 = arith.constant 0 : i32
      %dma_wait3A_279 = tpu.memref_slice %arg13[%run_scoped3A_186, %dma_wait3A_277, %dma_wait3A_278] : memref<2x32x128xf32, #tpu.memory_space<vmem>> -> memref<1x32x128xf32, #tpu.memory_space<vmem>>
      %dma_wait3A_280 = tpu.memref_squeeze %dma_wait3A_279 : memref<1x32x128xf32, #tpu.memory_space<vmem>> -> memref<32x128xf32, #tpu.memory_space<vmem>>
      %dma_wait3A_281 = arith.constant 0 : i32
      %dma_wait3A_282 = tpu.memref_slice %arg16[%add3A_185, %dma_wait3A_281] : memref<10240x128xf32, #tpu.memory_space<vmem_shared>> -> memref<32x128xf32, #tpu.memory_space<vmem_shared>>
      tpu.wait_dma2 semaphore(%run_scoped3A_260 : memref<!tpu.dma_semaphore, #tpu.memory_space<semaphore_mem>>) src(%dma_wait3A_282 : memref<32x128xf32, #tpu.memory_space<vmem_shared>>) dst(%dma_wait3A_280 : memref<32x128xf32, #tpu.memory_space<vmem>>)
      tpu.yield
    }) : () -> ()
    %run_scoped3A_187 = arith.constant 0 : i32
    "tpu.region"() ({
      %run_scoped3A_260 = tpu.sem_alloc : memref<!tpu.dma_semaphore, #tpu.memory_space<semaphore_mem>>
      %dma_start3A = arith.constant 0 : i32
      %dma_start3A_261 = arith.constant 0 : i32
      %dma_start3A_262 = tpu.memref_slice %arg13[%run_scoped3A_187, %dma_start3A, %dma_start3A_261] : memref<2x32x128xf32, #tpu.memory_space<vmem>> -> memref<1x32x128xf32, #tpu.memory_space<vmem>>
      %dma_start3A_263 = tpu.memref_squeeze %dma_start3A_262 : memref<1x32x128xf32, #tpu.memory_space<vmem>> -> memref<32x128xf32, #tpu.memory_space<vmem>>
      %dma_start3A_264 = arith.constant 0 : i32
      %dma_start3A_265 = tpu.memref_slice %arg7[%arg0, %add3A_185, %dma_start3A_264] : memref<2x10240x128xf32, #tpu.memory_space<hbm>> -> memref<1x32x128xf32, #tpu.memory_space<hbm>>
      %dma_start3A_266 = tpu.memref_squeeze %dma_start3A_265 : memref<1x32x128xf32, #tpu.memory_space<hbm>> -> memref<32x128xf32, #tpu.memory_space<hbm>>
      %dma_start3A_267 = arith.constant 0 : i32
      %dma_start3A_268 = tpu.memref_slice %arg7[%arg0, %add3A_185, %dma_start3A_267] : memref<2x10240x128xf32, #tpu.memory_space<hbm>> -> memref<1x32x128xf32, #tpu.memory_space<hbm>>
      %dma_start3A_269 = tpu.memref_squeeze %dma_start3A_268 : memref<1x32x128xf32, #tpu.memory_space<hbm>> -> memref<32x128xf32, #tpu.memory_space<hbm>>
      %dma_start3A_270 = arith.constant 0 : i32
      %dma_start3A_271 = arith.constant 0 : i32
      %dma_start3A_272 = tpu.memref_slice %arg13[%run_scoped3A_187, %dma_start3A_270, %dma_start3A_271] : memref<2x32x128xf32, #tpu.memory_space<vmem>> -> memref<1x32x128xf32, #tpu.memory_space<vmem>>
      %dma_start3A_273 = tpu.memref_squeeze %dma_start3A_272 : memref<1x32x128xf32, #tpu.memory_space<vmem>> -> memref<32x128xf32, #tpu.memory_space<vmem>>
      tpu.enqueue_dma source(%dma_start3A_273 : memref<32x128xf32, #tpu.memory_space<vmem>>) target(%dma_start3A_269 : memref<32x128xf32, #tpu.memory_space<hbm>>) target_semaphore(%run_scoped3A_260 : memref<!tpu.dma_semaphore, #tpu.memory_space<semaphore_mem>>)
      %dma_wait3A = arith.constant 0 : i32
      %dma_wait3A_274 = arith.constant 0 : i32
      %dma_wait3A_275 = tpu.memref_slice %arg13[%run_scoped3A_187, %dma_wait3A, %dma_wait3A_274] : memref<2x32x128xf32, #tpu.memory_space<vmem>> -> memref<1x32x128xf32, #tpu.memory_space<vmem>>
      %dma_wait3A_276 = tpu.memref_squeeze %dma_wait3A_275 : memref<1x32x128xf32, #tpu.memory_space<vmem>> -> memref<32x128xf32, #tpu.memory_space<vmem>>
      %dma_wait3A_277 = arith.constant 0 : i32
      %dma_wait3A_278 = tpu.memref_slice %arg7[%arg0, %add3A_185, %dma_wait3A_277] : memref<2x10240x128xf32, #tpu.memory_space<hbm>> -> memref<1x32x128xf32, #tpu.memory_space<hbm>>
      %dma_wait3A_279 = tpu.memref_squeeze %dma_wait3A_278 : memref<1x32x128xf32, #tpu.memory_space<hbm>> -> memref<32x128xf32, #tpu.memory_space<hbm>>
      %dma_wait3A_280 = arith.constant 0 : i32
      %dma_wait3A_281 = tpu.memref_slice %arg7[%arg0, %add3A_185, %dma_wait3A_280] : memref<2x10240x128xf32, #tpu.memory_space<hbm>> -> memref<1x32x128xf32, #tpu.memory_space<hbm>>
      %dma_wait3A_282 = tpu.memref_squeeze %dma_wait3A_281 : memref<1x32x128xf32, #tpu.memory_space<hbm>> -> memref<32x128xf32, #tpu.memory_space<hbm>>
      %dma_wait3A_283 = arith.constant 0 : i32
      %dma_wait3A_284 = arith.constant 0 : i32
      %dma_wait3A_285 = tpu.memref_slice %arg13[%run_scoped3A_187, %dma_wait3A_283, %dma_wait3A_284] : memref<2x32x128xf32, #tpu.memory_space<vmem>> -> memref<1x32x128xf32, #tpu.memory_space<vmem>>
      %dma_wait3A_286 = tpu.memref_squeeze %dma_wait3A_285 : memref<1x32x128xf32, #tpu.memory_space<vmem>> -> memref<32x128xf32, #tpu.memory_space<vmem>>
      tpu.wait_dma2 semaphore(%run_scoped3A_260 : memref<!tpu.dma_semaphore, #tpu.memory_space<semaphore_mem>>) src(%dma_wait3A_286 : memref<32x128xf32, #tpu.memory_space<vmem>>) dst(%dma_wait3A_282 : memref<32x128xf32, #tpu.memory_space<hbm>>)
      tpu.yield
    }) : () -> ()
    %mul3A_188 = arith.constant 640 : i32
    %mul3A_189 = arith.muli %arg1, %mul3A_188 : i32
    %add3A_190 = arith.constant 320 : i32
    %add3A_191 = arith.addi %mul3A_189, %add3A_190 : i32
    %run_scoped3A_192 = arith.constant 0 : i32
    "tpu.region"() ({
      %run_scoped3A_260 = tpu.sem_alloc : memref<!tpu.dma_semaphore, #tpu.memory_space<semaphore_mem>>
      %dma_start3A = arith.constant 0 : i32
      %dma_start3A_261 = arith.constant 0 : i32
      %dma_start3A_262 = tpu.memref_slice %arg13[%run_scoped3A_192, %dma_start3A, %dma_start3A_261] : memref<2x32x128xf32, #tpu.memory_space<vmem>> -> memref<1x32x128xf32, #tpu.memory_space<vmem>>
      %dma_start3A_263 = tpu.memref_squeeze %dma_start3A_262 : memref<1x32x128xf32, #tpu.memory_space<vmem>> -> memref<32x128xf32, #tpu.memory_space<vmem>>
      %dma_start3A_264 = arith.constant 0 : i32
      %dma_start3A_265 = tpu.memref_slice %arg16[%add3A_191, %dma_start3A_264] : memref<10240x128xf32, #tpu.memory_space<vmem_shared>> -> memref<32x128xf32, #tpu.memory_space<vmem_shared>>
      %dma_start3A_266 = arith.constant 0 : i32
      %dma_start3A_267 = arith.constant 0 : i32
      %dma_start3A_268 = tpu.memref_slice %arg13[%run_scoped3A_192, %dma_start3A_266, %dma_start3A_267] : memref<2x32x128xf32, #tpu.memory_space<vmem>> -> memref<1x32x128xf32, #tpu.memory_space<vmem>>
      %dma_start3A_269 = tpu.memref_squeeze %dma_start3A_268 : memref<1x32x128xf32, #tpu.memory_space<vmem>> -> memref<32x128xf32, #tpu.memory_space<vmem>>
      %dma_start3A_270 = arith.constant 0 : i32
      %dma_start3A_271 = tpu.memref_slice %arg16[%add3A_191, %dma_start3A_270] : memref<10240x128xf32, #tpu.memory_space<vmem_shared>> -> memref<32x128xf32, #tpu.memory_space<vmem_shared>>
      tpu.enqueue_dma source(%dma_start3A_271 : memref<32x128xf32, #tpu.memory_space<vmem_shared>>) target(%dma_start3A_269 : memref<32x128xf32, #tpu.memory_space<vmem>>) target_semaphore(%run_scoped3A_260 : memref<!tpu.dma_semaphore, #tpu.memory_space<semaphore_mem>>)
      %dma_wait3A = arith.constant 0 : i32
      %dma_wait3A_272 = arith.constant 0 : i32
      %dma_wait3A_273 = tpu.memref_slice %arg13[%run_scoped3A_192, %dma_wait3A, %dma_wait3A_272] : memref<2x32x128xf32, #tpu.memory_space<vmem>> -> memref<1x32x128xf32, #tpu.memory_space<vmem>>
      %dma_wait3A_274 = tpu.memref_squeeze %dma_wait3A_273 : memref<1x32x128xf32, #tpu.memory_space<vmem>> -> memref<32x128xf32, #tpu.memory_space<vmem>>
      %dma_wait3A_275 = arith.constant 0 : i32
      %dma_wait3A_276 = tpu.memref_slice %arg16[%add3A_191, %dma_wait3A_275] : memref<10240x128xf32, #tpu.memory_space<vmem_shared>> -> memref<32x128xf32, #tpu.memory_space<vmem_shared>>
      %dma_wait3A_277 = arith.constant 0 : i32
      %dma_wait3A_278 = arith.constant 0 : i32
      %dma_wait3A_279 = tpu.memref_slice %arg13[%run_scoped3A_192, %dma_wait3A_277, %dma_wait3A_278] : memref<2x32x128xf32, #tpu.memory_space<vmem>> -> memref<1x32x128xf32, #tpu.memory_space<vmem>>
      %dma_wait3A_280 = tpu.memref_squeeze %dma_wait3A_279 : memref<1x32x128xf32, #tpu.memory_space<vmem>> -> memref<32x128xf32, #tpu.memory_space<vmem>>
      %dma_wait3A_281 = arith.constant 0 : i32
      %dma_wait3A_282 = tpu.memref_slice %arg16[%add3A_191, %dma_wait3A_281] : memref<10240x128xf32, #tpu.memory_space<vmem_shared>> -> memref<32x128xf32, #tpu.memory_space<vmem_shared>>
      tpu.wait_dma2 semaphore(%run_scoped3A_260 : memref<!tpu.dma_semaphore, #tpu.memory_space<semaphore_mem>>) src(%dma_wait3A_282 : memref<32x128xf32, #tpu.memory_space<vmem_shared>>) dst(%dma_wait3A_280 : memref<32x128xf32, #tpu.memory_space<vmem>>)
      tpu.yield
    }) : () -> ()
    %run_scoped3A_193 = arith.constant 0 : i32
    "tpu.region"() ({
      %run_scoped3A_260 = tpu.sem_alloc : memref<!tpu.dma_semaphore, #tpu.memory_space<semaphore_mem>>
      %dma_start3A = arith.constant 0 : i32
      %dma_start3A_261 = arith.constant 0 : i32
      %dma_start3A_262 = tpu.memref_slice %arg13[%run_scoped3A_193, %dma_start3A, %dma_start3A_261] : memref<2x32x128xf32, #tpu.memory_space<vmem>> -> memref<1x32x128xf32, #tpu.memory_space<vmem>>
      %dma_start3A_263 = tpu.memref_squeeze %dma_start3A_262 : memref<1x32x128xf32, #tpu.memory_space<vmem>> -> memref<32x128xf32, #tpu.memory_space<vmem>>
      %dma_start3A_264 = arith.constant 0 : i32
      %dma_start3A_265 = tpu.memref_slice %arg7[%arg0, %add3A_191, %dma_start3A_264] : memref<2x10240x128xf32, #tpu.memory_space<hbm>> -> memref<1x32x128xf32, #tpu.memory_space<hbm>>
      %dma_start3A_266 = tpu.memref_squeeze %dma_start3A_265 : memref<1x32x128xf32, #tpu.memory_space<hbm>> -> memref<32x128xf32, #tpu.memory_space<hbm>>
      %dma_start3A_267 = arith.constant 0 : i32
      %dma_start3A_268 = tpu.memref_slice %arg7[%arg0, %add3A_191, %dma_start3A_267] : memref<2x10240x128xf32, #tpu.memory_space<hbm>> -> memref<1x32x128xf32, #tpu.memory_space<hbm>>
      %dma_start3A_269 = tpu.memref_squeeze %dma_start3A_268 : memref<1x32x128xf32, #tpu.memory_space<hbm>> -> memref<32x128xf32, #tpu.memory_space<hbm>>
      %dma_start3A_270 = arith.constant 0 : i32
      %dma_start3A_271 = arith.constant 0 : i32
      %dma_start3A_272 = tpu.memref_slice %arg13[%run_scoped3A_193, %dma_start3A_270, %dma_start3A_271] : memref<2x32x128xf32, #tpu.memory_space<vmem>> -> memref<1x32x128xf32, #tpu.memory_space<vmem>>
      %dma_start3A_273 = tpu.memref_squeeze %dma_start3A_272 : memref<1x32x128xf32, #tpu.memory_space<vmem>> -> memref<32x128xf32, #tpu.memory_space<vmem>>
      tpu.enqueue_dma source(%dma_start3A_273 : memref<32x128xf32, #tpu.memory_space<vmem>>) target(%dma_start3A_269 : memref<32x128xf32, #tpu.memory_space<hbm>>) target_semaphore(%run_scoped3A_260 : memref<!tpu.dma_semaphore, #tpu.memory_space<semaphore_mem>>)
      %dma_wait3A = arith.constant 0 : i32
      %dma_wait3A_274 = arith.constant 0 : i32
      %dma_wait3A_275 = tpu.memref_slice %arg13[%run_scoped3A_193, %dma_wait3A, %dma_wait3A_274] : memref<2x32x128xf32, #tpu.memory_space<vmem>> -> memref<1x32x128xf32, #tpu.memory_space<vmem>>
      %dma_wait3A_276 = tpu.memref_squeeze %dma_wait3A_275 : memref<1x32x128xf32, #tpu.memory_space<vmem>> -> memref<32x128xf32, #tpu.memory_space<vmem>>
      %dma_wait3A_277 = arith.constant 0 : i32
      %dma_wait3A_278 = tpu.memref_slice %arg7[%arg0, %add3A_191, %dma_wait3A_277] : memref<2x10240x128xf32, #tpu.memory_space<hbm>> -> memref<1x32x128xf32, #tpu.memory_space<hbm>>
      %dma_wait3A_279 = tpu.memref_squeeze %dma_wait3A_278 : memref<1x32x128xf32, #tpu.memory_space<hbm>> -> memref<32x128xf32, #tpu.memory_space<hbm>>
      %dma_wait3A_280 = arith.constant 0 : i32
      %dma_wait3A_281 = tpu.memref_slice %arg7[%arg0, %add3A_191, %dma_wait3A_280] : memref<2x10240x128xf32, #tpu.memory_space<hbm>> -> memref<1x32x128xf32, #tpu.memory_space<hbm>>
      %dma_wait3A_282 = tpu.memref_squeeze %dma_wait3A_281 : memref<1x32x128xf32, #tpu.memory_space<hbm>> -> memref<32x128xf32, #tpu.memory_space<hbm>>
      %dma_wait3A_283 = arith.constant 0 : i32
      %dma_wait3A_284 = arith.constant 0 : i32
      %dma_wait3A_285 = tpu.memref_slice %arg13[%run_scoped3A_193, %dma_wait3A_283, %dma_wait3A_284] : memref<2x32x128xf32, #tpu.memory_space<vmem>> -> memref<1x32x128xf32, #tpu.memory_space<vmem>>
      %dma_wait3A_286 = tpu.memref_squeeze %dma_wait3A_285 : memref<1x32x128xf32, #tpu.memory_space<vmem>> -> memref<32x128xf32, #tpu.memory_space<vmem>>
      tpu.wait_dma2 semaphore(%run_scoped3A_260 : memref<!tpu.dma_semaphore, #tpu.memory_space<semaphore_mem>>) src(%dma_wait3A_286 : memref<32x128xf32, #tpu.memory_space<vmem>>) dst(%dma_wait3A_282 : memref<32x128xf32, #tpu.memory_space<hbm>>)
      tpu.yield
    }) : () -> ()
    %mul3A_194 = arith.constant 640 : i32
    %mul3A_195 = arith.muli %arg1, %mul3A_194 : i32
    %add3A_196 = arith.constant 352 : i32
    %add3A_197 = arith.addi %mul3A_195, %add3A_196 : i32
    %run_scoped3A_198 = arith.constant 0 : i32
    "tpu.region"() ({
      %run_scoped3A_260 = tpu.sem_alloc : memref<!tpu.dma_semaphore, #tpu.memory_space<semaphore_mem>>
      %dma_start3A = arith.constant 0 : i32
      %dma_start3A_261 = arith.constant 0 : i32
      %dma_start3A_262 = tpu.memref_slice %arg13[%run_scoped3A_198, %dma_start3A, %dma_start3A_261] : memref<2x32x128xf32, #tpu.memory_space<vmem>> -> memref<1x32x128xf32, #tpu.memory_space<vmem>>
      %dma_start3A_263 = tpu.memref_squeeze %dma_start3A_262 : memref<1x32x128xf32, #tpu.memory_space<vmem>> -> memref<32x128xf32, #tpu.memory_space<vmem>>
      %dma_start3A_264 = arith.constant 0 : i32
      %dma_start3A_265 = tpu.memref_slice %arg16[%add3A_197, %dma_start3A_264] : memref<10240x128xf32, #tpu.memory_space<vmem_shared>> -> memref<32x128xf32, #tpu.memory_space<vmem_shared>>
      %dma_start3A_266 = arith.constant 0 : i32
      %dma_start3A_267 = arith.constant 0 : i32
      %dma_start3A_268 = tpu.memref_slice %arg13[%run_scoped3A_198, %dma_start3A_266, %dma_start3A_267] : memref<2x32x128xf32, #tpu.memory_space<vmem>> -> memref<1x32x128xf32, #tpu.memory_space<vmem>>
      %dma_start3A_269 = tpu.memref_squeeze %dma_start3A_268 : memref<1x32x128xf32, #tpu.memory_space<vmem>> -> memref<32x128xf32, #tpu.memory_space<vmem>>
      %dma_start3A_270 = arith.constant 0 : i32
      %dma_start3A_271 = tpu.memref_slice %arg16[%add3A_197, %dma_start3A_270] : memref<10240x128xf32, #tpu.memory_space<vmem_shared>> -> memref<32x128xf32, #tpu.memory_space<vmem_shared>>
      tpu.enqueue_dma source(%dma_start3A_271 : memref<32x128xf32, #tpu.memory_space<vmem_shared>>) target(%dma_start3A_269 : memref<32x128xf32, #tpu.memory_space<vmem>>) target_semaphore(%run_scoped3A_260 : memref<!tpu.dma_semaphore, #tpu.memory_space<semaphore_mem>>)
      %dma_wait3A = arith.constant 0 : i32
      %dma_wait3A_272 = arith.constant 0 : i32
      %dma_wait3A_273 = tpu.memref_slice %arg13[%run_scoped3A_198, %dma_wait3A, %dma_wait3A_272] : memref<2x32x128xf32, #tpu.memory_space<vmem>> -> memref<1x32x128xf32, #tpu.memory_space<vmem>>
      %dma_wait3A_274 = tpu.memref_squeeze %dma_wait3A_273 : memref<1x32x128xf32, #tpu.memory_space<vmem>> -> memref<32x128xf32, #tpu.memory_space<vmem>>
      %dma_wait3A_275 = arith.constant 0 : i32
      %dma_wait3A_276 = tpu.memref_slice %arg16[%add3A_197, %dma_wait3A_275] : memref<10240x128xf32, #tpu.memory_space<vmem_shared>> -> memref<32x128xf32, #tpu.memory_space<vmem_shared>>
      %dma_wait3A_277 = arith.constant 0 : i32
      %dma_wait3A_278 = arith.constant 0 : i32
      %dma_wait3A_279 = tpu.memref_slice %arg13[%run_scoped3A_198, %dma_wait3A_277, %dma_wait3A_278] : memref<2x32x128xf32, #tpu.memory_space<vmem>> -> memref<1x32x128xf32, #tpu.memory_space<vmem>>
      %dma_wait3A_280 = tpu.memref_squeeze %dma_wait3A_279 : memref<1x32x128xf32, #tpu.memory_space<vmem>> -> memref<32x128xf32, #tpu.memory_space<vmem>>
      %dma_wait3A_281 = arith.constant 0 : i32
      %dma_wait3A_282 = tpu.memref_slice %arg16[%add3A_197, %dma_wait3A_281] : memref<10240x128xf32, #tpu.memory_space<vmem_shared>> -> memref<32x128xf32, #tpu.memory_space<vmem_shared>>
      tpu.wait_dma2 semaphore(%run_scoped3A_260 : memref<!tpu.dma_semaphore, #tpu.memory_space<semaphore_mem>>) src(%dma_wait3A_282 : memref<32x128xf32, #tpu.memory_space<vmem_shared>>) dst(%dma_wait3A_280 : memref<32x128xf32, #tpu.memory_space<vmem>>)
      tpu.yield
    }) : () -> ()
    %run_scoped3A_199 = arith.constant 0 : i32
    "tpu.region"() ({
      %run_scoped3A_260 = tpu.sem_alloc : memref<!tpu.dma_semaphore, #tpu.memory_space<semaphore_mem>>
      %dma_start3A = arith.constant 0 : i32
      %dma_start3A_261 = arith.constant 0 : i32
      %dma_start3A_262 = tpu.memref_slice %arg13[%run_scoped3A_199, %dma_start3A, %dma_start3A_261] : memref<2x32x128xf32, #tpu.memory_space<vmem>> -> memref<1x32x128xf32, #tpu.memory_space<vmem>>
      %dma_start3A_263 = tpu.memref_squeeze %dma_start3A_262 : memref<1x32x128xf32, #tpu.memory_space<vmem>> -> memref<32x128xf32, #tpu.memory_space<vmem>>
      %dma_start3A_264 = arith.constant 0 : i32
      %dma_start3A_265 = tpu.memref_slice %arg7[%arg0, %add3A_197, %dma_start3A_264] : memref<2x10240x128xf32, #tpu.memory_space<hbm>> -> memref<1x32x128xf32, #tpu.memory_space<hbm>>
      %dma_start3A_266 = tpu.memref_squeeze %dma_start3A_265 : memref<1x32x128xf32, #tpu.memory_space<hbm>> -> memref<32x128xf32, #tpu.memory_space<hbm>>
      %dma_start3A_267 = arith.constant 0 : i32
      %dma_start3A_268 = tpu.memref_slice %arg7[%arg0, %add3A_197, %dma_start3A_267] : memref<2x10240x128xf32, #tpu.memory_space<hbm>> -> memref<1x32x128xf32, #tpu.memory_space<hbm>>
      %dma_start3A_269 = tpu.memref_squeeze %dma_start3A_268 : memref<1x32x128xf32, #tpu.memory_space<hbm>> -> memref<32x128xf32, #tpu.memory_space<hbm>>
      %dma_start3A_270 = arith.constant 0 : i32
      %dma_start3A_271 = arith.constant 0 : i32
      %dma_start3A_272 = tpu.memref_slice %arg13[%run_scoped3A_199, %dma_start3A_270, %dma_start3A_271] : memref<2x32x128xf32, #tpu.memory_space<vmem>> -> memref<1x32x128xf32, #tpu.memory_space<vmem>>
      %dma_start3A_273 = tpu.memref_squeeze %dma_start3A_272 : memref<1x32x128xf32, #tpu.memory_space<vmem>> -> memref<32x128xf32, #tpu.memory_space<vmem>>
      tpu.enqueue_dma source(%dma_start3A_273 : memref<32x128xf32, #tpu.memory_space<vmem>>) target(%dma_start3A_269 : memref<32x128xf32, #tpu.memory_space<hbm>>) target_semaphore(%run_scoped3A_260 : memref<!tpu.dma_semaphore, #tpu.memory_space<semaphore_mem>>)
      %dma_wait3A = arith.constant 0 : i32
      %dma_wait3A_274 = arith.constant 0 : i32
      %dma_wait3A_275 = tpu.memref_slice %arg13[%run_scoped3A_199, %dma_wait3A, %dma_wait3A_274] : memref<2x32x128xf32, #tpu.memory_space<vmem>> -> memref<1x32x128xf32, #tpu.memory_space<vmem>>
      %dma_wait3A_276 = tpu.memref_squeeze %dma_wait3A_275 : memref<1x32x128xf32, #tpu.memory_space<vmem>> -> memref<32x128xf32, #tpu.memory_space<vmem>>
      %dma_wait3A_277 = arith.constant 0 : i32
      %dma_wait3A_278 = tpu.memref_slice %arg7[%arg0, %add3A_197, %dma_wait3A_277] : memref<2x10240x128xf32, #tpu.memory_space<hbm>> -> memref<1x32x128xf32, #tpu.memory_space<hbm>>
      %dma_wait3A_279 = tpu.memref_squeeze %dma_wait3A_278 : memref<1x32x128xf32, #tpu.memory_space<hbm>> -> memref<32x128xf32, #tpu.memory_space<hbm>>
      %dma_wait3A_280 = arith.constant 0 : i32
      %dma_wait3A_281 = tpu.memref_slice %arg7[%arg0, %add3A_197, %dma_wait3A_280] : memref<2x10240x128xf32, #tpu.memory_space<hbm>> -> memref<1x32x128xf32, #tpu.memory_space<hbm>>
      %dma_wait3A_282 = tpu.memref_squeeze %dma_wait3A_281 : memref<1x32x128xf32, #tpu.memory_space<hbm>> -> memref<32x128xf32, #tpu.memory_space<hbm>>
      %dma_wait3A_283 = arith.constant 0 : i32
      %dma_wait3A_284 = arith.constant 0 : i32
      %dma_wait3A_285 = tpu.memref_slice %arg13[%run_scoped3A_199, %dma_wait3A_283, %dma_wait3A_284] : memref<2x32x128xf32, #tpu.memory_space<vmem>> -> memref<1x32x128xf32, #tpu.memory_space<vmem>>
      %dma_wait3A_286 = tpu.memref_squeeze %dma_wait3A_285 : memref<1x32x128xf32, #tpu.memory_space<vmem>> -> memref<32x128xf32, #tpu.memory_space<vmem>>
      tpu.wait_dma2 semaphore(%run_scoped3A_260 : memref<!tpu.dma_semaphore, #tpu.memory_space<semaphore_mem>>) src(%dma_wait3A_286 : memref<32x128xf32, #tpu.memory_space<vmem>>) dst(%dma_wait3A_282 : memref<32x128xf32, #tpu.memory_space<hbm>>)
      tpu.yield
    }) : () -> ()
    %mul3A_200 = arith.constant 640 : i32
    %mul3A_201 = arith.muli %arg1, %mul3A_200 : i32
    %add3A_202 = arith.constant 384 : i32
    %add3A_203 = arith.addi %mul3A_201, %add3A_202 : i32
    %run_scoped3A_204 = arith.constant 0 : i32
    "tpu.region"() ({
      %run_scoped3A_260 = tpu.sem_alloc : memref<!tpu.dma_semaphore, #tpu.memory_space<semaphore_mem>>
      %dma_start3A = arith.constant 0 : i32
      %dma_start3A_261 = arith.constant 0 : i32
      %dma_start3A_262 = tpu.memref_slice %arg13[%run_scoped3A_204, %dma_start3A, %dma_start3A_261] : memref<2x32x128xf32, #tpu.memory_space<vmem>> -> memref<1x32x128xf32, #tpu.memory_space<vmem>>
      %dma_start3A_263 = tpu.memref_squeeze %dma_start3A_262 : memref<1x32x128xf32, #tpu.memory_space<vmem>> -> memref<32x128xf32, #tpu.memory_space<vmem>>
      %dma_start3A_264 = arith.constant 0 : i32
      %dma_start3A_265 = tpu.memref_slice %arg16[%add3A_203, %dma_start3A_264] : memref<10240x128xf32, #tpu.memory_space<vmem_shared>> -> memref<32x128xf32, #tpu.memory_space<vmem_shared>>
      %dma_start3A_266 = arith.constant 0 : i32
      %dma_start3A_267 = arith.constant 0 : i32
      %dma_start3A_268 = tpu.memref_slice %arg13[%run_scoped3A_204, %dma_start3A_266, %dma_start3A_267] : memref<2x32x128xf32, #tpu.memory_space<vmem>> -> memref<1x32x128xf32, #tpu.memory_space<vmem>>
      %dma_start3A_269 = tpu.memref_squeeze %dma_start3A_268 : memref<1x32x128xf32, #tpu.memory_space<vmem>> -> memref<32x128xf32, #tpu.memory_space<vmem>>
      %dma_start3A_270 = arith.constant 0 : i32
      %dma_start3A_271 = tpu.memref_slice %arg16[%add3A_203, %dma_start3A_270] : memref<10240x128xf32, #tpu.memory_space<vmem_shared>> -> memref<32x128xf32, #tpu.memory_space<vmem_shared>>
      tpu.enqueue_dma source(%dma_start3A_271 : memref<32x128xf32, #tpu.memory_space<vmem_shared>>) target(%dma_start3A_269 : memref<32x128xf32, #tpu.memory_space<vmem>>) target_semaphore(%run_scoped3A_260 : memref<!tpu.dma_semaphore, #tpu.memory_space<semaphore_mem>>)
      %dma_wait3A = arith.constant 0 : i32
      %dma_wait3A_272 = arith.constant 0 : i32
      %dma_wait3A_273 = tpu.memref_slice %arg13[%run_scoped3A_204, %dma_wait3A, %dma_wait3A_272] : memref<2x32x128xf32, #tpu.memory_space<vmem>> -> memref<1x32x128xf32, #tpu.memory_space<vmem>>
      %dma_wait3A_274 = tpu.memref_squeeze %dma_wait3A_273 : memref<1x32x128xf32, #tpu.memory_space<vmem>> -> memref<32x128xf32, #tpu.memory_space<vmem>>
      %dma_wait3A_275 = arith.constant 0 : i32
      %dma_wait3A_276 = tpu.memref_slice %arg16[%add3A_203, %dma_wait3A_275] : memref<10240x128xf32, #tpu.memory_space<vmem_shared>> -> memref<32x128xf32, #tpu.memory_space<vmem_shared>>
      %dma_wait3A_277 = arith.constant 0 : i32
      %dma_wait3A_278 = arith.constant 0 : i32
      %dma_wait3A_279 = tpu.memref_slice %arg13[%run_scoped3A_204, %dma_wait3A_277, %dma_wait3A_278] : memref<2x32x128xf32, #tpu.memory_space<vmem>> -> memref<1x32x128xf32, #tpu.memory_space<vmem>>
      %dma_wait3A_280 = tpu.memref_squeeze %dma_wait3A_279 : memref<1x32x128xf32, #tpu.memory_space<vmem>> -> memref<32x128xf32, #tpu.memory_space<vmem>>
      %dma_wait3A_281 = arith.constant 0 : i32
      %dma_wait3A_282 = tpu.memref_slice %arg16[%add3A_203, %dma_wait3A_281] : memref<10240x128xf32, #tpu.memory_space<vmem_shared>> -> memref<32x128xf32, #tpu.memory_space<vmem_shared>>
      tpu.wait_dma2 semaphore(%run_scoped3A_260 : memref<!tpu.dma_semaphore, #tpu.memory_space<semaphore_mem>>) src(%dma_wait3A_282 : memref<32x128xf32, #tpu.memory_space<vmem_shared>>) dst(%dma_wait3A_280 : memref<32x128xf32, #tpu.memory_space<vmem>>)
      tpu.yield
    }) : () -> ()
    %run_scoped3A_205 = arith.constant 0 : i32
    "tpu.region"() ({
      %run_scoped3A_260 = tpu.sem_alloc : memref<!tpu.dma_semaphore, #tpu.memory_space<semaphore_mem>>
      %dma_start3A = arith.constant 0 : i32
      %dma_start3A_261 = arith.constant 0 : i32
      %dma_start3A_262 = tpu.memref_slice %arg13[%run_scoped3A_205, %dma_start3A, %dma_start3A_261] : memref<2x32x128xf32, #tpu.memory_space<vmem>> -> memref<1x32x128xf32, #tpu.memory_space<vmem>>
      %dma_start3A_263 = tpu.memref_squeeze %dma_start3A_262 : memref<1x32x128xf32, #tpu.memory_space<vmem>> -> memref<32x128xf32, #tpu.memory_space<vmem>>
      %dma_start3A_264 = arith.constant 0 : i32
      %dma_start3A_265 = tpu.memref_slice %arg7[%arg0, %add3A_203, %dma_start3A_264] : memref<2x10240x128xf32, #tpu.memory_space<hbm>> -> memref<1x32x128xf32, #tpu.memory_space<hbm>>
      %dma_start3A_266 = tpu.memref_squeeze %dma_start3A_265 : memref<1x32x128xf32, #tpu.memory_space<hbm>> -> memref<32x128xf32, #tpu.memory_space<hbm>>
      %dma_start3A_267 = arith.constant 0 : i32
      %dma_start3A_268 = tpu.memref_slice %arg7[%arg0, %add3A_203, %dma_start3A_267] : memref<2x10240x128xf32, #tpu.memory_space<hbm>> -> memref<1x32x128xf32, #tpu.memory_space<hbm>>
      %dma_start3A_269 = tpu.memref_squeeze %dma_start3A_268 : memref<1x32x128xf32, #tpu.memory_space<hbm>> -> memref<32x128xf32, #tpu.memory_space<hbm>>
      %dma_start3A_270 = arith.constant 0 : i32
      %dma_start3A_271 = arith.constant 0 : i32
      %dma_start3A_272 = tpu.memref_slice %arg13[%run_scoped3A_205, %dma_start3A_270, %dma_start3A_271] : memref<2x32x128xf32, #tpu.memory_space<vmem>> -> memref<1x32x128xf32, #tpu.memory_space<vmem>>
      %dma_start3A_273 = tpu.memref_squeeze %dma_start3A_272 : memref<1x32x128xf32, #tpu.memory_space<vmem>> -> memref<32x128xf32, #tpu.memory_space<vmem>>
      tpu.enqueue_dma source(%dma_start3A_273 : memref<32x128xf32, #tpu.memory_space<vmem>>) target(%dma_start3A_269 : memref<32x128xf32, #tpu.memory_space<hbm>>) target_semaphore(%run_scoped3A_260 : memref<!tpu.dma_semaphore, #tpu.memory_space<semaphore_mem>>)
      %dma_wait3A = arith.constant 0 : i32
      %dma_wait3A_274 = arith.constant 0 : i32
      %dma_wait3A_275 = tpu.memref_slice %arg13[%run_scoped3A_205, %dma_wait3A, %dma_wait3A_274] : memref<2x32x128xf32, #tpu.memory_space<vmem>> -> memref<1x32x128xf32, #tpu.memory_space<vmem>>
      %dma_wait3A_276 = tpu.memref_squeeze %dma_wait3A_275 : memref<1x32x128xf32, #tpu.memory_space<vmem>> -> memref<32x128xf32, #tpu.memory_space<vmem>>
      %dma_wait3A_277 = arith.constant 0 : i32
      %dma_wait3A_278 = tpu.memref_slice %arg7[%arg0, %add3A_203, %dma_wait3A_277] : memref<2x10240x128xf32, #tpu.memory_space<hbm>> -> memref<1x32x128xf32, #tpu.memory_space<hbm>>
      %dma_wait3A_279 = tpu.memref_squeeze %dma_wait3A_278 : memref<1x32x128xf32, #tpu.memory_space<hbm>> -> memref<32x128xf32, #tpu.memory_space<hbm>>
      %dma_wait3A_280 = arith.constant 0 : i32
      %dma_wait3A_281 = tpu.memref_slice %arg7[%arg0, %add3A_203, %dma_wait3A_280] : memref<2x10240x128xf32, #tpu.memory_space<hbm>> -> memref<1x32x128xf32, #tpu.memory_space<hbm>>
      %dma_wait3A_282 = tpu.memref_squeeze %dma_wait3A_281 : memref<1x32x128xf32, #tpu.memory_space<hbm>> -> memref<32x128xf32, #tpu.memory_space<hbm>>
      %dma_wait3A_283 = arith.constant 0 : i32
      %dma_wait3A_284 = arith.constant 0 : i32
      %dma_wait3A_285 = tpu.memref_slice %arg13[%run_scoped3A_205, %dma_wait3A_283, %dma_wait3A_284] : memref<2x32x128xf32, #tpu.memory_space<vmem>> -> memref<1x32x128xf32, #tpu.memory_space<vmem>>
      %dma_wait3A_286 = tpu.memref_squeeze %dma_wait3A_285 : memref<1x32x128xf32, #tpu.memory_space<vmem>> -> memref<32x128xf32, #tpu.memory_space<vmem>>
      tpu.wait_dma2 semaphore(%run_scoped3A_260 : memref<!tpu.dma_semaphore, #tpu.memory_space<semaphore_mem>>) src(%dma_wait3A_286 : memref<32x128xf32, #tpu.memory_space<vmem>>) dst(%dma_wait3A_282 : memref<32x128xf32, #tpu.memory_space<hbm>>)
      tpu.yield
    }) : () -> ()
    %mul3A_206 = arith.constant 640 : i32
    %mul3A_207 = arith.muli %arg1, %mul3A_206 : i32
    %add3A_208 = arith.constant 416 : i32
    %add3A_209 = arith.addi %mul3A_207, %add3A_208 : i32
    %run_scoped3A_210 = arith.constant 0 : i32
    "tpu.region"() ({
      %run_scoped3A_260 = tpu.sem_alloc : memref<!tpu.dma_semaphore, #tpu.memory_space<semaphore_mem>>
      %dma_start3A = arith.constant 0 : i32
      %dma_start3A_261 = arith.constant 0 : i32
      %dma_start3A_262 = tpu.memref_slice %arg13[%run_scoped3A_210, %dma_start3A, %dma_start3A_261] : memref<2x32x128xf32, #tpu.memory_space<vmem>> -> memref<1x32x128xf32, #tpu.memory_space<vmem>>
      %dma_start3A_263 = tpu.memref_squeeze %dma_start3A_262 : memref<1x32x128xf32, #tpu.memory_space<vmem>> -> memref<32x128xf32, #tpu.memory_space<vmem>>
      %dma_start3A_264 = arith.constant 0 : i32
      %dma_start3A_265 = tpu.memref_slice %arg16[%add3A_209, %dma_start3A_264] : memref<10240x128xf32, #tpu.memory_space<vmem_shared>> -> memref<32x128xf32, #tpu.memory_space<vmem_shared>>
      %dma_start3A_266 = arith.constant 0 : i32
      %dma_start3A_267 = arith.constant 0 : i32
      %dma_start3A_268 = tpu.memref_slice %arg13[%run_scoped3A_210, %dma_start3A_266, %dma_start3A_267] : memref<2x32x128xf32, #tpu.memory_space<vmem>> -> memref<1x32x128xf32, #tpu.memory_space<vmem>>
      %dma_start3A_269 = tpu.memref_squeeze %dma_start3A_268 : memref<1x32x128xf32, #tpu.memory_space<vmem>> -> memref<32x128xf32, #tpu.memory_space<vmem>>
      %dma_start3A_270 = arith.constant 0 : i32
      %dma_start3A_271 = tpu.memref_slice %arg16[%add3A_209, %dma_start3A_270] : memref<10240x128xf32, #tpu.memory_space<vmem_shared>> -> memref<32x128xf32, #tpu.memory_space<vmem_shared>>
      tpu.enqueue_dma source(%dma_start3A_271 : memref<32x128xf32, #tpu.memory_space<vmem_shared>>) target(%dma_start3A_269 : memref<32x128xf32, #tpu.memory_space<vmem>>) target_semaphore(%run_scoped3A_260 : memref<!tpu.dma_semaphore, #tpu.memory_space<semaphore_mem>>)
      %dma_wait3A = arith.constant 0 : i32
      %dma_wait3A_272 = arith.constant 0 : i32
      %dma_wait3A_273 = tpu.memref_slice %arg13[%run_scoped3A_210, %dma_wait3A, %dma_wait3A_272] : memref<2x32x128xf32, #tpu.memory_space<vmem>> -> memref<1x32x128xf32, #tpu.memory_space<vmem>>
      %dma_wait3A_274 = tpu.memref_squeeze %dma_wait3A_273 : memref<1x32x128xf32, #tpu.memory_space<vmem>> -> memref<32x128xf32, #tpu.memory_space<vmem>>
      %dma_wait3A_275 = arith.constant 0 : i32
      %dma_wait3A_276 = tpu.memref_slice %arg16[%add3A_209, %dma_wait3A_275] : memref<10240x128xf32, #tpu.memory_space<vmem_shared>> -> memref<32x128xf32, #tpu.memory_space<vmem_shared>>
      %dma_wait3A_277 = arith.constant 0 : i32
      %dma_wait3A_278 = arith.constant 0 : i32
      %dma_wait3A_279 = tpu.memref_slice %arg13[%run_scoped3A_210, %dma_wait3A_277, %dma_wait3A_278] : memref<2x32x128xf32, #tpu.memory_space<vmem>> -> memref<1x32x128xf32, #tpu.memory_space<vmem>>
      %dma_wait3A_280 = tpu.memref_squeeze %dma_wait3A_279 : memref<1x32x128xf32, #tpu.memory_space<vmem>> -> memref<32x128xf32, #tpu.memory_space<vmem>>
      %dma_wait3A_281 = arith.constant 0 : i32
      %dma_wait3A_282 = tpu.memref_slice %arg16[%add3A_209, %dma_wait3A_281] : memref<10240x128xf32, #tpu.memory_space<vmem_shared>> -> memref<32x128xf32, #tpu.memory_space<vmem_shared>>
      tpu.wait_dma2 semaphore(%run_scoped3A_260 : memref<!tpu.dma_semaphore, #tpu.memory_space<semaphore_mem>>) src(%dma_wait3A_282 : memref<32x128xf32, #tpu.memory_space<vmem_shared>>) dst(%dma_wait3A_280 : memref<32x128xf32, #tpu.memory_space<vmem>>)
      tpu.yield
    }) : () -> ()
    %run_scoped3A_211 = arith.constant 0 : i32
    "tpu.region"() ({
      %run_scoped3A_260 = tpu.sem_alloc : memref<!tpu.dma_semaphore, #tpu.memory_space<semaphore_mem>>
      %dma_start3A = arith.constant 0 : i32
      %dma_start3A_261 = arith.constant 0 : i32
      %dma_start3A_262 = tpu.memref_slice %arg13[%run_scoped3A_211, %dma_start3A, %dma_start3A_261] : memref<2x32x128xf32, #tpu.memory_space<vmem>> -> memref<1x32x128xf32, #tpu.memory_space<vmem>>
      %dma_start3A_263 = tpu.memref_squeeze %dma_start3A_262 : memref<1x32x128xf32, #tpu.memory_space<vmem>> -> memref<32x128xf32, #tpu.memory_space<vmem>>
      %dma_start3A_264 = arith.constant 0 : i32
      %dma_start3A_265 = tpu.memref_slice %arg7[%arg0, %add3A_209, %dma_start3A_264] : memref<2x10240x128xf32, #tpu.memory_space<hbm>> -> memref<1x32x128xf32, #tpu.memory_space<hbm>>
      %dma_start3A_266 = tpu.memref_squeeze %dma_start3A_265 : memref<1x32x128xf32, #tpu.memory_space<hbm>> -> memref<32x128xf32, #tpu.memory_space<hbm>>
      %dma_start3A_267 = arith.constant 0 : i32
      %dma_start3A_268 = tpu.memref_slice %arg7[%arg0, %add3A_209, %dma_start3A_267] : memref<2x10240x128xf32, #tpu.memory_space<hbm>> -> memref<1x32x128xf32, #tpu.memory_space<hbm>>
      %dma_start3A_269 = tpu.memref_squeeze %dma_start3A_268 : memref<1x32x128xf32, #tpu.memory_space<hbm>> -> memref<32x128xf32, #tpu.memory_space<hbm>>
      %dma_start3A_270 = arith.constant 0 : i32
      %dma_start3A_271 = arith.constant 0 : i32
      %dma_start3A_272 = tpu.memref_slice %arg13[%run_scoped3A_211, %dma_start3A_270, %dma_start3A_271] : memref<2x32x128xf32, #tpu.memory_space<vmem>> -> memref<1x32x128xf32, #tpu.memory_space<vmem>>
      %dma_start3A_273 = tpu.memref_squeeze %dma_start3A_272 : memref<1x32x128xf32, #tpu.memory_space<vmem>> -> memref<32x128xf32, #tpu.memory_space<vmem>>
      tpu.enqueue_dma source(%dma_start3A_273 : memref<32x128xf32, #tpu.memory_space<vmem>>) target(%dma_start3A_269 : memref<32x128xf32, #tpu.memory_space<hbm>>) target_semaphore(%run_scoped3A_260 : memref<!tpu.dma_semaphore, #tpu.memory_space<semaphore_mem>>)
      %dma_wait3A = arith.constant 0 : i32
      %dma_wait3A_274 = arith.constant 0 : i32
      %dma_wait3A_275 = tpu.memref_slice %arg13[%run_scoped3A_211, %dma_wait3A, %dma_wait3A_274] : memref<2x32x128xf32, #tpu.memory_space<vmem>> -> memref<1x32x128xf32, #tpu.memory_space<vmem>>
      %dma_wait3A_276 = tpu.memref_squeeze %dma_wait3A_275 : memref<1x32x128xf32, #tpu.memory_space<vmem>> -> memref<32x128xf32, #tpu.memory_space<vmem>>
      %dma_wait3A_277 = arith.constant 0 : i32
      %dma_wait3A_278 = tpu.memref_slice %arg7[%arg0, %add3A_209, %dma_wait3A_277] : memref<2x10240x128xf32, #tpu.memory_space<hbm>> -> memref<1x32x128xf32, #tpu.memory_space<hbm>>
      %dma_wait3A_279 = tpu.memref_squeeze %dma_wait3A_278 : memref<1x32x128xf32, #tpu.memory_space<hbm>> -> memref<32x128xf32, #tpu.memory_space<hbm>>
      %dma_wait3A_280 = arith.constant 0 : i32
      %dma_wait3A_281 = tpu.memref_slice %arg7[%arg0, %add3A_209, %dma_wait3A_280] : memref<2x10240x128xf32, #tpu.memory_space<hbm>> -> memref<1x32x128xf32, #tpu.memory_space<hbm>>
      %dma_wait3A_282 = tpu.memref_squeeze %dma_wait3A_281 : memref<1x32x128xf32, #tpu.memory_space<hbm>> -> memref<32x128xf32, #tpu.memory_space<hbm>>
      %dma_wait3A_283 = arith.constant 0 : i32
      %dma_wait3A_284 = arith.constant 0 : i32
      %dma_wait3A_285 = tpu.memref_slice %arg13[%run_scoped3A_211, %dma_wait3A_283, %dma_wait3A_284] : memref<2x32x128xf32, #tpu.memory_space<vmem>> -> memref<1x32x128xf32, #tpu.memory_space<vmem>>
      %dma_wait3A_286 = tpu.memref_squeeze %dma_wait3A_285 : memref<1x32x128xf32, #tpu.memory_space<vmem>> -> memref<32x128xf32, #tpu.memory_space<vmem>>
      tpu.wait_dma2 semaphore(%run_scoped3A_260 : memref<!tpu.dma_semaphore, #tpu.memory_space<semaphore_mem>>) src(%dma_wait3A_286 : memref<32x128xf32, #tpu.memory_space<vmem>>) dst(%dma_wait3A_282 : memref<32x128xf32, #tpu.memory_space<hbm>>)
      tpu.yield
    }) : () -> ()
    %mul3A_212 = arith.constant 640 : i32
    %mul3A_213 = arith.muli %arg1, %mul3A_212 : i32
    %add3A_214 = arith.constant 448 : i32
    %add3A_215 = arith.addi %mul3A_213, %add3A_214 : i32
    %run_scoped3A_216 = arith.constant 0 : i32
    "tpu.region"() ({
      %run_scoped3A_260 = tpu.sem_alloc : memref<!tpu.dma_semaphore, #tpu.memory_space<semaphore_mem>>
      %dma_start3A = arith.constant 0 : i32
      %dma_start3A_261 = arith.constant 0 : i32
      %dma_start3A_262 = tpu.memref_slice %arg13[%run_scoped3A_216, %dma_start3A, %dma_start3A_261] : memref<2x32x128xf32, #tpu.memory_space<vmem>> -> memref<1x32x128xf32, #tpu.memory_space<vmem>>
      %dma_start3A_263 = tpu.memref_squeeze %dma_start3A_262 : memref<1x32x128xf32, #tpu.memory_space<vmem>> -> memref<32x128xf32, #tpu.memory_space<vmem>>
      %dma_start3A_264 = arith.constant 0 : i32
      %dma_start3A_265 = tpu.memref_slice %arg16[%add3A_215, %dma_start3A_264] : memref<10240x128xf32, #tpu.memory_space<vmem_shared>> -> memref<32x128xf32, #tpu.memory_space<vmem_shared>>
      %dma_start3A_266 = arith.constant 0 : i32
      %dma_start3A_267 = arith.constant 0 : i32
      %dma_start3A_268 = tpu.memref_slice %arg13[%run_scoped3A_216, %dma_start3A_266, %dma_start3A_267] : memref<2x32x128xf32, #tpu.memory_space<vmem>> -> memref<1x32x128xf32, #tpu.memory_space<vmem>>
      %dma_start3A_269 = tpu.memref_squeeze %dma_start3A_268 : memref<1x32x128xf32, #tpu.memory_space<vmem>> -> memref<32x128xf32, #tpu.memory_space<vmem>>
      %dma_start3A_270 = arith.constant 0 : i32
      %dma_start3A_271 = tpu.memref_slice %arg16[%add3A_215, %dma_start3A_270] : memref<10240x128xf32, #tpu.memory_space<vmem_shared>> -> memref<32x128xf32, #tpu.memory_space<vmem_shared>>
      tpu.enqueue_dma source(%dma_start3A_271 : memref<32x128xf32, #tpu.memory_space<vmem_shared>>) target(%dma_start3A_269 : memref<32x128xf32, #tpu.memory_space<vmem>>) target_semaphore(%run_scoped3A_260 : memref<!tpu.dma_semaphore, #tpu.memory_space<semaphore_mem>>)
      %dma_wait3A = arith.constant 0 : i32
      %dma_wait3A_272 = arith.constant 0 : i32
      %dma_wait3A_273 = tpu.memref_slice %arg13[%run_scoped3A_216, %dma_wait3A, %dma_wait3A_272] : memref<2x32x128xf32, #tpu.memory_space<vmem>> -> memref<1x32x128xf32, #tpu.memory_space<vmem>>
      %dma_wait3A_274 = tpu.memref_squeeze %dma_wait3A_273 : memref<1x32x128xf32, #tpu.memory_space<vmem>> -> memref<32x128xf32, #tpu.memory_space<vmem>>
      %dma_wait3A_275 = arith.constant 0 : i32
      %dma_wait3A_276 = tpu.memref_slice %arg16[%add3A_215, %dma_wait3A_275] : memref<10240x128xf32, #tpu.memory_space<vmem_shared>> -> memref<32x128xf32, #tpu.memory_space<vmem_shared>>
      %dma_wait3A_277 = arith.constant 0 : i32
      %dma_wait3A_278 = arith.constant 0 : i32
      %dma_wait3A_279 = tpu.memref_slice %arg13[%run_scoped3A_216, %dma_wait3A_277, %dma_wait3A_278] : memref<2x32x128xf32, #tpu.memory_space<vmem>> -> memref<1x32x128xf32, #tpu.memory_space<vmem>>
      %dma_wait3A_280 = tpu.memref_squeeze %dma_wait3A_279 : memref<1x32x128xf32, #tpu.memory_space<vmem>> -> memref<32x128xf32, #tpu.memory_space<vmem>>
      %dma_wait3A_281 = arith.constant 0 : i32
      %dma_wait3A_282 = tpu.memref_slice %arg16[%add3A_215, %dma_wait3A_281] : memref<10240x128xf32, #tpu.memory_space<vmem_shared>> -> memref<32x128xf32, #tpu.memory_space<vmem_shared>>
      tpu.wait_dma2 semaphore(%run_scoped3A_260 : memref<!tpu.dma_semaphore, #tpu.memory_space<semaphore_mem>>) src(%dma_wait3A_282 : memref<32x128xf32, #tpu.memory_space<vmem_shared>>) dst(%dma_wait3A_280 : memref<32x128xf32, #tpu.memory_space<vmem>>)
      tpu.yield
    }) : () -> ()
    %run_scoped3A_217 = arith.constant 0 : i32
    "tpu.region"() ({
      %run_scoped3A_260 = tpu.sem_alloc : memref<!tpu.dma_semaphore, #tpu.memory_space<semaphore_mem>>
      %dma_start3A = arith.constant 0 : i32
      %dma_start3A_261 = arith.constant 0 : i32
      %dma_start3A_262 = tpu.memref_slice %arg13[%run_scoped3A_217, %dma_start3A, %dma_start3A_261] : memref<2x32x128xf32, #tpu.memory_space<vmem>> -> memref<1x32x128xf32, #tpu.memory_space<vmem>>
      %dma_start3A_263 = tpu.memref_squeeze %dma_start3A_262 : memref<1x32x128xf32, #tpu.memory_space<vmem>> -> memref<32x128xf32, #tpu.memory_space<vmem>>
      %dma_start3A_264 = arith.constant 0 : i32
      %dma_start3A_265 = tpu.memref_slice %arg7[%arg0, %add3A_215, %dma_start3A_264] : memref<2x10240x128xf32, #tpu.memory_space<hbm>> -> memref<1x32x128xf32, #tpu.memory_space<hbm>>
      %dma_start3A_266 = tpu.memref_squeeze %dma_start3A_265 : memref<1x32x128xf32, #tpu.memory_space<hbm>> -> memref<32x128xf32, #tpu.memory_space<hbm>>
      %dma_start3A_267 = arith.constant 0 : i32
      %dma_start3A_268 = tpu.memref_slice %arg7[%arg0, %add3A_215, %dma_start3A_267] : memref<2x10240x128xf32, #tpu.memory_space<hbm>> -> memref<1x32x128xf32, #tpu.memory_space<hbm>>
      %dma_start3A_269 = tpu.memref_squeeze %dma_start3A_268 : memref<1x32x128xf32, #tpu.memory_space<hbm>> -> memref<32x128xf32, #tpu.memory_space<hbm>>
      %dma_start3A_270 = arith.constant 0 : i32
      %dma_start3A_271 = arith.constant 0 : i32
      %dma_start3A_272 = tpu.memref_slice %arg13[%run_scoped3A_217, %dma_start3A_270, %dma_start3A_271] : memref<2x32x128xf32, #tpu.memory_space<vmem>> -> memref<1x32x128xf32, #tpu.memory_space<vmem>>
      %dma_start3A_273 = tpu.memref_squeeze %dma_start3A_272 : memref<1x32x128xf32, #tpu.memory_space<vmem>> -> memref<32x128xf32, #tpu.memory_space<vmem>>
      tpu.enqueue_dma source(%dma_start3A_273 : memref<32x128xf32, #tpu.memory_space<vmem>>) target(%dma_start3A_269 : memref<32x128xf32, #tpu.memory_space<hbm>>) target_semaphore(%run_scoped3A_260 : memref<!tpu.dma_semaphore, #tpu.memory_space<semaphore_mem>>)
      %dma_wait3A = arith.constant 0 : i32
      %dma_wait3A_274 = arith.constant 0 : i32
      %dma_wait3A_275 = tpu.memref_slice %arg13[%run_scoped3A_217, %dma_wait3A, %dma_wait3A_274] : memref<2x32x128xf32, #tpu.memory_space<vmem>> -> memref<1x32x128xf32, #tpu.memory_space<vmem>>
      %dma_wait3A_276 = tpu.memref_squeeze %dma_wait3A_275 : memref<1x32x128xf32, #tpu.memory_space<vmem>> -> memref<32x128xf32, #tpu.memory_space<vmem>>
      %dma_wait3A_277 = arith.constant 0 : i32
      %dma_wait3A_278 = tpu.memref_slice %arg7[%arg0, %add3A_215, %dma_wait3A_277] : memref<2x10240x128xf32, #tpu.memory_space<hbm>> -> memref<1x32x128xf32, #tpu.memory_space<hbm>>
      %dma_wait3A_279 = tpu.memref_squeeze %dma_wait3A_278 : memref<1x32x128xf32, #tpu.memory_space<hbm>> -> memref<32x128xf32, #tpu.memory_space<hbm>>
      %dma_wait3A_280 = arith.constant 0 : i32
      %dma_wait3A_281 = tpu.memref_slice %arg7[%arg0, %add3A_215, %dma_wait3A_280] : memref<2x10240x128xf32, #tpu.memory_space<hbm>> -> memref<1x32x128xf32, #tpu.memory_space<hbm>>
      %dma_wait3A_282 = tpu.memref_squeeze %dma_wait3A_281 : memref<1x32x128xf32, #tpu.memory_space<hbm>> -> memref<32x128xf32, #tpu.memory_space<hbm>>
      %dma_wait3A_283 = arith.constant 0 : i32
      %dma_wait3A_284 = arith.constant 0 : i32
      %dma_wait3A_285 = tpu.memref_slice %arg13[%run_scoped3A_217, %dma_wait3A_283, %dma_wait3A_284] : memref<2x32x128xf32, #tpu.memory_space<vmem>> -> memref<1x32x128xf32, #tpu.memory_space<vmem>>
      %dma_wait3A_286 = tpu.memref_squeeze %dma_wait3A_285 : memref<1x32x128xf32, #tpu.memory_space<vmem>> -> memref<32x128xf32, #tpu.memory_space<vmem>>
      tpu.wait_dma2 semaphore(%run_scoped3A_260 : memref<!tpu.dma_semaphore, #tpu.memory_space<semaphore_mem>>) src(%dma_wait3A_286 : memref<32x128xf32, #tpu.memory_space<vmem>>) dst(%dma_wait3A_282 : memref<32x128xf32, #tpu.memory_space<hbm>>)
      tpu.yield
    }) : () -> ()
    %mul3A_218 = arith.constant 640 : i32
    %mul3A_219 = arith.muli %arg1, %mul3A_218 : i32
    %add3A_220 = arith.constant 480 : i32
    %add3A_221 = arith.addi %mul3A_219, %add3A_220 : i32
    %run_scoped3A_222 = arith.constant 0 : i32
    "tpu.region"() ({
      %run_scoped3A_260 = tpu.sem_alloc : memref<!tpu.dma_semaphore, #tpu.memory_space<semaphore_mem>>
      %dma_start3A = arith.constant 0 : i32
      %dma_start3A_261 = arith.constant 0 : i32
      %dma_start3A_262 = tpu.memref_slice %arg13[%run_scoped3A_222, %dma_start3A, %dma_start3A_261] : memref<2x32x128xf32, #tpu.memory_space<vmem>> -> memref<1x32x128xf32, #tpu.memory_space<vmem>>
      %dma_start3A_263 = tpu.memref_squeeze %dma_start3A_262 : memref<1x32x128xf32, #tpu.memory_space<vmem>> -> memref<32x128xf32, #tpu.memory_space<vmem>>
      %dma_start3A_264 = arith.constant 0 : i32
      %dma_start3A_265 = tpu.memref_slice %arg16[%add3A_221, %dma_start3A_264] : memref<10240x128xf32, #tpu.memory_space<vmem_shared>> -> memref<32x128xf32, #tpu.memory_space<vmem_shared>>
      %dma_start3A_266 = arith.constant 0 : i32
      %dma_start3A_267 = arith.constant 0 : i32
      %dma_start3A_268 = tpu.memref_slice %arg13[%run_scoped3A_222, %dma_start3A_266, %dma_start3A_267] : memref<2x32x128xf32, #tpu.memory_space<vmem>> -> memref<1x32x128xf32, #tpu.memory_space<vmem>>
      %dma_start3A_269 = tpu.memref_squeeze %dma_start3A_268 : memref<1x32x128xf32, #tpu.memory_space<vmem>> -> memref<32x128xf32, #tpu.memory_space<vmem>>
      %dma_start3A_270 = arith.constant 0 : i32
      %dma_start3A_271 = tpu.memref_slice %arg16[%add3A_221, %dma_start3A_270] : memref<10240x128xf32, #tpu.memory_space<vmem_shared>> -> memref<32x128xf32, #tpu.memory_space<vmem_shared>>
      tpu.enqueue_dma source(%dma_start3A_271 : memref<32x128xf32, #tpu.memory_space<vmem_shared>>) target(%dma_start3A_269 : memref<32x128xf32, #tpu.memory_space<vmem>>) target_semaphore(%run_scoped3A_260 : memref<!tpu.dma_semaphore, #tpu.memory_space<semaphore_mem>>)
      %dma_wait3A = arith.constant 0 : i32
      %dma_wait3A_272 = arith.constant 0 : i32
      %dma_wait3A_273 = tpu.memref_slice %arg13[%run_scoped3A_222, %dma_wait3A, %dma_wait3A_272] : memref<2x32x128xf32, #tpu.memory_space<vmem>> -> memref<1x32x128xf32, #tpu.memory_space<vmem>>
      %dma_wait3A_274 = tpu.memref_squeeze %dma_wait3A_273 : memref<1x32x128xf32, #tpu.memory_space<vmem>> -> memref<32x128xf32, #tpu.memory_space<vmem>>
      %dma_wait3A_275 = arith.constant 0 : i32
      %dma_wait3A_276 = tpu.memref_slice %arg16[%add3A_221, %dma_wait3A_275] : memref<10240x128xf32, #tpu.memory_space<vmem_shared>> -> memref<32x128xf32, #tpu.memory_space<vmem_shared>>
      %dma_wait3A_277 = arith.constant 0 : i32
      %dma_wait3A_278 = arith.constant 0 : i32
      %dma_wait3A_279 = tpu.memref_slice %arg13[%run_scoped3A_222, %dma_wait3A_277, %dma_wait3A_278] : memref<2x32x128xf32, #tpu.memory_space<vmem>> -> memref<1x32x128xf32, #tpu.memory_space<vmem>>
      %dma_wait3A_280 = tpu.memref_squeeze %dma_wait3A_279 : memref<1x32x128xf32, #tpu.memory_space<vmem>> -> memref<32x128xf32, #tpu.memory_space<vmem>>
      %dma_wait3A_281 = arith.constant 0 : i32
      %dma_wait3A_282 = tpu.memref_slice %arg16[%add3A_221, %dma_wait3A_281] : memref<10240x128xf32, #tpu.memory_space<vmem_shared>> -> memref<32x128xf32, #tpu.memory_space<vmem_shared>>
      tpu.wait_dma2 semaphore(%run_scoped3A_260 : memref<!tpu.dma_semaphore, #tpu.memory_space<semaphore_mem>>) src(%dma_wait3A_282 : memref<32x128xf32, #tpu.memory_space<vmem_shared>>) dst(%dma_wait3A_280 : memref<32x128xf32, #tpu.memory_space<vmem>>)
      tpu.yield
    }) : () -> ()
    %run_scoped3A_223 = arith.constant 0 : i32
    "tpu.region"() ({
      %run_scoped3A_260 = tpu.sem_alloc : memref<!tpu.dma_semaphore, #tpu.memory_space<semaphore_mem>>
      %dma_start3A = arith.constant 0 : i32
      %dma_start3A_261 = arith.constant 0 : i32
      %dma_start3A_262 = tpu.memref_slice %arg13[%run_scoped3A_223, %dma_start3A, %dma_start3A_261] : memref<2x32x128xf32, #tpu.memory_space<vmem>> -> memref<1x32x128xf32, #tpu.memory_space<vmem>>
      %dma_start3A_263 = tpu.memref_squeeze %dma_start3A_262 : memref<1x32x128xf32, #tpu.memory_space<vmem>> -> memref<32x128xf32, #tpu.memory_space<vmem>>
      %dma_start3A_264 = arith.constant 0 : i32
      %dma_start3A_265 = tpu.memref_slice %arg7[%arg0, %add3A_221, %dma_start3A_264] : memref<2x10240x128xf32, #tpu.memory_space<hbm>> -> memref<1x32x128xf32, #tpu.memory_space<hbm>>
      %dma_start3A_266 = tpu.memref_squeeze %dma_start3A_265 : memref<1x32x128xf32, #tpu.memory_space<hbm>> -> memref<32x128xf32, #tpu.memory_space<hbm>>
      %dma_start3A_267 = arith.constant 0 : i32
      %dma_start3A_268 = tpu.memref_slice %arg7[%arg0, %add3A_221, %dma_start3A_267] : memref<2x10240x128xf32, #tpu.memory_space<hbm>> -> memref<1x32x128xf32, #tpu.memory_space<hbm>>
      %dma_start3A_269 = tpu.memref_squeeze %dma_start3A_268 : memref<1x32x128xf32, #tpu.memory_space<hbm>> -> memref<32x128xf32, #tpu.memory_space<hbm>>
      %dma_start3A_270 = arith.constant 0 : i32
      %dma_start3A_271 = arith.constant 0 : i32
      %dma_start3A_272 = tpu.memref_slice %arg13[%run_scoped3A_223, %dma_start3A_270, %dma_start3A_271] : memref<2x32x128xf32, #tpu.memory_space<vmem>> -> memref<1x32x128xf32, #tpu.memory_space<vmem>>
      %dma_start3A_273 = tpu.memref_squeeze %dma_start3A_272 : memref<1x32x128xf32, #tpu.memory_space<vmem>> -> memref<32x128xf32, #tpu.memory_space<vmem>>
      tpu.enqueue_dma source(%dma_start3A_273 : memref<32x128xf32, #tpu.memory_space<vmem>>) target(%dma_start3A_269 : memref<32x128xf32, #tpu.memory_space<hbm>>) target_semaphore(%run_scoped3A_260 : memref<!tpu.dma_semaphore, #tpu.memory_space<semaphore_mem>>)
      %dma_wait3A = arith.constant 0 : i32
      %dma_wait3A_274 = arith.constant 0 : i32
      %dma_wait3A_275 = tpu.memref_slice %arg13[%run_scoped3A_223, %dma_wait3A, %dma_wait3A_274] : memref<2x32x128xf32, #tpu.memory_space<vmem>> -> memref<1x32x128xf32, #tpu.memory_space<vmem>>
      %dma_wait3A_276 = tpu.memref_squeeze %dma_wait3A_275 : memref<1x32x128xf32, #tpu.memory_space<vmem>> -> memref<32x128xf32, #tpu.memory_space<vmem>>
      %dma_wait3A_277 = arith.constant 0 : i32
      %dma_wait3A_278 = tpu.memref_slice %arg7[%arg0, %add3A_221, %dma_wait3A_277] : memref<2x10240x128xf32, #tpu.memory_space<hbm>> -> memref<1x32x128xf32, #tpu.memory_space<hbm>>
      %dma_wait3A_279 = tpu.memref_squeeze %dma_wait3A_278 : memref<1x32x128xf32, #tpu.memory_space<hbm>> -> memref<32x128xf32, #tpu.memory_space<hbm>>
      %dma_wait3A_280 = arith.constant 0 : i32
      %dma_wait3A_281 = tpu.memref_slice %arg7[%arg0, %add3A_221, %dma_wait3A_280] : memref<2x10240x128xf32, #tpu.memory_space<hbm>> -> memref<1x32x128xf32, #tpu.memory_space<hbm>>
      %dma_wait3A_282 = tpu.memref_squeeze %dma_wait3A_281 : memref<1x32x128xf32, #tpu.memory_space<hbm>> -> memref<32x128xf32, #tpu.memory_space<hbm>>
      %dma_wait3A_283 = arith.constant 0 : i32
      %dma_wait3A_284 = arith.constant 0 : i32
      %dma_wait3A_285 = tpu.memref_slice %arg13[%run_scoped3A_223, %dma_wait3A_283, %dma_wait3A_284] : memref<2x32x128xf32, #tpu.memory_space<vmem>> -> memref<1x32x128xf32, #tpu.memory_space<vmem>>
      %dma_wait3A_286 = tpu.memref_squeeze %dma_wait3A_285 : memref<1x32x128xf32, #tpu.memory_space<vmem>> -> memref<32x128xf32, #tpu.memory_space<vmem>>
      tpu.wait_dma2 semaphore(%run_scoped3A_260 : memref<!tpu.dma_semaphore, #tpu.memory_space<semaphore_mem>>) src(%dma_wait3A_286 : memref<32x128xf32, #tpu.memory_space<vmem>>) dst(%dma_wait3A_282 : memref<32x128xf32, #tpu.memory_space<hbm>>)
      tpu.yield
    }) : () -> ()
    %mul3A_224 = arith.constant 640 : i32
    %mul3A_225 = arith.muli %arg1, %mul3A_224 : i32
    %add3A_226 = arith.constant 512 : i32
    %add3A_227 = arith.addi %mul3A_225, %add3A_226 : i32
    %run_scoped3A_228 = arith.constant 0 : i32
    "tpu.region"() ({
      %run_scoped3A_260 = tpu.sem_alloc : memref<!tpu.dma_semaphore, #tpu.memory_space<semaphore_mem>>
      %dma_start3A = arith.constant 0 : i32
      %dma_start3A_261 = arith.constant 0 : i32
      %dma_start3A_262 = tpu.memref_slice %arg13[%run_scoped3A_228, %dma_start3A, %dma_start3A_261] : memref<2x32x128xf32, #tpu.memory_space<vmem>> -> memref<1x32x128xf32, #tpu.memory_space<vmem>>
      %dma_start3A_263 = tpu.memref_squeeze %dma_start3A_262 : memref<1x32x128xf32, #tpu.memory_space<vmem>> -> memref<32x128xf32, #tpu.memory_space<vmem>>
      %dma_start3A_264 = arith.constant 0 : i32
      %dma_start3A_265 = tpu.memref_slice %arg16[%add3A_227, %dma_start3A_264] : memref<10240x128xf32, #tpu.memory_space<vmem_shared>> -> memref<32x128xf32, #tpu.memory_space<vmem_shared>>
      %dma_start3A_266 = arith.constant 0 : i32
      %dma_start3A_267 = arith.constant 0 : i32
      %dma_start3A_268 = tpu.memref_slice %arg13[%run_scoped3A_228, %dma_start3A_266, %dma_start3A_267] : memref<2x32x128xf32, #tpu.memory_space<vmem>> -> memref<1x32x128xf32, #tpu.memory_space<vmem>>
      %dma_start3A_269 = tpu.memref_squeeze %dma_start3A_268 : memref<1x32x128xf32, #tpu.memory_space<vmem>> -> memref<32x128xf32, #tpu.memory_space<vmem>>
      %dma_start3A_270 = arith.constant 0 : i32
      %dma_start3A_271 = tpu.memref_slice %arg16[%add3A_227, %dma_start3A_270] : memref<10240x128xf32, #tpu.memory_space<vmem_shared>> -> memref<32x128xf32, #tpu.memory_space<vmem_shared>>
      tpu.enqueue_dma source(%dma_start3A_271 : memref<32x128xf32, #tpu.memory_space<vmem_shared>>) target(%dma_start3A_269 : memref<32x128xf32, #tpu.memory_space<vmem>>) target_semaphore(%run_scoped3A_260 : memref<!tpu.dma_semaphore, #tpu.memory_space<semaphore_mem>>)
      %dma_wait3A = arith.constant 0 : i32
      %dma_wait3A_272 = arith.constant 0 : i32
      %dma_wait3A_273 = tpu.memref_slice %arg13[%run_scoped3A_228, %dma_wait3A, %dma_wait3A_272] : memref<2x32x128xf32, #tpu.memory_space<vmem>> -> memref<1x32x128xf32, #tpu.memory_space<vmem>>
      %dma_wait3A_274 = tpu.memref_squeeze %dma_wait3A_273 : memref<1x32x128xf32, #tpu.memory_space<vmem>> -> memref<32x128xf32, #tpu.memory_space<vmem>>
      %dma_wait3A_275 = arith.constant 0 : i32
      %dma_wait3A_276 = tpu.memref_slice %arg16[%add3A_227, %dma_wait3A_275] : memref<10240x128xf32, #tpu.memory_space<vmem_shared>> -> memref<32x128xf32, #tpu.memory_space<vmem_shared>>
      %dma_wait3A_277 = arith.constant 0 : i32
      %dma_wait3A_278 = arith.constant 0 : i32
      %dma_wait3A_279 = tpu.memref_slice %arg13[%run_scoped3A_228, %dma_wait3A_277, %dma_wait3A_278] : memref<2x32x128xf32, #tpu.memory_space<vmem>> -> memref<1x32x128xf32, #tpu.memory_space<vmem>>
      %dma_wait3A_280 = tpu.memref_squeeze %dma_wait3A_279 : memref<1x32x128xf32, #tpu.memory_space<vmem>> -> memref<32x128xf32, #tpu.memory_space<vmem>>
      %dma_wait3A_281 = arith.constant 0 : i32
      %dma_wait3A_282 = tpu.memref_slice %arg16[%add3A_227, %dma_wait3A_281] : memref<10240x128xf32, #tpu.memory_space<vmem_shared>> -> memref<32x128xf32, #tpu.memory_space<vmem_shared>>
      tpu.wait_dma2 semaphore(%run_scoped3A_260 : memref<!tpu.dma_semaphore, #tpu.memory_space<semaphore_mem>>) src(%dma_wait3A_282 : memref<32x128xf32, #tpu.memory_space<vmem_shared>>) dst(%dma_wait3A_280 : memref<32x128xf32, #tpu.memory_space<vmem>>)
      tpu.yield
    }) : () -> ()
    %run_scoped3A_229 = arith.constant 0 : i32
    "tpu.region"() ({
      %run_scoped3A_260 = tpu.sem_alloc : memref<!tpu.dma_semaphore, #tpu.memory_space<semaphore_mem>>
      %dma_start3A = arith.constant 0 : i32
      %dma_start3A_261 = arith.constant 0 : i32
      %dma_start3A_262 = tpu.memref_slice %arg13[%run_scoped3A_229, %dma_start3A, %dma_start3A_261] : memref<2x32x128xf32, #tpu.memory_space<vmem>> -> memref<1x32x128xf32, #tpu.memory_space<vmem>>
      %dma_start3A_263 = tpu.memref_squeeze %dma_start3A_262 : memref<1x32x128xf32, #tpu.memory_space<vmem>> -> memref<32x128xf32, #tpu.memory_space<vmem>>
      %dma_start3A_264 = arith.constant 0 : i32
      %dma_start3A_265 = tpu.memref_slice %arg7[%arg0, %add3A_227, %dma_start3A_264] : memref<2x10240x128xf32, #tpu.memory_space<hbm>> -> memref<1x32x128xf32, #tpu.memory_space<hbm>>
      %dma_start3A_266 = tpu.memref_squeeze %dma_start3A_265 : memref<1x32x128xf32, #tpu.memory_space<hbm>> -> memref<32x128xf32, #tpu.memory_space<hbm>>
      %dma_start3A_267 = arith.constant 0 : i32
      %dma_start3A_268 = tpu.memref_slice %arg7[%arg0, %add3A_227, %dma_start3A_267] : memref<2x10240x128xf32, #tpu.memory_space<hbm>> -> memref<1x32x128xf32, #tpu.memory_space<hbm>>
      %dma_start3A_269 = tpu.memref_squeeze %dma_start3A_268 : memref<1x32x128xf32, #tpu.memory_space<hbm>> -> memref<32x128xf32, #tpu.memory_space<hbm>>
      %dma_start3A_270 = arith.constant 0 : i32
      %dma_start3A_271 = arith.constant 0 : i32
      %dma_start3A_272 = tpu.memref_slice %arg13[%run_scoped3A_229, %dma_start3A_270, %dma_start3A_271] : memref<2x32x128xf32, #tpu.memory_space<vmem>> -> memref<1x32x128xf32, #tpu.memory_space<vmem>>
      %dma_start3A_273 = tpu.memref_squeeze %dma_start3A_272 : memref<1x32x128xf32, #tpu.memory_space<vmem>> -> memref<32x128xf32, #tpu.memory_space<vmem>>
      tpu.enqueue_dma source(%dma_start3A_273 : memref<32x128xf32, #tpu.memory_space<vmem>>) target(%dma_start3A_269 : memref<32x128xf32, #tpu.memory_space<hbm>>) target_semaphore(%run_scoped3A_260 : memref<!tpu.dma_semaphore, #tpu.memory_space<semaphore_mem>>)
      %dma_wait3A = arith.constant 0 : i32
      %dma_wait3A_274 = arith.constant 0 : i32
      %dma_wait3A_275 = tpu.memref_slice %arg13[%run_scoped3A_229, %dma_wait3A, %dma_wait3A_274] : memref<2x32x128xf32, #tpu.memory_space<vmem>> -> memref<1x32x128xf32, #tpu.memory_space<vmem>>
      %dma_wait3A_276 = tpu.memref_squeeze %dma_wait3A_275 : memref<1x32x128xf32, #tpu.memory_space<vmem>> -> memref<32x128xf32, #tpu.memory_space<vmem>>
      %dma_wait3A_277 = arith.constant 0 : i32
      %dma_wait3A_278 = tpu.memref_slice %arg7[%arg0, %add3A_227, %dma_wait3A_277] : memref<2x10240x128xf32, #tpu.memory_space<hbm>> -> memref<1x32x128xf32, #tpu.memory_space<hbm>>
      %dma_wait3A_279 = tpu.memref_squeeze %dma_wait3A_278 : memref<1x32x128xf32, #tpu.memory_space<hbm>> -> memref<32x128xf32, #tpu.memory_space<hbm>>
      %dma_wait3A_280 = arith.constant 0 : i32
      %dma_wait3A_281 = tpu.memref_slice %arg7[%arg0, %add3A_227, %dma_wait3A_280] : memref<2x10240x128xf32, #tpu.memory_space<hbm>> -> memref<1x32x128xf32, #tpu.memory_space<hbm>>
      %dma_wait3A_282 = tpu.memref_squeeze %dma_wait3A_281 : memref<1x32x128xf32, #tpu.memory_space<hbm>> -> memref<32x128xf32, #tpu.memory_space<hbm>>
      %dma_wait3A_283 = arith.constant 0 : i32
      %dma_wait3A_284 = arith.constant 0 : i32
      %dma_wait3A_285 = tpu.memref_slice %arg13[%run_scoped3A_229, %dma_wait3A_283, %dma_wait3A_284] : memref<2x32x128xf32, #tpu.memory_space<vmem>> -> memref<1x32x128xf32, #tpu.memory_space<vmem>>
      %dma_wait3A_286 = tpu.memref_squeeze %dma_wait3A_285 : memref<1x32x128xf32, #tpu.memory_space<vmem>> -> memref<32x128xf32, #tpu.memory_space<vmem>>
      tpu.wait_dma2 semaphore(%run_scoped3A_260 : memref<!tpu.dma_semaphore, #tpu.memory_space<semaphore_mem>>) src(%dma_wait3A_286 : memref<32x128xf32, #tpu.memory_space<vmem>>) dst(%dma_wait3A_282 : memref<32x128xf32, #tpu.memory_space<hbm>>)
      tpu.yield
    }) : () -> ()
    %mul3A_230 = arith.constant 640 : i32
    %mul3A_231 = arith.muli %arg1, %mul3A_230 : i32
    %add3A_232 = arith.constant 544 : i32
    %add3A_233 = arith.addi %mul3A_231, %add3A_232 : i32
    %run_scoped3A_234 = arith.constant 0 : i32
    "tpu.region"() ({
      %run_scoped3A_260 = tpu.sem_alloc : memref<!tpu.dma_semaphore, #tpu.memory_space<semaphore_mem>>
      %dma_start3A = arith.constant 0 : i32
      %dma_start3A_261 = arith.constant 0 : i32
      %dma_start3A_262 = tpu.memref_slice %arg13[%run_scoped3A_234, %dma_start3A, %dma_start3A_261] : memref<2x32x128xf32, #tpu.memory_space<vmem>> -> memref<1x32x128xf32, #tpu.memory_space<vmem>>
      %dma_start3A_263 = tpu.memref_squeeze %dma_start3A_262 : memref<1x32x128xf32, #tpu.memory_space<vmem>> -> memref<32x128xf32, #tpu.memory_space<vmem>>
      %dma_start3A_264 = arith.constant 0 : i32
      %dma_start3A_265 = tpu.memref_slice %arg16[%add3A_233, %dma_start3A_264] : memref<10240x128xf32, #tpu.memory_space<vmem_shared>> -> memref<32x128xf32, #tpu.memory_space<vmem_shared>>
      %dma_start3A_266 = arith.constant 0 : i32
      %dma_start3A_267 = arith.constant 0 : i32
      %dma_start3A_268 = tpu.memref_slice %arg13[%run_scoped3A_234, %dma_start3A_266, %dma_start3A_267] : memref<2x32x128xf32, #tpu.memory_space<vmem>> -> memref<1x32x128xf32, #tpu.memory_space<vmem>>
      %dma_start3A_269 = tpu.memref_squeeze %dma_start3A_268 : memref<1x32x128xf32, #tpu.memory_space<vmem>> -> memref<32x128xf32, #tpu.memory_space<vmem>>
      %dma_start3A_270 = arith.constant 0 : i32
      %dma_start3A_271 = tpu.memref_slice %arg16[%add3A_233, %dma_start3A_270] : memref<10240x128xf32, #tpu.memory_space<vmem_shared>> -> memref<32x128xf32, #tpu.memory_space<vmem_shared>>
      tpu.enqueue_dma source(%dma_start3A_271 : memref<32x128xf32, #tpu.memory_space<vmem_shared>>) target(%dma_start3A_269 : memref<32x128xf32, #tpu.memory_space<vmem>>) target_semaphore(%run_scoped3A_260 : memref<!tpu.dma_semaphore, #tpu.memory_space<semaphore_mem>>)
      %dma_wait3A = arith.constant 0 : i32
      %dma_wait3A_272 = arith.constant 0 : i32
      %dma_wait3A_273 = tpu.memref_slice %arg13[%run_scoped3A_234, %dma_wait3A, %dma_wait3A_272] : memref<2x32x128xf32, #tpu.memory_space<vmem>> -> memref<1x32x128xf32, #tpu.memory_space<vmem>>
      %dma_wait3A_274 = tpu.memref_squeeze %dma_wait3A_273 : memref<1x32x128xf32, #tpu.memory_space<vmem>> -> memref<32x128xf32, #tpu.memory_space<vmem>>
      %dma_wait3A_275 = arith.constant 0 : i32
      %dma_wait3A_276 = tpu.memref_slice %arg16[%add3A_233, %dma_wait3A_275] : memref<10240x128xf32, #tpu.memory_space<vmem_shared>> -> memref<32x128xf32, #tpu.memory_space<vmem_shared>>
      %dma_wait3A_277 = arith.constant 0 : i32
      %dma_wait3A_278 = arith.constant 0 : i32
      %dma_wait3A_279 = tpu.memref_slice %arg13[%run_scoped3A_234, %dma_wait3A_277, %dma_wait3A_278] : memref<2x32x128xf32, #tpu.memory_space<vmem>> -> memref<1x32x128xf32, #tpu.memory_space<vmem>>
      %dma_wait3A_280 = tpu.memref_squeeze %dma_wait3A_279 : memref<1x32x128xf32, #tpu.memory_space<vmem>> -> memref<32x128xf32, #tpu.memory_space<vmem>>
      %dma_wait3A_281 = arith.constant 0 : i32
      %dma_wait3A_282 = tpu.memref_slice %arg16[%add3A_233, %dma_wait3A_281] : memref<10240x128xf32, #tpu.memory_space<vmem_shared>> -> memref<32x128xf32, #tpu.memory_space<vmem_shared>>
      tpu.wait_dma2 semaphore(%run_scoped3A_260 : memref<!tpu.dma_semaphore, #tpu.memory_space<semaphore_mem>>) src(%dma_wait3A_282 : memref<32x128xf32, #tpu.memory_space<vmem_shared>>) dst(%dma_wait3A_280 : memref<32x128xf32, #tpu.memory_space<vmem>>)
      tpu.yield
    }) : () -> ()
    %run_scoped3A_235 = arith.constant 0 : i32
    "tpu.region"() ({
      %run_scoped3A_260 = tpu.sem_alloc : memref<!tpu.dma_semaphore, #tpu.memory_space<semaphore_mem>>
      %dma_start3A = arith.constant 0 : i32
      %dma_start3A_261 = arith.constant 0 : i32
      %dma_start3A_262 = tpu.memref_slice %arg13[%run_scoped3A_235, %dma_start3A, %dma_start3A_261] : memref<2x32x128xf32, #tpu.memory_space<vmem>> -> memref<1x32x128xf32, #tpu.memory_space<vmem>>
      %dma_start3A_263 = tpu.memref_squeeze %dma_start3A_262 : memref<1x32x128xf32, #tpu.memory_space<vmem>> -> memref<32x128xf32, #tpu.memory_space<vmem>>
      %dma_start3A_264 = arith.constant 0 : i32
      %dma_start3A_265 = tpu.memref_slice %arg7[%arg0, %add3A_233, %dma_start3A_264] : memref<2x10240x128xf32, #tpu.memory_space<hbm>> -> memref<1x32x128xf32, #tpu.memory_space<hbm>>
      %dma_start3A_266 = tpu.memref_squeeze %dma_start3A_265 : memref<1x32x128xf32, #tpu.memory_space<hbm>> -> memref<32x128xf32, #tpu.memory_space<hbm>>
      %dma_start3A_267 = arith.constant 0 : i32
      %dma_start3A_268 = tpu.memref_slice %arg7[%arg0, %add3A_233, %dma_start3A_267] : memref<2x10240x128xf32, #tpu.memory_space<hbm>> -> memref<1x32x128xf32, #tpu.memory_space<hbm>>
      %dma_start3A_269 = tpu.memref_squeeze %dma_start3A_268 : memref<1x32x128xf32, #tpu.memory_space<hbm>> -> memref<32x128xf32, #tpu.memory_space<hbm>>
      %dma_start3A_270 = arith.constant 0 : i32
      %dma_start3A_271 = arith.constant 0 : i32
      %dma_start3A_272 = tpu.memref_slice %arg13[%run_scoped3A_235, %dma_start3A_270, %dma_start3A_271] : memref<2x32x128xf32, #tpu.memory_space<vmem>> -> memref<1x32x128xf32, #tpu.memory_space<vmem>>
      %dma_start3A_273 = tpu.memref_squeeze %dma_start3A_272 : memref<1x32x128xf32, #tpu.memory_space<vmem>> -> memref<32x128xf32, #tpu.memory_space<vmem>>
      tpu.enqueue_dma source(%dma_start3A_273 : memref<32x128xf32, #tpu.memory_space<vmem>>) target(%dma_start3A_269 : memref<32x128xf32, #tpu.memory_space<hbm>>) target_semaphore(%run_scoped3A_260 : memref<!tpu.dma_semaphore, #tpu.memory_space<semaphore_mem>>)
      %dma_wait3A = arith.constant 0 : i32
      %dma_wait3A_274 = arith.constant 0 : i32
      %dma_wait3A_275 = tpu.memref_slice %arg13[%run_scoped3A_235, %dma_wait3A, %dma_wait3A_274] : memref<2x32x128xf32, #tpu.memory_space<vmem>> -> memref<1x32x128xf32, #tpu.memory_space<vmem>>
      %dma_wait3A_276 = tpu.memref_squeeze %dma_wait3A_275 : memref<1x32x128xf32, #tpu.memory_space<vmem>> -> memref<32x128xf32, #tpu.memory_space<vmem>>
      %dma_wait3A_277 = arith.constant 0 : i32
      %dma_wait3A_278 = tpu.memref_slice %arg7[%arg0, %add3A_233, %dma_wait3A_277] : memref<2x10240x128xf32, #tpu.memory_space<hbm>> -> memref<1x32x128xf32, #tpu.memory_space<hbm>>
      %dma_wait3A_279 = tpu.memref_squeeze %dma_wait3A_278 : memref<1x32x128xf32, #tpu.memory_space<hbm>> -> memref<32x128xf32, #tpu.memory_space<hbm>>
      %dma_wait3A_280 = arith.constant 0 : i32
      %dma_wait3A_281 = tpu.memref_slice %arg7[%arg0, %add3A_233, %dma_wait3A_280] : memref<2x10240x128xf32, #tpu.memory_space<hbm>> -> memref<1x32x128xf32, #tpu.memory_space<hbm>>
      %dma_wait3A_282 = tpu.memref_squeeze %dma_wait3A_281 : memref<1x32x128xf32, #tpu.memory_space<hbm>> -> memref<32x128xf32, #tpu.memory_space<hbm>>
      %dma_wait3A_283 = arith.constant 0 : i32
      %dma_wait3A_284 = arith.constant 0 : i32
      %dma_wait3A_285 = tpu.memref_slice %arg13[%run_scoped3A_235, %dma_wait3A_283, %dma_wait3A_284] : memref<2x32x128xf32, #tpu.memory_space<vmem>> -> memref<1x32x128xf32, #tpu.memory_space<vmem>>
      %dma_wait3A_286 = tpu.memref_squeeze %dma_wait3A_285 : memref<1x32x128xf32, #tpu.memory_space<vmem>> -> memref<32x128xf32, #tpu.memory_space<vmem>>
      tpu.wait_dma2 semaphore(%run_scoped3A_260 : memref<!tpu.dma_semaphore, #tpu.memory_space<semaphore_mem>>) src(%dma_wait3A_286 : memref<32x128xf32, #tpu.memory_space<vmem>>) dst(%dma_wait3A_282 : memref<32x128xf32, #tpu.memory_space<hbm>>)
      tpu.yield
    }) : () -> ()
    %mul3A_236 = arith.constant 640 : i32
    %mul3A_237 = arith.muli %arg1, %mul3A_236 : i32
    %add3A_238 = arith.constant 576 : i32
    %add3A_239 = arith.addi %mul3A_237, %add3A_238 : i32
    %run_scoped3A_240 = arith.constant 0 : i32
    "tpu.region"() ({
      %run_scoped3A_260 = tpu.sem_alloc : memref<!tpu.dma_semaphore, #tpu.memory_space<semaphore_mem>>
      %dma_start3A = arith.constant 0 : i32
      %dma_start3A_261 = arith.constant 0 : i32
      %dma_start3A_262 = tpu.memref_slice %arg13[%run_scoped3A_240, %dma_start3A, %dma_start3A_261] : memref<2x32x128xf32, #tpu.memory_space<vmem>> -> memref<1x32x128xf32, #tpu.memory_space<vmem>>
      %dma_start3A_263 = tpu.memref_squeeze %dma_start3A_262 : memref<1x32x128xf32, #tpu.memory_space<vmem>> -> memref<32x128xf32, #tpu.memory_space<vmem>>
      %dma_start3A_264 = arith.constant 0 : i32
      %dma_start3A_265 = tpu.memref_slice %arg16[%add3A_239, %dma_start3A_264] : memref<10240x128xf32, #tpu.memory_space<vmem_shared>> -> memref<32x128xf32, #tpu.memory_space<vmem_shared>>
      %dma_start3A_266 = arith.constant 0 : i32
      %dma_start3A_267 = arith.constant 0 : i32
      %dma_start3A_268 = tpu.memref_slice %arg13[%run_scoped3A_240, %dma_start3A_266, %dma_start3A_267] : memref<2x32x128xf32, #tpu.memory_space<vmem>> -> memref<1x32x128xf32, #tpu.memory_space<vmem>>
      %dma_start3A_269 = tpu.memref_squeeze %dma_start3A_268 : memref<1x32x128xf32, #tpu.memory_space<vmem>> -> memref<32x128xf32, #tpu.memory_space<vmem>>
      %dma_start3A_270 = arith.constant 0 : i32
      %dma_start3A_271 = tpu.memref_slice %arg16[%add3A_239, %dma_start3A_270] : memref<10240x128xf32, #tpu.memory_space<vmem_shared>> -> memref<32x128xf32, #tpu.memory_space<vmem_shared>>
      tpu.enqueue_dma source(%dma_start3A_271 : memref<32x128xf32, #tpu.memory_space<vmem_shared>>) target(%dma_start3A_269 : memref<32x128xf32, #tpu.memory_space<vmem>>) target_semaphore(%run_scoped3A_260 : memref<!tpu.dma_semaphore, #tpu.memory_space<semaphore_mem>>)
      %dma_wait3A = arith.constant 0 : i32
      %dma_wait3A_272 = arith.constant 0 : i32
      %dma_wait3A_273 = tpu.memref_slice %arg13[%run_scoped3A_240, %dma_wait3A, %dma_wait3A_272] : memref<2x32x128xf32, #tpu.memory_space<vmem>> -> memref<1x32x128xf32, #tpu.memory_space<vmem>>
      %dma_wait3A_274 = tpu.memref_squeeze %dma_wait3A_273 : memref<1x32x128xf32, #tpu.memory_space<vmem>> -> memref<32x128xf32, #tpu.memory_space<vmem>>
      %dma_wait3A_275 = arith.constant 0 : i32
      %dma_wait3A_276 = tpu.memref_slice %arg16[%add3A_239, %dma_wait3A_275] : memref<10240x128xf32, #tpu.memory_space<vmem_shared>> -> memref<32x128xf32, #tpu.memory_space<vmem_shared>>
      %dma_wait3A_277 = arith.constant 0 : i32
      %dma_wait3A_278 = arith.constant 0 : i32
      %dma_wait3A_279 = tpu.memref_slice %arg13[%run_scoped3A_240, %dma_wait3A_277, %dma_wait3A_278] : memref<2x32x128xf32, #tpu.memory_space<vmem>> -> memref<1x32x128xf32, #tpu.memory_space<vmem>>
      %dma_wait3A_280 = tpu.memref_squeeze %dma_wait3A_279 : memref<1x32x128xf32, #tpu.memory_space<vmem>> -> memref<32x128xf32, #tpu.memory_space<vmem>>
      %dma_wait3A_281 = arith.constant 0 : i32
      %dma_wait3A_282 = tpu.memref_slice %arg16[%add3A_239, %dma_wait3A_281] : memref<10240x128xf32, #tpu.memory_space<vmem_shared>> -> memref<32x128xf32, #tpu.memory_space<vmem_shared>>
      tpu.wait_dma2 semaphore(%run_scoped3A_260 : memref<!tpu.dma_semaphore, #tpu.memory_space<semaphore_mem>>) src(%dma_wait3A_282 : memref<32x128xf32, #tpu.memory_space<vmem_shared>>) dst(%dma_wait3A_280 : memref<32x128xf32, #tpu.memory_space<vmem>>)
      tpu.yield
    }) : () -> ()
    %run_scoped3A_241 = arith.constant 0 : i32
    "tpu.region"() ({
      %run_scoped3A_260 = tpu.sem_alloc : memref<!tpu.dma_semaphore, #tpu.memory_space<semaphore_mem>>
      %dma_start3A = arith.constant 0 : i32
      %dma_start3A_261 = arith.constant 0 : i32
      %dma_start3A_262 = tpu.memref_slice %arg13[%run_scoped3A_241, %dma_start3A, %dma_start3A_261] : memref<2x32x128xf32, #tpu.memory_space<vmem>> -> memref<1x32x128xf32, #tpu.memory_space<vmem>>
      %dma_start3A_263 = tpu.memref_squeeze %dma_start3A_262 : memref<1x32x128xf32, #tpu.memory_space<vmem>> -> memref<32x128xf32, #tpu.memory_space<vmem>>
      %dma_start3A_264 = arith.constant 0 : i32
      %dma_start3A_265 = tpu.memref_slice %arg7[%arg0, %add3A_239, %dma_start3A_264] : memref<2x10240x128xf32, #tpu.memory_space<hbm>> -> memref<1x32x128xf32, #tpu.memory_space<hbm>>
      %dma_start3A_266 = tpu.memref_squeeze %dma_start3A_265 : memref<1x32x128xf32, #tpu.memory_space<hbm>> -> memref<32x128xf32, #tpu.memory_space<hbm>>
      %dma_start3A_267 = arith.constant 0 : i32
      %dma_start3A_268 = tpu.memref_slice %arg7[%arg0, %add3A_239, %dma_start3A_267] : memref<2x10240x128xf32, #tpu.memory_space<hbm>> -> memref<1x32x128xf32, #tpu.memory_space<hbm>>
      %dma_start3A_269 = tpu.memref_squeeze %dma_start3A_268 : memref<1x32x128xf32, #tpu.memory_space<hbm>> -> memref<32x128xf32, #tpu.memory_space<hbm>>
      %dma_start3A_270 = arith.constant 0 : i32
      %dma_start3A_271 = arith.constant 0 : i32
      %dma_start3A_272 = tpu.memref_slice %arg13[%run_scoped3A_241, %dma_start3A_270, %dma_start3A_271] : memref<2x32x128xf32, #tpu.memory_space<vmem>> -> memref<1x32x128xf32, #tpu.memory_space<vmem>>
      %dma_start3A_273 = tpu.memref_squeeze %dma_start3A_272 : memref<1x32x128xf32, #tpu.memory_space<vmem>> -> memref<32x128xf32, #tpu.memory_space<vmem>>
      tpu.enqueue_dma source(%dma_start3A_273 : memref<32x128xf32, #tpu.memory_space<vmem>>) target(%dma_start3A_269 : memref<32x128xf32, #tpu.memory_space<hbm>>) target_semaphore(%run_scoped3A_260 : memref<!tpu.dma_semaphore, #tpu.memory_space<semaphore_mem>>)
      %dma_wait3A = arith.constant 0 : i32
      %dma_wait3A_274 = arith.constant 0 : i32
      %dma_wait3A_275 = tpu.memref_slice %arg13[%run_scoped3A_241, %dma_wait3A, %dma_wait3A_274] : memref<2x32x128xf32, #tpu.memory_space<vmem>> -> memref<1x32x128xf32, #tpu.memory_space<vmem>>
      %dma_wait3A_276 = tpu.memref_squeeze %dma_wait3A_275 : memref<1x32x128xf32, #tpu.memory_space<vmem>> -> memref<32x128xf32, #tpu.memory_space<vmem>>
      %dma_wait3A_277 = arith.constant 0 : i32
      %dma_wait3A_278 = tpu.memref_slice %arg7[%arg0, %add3A_239, %dma_wait3A_277] : memref<2x10240x128xf32, #tpu.memory_space<hbm>> -> memref<1x32x128xf32, #tpu.memory_space<hbm>>
      %dma_wait3A_279 = tpu.memref_squeeze %dma_wait3A_278 : memref<1x32x128xf32, #tpu.memory_space<hbm>> -> memref<32x128xf32, #tpu.memory_space<hbm>>
      %dma_wait3A_280 = arith.constant 0 : i32
      %dma_wait3A_281 = tpu.memref_slice %arg7[%arg0, %add3A_239, %dma_wait3A_280] : memref<2x10240x128xf32, #tpu.memory_space<hbm>> -> memref<1x32x128xf32, #tpu.memory_space<hbm>>
      %dma_wait3A_282 = tpu.memref_squeeze %dma_wait3A_281 : memref<1x32x128xf32, #tpu.memory_space<hbm>> -> memref<32x128xf32, #tpu.memory_space<hbm>>
      %dma_wait3A_283 = arith.constant 0 : i32
      %dma_wait3A_284 = arith.constant 0 : i32
      %dma_wait3A_285 = tpu.memref_slice %arg13[%run_scoped3A_241, %dma_wait3A_283, %dma_wait3A_284] : memref<2x32x128xf32, #tpu.memory_space<vmem>> -> memref<1x32x128xf32, #tpu.memory_space<vmem>>
      %dma_wait3A_286 = tpu.memref_squeeze %dma_wait3A_285 : memref<1x32x128xf32, #tpu.memory_space<vmem>> -> memref<32x128xf32, #tpu.memory_space<vmem>>
      tpu.wait_dma2 semaphore(%run_scoped3A_260 : memref<!tpu.dma_semaphore, #tpu.memory_space<semaphore_mem>>) src(%dma_wait3A_286 : memref<32x128xf32, #tpu.memory_space<vmem>>) dst(%dma_wait3A_282 : memref<32x128xf32, #tpu.memory_space<hbm>>)
      tpu.yield
    }) : () -> ()
    %mul3A_242 = arith.constant 640 : i32
    %mul3A_243 = arith.muli %arg1, %mul3A_242 : i32
    %add3A_244 = arith.constant 608 : i32
    %add3A_245 = arith.addi %mul3A_243, %add3A_244 : i32
    %run_scoped3A_246 = arith.constant 0 : i32
    "tpu.region"() ({
      %run_scoped3A_260 = tpu.sem_alloc : memref<!tpu.dma_semaphore, #tpu.memory_space<semaphore_mem>>
      %dma_start3A = arith.constant 0 : i32
      %dma_start3A_261 = arith.constant 0 : i32
      %dma_start3A_262 = tpu.memref_slice %arg13[%run_scoped3A_246, %dma_start3A, %dma_start3A_261] : memref<2x32x128xf32, #tpu.memory_space<vmem>> -> memref<1x32x128xf32, #tpu.memory_space<vmem>>
      %dma_start3A_263 = tpu.memref_squeeze %dma_start3A_262 : memref<1x32x128xf32, #tpu.memory_space<vmem>> -> memref<32x128xf32, #tpu.memory_space<vmem>>
      %dma_start3A_264 = arith.constant 0 : i32
      %dma_start3A_265 = tpu.memref_slice %arg16[%add3A_245, %dma_start3A_264] : memref<10240x128xf32, #tpu.memory_space<vmem_shared>> -> memref<32x128xf32, #tpu.memory_space<vmem_shared>>
      %dma_start3A_266 = arith.constant 0 : i32
      %dma_start3A_267 = arith.constant 0 : i32
      %dma_start3A_268 = tpu.memref_slice %arg13[%run_scoped3A_246, %dma_start3A_266, %dma_start3A_267] : memref<2x32x128xf32, #tpu.memory_space<vmem>> -> memref<1x32x128xf32, #tpu.memory_space<vmem>>
      %dma_start3A_269 = tpu.memref_squeeze %dma_start3A_268 : memref<1x32x128xf32, #tpu.memory_space<vmem>> -> memref<32x128xf32, #tpu.memory_space<vmem>>
      %dma_start3A_270 = arith.constant 0 : i32
      %dma_start3A_271 = tpu.memref_slice %arg16[%add3A_245, %dma_start3A_270] : memref<10240x128xf32, #tpu.memory_space<vmem_shared>> -> memref<32x128xf32, #tpu.memory_space<vmem_shared>>
      tpu.enqueue_dma source(%dma_start3A_271 : memref<32x128xf32, #tpu.memory_space<vmem_shared>>) target(%dma_start3A_269 : memref<32x128xf32, #tpu.memory_space<vmem>>) target_semaphore(%run_scoped3A_260 : memref<!tpu.dma_semaphore, #tpu.memory_space<semaphore_mem>>)
      %dma_wait3A = arith.constant 0 : i32
      %dma_wait3A_272 = arith.constant 0 : i32
      %dma_wait3A_273 = tpu.memref_slice %arg13[%run_scoped3A_246, %dma_wait3A, %dma_wait3A_272] : memref<2x32x128xf32, #tpu.memory_space<vmem>> -> memref<1x32x128xf32, #tpu.memory_space<vmem>>
      %dma_wait3A_274 = tpu.memref_squeeze %dma_wait3A_273 : memref<1x32x128xf32, #tpu.memory_space<vmem>> -> memref<32x128xf32, #tpu.memory_space<vmem>>
      %dma_wait3A_275 = arith.constant 0 : i32
      %dma_wait3A_276 = tpu.memref_slice %arg16[%add3A_245, %dma_wait3A_275] : memref<10240x128xf32, #tpu.memory_space<vmem_shared>> -> memref<32x128xf32, #tpu.memory_space<vmem_shared>>
      %dma_wait3A_277 = arith.constant 0 : i32
      %dma_wait3A_278 = arith.constant 0 : i32
      %dma_wait3A_279 = tpu.memref_slice %arg13[%run_scoped3A_246, %dma_wait3A_277, %dma_wait3A_278] : memref<2x32x128xf32, #tpu.memory_space<vmem>> -> memref<1x32x128xf32, #tpu.memory_space<vmem>>
      %dma_wait3A_280 = tpu.memref_squeeze %dma_wait3A_279 : memref<1x32x128xf32, #tpu.memory_space<vmem>> -> memref<32x128xf32, #tpu.memory_space<vmem>>
      %dma_wait3A_281 = arith.constant 0 : i32
      %dma_wait3A_282 = tpu.memref_slice %arg16[%add3A_245, %dma_wait3A_281] : memref<10240x128xf32, #tpu.memory_space<vmem_shared>> -> memref<32x128xf32, #tpu.memory_space<vmem_shared>>
      tpu.wait_dma2 semaphore(%run_scoped3A_260 : memref<!tpu.dma_semaphore, #tpu.memory_space<semaphore_mem>>) src(%dma_wait3A_282 : memref<32x128xf32, #tpu.memory_space<vmem_shared>>) dst(%dma_wait3A_280 : memref<32x128xf32, #tpu.memory_space<vmem>>)
      tpu.yield
    }) : () -> ()
    %run_scoped3A_247 = arith.constant 0 : i32
    "tpu.region"() ({
      %run_scoped3A_260 = tpu.sem_alloc : memref<!tpu.dma_semaphore, #tpu.memory_space<semaphore_mem>>
      %dma_start3A = arith.constant 0 : i32
      %dma_start3A_261 = arith.constant 0 : i32
      %dma_start3A_262 = tpu.memref_slice %arg13[%run_scoped3A_247, %dma_start3A, %dma_start3A_261] : memref<2x32x128xf32, #tpu.memory_space<vmem>> -> memref<1x32x128xf32, #tpu.memory_space<vmem>>
      %dma_start3A_263 = tpu.memref_squeeze %dma_start3A_262 : memref<1x32x128xf32, #tpu.memory_space<vmem>> -> memref<32x128xf32, #tpu.memory_space<vmem>>
      %dma_start3A_264 = arith.constant 0 : i32
      %dma_start3A_265 = tpu.memref_slice %arg7[%arg0, %add3A_245, %dma_start3A_264] : memref<2x10240x128xf32, #tpu.memory_space<hbm>> -> memref<1x32x128xf32, #tpu.memory_space<hbm>>
      %dma_start3A_266 = tpu.memref_squeeze %dma_start3A_265 : memref<1x32x128xf32, #tpu.memory_space<hbm>> -> memref<32x128xf32, #tpu.memory_space<hbm>>
      %dma_start3A_267 = arith.constant 0 : i32
      %dma_start3A_268 = tpu.memref_slice %arg7[%arg0, %add3A_245, %dma_start3A_267] : memref<2x10240x128xf32, #tpu.memory_space<hbm>> -> memref<1x32x128xf32, #tpu.memory_space<hbm>>
      %dma_start3A_269 = tpu.memref_squeeze %dma_start3A_268 : memref<1x32x128xf32, #tpu.memory_space<hbm>> -> memref<32x128xf32, #tpu.memory_space<hbm>>
      %dma_start3A_270 = arith.constant 0 : i32
      %dma_start3A_271 = arith.constant 0 : i32
      %dma_start3A_272 = tpu.memref_slice %arg13[%run_scoped3A_247, %dma_start3A_270, %dma_start3A_271] : memref<2x32x128xf32, #tpu.memory_space<vmem>> -> memref<1x32x128xf32, #tpu.memory_space<vmem>>
      %dma_start3A_273 = tpu.memref_squeeze %dma_start3A_272 : memref<1x32x128xf32, #tpu.memory_space<vmem>> -> memref<32x128xf32, #tpu.memory_space<vmem>>
      tpu.enqueue_dma source(%dma_start3A_273 : memref<32x128xf32, #tpu.memory_space<vmem>>) target(%dma_start3A_269 : memref<32x128xf32, #tpu.memory_space<hbm>>) target_semaphore(%run_scoped3A_260 : memref<!tpu.dma_semaphore, #tpu.memory_space<semaphore_mem>>)
      %dma_wait3A = arith.constant 0 : i32
      %dma_wait3A_274 = arith.constant 0 : i32
      %dma_wait3A_275 = tpu.memref_slice %arg13[%run_scoped3A_247, %dma_wait3A, %dma_wait3A_274] : memref<2x32x128xf32, #tpu.memory_space<vmem>> -> memref<1x32x128xf32, #tpu.memory_space<vmem>>
      %dma_wait3A_276 = tpu.memref_squeeze %dma_wait3A_275 : memref<1x32x128xf32, #tpu.memory_space<vmem>> -> memref<32x128xf32, #tpu.memory_space<vmem>>
      %dma_wait3A_277 = arith.constant 0 : i32
      %dma_wait3A_278 = tpu.memref_slice %arg7[%arg0, %add3A_245, %dma_wait3A_277] : memref<2x10240x128xf32, #tpu.memory_space<hbm>> -> memref<1x32x128xf32, #tpu.memory_space<hbm>>
      %dma_wait3A_279 = tpu.memref_squeeze %dma_wait3A_278 : memref<1x32x128xf32, #tpu.memory_space<hbm>> -> memref<32x128xf32, #tpu.memory_space<hbm>>
      %dma_wait3A_280 = arith.constant 0 : i32
      %dma_wait3A_281 = tpu.memref_slice %arg7[%arg0, %add3A_245, %dma_wait3A_280] : memref<2x10240x128xf32, #tpu.memory_space<hbm>> -> memref<1x32x128xf32, #tpu.memory_space<hbm>>
      %dma_wait3A_282 = tpu.memref_squeeze %dma_wait3A_281 : memref<1x32x128xf32, #tpu.memory_space<hbm>> -> memref<32x128xf32, #tpu.memory_space<hbm>>
      %dma_wait3A_283 = arith.constant 0 : i32
      %dma_wait3A_284 = arith.constant 0 : i32
      %dma_wait3A_285 = tpu.memref_slice %arg13[%run_scoped3A_247, %dma_wait3A_283, %dma_wait3A_284] : memref<2x32x128xf32, #tpu.memory_space<vmem>> -> memref<1x32x128xf32, #tpu.memory_space<vmem>>
      %dma_wait3A_286 = tpu.memref_squeeze %dma_wait3A_285 : memref<1x32x128xf32, #tpu.memory_space<vmem>> -> memref<32x128xf32, #tpu.memory_space<vmem>>
      tpu.wait_dma2 semaphore(%run_scoped3A_260 : memref<!tpu.dma_semaphore, #tpu.memory_space<semaphore_mem>>) src(%dma_wait3A_286 : memref<32x128xf32, #tpu.memory_space<vmem>>) dst(%dma_wait3A_282 : memref<32x128xf32, #tpu.memory_space<hbm>>)
      tpu.yield
    }) : () -> ()
    %mul3A_248 = arith.constant 40 : i32
    %mul3A_249 = arith.muli %arg1, %mul3A_248 : i32
    %add3A_250 = arith.constant 0 : i32
    %add3A_251 = arith.addi %mul3A_249, %add3A_250 : i32
    %run_scoped3A_252 = arith.constant 0 : i32
    "tpu.region"() ({
      %run_scoped3A_260 = tpu.sem_alloc : memref<!tpu.dma_semaphore, #tpu.memory_space<semaphore_mem>>
      %dma_start3A = arith.constant 0 : i32
      %dma_start3A_261 = arith.constant 0 : i32
      %dma_start3A_262 = tpu.memref_slice %arg13[%run_scoped3A_252, %dma_start3A, %dma_start3A_261] : memref<2x32x128xf32, #tpu.memory_space<vmem>> -> memref<1x32x128xf32, #tpu.memory_space<vmem>>
      %dma_start3A_263 = tpu.memref_squeeze %dma_start3A_262 : memref<1x32x128xf32, #tpu.memory_space<vmem>> -> memref<32x128xf32, #tpu.memory_space<vmem>>
      %dma_start3A_264 = arith.constant 0 : i32
      %dma_start3A_265 = tpu.memref_slice %arg17[%add3A_251, %dma_start3A_264] : memref<640x128xf32, #tpu.memory_space<vmem_shared>> -> memref<32x128xf32, #tpu.memory_space<vmem_shared>>
      %dma_start3A_266 = arith.constant 0 : i32
      %dma_start3A_267 = arith.constant 0 : i32
      %dma_start3A_268 = tpu.memref_slice %arg13[%run_scoped3A_252, %dma_start3A_266, %dma_start3A_267] : memref<2x32x128xf32, #tpu.memory_space<vmem>> -> memref<1x32x128xf32, #tpu.memory_space<vmem>>
      %dma_start3A_269 = tpu.memref_squeeze %dma_start3A_268 : memref<1x32x128xf32, #tpu.memory_space<vmem>> -> memref<32x128xf32, #tpu.memory_space<vmem>>
      %dma_start3A_270 = arith.constant 0 : i32
      %dma_start3A_271 = tpu.memref_slice %arg17[%add3A_251, %dma_start3A_270] : memref<640x128xf32, #tpu.memory_space<vmem_shared>> -> memref<32x128xf32, #tpu.memory_space<vmem_shared>>
      tpu.enqueue_dma source(%dma_start3A_271 : memref<32x128xf32, #tpu.memory_space<vmem_shared>>) target(%dma_start3A_269 : memref<32x128xf32, #tpu.memory_space<vmem>>) target_semaphore(%run_scoped3A_260 : memref<!tpu.dma_semaphore, #tpu.memory_space<semaphore_mem>>)
      %dma_wait3A = arith.constant 0 : i32
      %dma_wait3A_272 = arith.constant 0 : i32
      %dma_wait3A_273 = tpu.memref_slice %arg13[%run_scoped3A_252, %dma_wait3A, %dma_wait3A_272] : memref<2x32x128xf32, #tpu.memory_space<vmem>> -> memref<1x32x128xf32, #tpu.memory_space<vmem>>
      %dma_wait3A_274 = tpu.memref_squeeze %dma_wait3A_273 : memref<1x32x128xf32, #tpu.memory_space<vmem>> -> memref<32x128xf32, #tpu.memory_space<vmem>>
      %dma_wait3A_275 = arith.constant 0 : i32
      %dma_wait3A_276 = tpu.memref_slice %arg17[%add3A_251, %dma_wait3A_275] : memref<640x128xf32, #tpu.memory_space<vmem_shared>> -> memref<32x128xf32, #tpu.memory_space<vmem_shared>>
      %dma_wait3A_277 = arith.constant 0 : i32
      %dma_wait3A_278 = arith.constant 0 : i32
      %dma_wait3A_279 = tpu.memref_slice %arg13[%run_scoped3A_252, %dma_wait3A_277, %dma_wait3A_278] : memref<2x32x128xf32, #tpu.memory_space<vmem>> -> memref<1x32x128xf32, #tpu.memory_space<vmem>>
      %dma_wait3A_280 = tpu.memref_squeeze %dma_wait3A_279 : memref<1x32x128xf32, #tpu.memory_space<vmem>> -> memref<32x128xf32, #tpu.memory_space<vmem>>
      %dma_wait3A_281 = arith.constant 0 : i32
      %dma_wait3A_282 = tpu.memref_slice %arg17[%add3A_251, %dma_wait3A_281] : memref<640x128xf32, #tpu.memory_space<vmem_shared>> -> memref<32x128xf32, #tpu.memory_space<vmem_shared>>
      tpu.wait_dma2 semaphore(%run_scoped3A_260 : memref<!tpu.dma_semaphore, #tpu.memory_space<semaphore_mem>>) src(%dma_wait3A_282 : memref<32x128xf32, #tpu.memory_space<vmem_shared>>) dst(%dma_wait3A_280 : memref<32x128xf32, #tpu.memory_space<vmem>>)
      tpu.yield
    }) : () -> ()
    %run_scoped3A_253 = arith.constant 0 : i32
    "tpu.region"() ({
      %run_scoped3A_260 = tpu.sem_alloc : memref<!tpu.dma_semaphore, #tpu.memory_space<semaphore_mem>>
      %dma_start3A = arith.constant 0 : i32
      %dma_start3A_261 = arith.constant 0 : i32
      %dma_start3A_262 = tpu.memref_slice %arg13[%run_scoped3A_253, %dma_start3A, %dma_start3A_261] : memref<2x32x128xf32, #tpu.memory_space<vmem>> -> memref<1x32x128xf32, #tpu.memory_space<vmem>>
      %dma_start3A_263 = tpu.memref_squeeze %dma_start3A_262 : memref<1x32x128xf32, #tpu.memory_space<vmem>> -> memref<32x128xf32, #tpu.memory_space<vmem>>
      %dma_start3A_264 = arith.constant 0 : i32
      %dma_start3A_265 = tpu.memref_slice %arg8[%arg0, %add3A_251, %dma_start3A_264] : memref<2x640x128xf32, #tpu.memory_space<hbm>> -> memref<1x32x128xf32, #tpu.memory_space<hbm>>
      %dma_start3A_266 = tpu.memref_squeeze %dma_start3A_265 : memref<1x32x128xf32, #tpu.memory_space<hbm>> -> memref<32x128xf32, #tpu.memory_space<hbm>>
      %dma_start3A_267 = arith.constant 0 : i32
      %dma_start3A_268 = tpu.memref_slice %arg8[%arg0, %add3A_251, %dma_start3A_267] : memref<2x640x128xf32, #tpu.memory_space<hbm>> -> memref<1x32x128xf32, #tpu.memory_space<hbm>>
      %dma_start3A_269 = tpu.memref_squeeze %dma_start3A_268 : memref<1x32x128xf32, #tpu.memory_space<hbm>> -> memref<32x128xf32, #tpu.memory_space<hbm>>
      %dma_start3A_270 = arith.constant 0 : i32
      %dma_start3A_271 = arith.constant 0 : i32
      %dma_start3A_272 = tpu.memref_slice %arg13[%run_scoped3A_253, %dma_start3A_270, %dma_start3A_271] : memref<2x32x128xf32, #tpu.memory_space<vmem>> -> memref<1x32x128xf32, #tpu.memory_space<vmem>>
      %dma_start3A_273 = tpu.memref_squeeze %dma_start3A_272 : memref<1x32x128xf32, #tpu.memory_space<vmem>> -> memref<32x128xf32, #tpu.memory_space<vmem>>
      tpu.enqueue_dma source(%dma_start3A_273 : memref<32x128xf32, #tpu.memory_space<vmem>>) target(%dma_start3A_269 : memref<32x128xf32, #tpu.memory_space<hbm>>) target_semaphore(%run_scoped3A_260 : memref<!tpu.dma_semaphore, #tpu.memory_space<semaphore_mem>>)
      %dma_wait3A = arith.constant 0 : i32
      %dma_wait3A_274 = arith.constant 0 : i32
      %dma_wait3A_275 = tpu.memref_slice %arg13[%run_scoped3A_253, %dma_wait3A, %dma_wait3A_274] : memref<2x32x128xf32, #tpu.memory_space<vmem>> -> memref<1x32x128xf32, #tpu.memory_space<vmem>>
      %dma_wait3A_276 = tpu.memref_squeeze %dma_wait3A_275 : memref<1x32x128xf32, #tpu.memory_space<vmem>> -> memref<32x128xf32, #tpu.memory_space<vmem>>
      %dma_wait3A_277 = arith.constant 0 : i32
      %dma_wait3A_278 = tpu.memref_slice %arg8[%arg0, %add3A_251, %dma_wait3A_277] : memref<2x640x128xf32, #tpu.memory_space<hbm>> -> memref<1x32x128xf32, #tpu.memory_space<hbm>>
      %dma_wait3A_279 = tpu.memref_squeeze %dma_wait3A_278 : memref<1x32x128xf32, #tpu.memory_space<hbm>> -> memref<32x128xf32, #tpu.memory_space<hbm>>
      %dma_wait3A_280 = arith.constant 0 : i32
      %dma_wait3A_281 = tpu.memref_slice %arg8[%arg0, %add3A_251, %dma_wait3A_280] : memref<2x640x128xf32, #tpu.memory_space<hbm>> -> memref<1x32x128xf32, #tpu.memory_space<hbm>>
      %dma_wait3A_282 = tpu.memref_squeeze %dma_wait3A_281 : memref<1x32x128xf32, #tpu.memory_space<hbm>> -> memref<32x128xf32, #tpu.memory_space<hbm>>
      %dma_wait3A_283 = arith.constant 0 : i32
      %dma_wait3A_284 = arith.constant 0 : i32
      %dma_wait3A_285 = tpu.memref_slice %arg13[%run_scoped3A_253, %dma_wait3A_283, %dma_wait3A_284] : memref<2x32x128xf32, #tpu.memory_space<vmem>> -> memref<1x32x128xf32, #tpu.memory_space<vmem>>
      %dma_wait3A_286 = tpu.memref_squeeze %dma_wait3A_285 : memref<1x32x128xf32, #tpu.memory_space<vmem>> -> memref<32x128xf32, #tpu.memory_space<vmem>>
      tpu.wait_dma2 semaphore(%run_scoped3A_260 : memref<!tpu.dma_semaphore, #tpu.memory_space<semaphore_mem>>) src(%dma_wait3A_286 : memref<32x128xf32, #tpu.memory_space<vmem>>) dst(%dma_wait3A_282 : memref<32x128xf32, #tpu.memory_space<hbm>>)
      tpu.yield
    }) : () -> ()
    %mul3A_254 = arith.constant 40 : i32
    %mul3A_255 = arith.muli %arg1, %mul3A_254 : i32
    %add3A_256 = arith.constant 32 : i32
    %add3A_257 = arith.addi %mul3A_255, %add3A_256 : i32
    %run_scoped3A_258 = arith.constant 0 : i32
    "tpu.region"() ({
      %run_scoped3A_260 = tpu.sem_alloc : memref<!tpu.dma_semaphore, #tpu.memory_space<semaphore_mem>>
      %dma_start3A = arith.constant 0 : i32
      %dma_start3A_261 = arith.constant 0 : i32
      %dma_start3A_262 = tpu.memref_slice %arg13[%run_scoped3A_258, %dma_start3A, %dma_start3A_261] : memref<2x32x128xf32, #tpu.memory_space<vmem>> -> memref<1x32x128xf32, #tpu.memory_space<vmem>>
      %dma_start3A_263 = tpu.memref_squeeze %dma_start3A_262 : memref<1x32x128xf32, #tpu.memory_space<vmem>> -> memref<32x128xf32, #tpu.memory_space<vmem>>
      %dma_start3A_264 = arith.constant 0 : i32
      %dma_start3A_265 = arith.constant 0 : i32
      %dma_start3A_266 = tpu.memref_slice %dma_start3A_263[%dma_start3A_264, %dma_start3A_265] : memref<32x128xf32, #tpu.memory_space<vmem>> -> memref<8x128xf32, #tpu.memory_space<vmem>>
      %dma_start3A_267 = arith.constant 0 : i32
      %dma_start3A_268 = tpu.memref_slice %arg17[%add3A_257, %dma_start3A_267] : memref<640x128xf32, #tpu.memory_space<vmem_shared>> -> memref<8x128xf32, #tpu.memory_space<vmem_shared>>
      %dma_start3A_269 = arith.constant 0 : i32
      %dma_start3A_270 = arith.constant 0 : i32
      %dma_start3A_271 = tpu.memref_slice %arg13[%run_scoped3A_258, %dma_start3A_269, %dma_start3A_270] : memref<2x32x128xf32, #tpu.memory_space<vmem>> -> memref<1x32x128xf32, #tpu.memory_space<vmem>>
      %dma_start3A_272 = tpu.memref_squeeze %dma_start3A_271 : memref<1x32x128xf32, #tpu.memory_space<vmem>> -> memref<32x128xf32, #tpu.memory_space<vmem>>
      %dma_start3A_273 = arith.constant 0 : i32
      %dma_start3A_274 = arith.constant 0 : i32
      %dma_start3A_275 = tpu.memref_slice %dma_start3A_272[%dma_start3A_273, %dma_start3A_274] : memref<32x128xf32, #tpu.memory_space<vmem>> -> memref<8x128xf32, #tpu.memory_space<vmem>>
      %dma_start3A_276 = arith.constant 0 : i32
      %dma_start3A_277 = tpu.memref_slice %arg17[%add3A_257, %dma_start3A_276] : memref<640x128xf32, #tpu.memory_space<vmem_shared>> -> memref<8x128xf32, #tpu.memory_space<vmem_shared>>
      tpu.enqueue_dma source(%dma_start3A_277 : memref<8x128xf32, #tpu.memory_space<vmem_shared>>) target(%dma_start3A_275 : memref<8x128xf32, #tpu.memory_space<vmem>>) target_semaphore(%run_scoped3A_260 : memref<!tpu.dma_semaphore, #tpu.memory_space<semaphore_mem>>)
      %dma_wait3A = arith.constant 0 : i32
      %dma_wait3A_278 = arith.constant 0 : i32
      %dma_wait3A_279 = tpu.memref_slice %arg13[%run_scoped3A_258, %dma_wait3A, %dma_wait3A_278] : memref<2x32x128xf32, #tpu.memory_space<vmem>> -> memref<1x32x128xf32, #tpu.memory_space<vmem>>
      %dma_wait3A_280 = tpu.memref_squeeze %dma_wait3A_279 : memref<1x32x128xf32, #tpu.memory_space<vmem>> -> memref<32x128xf32, #tpu.memory_space<vmem>>
      %dma_wait3A_281 = arith.constant 0 : i32
      %dma_wait3A_282 = arith.constant 0 : i32
      %dma_wait3A_283 = tpu.memref_slice %dma_wait3A_280[%dma_wait3A_281, %dma_wait3A_282] : memref<32x128xf32, #tpu.memory_space<vmem>> -> memref<8x128xf32, #tpu.memory_space<vmem>>
      %dma_wait3A_284 = arith.constant 0 : i32
      %dma_wait3A_285 = tpu.memref_slice %arg17[%add3A_257, %dma_wait3A_284] : memref<640x128xf32, #tpu.memory_space<vmem_shared>> -> memref<8x128xf32, #tpu.memory_space<vmem_shared>>
      %dma_wait3A_286 = arith.constant 0 : i32
      %dma_wait3A_287 = arith.constant 0 : i32
      %dma_wait3A_288 = tpu.memref_slice %arg13[%run_scoped3A_258, %dma_wait3A_286, %dma_wait3A_287] : memref<2x32x128xf32, #tpu.memory_space<vmem>> -> memref<1x32x128xf32, #tpu.memory_space<vmem>>
      %dma_wait3A_289 = tpu.memref_squeeze %dma_wait3A_288 : memref<1x32x128xf32, #tpu.memory_space<vmem>> -> memref<32x128xf32, #tpu.memory_space<vmem>>
      %dma_wait3A_290 = arith.constant 0 : i32
      %dma_wait3A_291 = arith.constant 0 : i32
      %dma_wait3A_292 = tpu.memref_slice %dma_wait3A_289[%dma_wait3A_290, %dma_wait3A_291] : memref<32x128xf32, #tpu.memory_space<vmem>> -> memref<8x128xf32, #tpu.memory_space<vmem>>
      %dma_wait3A_293 = arith.constant 0 : i32
      %dma_wait3A_294 = tpu.memref_slice %arg17[%add3A_257, %dma_wait3A_293] : memref<640x128xf32, #tpu.memory_space<vmem_shared>> -> memref<8x128xf32, #tpu.memory_space<vmem_shared>>
      tpu.wait_dma2 semaphore(%run_scoped3A_260 : memref<!tpu.dma_semaphore, #tpu.memory_space<semaphore_mem>>) src(%dma_wait3A_294 : memref<8x128xf32, #tpu.memory_space<vmem_shared>>) dst(%dma_wait3A_292 : memref<8x128xf32, #tpu.memory_space<vmem>>)
      tpu.yield
    }) : () -> ()
    %run_scoped3A_259 = arith.constant 0 : i32
    "tpu.region"() ({
      %run_scoped3A_260 = tpu.sem_alloc : memref<!tpu.dma_semaphore, #tpu.memory_space<semaphore_mem>>
      %dma_start3A = arith.constant 0 : i32
      %dma_start3A_261 = arith.constant 0 : i32
      %dma_start3A_262 = tpu.memref_slice %arg13[%run_scoped3A_259, %dma_start3A, %dma_start3A_261] : memref<2x32x128xf32, #tpu.memory_space<vmem>> -> memref<1x32x128xf32, #tpu.memory_space<vmem>>
      %dma_start3A_263 = tpu.memref_squeeze %dma_start3A_262 : memref<1x32x128xf32, #tpu.memory_space<vmem>> -> memref<32x128xf32, #tpu.memory_space<vmem>>
      %dma_start3A_264 = arith.constant 0 : i32
      %dma_start3A_265 = arith.constant 0 : i32
      %dma_start3A_266 = tpu.memref_slice %dma_start3A_263[%dma_start3A_264, %dma_start3A_265] : memref<32x128xf32, #tpu.memory_space<vmem>> -> memref<8x128xf32, #tpu.memory_space<vmem>>
      %dma_start3A_267 = arith.constant 0 : i32
      %dma_start3A_268 = tpu.memref_slice %arg8[%arg0, %add3A_257, %dma_start3A_267] : memref<2x640x128xf32, #tpu.memory_space<hbm>> -> memref<1x8x128xf32, #tpu.memory_space<hbm>>
      %dma_start3A_269 = tpu.memref_squeeze %dma_start3A_268 : memref<1x8x128xf32, #tpu.memory_space<hbm>> -> memref<8x128xf32, #tpu.memory_space<hbm>>
      %dma_start3A_270 = arith.constant 0 : i32
      %dma_start3A_271 = tpu.memref_slice %arg8[%arg0, %add3A_257, %dma_start3A_270] : memref<2x640x128xf32, #tpu.memory_space<hbm>> -> memref<1x8x128xf32, #tpu.memory_space<hbm>>
      %dma_start3A_272 = tpu.memref_squeeze %dma_start3A_271 : memref<1x8x128xf32, #tpu.memory_space<hbm>> -> memref<8x128xf32, #tpu.memory_space<hbm>>
      %dma_start3A_273 = arith.constant 0 : i32
      %dma_start3A_274 = arith.constant 0 : i32
      %dma_start3A_275 = tpu.memref_slice %arg13[%run_scoped3A_259, %dma_start3A_273, %dma_start3A_274] : memref<2x32x128xf32, #tpu.memory_space<vmem>> -> memref<1x32x128xf32, #tpu.memory_space<vmem>>
      %dma_start3A_276 = tpu.memref_squeeze %dma_start3A_275 : memref<1x32x128xf32, #tpu.memory_space<vmem>> -> memref<32x128xf32, #tpu.memory_space<vmem>>
      %dma_start3A_277 = arith.constant 0 : i32
      %dma_start3A_278 = arith.constant 0 : i32
      %dma_start3A_279 = tpu.memref_slice %dma_start3A_276[%dma_start3A_277, %dma_start3A_278] : memref<32x128xf32, #tpu.memory_space<vmem>> -> memref<8x128xf32, #tpu.memory_space<vmem>>
      tpu.enqueue_dma source(%dma_start3A_279 : memref<8x128xf32, #tpu.memory_space<vmem>>) target(%dma_start3A_272 : memref<8x128xf32, #tpu.memory_space<hbm>>) target_semaphore(%run_scoped3A_260 : memref<!tpu.dma_semaphore, #tpu.memory_space<semaphore_mem>>)
      %dma_wait3A = arith.constant 0 : i32
      %dma_wait3A_280 = arith.constant 0 : i32
      %dma_wait3A_281 = tpu.memref_slice %arg13[%run_scoped3A_259, %dma_wait3A, %dma_wait3A_280] : memref<2x32x128xf32, #tpu.memory_space<vmem>> -> memref<1x32x128xf32, #tpu.memory_space<vmem>>
      %dma_wait3A_282 = tpu.memref_squeeze %dma_wait3A_281 : memref<1x32x128xf32, #tpu.memory_space<vmem>> -> memref<32x128xf32, #tpu.memory_space<vmem>>
      %dma_wait3A_283 = arith.constant 0 : i32
      %dma_wait3A_284 = arith.constant 0 : i32
      %dma_wait3A_285 = tpu.memref_slice %dma_wait3A_282[%dma_wait3A_283, %dma_wait3A_284] : memref<32x128xf32, #tpu.memory_space<vmem>> -> memref<8x128xf32, #tpu.memory_space<vmem>>
      %dma_wait3A_286 = arith.constant 0 : i32
      %dma_wait3A_287 = tpu.memref_slice %arg8[%arg0, %add3A_257, %dma_wait3A_286] : memref<2x640x128xf32, #tpu.memory_space<hbm>> -> memref<1x8x128xf32, #tpu.memory_space<hbm>>
      %dma_wait3A_288 = tpu.memref_squeeze %dma_wait3A_287 : memref<1x8x128xf32, #tpu.memory_space<hbm>> -> memref<8x128xf32, #tpu.memory_space<hbm>>
      %dma_wait3A_289 = arith.constant 0 : i32
      %dma_wait3A_290 = tpu.memref_slice %arg8[%arg0, %add3A_257, %dma_wait3A_289] : memref<2x640x128xf32, #tpu.memory_space<hbm>> -> memref<1x8x128xf32, #tpu.memory_space<hbm>>
      %dma_wait3A_291 = tpu.memref_squeeze %dma_wait3A_290 : memref<1x8x128xf32, #tpu.memory_space<hbm>> -> memref<8x128xf32, #tpu.memory_space<hbm>>
      %dma_wait3A_292 = arith.constant 0 : i32
      %dma_wait3A_293 = arith.constant 0 : i32
      %dma_wait3A_294 = tpu.memref_slice %arg13[%run_scoped3A_259, %dma_wait3A_292, %dma_wait3A_293] : memref<2x32x128xf32, #tpu.memory_space<vmem>> -> memref<1x32x128xf32, #tpu.memory_space<vmem>>
      %dma_wait3A_295 = tpu.memref_squeeze %dma_wait3A_294 : memref<1x32x128xf32, #tpu.memory_space<vmem>> -> memref<32x128xf32, #tpu.memory_space<vmem>>
      %dma_wait3A_296 = arith.constant 0 : i32
      %dma_wait3A_297 = arith.constant 0 : i32
      %dma_wait3A_298 = tpu.memref_slice %dma_wait3A_295[%dma_wait3A_296, %dma_wait3A_297] : memref<32x128xf32, #tpu.memory_space<vmem>> -> memref<8x128xf32, #tpu.memory_space<vmem>>
      tpu.wait_dma2 semaphore(%run_scoped3A_260 : memref<!tpu.dma_semaphore, #tpu.memory_space<semaphore_mem>>) src(%dma_wait3A_298 : memref<8x128xf32, #tpu.memory_space<vmem>>) dst(%dma_wait3A_291 : memref<8x128xf32, #tpu.memory_space<hbm>>)
      tpu.yield
    }) : () -> ()
    return
  }
}

module attributes {stable_mosaic.version = 14 : i64} {
  func.func @_stage1_body(%arg0: i32, %arg1: memref<1024x128xf32, #tpu.memory_space<vmem>>, %arg2: memref<128x128xf32, #tpu.memory_space<vmem>>, %arg3: memref<1x128xf32, #tpu.memory_space<vmem>>, %arg4: memref<128x128xf32, #tpu.memory_space<vmem>>, %arg5: memref<1x128xf32, #tpu.memory_space<vmem>>, %arg6: memref<1024x128xf32, #tpu.memory_space<vmem>>, %arg7: memref<1024x128xf32, #tpu.memory_space<vmem>>) attributes {dimension_semantics = [#tpu.dimension_semantics<arbitrary>], iteration_bounds = array<i64: 40>, scalar_prefetch = 0 : i64, scratch_operands = 0 : i64, tpu.core_type = #tpu.core_type<tc>, window_params = [{transform_indices = @transform_0, window_bounds = array<i64: 1024, 128>}, {pipeline_mode = #tpu.pipeline_mode<synchronous>, transform_indices = @transform_1, window_bounds = array<i64: 128, 128>}, {pipeline_mode = #tpu.pipeline_mode<synchronous>, transform_indices = @transform_2, window_bounds = array<i64: 1, 128>}, {pipeline_mode = #tpu.pipeline_mode<synchronous>, transform_indices = @transform_3, window_bounds = array<i64: 128, 128>}, {pipeline_mode = #tpu.pipeline_mode<synchronous>, transform_indices = @transform_4, window_bounds = array<i64: 1, 128>}, {transform_indices = @transform_5, window_bounds = array<i64: 1024, 128>}, {transform_indices = @transform_6, window_bounds = array<i64: 1024, 128>}]} {
    %get3A = arith.constant 0 : index
    %get3A_0 = arith.constant 0 : index
    %get3A_1 = vector.load %arg1[%get3A, %get3A_0] : memref<1024x128xf32, #tpu.memory_space<vmem>>, vector<1024x128xf32>
    %get3A_2 = arith.constant 0 : index
    %get3A_3 = arith.constant 0 : index
    %get3A_4 = vector.load %arg2[%get3A_2, %get3A_3] : memref<128x128xf32, #tpu.memory_space<vmem>>, vector<128x128xf32>
    %dot_general3A = arith.constant dense<0.000000e+00> : vector<1024x128xf32>
    %dot_general3A_5 = tpu.matmul %get3A_1, %get3A_4, %dot_general3A {dimension_numbers = #tpu.dot_dimension_numbers<[1], [0], [0], [1], [0, 0, 1, 1], [], []>, transpose_lhs_hint = false} : vector<1024x128xf32>, vector<128x128xf32>, vector<1024x128xf32> -> vector<1024x128xf32>
    %get3A_6 = arith.constant 0 : index
    %get3A_7 = arith.constant 0 : index
    %get3A_8 = vector.load %arg3[%get3A_6, %get3A_7] : memref<1x128xf32, #tpu.memory_space<vmem>>, vector<1x128xf32>
    %add3A = vector.broadcast %get3A_8 : vector<1x128xf32> to vector<1024x128xf32>
    %add3A_9 = arith.addf %dot_general3A_5, %add3A : vector<1024x128xf32>
    %swap3A = arith.constant 0 : index
    %swap3A_10 = arith.constant 0 : index
    %swap3A_11 = vector.load %arg6[%swap3A, %swap3A_10] : memref<1024x128xf32, #tpu.memory_space<vmem>>, vector<1024x128xf32>
    tpu.vector_store %arg6[%swap3A, %swap3A_10], %add3A_9 {strides = array<i32>} : memref<1024x128xf32, #tpu.memory_space<vmem>>, vector<1024x128xf32>,
    %get3A_12 = arith.constant 0 : index
    %get3A_13 = arith.constant 0 : index
    %get3A_14 = vector.load %arg4[%get3A_12, %get3A_13] : memref<128x128xf32, #tpu.memory_space<vmem>>, vector<128x128xf32>
    %dot_general3A_15 = arith.constant dense<0.000000e+00> : vector<1024x128xf32>
    %dot_general3A_16 = tpu.matmul %get3A_1, %get3A_14, %dot_general3A_15 {dimension_numbers = #tpu.dot_dimension_numbers<[1], [0], [0], [1], [0, 0, 1, 1], [], []>, transpose_lhs_hint = false} : vector<1024x128xf32>, vector<128x128xf32>, vector<1024x128xf32> -> vector<1024x128xf32>
    %get3A_17 = arith.constant 0 : index
    %get3A_18 = arith.constant 0 : index
    %get3A_19 = vector.load %arg5[%get3A_17, %get3A_18] : memref<1x128xf32, #tpu.memory_space<vmem>>, vector<1x128xf32>
    %add3A_20 = vector.broadcast %get3A_19 : vector<1x128xf32> to vector<1024x128xf32>
    %add3A_21 = arith.addf %dot_general3A_16, %add3A_20 : vector<1024x128xf32>
    %swap3A_22 = arith.constant 0 : index
    %swap3A_23 = arith.constant 0 : index
    %swap3A_24 = vector.load %arg7[%swap3A_22, %swap3A_23] : memref<1024x128xf32, #tpu.memory_space<vmem>>, vector<1024x128xf32>
    tpu.vector_store %arg7[%swap3A_22, %swap3A_23], %add3A_21 {strides = array<i32>} : memref<1024x128xf32, #tpu.memory_space<vmem>>, vector<1024x128xf32>,
    return
  }
  func.func @transform_0(%arg0: i32) -> (i32, i32) {
    %c0_i32 = arith.constant 0 : i32
    %c0_i32_0 = arith.constant 0 : i32
    return %arg0, %c0_i32 : i32, i32
  }
  func.func @transform_1(%arg0: i32) -> (i32, i32) {
    %c0_i32 = arith.constant 0 : i32
    %c0_i32_0 = arith.constant 0 : i32
    %c0_i32_1 = arith.constant 0 : i32
    return %c0_i32, %c0_i32_0 : i32, i32
  }
  func.func @transform_2(%arg0: i32) -> (i32, i32) {
    %c0_i32 = arith.constant 0 : i32
    %c0_i32_0 = arith.constant 0 : i32
    %c0_i32_1 = arith.constant 0 : i32
    return %c0_i32, %c0_i32_0 : i32, i32
  }
  func.func @transform_3(%arg0: i32) -> (i32, i32) {
    %c0_i32 = arith.constant 0 : i32
    %c0_i32_0 = arith.constant 0 : i32
    %c0_i32_1 = arith.constant 0 : i32
    return %c0_i32, %c0_i32_0 : i32, i32
  }
  func.func @transform_4(%arg0: i32) -> (i32, i32) {
    %c0_i32 = arith.constant 0 : i32
    %c0_i32_0 = arith.constant 0 : i32
    %c0_i32_1 = arith.constant 0 : i32
    return %c0_i32, %c0_i32_0 : i32, i32
  }
  func.func @transform_5(%arg0: i32) -> (i32, i32) {
    %c0_i32 = arith.constant 0 : i32
    %c0_i32_0 = arith.constant 0 : i32
    return %arg0, %c0_i32 : i32, i32
  }
  func.func @transform_6(%arg0: i32) -> (i32, i32) {
    %c0_i32 = arith.constant 0 : i32
    %c0_i32_0 = arith.constant 0 : i32
    return %arg0, %c0_i32 : i32, i32
  }
}

module attributes {stable_mosaic.version = 14 : i64} {
  func.func @_stage3_body(%arg0: i32, %arg1: memref<1024x128xf32, #tpu.memory_space<vmem>>, %arg2: memref<1024x128xf32, #tpu.memory_space<vmem>>, %arg3: memref<1x128xf32, #tpu.memory_space<vmem>>, %arg4: memref<2x1024x128xf32, #tpu.memory_space<vmem>>, %arg5: memref<2x1024xf32, #tpu.memory_space<vmem>>, %arg6: memref<1x128xf32, #tpu.memory_space<vmem>>, %arg7: memref<128x128xf32, #tpu.memory_space<vmem>>, %arg8: memref<1x128xf32, #tpu.memory_space<vmem>>, %arg9: memref<1024x128xf32, #tpu.memory_space<vmem>>) attributes {dimension_semantics = [#tpu.dimension_semantics<arbitrary>], iteration_bounds = array<i64: 40>, scalar_prefetch = 0 : i64, scratch_operands = 0 : i64, tpu.core_type = #tpu.core_type<tc>, window_params = [{transform_indices = @transform_0, window_bounds = array<i64: 1024, 128>}, {transform_indices = @transform_1, window_bounds = array<i64: 1024, 128>}, {pipeline_mode = #tpu.pipeline_mode<synchronous>, transform_indices = @transform_2, window_bounds = array<i64: 1, 128>}, {transform_indices = @transform_3, window_bounds = array<i64: 2, 1024, 128>}, {transform_indices = @transform_4, window_bounds = array<i64: 2, 1024>}, {pipeline_mode = #tpu.pipeline_mode<synchronous>, transform_indices = @transform_5, window_bounds = array<i64: 1, 128>}, {pipeline_mode = #tpu.pipeline_mode<synchronous>, transform_indices = @transform_6, window_bounds = array<i64: 128, 128>}, {pipeline_mode = #tpu.pipeline_mode<synchronous>, transform_indices = @transform_7, window_bounds = array<i64: 1, 128>}, {transform_indices = @transform_8, window_bounds = array<i64: 1024, 128>}]} {
    %get3A = arith.constant 0 : index
    %get3A_0 = arith.constant 0 : index
    %get3A_1 = vector.load %arg1[%get3A, %get3A_0] : memref<1024x128xf32, #tpu.memory_space<vmem>>, vector<1024x128xf32>
    %get3A_2 = arith.constant 0 : index
    %get3A_3 = arith.constant 0 : index
    %get3A_4 = vector.load %arg2[%get3A_2, %get3A_3] : memref<1024x128xf32, #tpu.memory_space<vmem>>, vector<1024x128xf32>
    %add3A = arith.addf %get3A_1, %get3A_4 : vector<1024x128xf32>
    %mul3A = arith.constant 2.000000e-01 : f32
    %mul3A_5 = vector.broadcast %mul3A : f32 to vector<1024x128xf32>
    %mul3A_6 = arith.mulf %mul3A_5, %add3A : vector<1024x128xf32>
    %max3A = arith.maximumf %add3A, %mul3A_6 : vector<1024x128xf32>
    %get3A_7 = arith.constant 0 : index
    %get3A_8 = arith.constant 0 : index
    %get3A_9 = vector.load %arg3[%get3A_7, %get3A_8] : memref<1x128xf32, #tpu.memory_space<vmem>>, vector<1x128xf32>
    %mul3A_10 = vector.broadcast %get3A_9 : vector<1x128xf32> to vector<1024x128xf32>
    %mul3A_11 = arith.mulf %max3A, %mul3A_10 : vector<1024x128xf32>
    %reduce_sum3A = arith.constant dense<0.000000e+00> : vector<1024xf32>
    %reduce_sum3A_12 = vector.multi_reduction <add>, %mul3A_11, %reduce_sum3A [1] : vector<1024x128xf32> to vector<1024xf32>
    %broadcast_in_dim3A = vector.shape_cast %reduce_sum3A_12 : vector<1024xf32> to vector<1024x1xf32>
    %exp3A = math.exp %broadcast_in_dim3A : vector<1024x1xf32>
    %get3A_13 = arith.constant 0 : index
    %get3A_14 = arith.constant 0 : index
    %get3A_15 = arith.constant 0 : index
    %get3A_16 = vector.load %arg4[%get3A_13, %get3A_14, %get3A_15] : memref<2x1024x128xf32, #tpu.memory_space<vmem>>, vector<2x1024x128xf32>
    %get3A_17 = arith.constant 0 : index
    %get3A_18 = arith.constant 0 : index
    %get3A_19 = vector.load %arg5[%get3A_17, %get3A_18] : memref<2x1024xf32, #tpu.memory_space<vmem>>, vector<2x1024xf32>
    %slice3A = vector.extract_strided_slice %get3A_16 {offsets = [0, 0, 0], sizes = [1, 1024, 128], strides = [1, 1, 1]} : vector<2x1024x128xf32> to vector<1x1024x128xf32>
    %squeeze3A = vector.shape_cast %slice3A : vector<1x1024x128xf32> to vector<1024x128xf32>
    %slice3A_20 = vector.extract_strided_slice %get3A_16 {offsets = [1, 0, 0], sizes = [1, 1024, 128], strides = [1, 1, 1]} : vector<2x1024x128xf32> to vector<1x1024x128xf32>
    %squeeze3A_21 = vector.shape_cast %slice3A_20 : vector<1x1024x128xf32> to vector<1024x128xf32>
    %add3A_22 = arith.addf %squeeze3A, %squeeze3A_21 : vector<1024x128xf32>
    %reduce_sum3A_23 = arith.constant dense<0.000000e+00> : vector<1024xf32>
    %reduce_sum3A_24 = vector.multi_reduction <add>, %get3A_19, %reduce_sum3A_23 [0] : vector<2x1024xf32> to vector<1024xf32>
    %mul3A_25 = arith.constant 4.000000e+00 : f32
    %mul3A_26 = vector.broadcast %mul3A_25 : f32 to vector<1024x128xf32>
    %mul3A_27 = arith.mulf %mul3A_26, %add3A_22 : vector<1024x128xf32>
    %mul3A_28 = vector.broadcast %exp3A : vector<1024x1xf32> to vector<1024x128xf32>
    %mul3A_29 = arith.mulf %mul3A_28, %get3A_1 : vector<1024x128xf32>
    %add3A_30 = arith.addf %mul3A_27, %mul3A_29 : vector<1024x128xf32>
    %mul3A_31 = arith.constant 4.000000e+00 : f32
    %mul3A_32 = vector.broadcast %mul3A_31 : f32 to vector<1024xf32>
    %mul3A_33 = arith.mulf %mul3A_32, %reduce_sum3A_24 : vector<1024xf32>
    %squeeze3A_34 = vector.shape_cast %exp3A : vector<1024x1xf32> to vector<1024xf32>
    %add3A_35 = arith.addf %mul3A_33, %squeeze3A_34 : vector<1024xf32>
    %broadcast_in_dim3A_36 = vector.shape_cast %add3A_35 : vector<1024xf32> to vector<1024x1xf32>
    %add3A_37 = arith.constant 1.000000e-16 : f32
    %add3A_38 = vector.broadcast %add3A_37 : f32 to vector<1024x1xf32>
    %add3A_39 = arith.addf %broadcast_in_dim3A_36, %add3A_38 : vector<1024x1xf32>
    %div3A = vector.broadcast %add3A_39 : vector<1024x1xf32> to vector<1024x128xf32>
    %div3A_40 = arith.divf %add3A_30, %div3A : vector<1024x128xf32>
    %mul3A_41 = arith.constant 1024 : i32
    %mul3A_42 = arith.muli %arg0, %mul3A_41 : i32
    %iota3A = tpu.iota {dimensions = array<i32: 0>} : vector<1024x128xi32>
    %add3A_43 = vector.broadcast %mul3A_42 : i32 to vector<1024x128xi32>
    %add3A_44 = arith.addi %add3A_43, %iota3A : vector<1024x128xi32>
    %sub3A = arith.constant 10000 : i32
    %sub3A_45 = vector.broadcast %sub3A : i32 to vector<1024x128xi32>
    %sub3A_46 = arith.subi %sub3A_45, %add3A_44 : vector<1024x128xi32>
    %convert_element_type3A = arith.sitofp %sub3A_46 : vector<1024x128xi32> to vector<1024x128xf32>
    %jit3A = arith.constant 0.000000e+00 : f32
    %jit3A_47 = arith.constant 1.000000e+00 : f32
    %max3A_48 = vector.broadcast %jit3A : f32 to vector<1024x128xf32>
    %max3A_49 = arith.maximumf %max3A_48, %convert_element_type3A : vector<1024x128xf32>
    %min3A = vector.broadcast %jit3A_47 : f32 to vector<1024x128xf32>
    %min3A_50 = arith.minimumf %min3A, %max3A_49 : vector<1024x128xf32>
    %mul3A_51 = arith.mulf %min3A_50, %div3A_40 : vector<1024x128xf32>
    %sub3A_52 = arith.constant 1.000000e+00 : f32
    %sub3A_53 = vector.broadcast %sub3A_52 : f32 to vector<1024x128xf32>
    %sub3A_54 = arith.subf %sub3A_53, %min3A_50 : vector<1024x128xf32>
    %mul3A_55 = arith.mulf %sub3A_54, %get3A_1 : vector<1024x128xf32>
    %add3A_56 = arith.addf %mul3A_51, %mul3A_55 : vector<1024x128xf32>
    %get3A_57 = arith.constant 0 : index
    %get3A_58 = arith.constant 0 : index
    %get3A_59 = vector.load %arg6[%get3A_57, %get3A_58] : memref<1x128xf32, #tpu.memory_space<vmem>>, vector<1x128xf32>
    %add3A_60 = vector.broadcast %get3A_59 : vector<1x128xf32> to vector<1024x128xf32>
    %add3A_61 = arith.addf %add3A_56, %add3A_60 : vector<1024x128xf32>
    %get3A_62 = arith.constant 0 : index
    %get3A_63 = arith.constant 0 : index
    %get3A_64 = vector.load %arg7[%get3A_62, %get3A_63] : memref<128x128xf32, #tpu.memory_space<vmem>>, vector<128x128xf32>
    %dot_general3A = arith.constant dense<0.000000e+00> : vector<1024x128xf32>
    %dot_general3A_65 = tpu.matmul %add3A_61, %get3A_64, %dot_general3A {dimension_numbers = #tpu.dot_dimension_numbers<[1], [0], [0], [1], [0, 0, 1, 1], [], []>, transpose_lhs_hint = false} : vector<1024x128xf32>, vector<128x128xf32>, vector<1024x128xf32> -> vector<1024x128xf32>
    %get3A_66 = arith.constant 0 : index
    %get3A_67 = arith.constant 0 : index
    %get3A_68 = vector.load %arg8[%get3A_66, %get3A_67] : memref<1x128xf32, #tpu.memory_space<vmem>>, vector<1x128xf32>
    %add3A_69 = vector.broadcast %get3A_68 : vector<1x128xf32> to vector<1024x128xf32>
    %add3A_70 = arith.addf %dot_general3A_65, %add3A_69 : vector<1024x128xf32>
    %swap3A = arith.constant 0 : index
    %swap3A_71 = arith.constant 0 : index
    %swap3A_72 = vector.load %arg9[%swap3A, %swap3A_71] : memref<1024x128xf32, #tpu.memory_space<vmem>>, vector<1024x128xf32>
    tpu.vector_store %arg9[%swap3A, %swap3A_71], %add3A_70 {strides = array<i32>} : memref<1024x128xf32, #tpu.memory_space<vmem>>, vector<1024x128xf32>,
    return
  }
  func.func @transform_0(%arg0: i32) -> (i32, i32) {
    %c0_i32 = arith.constant 0 : i32
    %c0_i32_0 = arith.constant 0 : i32
    return %arg0, %c0_i32 : i32, i32
  }
  func.func @transform_1(%arg0: i32) -> (i32, i32) {
    %c0_i32 = arith.constant 0 : i32
    %c0_i32_0 = arith.constant 0 : i32
    return %arg0, %c0_i32 : i32, i32
  }
  func.func @transform_2(%arg0: i32) -> (i32, i32) {
    %c0_i32 = arith.constant 0 : i32
    %c0_i32_0 = arith.constant 0 : i32
    %c0_i32_1 = arith.constant 0 : i32
    return %c0_i32, %c0_i32_0 : i32, i32
  }
  func.func @transform_3(%arg0: i32) -> (i32, i32, i32) {
    %min3A = arith.constant 9 : i32
    %min3A_0 = arith.minsi %arg0, %min3A : i32
    %c0_i32 = arith.constant 0 : i32
    %c0_i32_1 = arith.constant 0 : i32
    %c0_i32_2 = arith.constant 0 : i32
    return %c0_i32, %min3A_0, %c0_i32_1 : i32, i32, i32
  }
  func.func @transform_4(%arg0: i32) -> (i32, i32) {
    %min3A = arith.constant 9 : i32
    %min3A_0 = arith.minsi %arg0, %min3A : i32
    %c0_i32 = arith.constant 0 : i32
    %c0_i32_1 = arith.constant 0 : i32
    return %c0_i32, %min3A_0 : i32, i32
  }
  func.func @transform_5(%arg0: i32) -> (i32, i32) {
    %c0_i32 = arith.constant 0 : i32
    %c0_i32_0 = arith.constant 0 : i32
    %c0_i32_1 = arith.constant 0 : i32
    return %c0_i32, %c0_i32_0 : i32, i32
  }
  func.func @transform_6(%arg0: i32) -> (i32, i32) {
    %c0_i32 = arith.constant 0 : i32
    %c0_i32_0 = arith.constant 0 : i32
    %c0_i32_1 = arith.constant 0 : i32
    return %c0_i32, %c0_i32_0 : i32, i32
  }
  func.func @transform_7(%arg0: i32) -> (i32, i32) {
    %c0_i32 = arith.constant 0 : i32
    %c0_i32_0 = arith.constant 0 : i32
    %c0_i32_1 = arith.constant 0 : i32
    return %c0_i32, %c0_i32_0 : i32, i32
  }
  func.func @transform_8(%arg0: i32) -> (i32, i32) {
    %c0_i32 = arith.constant 0 : i32
    %c0_i32_0 = arith.constant 0 : i32
    return %arg0, %c0_i32 : i32, i32
  }
}

</mosaic_0001>

<sc_bundles>
// kernel: kernel.5.cloned.1.call-start
scs
__scs_entry_jumppad:
0x0: {  	(pc) =	sbr.rel $0x88, $3  }
0x1: {  	(tag) =	ssettag $0x0;
	lr =	simm.s32 $0x1  }
0x2: {  	[smem:$0x3F97] =	sst lr;
	_ =	strace $0xD0000000  }
0x3: {  	_ = 	snop  }
0x4: {  	_ = 	snop  }
0x5: {  	_ = 	snop  }
0x6: {  	_ = 	snop  }
0x7: {  	_ = 	snop  }
__scs_overlays_trampoline_lowered:
0x8: {  	[smem:$0x3FA6] =	sst s0  }
0x9: {  	[smem:$0x3FA7] =	sst s1  }
0xa: {  	[smem:$0x3FA8] =	sst s2  }
0xb: {  	[smem:$0x3FA9] =	sst s3  }
0xc: {  	[smem:$0x3FAA] =	sst s4  }
0xd: {  	[smem:$0x3FAB] =	sst s5  }
0xe: {  	[smem:$0x3FAC] =	sst s6  }
0xf: {  	[smem:$0x3FAD] =	sst s7  }
0x10: {  	[smem:$0x3FAE] =	sst s8  }
0x11: {  	[smem:$0x3FAF] =	sst s9;
	s0 =	simm.s32 @!p0 $0x0  }
0x12: {  	s1 =	sld [smem:$0x3F95];
	s0 =	simm.s32 @p0 $0x1  }
0x13: {  	[smem:$0x3FB0] =	sst s0;
	s0 =	simm.s32 @!p1 $0x0  }
0x14: {  	s2 =	sld [smem:$0x3F94];
	s0 =	simm.s32 @p1 $0x1  }
0x15: {  	[smem:$0x3FB1] =	sst s0;
	s0 =	simm.s32 @!p2 $0x0  }
0x16: {  	s3 =	sld [smem:$0x3FDB];
	s0 =	simm.s32 @p2 $0x1  }
0x17: {  	s4 =	simm.s32 $0x1BF5;
	[smem:$0x3FB3] =	sst s0  }
0x18: {  	s0 =	sld [smem:$0x3F96];
	_ =	swait.ge [sflag:s4], $0x0  }
0x19: {  	s7 =	sld [smem:$0x3F97]  }
0x1a: {  	s8 =	sadd.s32 $0xFFFFE003, lr  }
0x1b: {  	s9 =	sadd.s32 $0xFFFFFEF7, lr;
	s5 =	simm.s32 $0xFFFFFFFF;
	p2 =	slt.u32 s8, $0xFFFFF086  }
0x1c: {  	p1 =	slt.u32 s9, $0xF7A;
	s5 =	simm.s32 @!p2 $0x0  }
0x1d: {  	s5 =	simm.s32 @p1 $0x1;
	p0 =	seq.s32 s7, s2  }
0x1e: {  	s7 =	smul.u32 @!p0 $0xF7A, s2;
	p2 =	seq.s32 @!p0 s5, $0x0  }
0x1f: {  	s9 =	smul.u32 $0xF7A, s1;
	s8 =	simm.s32 @!p0 $0x1BF5;
	p2 =	por !p2, p0  }
0x20: {  	[sflag:s8] =	ssyncset.s32 @!p0 $0xFFFFF086;
	s6 =	sadd.s32 @!p0 s3, s7;
	s7 =	simm.s32 @!p0 $0x108  }
0x21: {  	s3 =	sadd.s32 s3, s9;
	s6 =	sadd.s32 @!p0 $0x88, s6;
	s7 =	simm.s32 @p2 $0x1082  }
0x22: {  	[simem:s7], [sflag:s8] =	dma.local @!p0 [hbm:s6], $0xF7A  }
0x23: {  	s9 =	sor.u32 $0xD0000000, s2;
	s6 =	simm.s32 $0x108;
	_ =	swait.ge @!p0 [sflag:s8], $0x0  }
0x24: {  	s3 =	sadd.s32 $0x88, s3;
	s6 =	simm.s32 @!p1 $0x1082;
	[sflag:s4] =	ssyncset.s32 $0xFFFFF086  }
0x25: {  	[simem:s6], [sflag:s4] =	dma.local [hbm:s3], $0xF7A  }
0x26: {  	[smem:$0x3F97] =	sst s1;
	(tag) =	ssettag s2;
	_ =	strace s9  }
0x27: {  	s1 =	sld [smem:$0x3FA7]  }
0x28: {  	s2 =	sld [smem:$0x3FA8]  }
0x29: {  	s4 =	sld [smem:$0x3FAA]  }
0x2a: {  	p0 =	seq.s32 s5, $0x0;
	s5 =	sld [smem:$0x3FAB]  }
0x2b: {  	s6 =	sld [smem:$0x3FAC]  }
0x2c: {  	s7 =	sld [smem:$0x3FAD]  }
0x2d: {  	s3 =	simm.s32 $0x108;
	s8 =	sld [smem:$0x3FAE]  }
0x2e: {  	s3 =	simm.s32 @!p0 $0x1082;
	s9 =	sld [smem:$0x3FAF]  }
0x2f: {  	lr =	sadd.s32 s0, s3;
	s0 =	sld [smem:$0x3FA6]  }
0x30: {  	s3 =	sld [smem:$0x3FA9]  }
0x31: {  	[smem:$0x3FB2] =	sst s10  }
0x32: {  	s10 =	sld [smem:$0x3FB0];
	_ =	sdelay $0x3  }
0x33: {  	p0 =	seq.s32 s10, $0x1;
	s10 =	sld [smem:$0x3FB2];
	_ =	sdelay $0x3  }
0x34: {  	[smem:$0x3FB2] =	sst s10  }
0x35: {  	s10 =	sld [smem:$0x3FB1];
	_ =	sdelay $0x3  }
0x36: {  	p1 =	seq.s32 s10, $0x1;
	s10 =	sld [smem:$0x3FB2];
	_ =	sdelay $0x3  }
0x37: {  	[smem:$0x3FB2] =	sst s10  }
0x38: {  	s10 =	sld [smem:$0x3FB3]  }
0x39: {  	_ = 	snop;
	(pc) =	sbr.ind lr, $3  }
0x3a: {  	_ = 	snop  }
0x3b: {  	_ = 	snop  }
0x3c: {  	p2 =	seq.s32 s10, $0x1;
	s10 =	sld [smem:$0x3FB2]  }
0x3d: {  	_ =	shalt  }
0x3e: {  	_ =	shalt  }
0x3f: {  	_ =	shalt  }
0x40: {  	_ =	shalt  }
0x41: {  	_ =	shalt  }
0x42: {  	_ =	shalt  }
0x43: {  	_ =	shalt  }
0x44: {  	_ =	shalt  }
0x45: {  	_ =	shalt  }
0x46: {  	_ =	shalt  }
0x47: {  	_ =	shalt  }
0x48: {  	_ =	shalt  }
0x49: {  	_ =	shalt  }
0x4a: {  	_ =	shalt  }
0x4b: {  	_ =	shalt  }
0x4c: {  	_ =	shalt  }
0x4d: {  	_ =	shalt  }
0x4e: {  	_ =	shalt  }
0x4f: {  	_ =	shalt  }
0x50: {  	_ =	shalt  }
0x51: {  	_ =	shalt  }
0x52: {  	_ =	shalt  }
0x53: {  	_ =	shalt  }
0x54: {  	_ =	shalt  }
0x55: {  	_ =	shalt  }
0x56: {  	_ =	shalt  }
0x57: {  	_ =	shalt  }
0x58: {  	_ =	shalt  }
0x59: {  	_ =	shalt  }
0x5a: {  	_ =	shalt  }
0x5b: {  	_ =	shalt  }
0x5c: {  	_ =	shalt  }
0x5d: {  	_ =	shalt  }
0x5e: {  	_ =	shalt  }
0x5f: {  	_ =	shalt  }
0x60: {  	_ =	shalt  }
0x61: {  	_ =	shalt  }
0x62: {  	_ =	shalt  }
0x63: {  	_ =	shalt  }
0x64: {  	_ =	shalt  }
0x65: {  	_ =	shalt  }
0x66: {  	_ =	shalt  }
0x67: {  	_ =	shalt  }
0x68: {  	_ =	shalt  }
0x69: {  	_ =	shalt  }
0x6a: {  	_ =	shalt  }
0x6b: {  	_ =	shalt  }
0x6c: {  	_ =	shalt  }
0x6d: {  	_ =	shalt  }
0x6e: {  	_ =	shalt  }
0x6f: {  	_ =	shalt  }
0x70: {  	_ =	shalt  }
0x71: {  	_ =	shalt  }
0x72: {  	_ =	shalt  }
0x73: {  	_ =	shalt  }
0x74: {  	_ =	shalt  }
0x75: {  	_ =	shalt  }
0x76: {  	_ =	shalt  }
0x77: {  	_ =	shalt  }
0x78: {  	_ =	shalt  }
0x79: {  	_ =	shalt  }
0x7a: {  	_ =	shalt  }
0x7b: {  	_ =	shalt  }
0x7c: {  	_ =	shalt  }
0x7d: {  	_ =	shalt  }
0x7e: {  	_ =	shalt  }
0x7f: {  	_ =	shalt  }
0x80: {  	_ =	shalt  }
0x81: {  	_ =	shalt  }
0x82: {  	_ =	shalt  }
0x83: {  	_ =	shalt  }
0x84: {  	_ =	shalt  }
0x85: {  	_ =	shalt  }
0x86: {  	_ =	shalt  }
0x87: {  	_ =	shalt  }
.Lfunc_end0:
.L_simem_size_0:
called_computation_lowered:
.L_overlay_start_0:
0x88: {  	s2 =	sld [smem:$0x3FD9]  }
0x89: {  	s3 =	sld [smem:$0x3FFE];
	_ =	sdelay $0x1  }
0x8a: {  	s1 =	srdreg.scid  }
0x8b: {  	s0 =	sand.u32 $0x1, s1  }
0x8c: {  	s17 =	sshll.u32 s0, $0xA;
	s2 =	sadd.s32 s3, s2  }
0x8d: {  	s2 =	sadd.s32 s2, s17  }
0x8e: {  	[smem:$0x3FBE] =	sst s2  }
0x8f: {  	_ = 	snop  }
0x90: {  	s2 =	sld [smem:$0x3FC3]  }
0x91: {  	s18 =	sld [smem:$0x3FD0];
	(tm) =	ssettm $0x1  }
0x92: {  	s4 =	sld [smem:$0x3FFB];
	_ =	sdelay $0x3  }
0x93: {  	_ =	strace s4  }
0x94: {  	s4 =	sld [smem:$0x3FFC];
	_ =	sdelay $0x3  }
0x95: {  	_ =	strace s4  }
0x96: {  	s4 =	sld [smem:$0x3FFD];
	_ =	sdelay $0x3  }
0x97: {  	_ =	strace s4  }
0x98: {  	_ =	strace $0x8FFFFFFF  }
0x99: {  	s19 =	sld [smem:$0x3FDB];
	_ =	sdelay $0x1  }
0x9a: {  	s5 =	simm.s32 $_scs_section_size  }
0x9b: {  	s6 =	simm.s32 $_size__tile_overlayer_lowered;
	s7 =	simm.s32 $_tile_overlayer_lowered  }
0x9c: {  	s22 =	simm.s32 $0x1BFF;
	s21 =	sshll.u32 s7, $0x1;
	s4 =	sadd.s32 s5, s19  }
0x9d: {  	s8 =	simm.s32 $0x0;
	s20 =	sshll.u32 s6, $0x1;
	s6 =	sadd.s32 s21, s4  }
0x9e: {  	[timem:s8], [sflag:s22] =	dma.local [hbm:s6], s20  }
0x9f: {  	_ =	swait.ge [sflag:s22], s20  }
0xa0: {  	s5 =	ssub.s32 $0x0, s20;
	[sflag:s22] =	ssyncset.done $0x0  }
0xa1: {  	[sflag:s22] =	ssyncadd.s32 s5;
	_ =	sdelay $0x1  }
0xa2: {  	s23 =	simm.s32 $0x1B8B  }
0xa3: {  	_ =	swait.ge [sflag:s23], $0x1  }
0xa4: {  	[sflag:s23] =	ssyncset.done $0x0  }
0xa5: {  	s25 =	simm.s32 $0x1B8E;
	s24 =	sld [smem:$0x3FFE];
	[sflag:s23] =	ssyncadd.s32 $0xFFFFFFFF  }
0xa6: {  	s26 =	simm.s32 $execute0_lowered;
	[smem:$0x3FD2] =	sst s25  }
0xa7: {  	s6 =	sshll.u32 s26, $0x1;
	_ =	strace $0x80000046;
	[dreg:$0x1] =	wrdreg $0xFFFFFFFF  }
0xa8: {  	s28 =	simm.s32 $_size_execute0_lowered;
	s4 =	sadd.s32 s4, s6;
	[dreg:$0x0] =	wrdreg $0x0  }
0xa9: {  	s6 =	sshll.u32 s28, $0x1;
	[dreg:$0x2] =	wrdreg s4  }
0xaa: {  	[dreg:$0x3] =	wrdreg s6  }
0xab: {  	[dreg:$0x4] =	wrdreg $0xC0  }
0xac: {  	_ =	task [dreg:s8], $0x5FFFF  }
0xad: {  	[dreg:$0x1] =	wrdreg $0xFFFFFFFF  }
0xae: {  	[dreg:$0x0] =	wrdreg $0x60  }
0xaf: {  	[dreg:$0x2] =	wrdreg s24  }
0xb0: {  	[dreg:$0x3] =	wrdreg s2  }
0xb1: {  	[dreg:$0x4] =	wrdreg s18  }
0xb2: {  	[dreg:$0x5] =	wrdreg $0x81800  }
0xb3: {  	[dreg:$0x6] =	wrdreg $0x1C1800  }
0xb4: {  	[dreg:$0x7] =	wrdreg $0x9  }
0xb5: {  	_ =	task.clear_ibuf [dreg:s8], $0x8FFFF;
	_ =	strace $0x90000046  }
0xb6: {  	s29 =	simm.s32 $0x9;
	_ =	strace $0x80000048  }
0xb7: {  	_ =	swait.ge [sflag:s29], $0x1  }
0xb8: {  	[sflag:s29] =	ssyncadd.s32 $0xFFFFFFFF  }
0xb9: {  	_ =	strace $0x90000048  }
0xba: {  	_ =	sfence  }
0xbb: {  	s30 =	sld [smem:$0x0];
	_ =	sdelay $0x2  }
0xbc: {  	s31 =	sshll.u32 s1, $0xD;
	s1 =	sshrl.u32 s1, $0x2  }
0xbd: {  	s3 =	sand.u32 $0x4000, s31;
	s1 =	sadd.s32 s1, s30  }
0xbe: {  	s0 =	sor.u32 s3, s0;
	s1 =	sshll.u32 s1, $0x11  }
0xbf: {  	s0 =	sor.u32 s1, s0  }
0xc0: {  	s0 =	sadd.s32 $0x8F2B, s0  }
0xc1: {  	[sflag:s0] =	ssyncadd.remote.s32 $0x1  }
0xc2: {  	_ =	sfence.sel $0xFFFF  }
0xc3: {  	[dreg:$0x0] =	wrdreg $0xFFFFFFFF;
	(pc) =	sbr.abs _section_cstart, $3  }
0xc4: {  	[dreg:$0x1] =	wrdreg $0xFFFFFFFF  }
0xc5: {  	_ =	task.clear_ibuf [dreg:s8], $0x2FFFF;
	_ =	strace $0x9FFFFFFF  }
0xc6: {  	(tm) =	ssettm $0x7FFFFFFF  }
0xc7: {  	_ =	shalt  }
tec
execute0_lowered:
.L_overlay_start_1:
0x0: {  	(tag) =	ssettag $0x1  }
0x1: {  	s0 =	srdreg.scid;
	s1 =	simm.s32 $0x0;
	s4 =	stileid.u32  }
0x2: {  	s28 =	rddreg [dreg:$0x2];
	s22 =	sand.u32 $0x1, s0;
	s23 =	smul.u32 $0x14000, s4  }
0x3: {  	s3 =	sshll.u32 s4, $0x1;
	[smem:$0x7FF] =	sst s1;
	s0 =	ssub.s32 $0x2, s22  }
0x4: {  	s24 =	smul.u32 $0x140000, s22;
	s2 =	sshrl.u32 s0, $0x1;
	s21 =	sor.u32 $0x1000, s23  }
0x5: {  	s18 =	sor.u32 $0x2000, s23;
	s19 =	sor.u32 $0x3000, s23;
	s20 =	sadd.s32 $0x4000, s23  }
0x6: {  	s15 =	sadd.s32 $0x5000, s23;
	s16 =	sadd.s32 $0x6000, s23;
	s17 =	sadd.s32 $0x7000, s23  }
0x7: {  	s12 =	sadd.s32 $0x8000, s23;
	s13 =	sadd.s32 $0x9000, s23;
	s14 =	sadd.s32 $0xA000, s23  }
0x8: {  	s10 =	sadd.s32 $0xB000, s23;
	s11 =	sadd.s32 $0xC000, s23;
	s7 =	sadd.s32 $0xD000, s23  }
0x9: {  	s8 =	sadd.s32 $0xE000, s23;
	s9 =	sadd.s32 $0xF000, s23;
	s5 =	sadd.s32 $0x10000, s23  }
0xa: {  	s6 =	sadd.s32 $0x11000, s23;
	s4 =	sadd.s32 $0x13000, s23;
	s0 =	ssub.s32 s0, s2  }
0xb: {  	s2 =	sor.u32 s22, s3;
	s3 =	sadd.s32 $0x12000, s23;
	s23 =	sadd.s32 s23, s24  }
0xc: {  	s25 =	sadd.s32 s24, s21;
	s26 =	sadd.s32 s24, s18;
	s23 =	sshrl.u32 s23, $0x3  }
0xd: {  	[smem:$0x7F2] =	sst s0;
	s25 =	sshrl.u32 s25, $0x3;
	s23 =	sadd.s32 s28, s23  }
0xe: {  	s26 =	sshrl.u32 s26, $0x3;
	s25 =	sadd.s32 s28, s25;
	[dreg:$0x6] =	wrdreg s23  }
0xf: {  	s0 =	sadd.s32 s28, s26;
	[dreg:$0x7] =	wrdreg s25;
	s25 =	sadd.s32 s24, s19  }
0x10: {  	s26 =	sadd.s32 s24, s20;
	[dreg:$0x8] =	wrdreg s0;
	s23 =	sshrl.u32 s25, $0x3  }
0x11: {  	s0 =	sadd.s32 s24, s15;
	s25 =	sshrl.u32 s26, $0x3;
	s23 =	sadd.s32 s28, s23  }
0x12: {  	s26 =	sshrl.u32 s0, $0x3;
	s25 =	sadd.s32 s28, s25;
	[dreg:$0x9] =	wrdreg s23  }
0x13: {  	s0 =	sadd.s32 s28, s26;
	[dreg:$0xa] =	wrdreg s25;
	s25 =	sadd.s32 s24, s16  }
0x14: {  	s26 =	sadd.s32 s24, s17;
	[dreg:$0xb] =	wrdreg s0;
	s23 =	sshrl.u32 s25, $0x3  }
0x15: {  	s0 =	sadd.s32 s24, s12;
	s25 =	sshrl.u32 s26, $0x3;
	s23 =	sadd.s32 s28, s23  }
0x16: {  	s26 =	sshrl.u32 s0, $0x3;
	s25 =	sadd.s32 s28, s25;
	[dreg:$0xc] =	wrdreg s23  }
0x17: {  	s0 =	sadd.s32 s28, s26;
	[dreg:$0xd] =	wrdreg s25;
	s25 =	sadd.s32 s24, s13  }
0x18: {  	s26 =	sadd.s32 s24, s14;
	[dreg:$0xe] =	wrdreg s0;
	s23 =	sshrl.u32 s25, $0x3  }
0x19: {  	s0 =	sadd.s32 s24, s10;
	s25 =	sshrl.u32 s26, $0x3;
	s23 =	sadd.s32 s28, s23  }
0x1a: {  	s26 =	sshrl.u32 s0, $0x3;
	s25 =	sadd.s32 s28, s25;
	[dreg:$0xf] =	wrdreg s23  }
0x1b: {  	s0 =	sadd.s32 s28, s26;
	[dreg:$0x10] =	wrdreg s25;
	s25 =	sadd.s32 s24, s11  }
0x1c: {  	s26 =	sadd.s32 s24, s7;
	[dreg:$0x11] =	wrdreg s0;
	s23 =	sshrl.u32 s25, $0x3  }
0x1d: {  	s0 =	sadd.s32 s24, s8;
	s25 =	sshrl.u32 s26, $0x3;
	s23 =	sadd.s32 s28, s23  }
0x1e: {  	s26 =	sshrl.u32 s0, $0x3;
	s25 =	sadd.s32 s28, s25;
	[dreg:$0x12] =	wrdreg s23  }
0x1f: {  	s0 =	sadd.s32 s28, s26;
	[dreg:$0x13] =	wrdreg s25;
	s25 =	sadd.s32 s24, s9  }
0x20: {  	s26 =	sadd.s32 s24, s5;
	[dreg:$0x14] =	wrdreg s0;
	s23 =	sshrl.u32 s25, $0x3  }
0x21: {  	s0 =	sadd.s32 s24, s6;
	s25 =	sshrl.u32 s26, $0x3;
	s23 =	sadd.s32 s28, s23  }
0x22: {  	s26 =	sshrl.u32 s0, $0x3;
	s25 =	sadd.s32 s28, s25;
	[dreg:$0x15] =	wrdreg s23  }
0x23: {  	s30 =	stileid.u32;
	s26 =	sadd.s32 s28, s26;
	[dreg:$0x16] =	wrdreg s25  }
0x24: {  	s0 =	sadd.s32 s24, s3;
	s24 =	sadd.s32 s24, s4;
	[dreg:$0x17] =	wrdreg s26  }
0x25: {  	s25 =	smul.u32 $0x14000, s22;
	s23 =	sshrl.u32 s0, $0x3;
	s26 =	sshrl.u32 s24, $0x3  }
0x26: {  	s22 =	sadd.s32 s28, s23;
	s23 =	sadd.s32 s28, s26;
	s26 =	rddreg [dreg:$0x0]  }
0x27: {  	s0 =	smul.u32 $0x1400, s30;
	[dreg:$0x18] =	wrdreg s22  }
0x28: {  	s30 =	smul.u32 $0x50000, s30;
	[dreg:$0x19] =	wrdreg s23  }
0x29: {  	s22 =	sadd.s32 $0x1000, s0;
	s24 =	sadd.s32 s0, s25;
	s23 =	rddreg [dreg:$0x3]  }
0x2a: {  	s29 =	sadd.s32 $0x189E00, s26;
	s28 =	sshrl.u32 s24, $0x3;
	s25 =	sadd.s32 s25, s22  }
0x2b: {  	s24 =	rddreg [dreg:$0x4];
	s28 =	sadd.s32 s29, s28;
	s25 =	sshrl.u32 s25, $0x3  }
0x2c: {  	s31 =	sadd.s32 $0x1600, s26;
	[dreg:$0x1a] =	wrdreg s28;
	s25 =	sadd.s32 s29, s25  }
0x2d: {  	s28 =	sshrl.u32 s30, $0x2;
	s29 =	sadd.s32 $0xEDA00, s26;
	s30 =	sadd.s32 $0x51600, s26  }
0x2e: {  	[dreg:$0x1b] =	wrdreg s25;
	s25 =	sadd.s32 $0x29600, s26;
	s26 =	sadd.s32 s28, s23  }
0x2f: {  	s10 =	sadd.s32 s10, s23;
	_ =	strace $0x80000047;
	[dreg:$0x1c] =	wrdreg s26  }
0x30: {  	s7 =	sadd.s32 s7, s23;
	[smem:$0x7EA] =	sst s10  }
0x31: {  	s8 =	sadd.s32 s8, s23;
	[smem:$0x7EB] =	sst s7  }
0x32: {  	s5 =	sadd.s32 s5, s23;
	[smem:$0x7EC] =	sst s8  }
0x33: {  	s21 =	sadd.s32 s21, s23;
	[smem:$0x7ED] =	sst s5  }
0x34: {  	s18 =	sadd.s32 s18, s23;
	[dreg:$0x1d] =	wrdreg s21  }
0x35: {  	s19 =	sadd.s32 s19, s23;
	[dreg:$0x1e] =	wrdreg s18  }
0x36: {  	s20 =	sadd.s32 s20, s23;
	[dreg:$0x1f] =	wrdreg s19  }
0x37: {  	s15 =	sadd.s32 s15, s23;
	[smem:$0x7F4] =	sst s20  }
0x38: {  	v0 =	vimm.s32 $0x76543210;
	v1 =	vimm.s32 $0xFEDCBA98;
	s16 =	sadd.s32 s16, s23;
	[smem:$0x7F5] =	sst s15  }
0x39: {  	v2 =	vimm.s32 $0xBA98FEDC;
	v4 =	vimm.s32 $0xDCFE98BA;
	v0 =	vunpack.c.l.s4.s8 v0;
	s17 =	sadd.s32 s17, s23;
	[smem:$0x7F6] =	sst s16  }
0x3a: {  	v5 =	vimm.s32 $0x54761032;
	v1 =	vunpack.c.l.s4.s8 v1;
	v2 =	vunpack.c.l.s4.s8 v2;
	s12 =	sadd.s32 s12, s23;
	[smem:$0x7F7] =	sst s17  }
0x3b: {  	v6 =	vimm.s32 $0xEFCDAB89;
	v7 =	vimm.s32 $0x67452301;
	v3 =	vunpack.c.0.s8.s32 v0;
	s13 =	sadd.s32 s13, s23;
	[smem:$0x7F8] =	sst s12  }
0x3c: {  	v0 =	vunpack.c.0.s8.s32 v1;
	v1 =	vunpack.c.0.s8.s32 v2;
	v2 =	vimm.s32 $0x32107654;
	s0 =	stileid.u32;
	s14 =	sadd.s32 s14, s23;
	[smem:$0x7F9] =	sst s13  }
0x3d: {  	v4 =	vunpack.c.l.s4.s8 v4;
	v5 =	vunpack.c.l.s4.s8 v5;
	v2 =	vunpack.c.l.s4.s8 v2;
	s11 =	sadd.s32 s11, s23;
	s0 =	smul.u32 $0x5000, s0;
	[smem:$0x7FA] =	sst s14  }
0x3e: {  	vm0 =	vcmask $0x300;
	v6 =	vunpack.c.l.s4.s8 v6;
	v7 =	vunpack.c.l.s4.s8 v7;
	s9 =	sadd.s32 s9, s23;
	[smem:$0x7FB] =	sst s11  }
0x3f: {  	v4 =	vunpack.c.0.s8.s32 v4;
	v5 =	vunpack.c.0.s8.s32 v5;
	v2 =	vunpack.c.0.s8.s32 v2;
	s0 =	sshrl.u32 s0, $0x2;
	s26 =	sadd.s32 s6, s23;
	[smem:$0x7FC] =	sst s9  }
0x40: {  	v6 =	vunpack.c.0.s8.s32 v6;
	v7 =	vunpack.c.0.s8.s32 v7;
	v8 =	vand.u32 $0xF, v0;
	s28 =	simm.s32 $0x3;
	s6 =	sadd.s32 s4, s23;
	[smem:$0x7EE] =	sst s26  }
0x41: {  	v0 =	vimm.f32 $0.0e+00;
	v2 =	vcombine.low v2, v1;
	v1 =	vcombine.low v8, v3;
	s10 =	sadd.s32 s3, s23;
	s7 =	sadd.s32 s0, s24;
	[smem:$0x7EF] =	sst s6  }
0x42: {  	v3 =	vcombine.low v5, v4;
	v5 =	vcombine.low v7, v6;
	v4 =	vlaneseq.u32;
	s8 =	sadd.s32 s22, s24;
	s3 =	simm.s32 $0x4180;
	s22 =	sld [smem:$0x7F2]  }
0x43: {  	v6 =	vsel vm0, $0x3F800000, v0;
	v4 =	vshrl.u32 v4, $0x3;
	v2 =	vand.u32 $0xF, v2;
	s4 =	simm.s32 $0x1;
	s5 =	simm.s32 $0x2;
	[smem:$0x7F0] =	sst s7  }
0x44: {  	v3 =	vand.u32 $0xF, v3;
	v5 =	vand.u32 $0xF, v5;
	v7 =	vor.u32 $0x2, v4;
	[smem:$0x7F1] =	sst s8;
	s26 =	smul.u32 $0xA000, s2;
	s2 =	simm.s32 $0x20  }
0x45: {  	v8 =	vor.u32 $0x4, v4;
	v9 =	vor.u32 $0x6, v4;
	v10 =	vor.u32 $0x8, v4;
	s6 =	simm.s32 $0x0;
	[smem:$0x7FD] =	sst s10;
	s0 =	smax.u32 s22, $0x1  }
0x46: {  	v11 =	vor.u32 $0xA, v4;
	v12 =	vor.u32 $0xC, v4;
	v13 =	vor.u32 $0xE, v4;
	s22 =	simm.s32 $0x1000;
	[smem:$0x7F3] =	sst s0;
	s0 =	simm.s32 $0x2180  }
.LBB2_1:
0x47: {  	s7 =	rddreg [dreg:$0x1];
	s8 =	simm.s32 $0x2100  }
0x48: {  	[tilespmem:s8], [sflag:$0x3] =	stream.linear.gather [hbm4b:s7+s1], $0x80, $0x38;
	[tilespmem:$0x1D580] =	vst v63  }
0x49: {  	_ =	swait.ge [sflag:s28], $0x80  }
0x4a: {  	[sflag:s28] =	ssyncset.done $0x0  }
0x4b: {  	s7 =	simm.s32 $0x0;
	s8 =	simm.s32 $0x200;
	[sflag:s28] =	ssyncadd.s32 $0xFFFFFF80  }
.LBB2_2:
0x4c: {  	p0 =	sne.s32 s8, $0x3E00;
	[tilespmem:s7+$0x21F0] =	vst v0  }
0x4d: {  	[tilespmem:s7+$0x2180] =	vst v0  }
0x4e: {  	[tilespmem:s7+$0x2190] =	vst v0  }
.Ltmp0:
0x4f: {  	[tilespmem:s7+$0x21A0] =	vst v0;
	(pc) =	sbr.rel @p0 .LBB2_2-.Ltmp0, $4  }
0x50: {  	[tilespmem:s7+$0x21B0] =	vst v0  }
0x51: {  	[tilespmem:s7+$0x21C0] =	vst v0  }
0x52: {  	[tilespmem:s7+$0x21D0] =	vst v0  }
0x53: {  	[tilespmem:s7+$0x21E0] =	vst v0;
	s7 =	sshra.s32 s8, $0x2;
	s8 =	sadd.s32 $0x200, s8  }
0x54: {  	[tilespmem:s7+$0x21F0] =	vst v0  }
0x55: {  	[tilespmem:s7+$0x2180] =	vst v0  }
0x56: {  	[tilespmem:s7+$0x2190] =	vst v0  }
0x57: {  	[tilespmem:s7+$0x21A0] =	vst v0  }
0x58: {  	[tilespmem:s7+$0x21B0] =	vst v0  }
0x59: {  	[tilespmem:s7+$0x21C0] =	vst v0  }
0x5a: {  	[tilespmem:s7+$0x21D0] =	vst v0  }
0x5b: {  	[tilespmem:s7+$0x21E0] =	vst v0;
	s8 =	rddreg [dreg:$0x1c]  }
0x5c: {  	[spmem:s8] =	stream.linear.scatter [tilespmem:s0], [sflag:$0x3], $0x1000, $0x38;
	[tilespmem:$0x1D580] =	vst v63  }
0x5d: {  	_ =	swait.ge [sflag:s28], $0x1000  }
0x5e: {  	[sflag:s28] =	ssyncset.done $0x0  }
0x5f: {  	[sflag:s28] =	ssyncadd.s32 $0xFFFFF000  }
0x60: {  	[spmem:s21] =	stream.linear.scatter [tilespmem:s0], [sflag:$0x3], $0x1000, $0x38;
	[tilespmem:$0x1D580] =	vst v63  }
0x61: {  	_ =	swait.ge [sflag:s28], $0x1000  }
0x62: {  	[sflag:s28] =	ssyncset.done $0x0  }
0x63: {  	[sflag:s28] =	ssyncadd.s32 $0xFFFFF000  }
0x64: {  	[spmem:s18] =	stream.linear.scatter [tilespmem:s0], [sflag:$0x3], $0x1000, $0x38;
	[tilespmem:$0x1D580] =	vst v63  }
0x65: {  	_ =	swait.ge [sflag:s28], $0x1000  }
0x66: {  	[sflag:s28] =	ssyncset.done $0x0  }
0x67: {  	[sflag:s28] =	ssyncadd.s32 $0xFFFFF000  }
0x68: {  	[spmem:s19] =	stream.linear.scatter [tilespmem:s0], [sflag:$0x3], $0x1000, $0x38;
	[tilespmem:$0x1D580] =	vst v63  }
0x69: {  	_ =	swait.ge [sflag:s28], $0x1000  }
0x6a: {  	[sflag:s28] =	ssyncset.done $0x0  }
0x6b: {  	[sflag:s28] =	ssyncadd.s32 $0xFFFFF000  }
0x6c: {  	[spmem:s20] =	stream.linear.scatter [tilespmem:s0], [sflag:$0x3], $0x1000, $0x38;
	[tilespmem:$0x1D580] =	vst v63  }
0x6d: {  	_ =	swait.ge [sflag:s28], $0x1000  }
0x6e: {  	[sflag:s28] =	ssyncset.done $0x0  }
0x6f: {  	[sflag:s28] =	ssyncadd.s32 $0xFFFFF000  }
0x70: {  	[spmem:s15] =	stream.linear.scatter [tilespmem:s0], [sflag:$0x3], $0x1000, $0x38;
	[tilespmem:$0x1D580] =	vst v63  }
0x71: {  	_ =	swait.ge [sflag:s28], $0x1000  }
0x72: {  	[sflag:s28] =	ssyncset.done $0x0  }
0x73: {  	[sflag:s28] =	ssyncadd.s32 $0xFFFFF000  }
0x74: {  	[spmem:s16] =	stream.linear.scatter [tilespmem:s0], [sflag:$0x3], $0x1000, $0x38;
	[tilespmem:$0x1D580] =	vst v63  }
0x75: {  	_ =	swait.ge [sflag:s28], $0x1000  }
0x76: {  	[sflag:s28] =	ssyncset.done $0x0  }
0x77: {  	[sflag:s28] =	ssyncadd.s32 $0xFFFFF000  }
0x78: {  	[spmem:s17] =	stream.linear.scatter [tilespmem:s0], [sflag:$0x3], $0x1000, $0x38;
	[tilespmem:$0x1D580] =	vst v63  }
0x79: {  	_ =	swait.ge [sflag:s28], $0x1000  }
0x7a: {  	[sflag:s28] =	ssyncset.done $0x0  }
0x7b: {  	[sflag:s28] =	ssyncadd.s32 $0xFFFFF000  }
0x7c: {  	[spmem:s12] =	stream.linear.scatter [tilespmem:s0], [sflag:$0x3], $0x1000, $0x38;
	[tilespmem:$0x1D580] =	vst v63  }
0x7d: {  	_ =	swait.ge [sflag:s28], $0x1000  }
0x7e: {  	[sflag:s28] =	ssyncset.done $0x0  }
0x7f: {  	[sflag:s28] =	ssyncadd.s32 $0xFFFFF000  }
0x80: {  	[spmem:s13] =	stream.linear.scatter [tilespmem:s0], [sflag:$0x3], $0x1000, $0x38;
	[tilespmem:$0x1D580] =	vst v63  }
0x81: {  	_ =	swait.ge [sflag:s28], $0x1000  }
0x82: {  	[sflag:s28] =	ssyncset.done $0x0  }
0x83: {  	[sflag:s28] =	ssyncadd.s32 $0xFFFFF000  }
0x84: {  	[spmem:s14] =	stream.linear.scatter [tilespmem:s0], [sflag:$0x3], $0x1000, $0x38;
	[tilespmem:$0x1D580] =	vst v63  }
0x85: {  	_ =	swait.ge [sflag:s28], $0x1000  }
0x86: {  	s14 =	sld [smem:$0x7EA]  }
0x87: {  	[sflag:s28] =	ssyncset.done $0x0  }
0x88: {  	[sflag:s28] =	ssyncadd.s32 $0xFFFFF000  }
0x89: {  	[spmem:s14] =	stream.linear.scatter [tilespmem:s0], [sflag:$0x3], $0x1000, $0x38;
	[tilespmem:$0x1D580] =	vst v63  }
0x8a: {  	_ =	swait.ge [sflag:s28], $0x1000  }
0x8b: {  	[sflag:s28] =	ssyncset.done $0x0  }
0x8c: {  	[sflag:s28] =	ssyncadd.s32 $0xFFFFF000  }
0x8d: {  	[spmem:s11] =	stream.linear.scatter [tilespmem:s0], [sflag:$0x3], $0x1000, $0x38;
	[tilespmem:$0x1D580] =	vst v63  }
0x8e: {  	_ =	swait.ge [sflag:s28], $0x1000  }
0x8f: {  	s15 =	sld [smem:$0x7EB]  }
0x90: {  	[sflag:s28] =	ssyncset.done $0x0  }
0x91: {  	[sflag:s28] =	ssyncadd.s32 $0xFFFFF000  }
0x92: {  	[spmem:s15] =	stream.linear.scatter [tilespmem:s0], [sflag:$0x3], $0x1000, $0x38;
	[tilespmem:$0x1D580] =	vst v63  }
0x93: {  	_ =	swait.ge [sflag:s28], $0x1000  }
0x94: {  	s16 =	sld [smem:$0x7EC]  }
0x95: {  	[sflag:s28] =	ssyncset.done $0x0  }
0x96: {  	[sflag:s28] =	ssyncadd.s32 $0xFFFFF000  }
0x97: {  	[spmem:s16] =	stream.linear.scatter [tilespmem:s0], [sflag:$0x3], $0x1000, $0x38;
	[tilespmem:$0x1D580] =	vst v63  }
0x98: {  	_ =	swait.ge [sflag:s28], $0x1000  }
0x99: {  	[sflag:s28] =	ssyncset.done $0x0  }
0x9a: {  	[sflag:s28] =	ssyncadd.s32 $0xFFFFF000  }
0x9b: {  	[spmem:s9] =	stream.linear.scatter [tilespmem:s0], [sflag:$0x3], $0x1000, $0x38;
	[tilespmem:$0x1D580] =	vst v63  }
0x9c: {  	_ =	swait.ge [sflag:s28], $0x1000  }
0x9d: {  	s17 =	sld [smem:$0x7ED]  }
0x9e: {  	[sflag:s28] =	ssyncset.done $0x0  }
0x9f: {  	[sflag:s28] =	ssyncadd.s32 $0xFFFFF000  }
0xa0: {  	[spmem:s17] =	stream.linear.scatter [tilespmem:s0], [sflag:$0x3], $0x1000, $0x38;
	[tilespmem:$0x1D580] =	vst v63  }
0xa1: {  	_ =	swait.ge [sflag:s28], $0x1000  }
0xa2: {  	s18 =	sld [smem:$0x7EE]  }
0xa3: {  	[sflag:s28] =	ssyncset.done $0x0  }
0xa4: {  	[sflag:s28] =	ssyncadd.s32 $0xFFFFF000  }
0xa5: {  	[spmem:s18] =	stream.linear.scatter [tilespmem:s0], [sflag:$0x3], $0x1000, $0x38;
	[tilespmem:$0x1D580] =	vst v63  }
0xa6: {  	_ =	swait.ge [sflag:s28], $0x1000  }
0xa7: {  	[sflag:s28] =	ssyncset.done $0x0  }
0xa8: {  	[sflag:s28] =	ssyncadd.s32 $0xFFFFF000  }
0xa9: {  	[spmem:s10] =	stream.linear.scatter [tilespmem:s0], [sflag:$0x3], $0x1000, $0x38;
	[tilespmem:$0x1D580] =	vst v63  }
0xaa: {  	_ =	swait.ge [sflag:s28], $0x1000  }
0xab: {  	s19 =	sld [smem:$0x7EF]  }
0xac: {  	[sflag:s28] =	ssyncset.done $0x0  }
0xad: {  	[sflag:s28] =	ssyncadd.s32 $0xFFFFF000  }
0xae: {  	[spmem:s19] =	stream.linear.scatter [tilespmem:s0], [sflag:$0x3], $0x1000, $0x38;
	[tilespmem:$0x1D580] =	vst v63  }
0xaf: {  	_ =	swait.ge [sflag:s28], $0x1000  }
0xb0: {  	s20 =	sld [smem:$0x7F0]  }
0xb1: {  	[sflag:s28] =	ssyncset.done $0x0  }
0xb2: {  	[sflag:s28] =	ssyncadd.s32 $0xFFFFF000  }
0xb3: {  	[spmem:s20] =	stream.linear.scatter [tilespmem:s0], [sflag:$0x3], $0x1000, $0x38;
	[tilespmem:$0x1D580] =	vst v63  }
0xb4: {  	_ =	swait.ge [sflag:s28], $0x1000  }
0xb5: {  	s21 =	sld [smem:$0x7F1]  }
0xb6: {  	[sflag:s28] =	ssyncset.done $0x0  }
0xb7: {  	[sflag:s28] =	ssyncadd.s32 $0xFFFFF000  }
0xb8: {  	[spmem:s21] =	stream.linear.scatter [tilespmem:s0], [sflag:$0x3], $0x400, $0x38;
	[tilespmem:$0x1D580] =	vst v63  }
0xb9: {  	_ =	swait.ge [sflag:s28], $0x400  }
0xba: {  	[sflag:s28] =	ssyncset.done $0x0  }
0xbb: {  	[sflag:s28] =	ssyncadd.s32 $0xFFFFFC00  }
0xbc: {  	s7 =	simm.s32 $0x0;
	s8 =	simm.s32 $0x0;
	[bflag:$0x0] =	sbarrier.arrive $0xFFFF  }
.LBB2_4:
0xbd: {  	s9 =	sshll.u32 s8, $0xC  }
0xbe: {  	s9 =	sadd.s32 s26, s9  }
0xbf: {  	s9 =	sshrl.u32 s9, $0x3  }
0xc0: {  	s10 =	sadd.s32 s31, s9  }
0xc1: {  	[tilespmem:s7], [sflag:$0x3] =	stream.linear.gather [hbm4b:s10+s7], $0x1000, $0x38;
	[tilespmem:$0x1D580] =	vst v63  }
0xc2: {  	_ =	swait.ge [sflag:s28], $0x1000  }
0xc3: {  	[sflag:s28] =	ssyncset.done $0x0  }
0xc4: {  	s9 =	sadd.s32 s25, s9;
	[sflag:s28] =	ssyncadd.s32 $0xFFFFF000  }
0xc5: {  	[tilespmem:s22], [sflag:$0x3] =	stream.linear.gather [hbm4b:s9+s7], $0x1000, $0x38;
	[tilespmem:$0x1D580] =	vst v63  }
0xc6: {  	_ =	swait.ge [sflag:s28], $0x1000  }
0xc7: {  	[sflag:s28] =	ssyncset.done $0x0  }
0xc8: {  	[sflag:s28] =	ssyncadd.s32 $0xFFFFF000  }
0xc9: {  	[tilespmem:s0], [sflag:$0x1] =	stream.indirect.gather [hbm4b:s29+s2], $0x80, s7, s2, $0xb8;
	[tilespmem:$0x1D580] =	vst v63  }
0xca: {  	p0 =	por $0x0, $0x0;
	s9 =	simm.s32 $0x0  }
0xcb: {  	[tilespmem:s3], [sflag:$0x1] =	stream.indirect.gather [hbm4b:s30+s2], $0x80, s22, s2, $0xb8;
	[tilespmem:$0x1D580] =	vst v63  }
.LBB2_5:
0xcc: {  	_ =	swait.ge [sflag:s4], $0x1000  }
0xcd: {  	[sflag:s4] =	ssyncset.done $0x0  }
0xce: {  	[sflag:s4] =	ssyncadd.s32 $0xFFFFF000  }
0xcf: {  	_ =	swait.ge [sflag:s4], $0x1000  }
0xd0: {  	[sflag:s4] =	ssyncset.done $0x0  }
0xd1: {  	s10 =	sshll.u32 s9, $0x7;
	[sflag:s4] =	ssyncadd.s32 $0xFFFFF000  }
0xd2: {  	v14 =	vld [tilespmem:s10+$0x1000];
	_ =	sdelay $0x3  }
0xd3: {  	s11 =	sand.u32 $0x1, s9  }
0xd4: {  	s17 =	sshll.u32 s11, $0x7;
	v14 =	vshrl.u32 v14, $0x4  }
0xd5: {  	[tilespmem:s17+$0x2000] =	vst v14  }
0xd6: {  	v14 =	vld [tilespmem:s10+$0x1010]  }
0xd7: {  	s12 =	simm.s32 $0x1  }
0xd8: {  	s12 =	simm.s32 @!p0 $0x0  }
0xd9: {  	s12 =	sshll.u32 s12, $0xC  }
0xda: {  	s20 =	simm.s32 $0xFFFFFFFC;
	s14 =	sor.u32 $0x2280, s12  }
0xdb: {  	s15 =	sor.u32 $0x4280, s12;
	s16 =	sor.u32 $0x6280, s12;
	s12 =	sadd.s32 $0x1000, s10;
	v14 =	vshrl.u32 v14, $0x4  }
0xdc: {  	s11 =	sshll.u32 s11, $0xC;
	s13 =	sor.u32 $0x2000, s17;
	[tilespmem:s17+$0x2010] =	vst v14;
	s17 =	simm.s32 $0x0;
	v14 =	vmov s12  }
.LBB2_6:
0xdd: {  	v15 =	vld [tilespmem:s14+$0xFFFFFF00]  }
0xde: {  	v16 =	vld [tilespmem:s14+$0xFFFFFF10]  }
0xdf: {  	v17 =	vld [tilespmem:s14+$0xFFFFFF20]  }
0xe0: {  	v18 =	vld [tilespmem:s14+$0xFFFFFF30]  }
0xe1: {  	v19 =	vld [tilespmem:s14+$0xFFFFFF40]  }
0xe2: {  	v20 =	vld [tilespmem:s14+$0xFFFFFF50]  }
0xe3: {  	v21 =	vld [tilespmem:s14+$0xFFFFFF60]  }
0xe4: {  	v22 =	vld [tilespmem:s15+$0xFFFFFF00]  }
0xe5: {  	v23 =	vld [tilespmem:s15+$0xFFFFFF10]  }
0xe6: {  	v24 =	vld [tilespmem:s14+$0xFFFFFF70]  }
0xe7: {  	v25 =	vld [tilespmem:s15+$0xFFFFFF20]  }
0xe8: {  	v27 =	vld [tilespmem:s15+$0xFFFFFF30]  }
0xe9: {  	v26 =	vld [tilespmem:$0x2100]  }
0xea: {  	v28 =	vld [tilespmem:$0x2110];
	v22 =	vadd.f32 v22, v15;
	v23 =	vadd.f32 v23, v16  }
0xeb: {  	v30 =	vld [tilespmem:s15+$0xFFFFFF40]  }
0xec: {  	v32 =	vld [tilespmem:$0x2120];
	v25 =	vadd.f32 v25, v17;
	v29 =	vmul.f32 $2.000000030e-01, v22;
	v31 =	vmul.f32 $2.000000030e-01, v23  }
0xed: {  	v58 =	vld [tilespmem:s15+$0xFFFFFF50];
	v27 =	vadd.f32 v27, v18  }
0xee: {  	v33 =	vld [tilespmem:$0x2130];
	v59 =	vmul.f32 $2.000000030e-01, v25;
	v22 =	vmax.f32 v22, v29;
	v23 =	vmax.f32 v23, v31  }
0xef: {  	v60 =	vld [tilespmem:s15+$0xFFFFFF60];
	v22 =	vmul.f32 v22, v26;
	v23 =	vmul.f32 v23, v28  }
0xf0: {  	v62 =	vld [tilespmem:$0x2140];
	v30 =	vadd.f32 v30, v19;
	v61 =	vmul.f32 $2.000000030e-01, v27;
	v25 =	vmax.f32 v25, v59  }
0xf1: {  	v36 =	vld [tilespmem:s15+$0xFFFFFF70];
	v63 =	vmul.f32 v25, v32;
	v22 =	vadd.f32 v23, v22  }
0xf2: {  	v38 =	vld [tilespmem:$0x2150];
	v37 =	vmul.f32 $2.000000030e-01, v30;
	v27 =	vmax.f32 v27, v61;
	v29 =	vadd.f32 v58, v20  }
0xf3: {  	v39 =	vmul.f32 v27, v33;
	v22 =	vadd.f32 v63, v22  }
0xf4: {  	v42 =	vld [tilespmem:$0x2160];
	v40 =	vmax.f32 v30, v37;
	v26 =	vadd.f32 v60, v21;
	v41 =	vmul.f32 $2.000000030e-01, v29  }
0xf5: {  	v43 =	vmul.f32 v40, v62;
	v22 =	vadd.f32 v39, v22  }
0xf6: {  	v46 =	vld [tilespmem:$0x2170];
	v25 =	vadd.f32 v36, v24;
	v45 =	vmul.f32 $2.000000030e-01, v26;
	v44 =	vmax.f32 v29, v41  }
0xf7: {  	v47 =	vmul.f32 v44, v38;
	v22 =	vadd.f32 v43, v22  }
0xf8: {  	v48 =	vmul.f32 $2.000000030e-01, v25;
	v26 =	vmax.f32 v26, v45  }
0xf9: {  	v49 =	vmul.f32 v26, v42;
	v22 =	vadd.f32 v47, v22  }
0xfa: {  	v25 =	vmax.f32 v25, v48  }
0xfb: {  	v50 =	vmul.f32 v25, v46;
	v22 =	vadd.f32 v49, v22;
	_ =	sdelay $0x1  }
0xfc: {  	v22 =	vadd.f32 v50, v22;
	_ =	sdelay $0x1  }
0xfd: {  	v23 =	vperm.xlane v22, v1;
	_ =	sdelay $0x1  }
0xfe: {  	v22 =	vadd.f32 v22, v23;
	_ =	sdelay $0x1  }
0xff: {  	v23 =	vperm.xlane v22, v2;
	_ =	sdelay $0x1  }
0x100: {  	v22 =	vadd.f32 v22, v23;
	_ =	sdelay $0x1  }
0x101: {  	v23 =	vperm.xlane v22, v3;
	_ =	sdelay $0x1  }
0x102: {  	v22 =	vadd.f32 v22, v23;
	_ =	sdelay $0x1  }
0x103: {  	v23 =	vperm.xlane v22, v5;
	_ =	sdelay $0x1  }
0x104: {  	v22 =	vadd.f32 v22, v23;
	_ =	sdelay $0x1  }
0x105: {  	s18 =	sadd.s32 $0x4, s20;
	v22 =	vmul.f32 $1.442695020e+00, v22  }
0x106: {  	s19 =	sand.u32 $0x10, s18  }
0x107: {  	v51 =	vld.idx.msk [tilespmem:v14+s19+$0x0 ss:$0x1], $0xffff;
	(erf) = vpow2.f32 v22;
	_ =	sdelay $0x2  }
0x108: {  	s21 =	sand.u32 $0xC, s18  }
0x109: {  	v52 =	vmov s21  }
0x10a: {  	v22 =	vperm.xlane v51, v52;
	_ =	sdelay $0x1  }
0x10b: {  	v23 =	vxor.u32 v4, v22  }
0x10c: {  	v53 =	vxor.u32 v7, v22;
	v23 =	vperm.xlane v6, v23  }
0x10d: {  	v55 =	vxor.u32 v8, v22;
	v25 =	vperm.xlane v6, v53;
	v54 =	vpop (erf)  }
0x10e: {  	v56 =	vxor.u32 v9, v22;
	v27 =	vperm.xlane v6, v55;
	v23 =	vmul.f32 v54, v23  }
0x10f: {  	v57 =	vxor.u32 v10, v22;
	v28 =	vperm.xlane v6, v56;
	v25 =	vmul.f32 v54, v25  }
0x110: {  	v60 =	vxor.u32 v11, v22;
	v59 =	vperm.xlane v6, v57;
	v58 =	vmul.f32 v27, v54;
	[tilespmem:s16+$0xFFFFFF00] =	vst v23  }
0x111: {  	v63 =	vxor.u32 v12, v22;
	v62 =	vperm.xlane v6, v60;
	v61 =	vmul.f32 v28, v54;
	[tilespmem:s16+$0xFFFFFF10] =	vst v25  }
0x112: {  	v22 =	vxor.u32 v13, v22;
	v33 =	vperm.xlane v6, v63;
	v32 =	vmul.f32 v59, v54;
	[tilespmem:s16+$0xFFFFFF20] =	vst v58  }
0x113: {  	v22 =	vperm.xlane v6, v22;
	v34 =	vmul.f32 v62, v54;
	[tilespmem:s16+$0xFFFFFF30] =	vst v61  }
0x114: {  	v35 =	vmul.f32 v33, v54;
	[tilespmem:s16+$0xFFFFFF40] =	vst v32  }
0x115: {  	v22 =	vmul.f32 v22, v54;
	[tilespmem:s16+$0xFFFFFF50] =	vst v34  }
0x116: {  	v15 =	vmul.f32 v54, v15;
	[tilespmem:s16+$0xFFFFFF60] =	vst v35  }
0x117: {  	v16 =	vmul.f32 v54, v16;
	[tilespmem:s16+$0xFFFFFF70] =	vst v22  }
0x118: {  	v36 =	vmul.f32 v54, v18;
	[tilespmem:s14+$0xFFFFFF00] =	vst v15  }
0x119: {  	v15 =	vmul.f32 v54, v17;
	[tilespmem:s14+$0xFFFFFF10] =	vst v16;
	v16 =	vld [tilespmem:s14+$0xFFFFFF90]  }
0x11a: {  	v37 =	vmul.f32 v54, v20;
	[tilespmem:s14+$0xFFFFFF30] =	vst v36;
	v17 =	vld [tilespmem:s14+$0xFFFFFFA0]  }
0x11b: {  	v18 =	vld [tilespmem:s14+$0xFFFFFFB0];
	[tilespmem:s14+$0xFFFFFF20] =	vst v15;
	v15 =	vmul.f32 v54, v19  }
0x11c: {  	v38 =	vmul.f32 v54, v24;
	[tilespmem:s14+$0xFFFFFF50] =	vst v37;
	v20 =	vld [tilespmem:s14+$0xFFFFFFD0]  }
0x11d: {  	v24 =	vld [tilespmem:s14+$0xFFFFFFF0];
	[tilespmem:s14+$0xFFFFFF40] =	vst v15;
	v15 =	vmul.f32 v54, v21  }
0x11e: {  	[tilespmem:s14+$0xFFFFFF70] =	vst v38;
	v19 =	vld [tilespmem:s14+$0xFFFFFFC0]  }
0x11f: {  	[tilespmem:s14+$0xFFFFFF60] =	vst v15;
	v15 =	vld [tilespmem:s14+$0xFFFFFF80]  }
0x120: {  	v22 =	vld [tilespmem:s15+$0xFFFFFF80]  }
0x121: {  	v23 =	vld [tilespmem:s15+$0xFFFFFF90]  }
0x122: {  	v21 =	vld [tilespmem:s14+$0xFFFFFFE0]  }
0x123: {  	v25 =	vld [tilespmem:s15+$0xFFFFFFA0]  }
0x124: {  	v40 =	vld [tilespmem:s15+$0xFFFFFFB0]  }
0x125: {  	v39 =	vld [tilespmem:$0x2100]  }
0x126: {  	v41 =	vld [tilespmem:$0x2110];
	v22 =	vadd.f32 v22, v15;
	v23 =	vadd.f32 v23, v16  }
0x127: {  	v43 =	vld [tilespmem:s15+$0xFFFFFFC0]  }
0x128: {  	v45 =	vld [tilespmem:$0x2120];
	v25 =	vadd.f32 v25, v17;
	v42 =	vmul.f32 $2.000000030e-01, v22;
	v44 =	vmul.f32 $2.000000030e-01, v23  }
0x129: {  	v46 =	vld [tilespmem:s15+$0xFFFFFFD0];
	v27 =	vadd.f32 v40, v18  }
0x12a: {  	v48 =	vld [tilespmem:$0x2130];
	v47 =	vmul.f32 $2.000000030e-01, v25;
	v22 =	vmax.f32 v22, v42;
	v23 =	vmax.f32 v23, v44  }
0x12b: {  	v49 =	vld [tilespmem:s15+$0xFFFFFFE0];
	v22 =	vmul.f32 v22, v39;
	v23 =	vmul.f32 v23, v41  }
0x12c: {  	v51 =	vld [tilespmem:$0x2140];
	v30 =	vadd.f32 v43, v19;
	v50 =	vmul.f32 $2.000000030e-01, v27;
	v25 =	vmax.f32 v25, v47  }
0x12d: {  	v53 =	vld [tilespmem:s15+$0xFFFFFFF0];
	v52 =	vmul.f32 v25, v45;
	v22 =	vadd.f32 v23, v22  }
0x12e: {  	v55 =	vld [tilespmem:$0x2150];
	v29 =	vadd.f32 v46, v20;
	v54 =	vmul.f32 $2.000000030e-01, v30;
	v27 =	vmax.f32 v27, v50  }
0x12f: {  	v56 =	vmul.f32 v27, v48;
	v22 =	vadd.f32 v52, v22  }
0x130: {  	v59 =	vld [tilespmem:$0x2160];
	v26 =	vadd.f32 v49, v21;
	v58 =	vmul.f32 $2.000000030e-01, v29;
	v57 =	vmax.f32 v30, v54  }
0x131: {  	v60 =	vmul.f32 v57, v51;
	v22 =	vadd.f32 v56, v22  }
0x132: {  	v63 =	vld [tilespmem:$0x2170];
	v62 =	vmul.f32 $2.000000030e-01, v26;
	v61 =	vmax.f32 v29, v58;
	v25 =	vadd.f32 v53, v24  }
0x133: {  	v33 =	vmul.f32 v61, v55;
	v22 =	vadd.f32 v60, v22  }
0x134: {  	v26 =	vmax.f32 v26, v62;
	v34 =	vmul.f32 $2.000000030e-01, v25  }
0x135: {  	v35 =	vmul.f32 v26, v59;
	v22 =	vadd.f32 v33, v22  }
0x136: {  	v25 =	vmax.f32 v25, v34  }
0x137: {  	v36 =	vmul.f32 v25, v63;
	v22 =	vadd.f32 v35, v22;
	_ =	sdelay $0x1  }
0x138: {  	v22 =	vadd.f32 v36, v22;
	_ =	sdelay $0x1  }
0x139: {  	v23 =	vperm.xlane v22, v1;
	_ =	sdelay $0x1  }
0x13a: {  	v22 =	vadd.f32 v22, v23;
	_ =	sdelay $0x1  }
0x13b: {  	v23 =	vperm.xlane v22, v2;
	_ =	sdelay $0x1  }
0x13c: {  	v22 =	vadd.f32 v22, v23;
	_ =	sdelay $0x1  }
0x13d: {  	v23 =	vperm.xlane v22, v3;
	_ =	sdelay $0x1  }
0x13e: {  	v22 =	vadd.f32 v22, v23;
	_ =	sdelay $0x1  }
0x13f: {  	v23 =	vperm.xlane v22, v5;
	_ =	sdelay $0x1  }
0x140: {  	v22 =	vadd.f32 v22, v23;
	_ =	sdelay $0x1  }
0x141: {  	v22 =	vmul.f32 $1.442695020e+00, v22;
	_ =	sdelay $0x1  }
0x142: {  	v37 =	vld.idx.msk [tilespmem:v14+s19+$0x0 ss:$0x1], $0xffff;
	(erf) = vpow2.f32 v22  }
0x143: {  	s21 =	sand.u32 $0xFFFFFFF0, s17  }
0x144: {  	s20 =	ssub.s32 s20, s21  }
0x145: {  	s21 =	sadd.s32 $0x5, s20  }
0x146: {  	v38 =	vmov s21  }
0x147: {  	v22 =	vperm.xlane v37, v38;
	_ =	sdelay $0x1  }
0x148: {  	v23 =	vxor.u32 v4, v22  }
0x149: {  	v39 =	vxor.u32 v7, v22;
	v23 =	vperm.xlane v6, v23  }
0x14a: {  	v41 =	vxor.u32 v8, v22;
	v25 =	vperm.xlane v6, v39;
	v40 =	vpop (erf)  }
0x14b: {  	v42 =	vxor.u32 v9, v22;
	v27 =	vperm.xlane v6, v41;
	v23 =	vmul.f32 v40, v23  }
0x14c: {  	v43 =	vxor.u32 v10, v22;
	v28 =	vperm.xlane v6, v42;
	v25 =	vmul.f32 v40, v25  }
0x14d: {  	v46 =	vxor.u32 v11, v22;
	v45 =	vperm.xlane v6, v43;
	v44 =	vmul.f32 v27, v40;
	[tilespmem:s16+$0xFFFFFF80] =	vst v23  }
0x14e: {  	v49 =	vxor.u32 v12, v22;
	v48 =	vperm.xlane v6, v46;
	v47 =	vmul.f32 v28, v40;
	[tilespmem:s16+$0xFFFFFF90] =	vst v25  }
0x14f: {  	v22 =	vxor.u32 v13, v22;
	v51 =	vperm.xlane v6, v49;
	v50 =	vmul.f32 v45, v40;
	[tilespmem:s16+$0xFFFFFFA0] =	vst v44  }
0x150: {  	v22 =	vperm.xlane v6, v22;
	v52 =	vmul.f32 v48, v40;
	[tilespmem:s16+$0xFFFFFFB0] =	vst v47  }
0x151: {  	v53 =	vmul.f32 v51, v40;
	[tilespmem:s16+$0xFFFFFFC0] =	vst v50  }
0x152: {  	v22 =	vmul.f32 v22, v40;
	[tilespmem:s16+$0xFFFFFFD0] =	vst v52  }
0x153: {  	v15 =	vmul.f32 v40, v15;
	[tilespmem:s16+$0xFFFFFFE0] =	vst v53  }
0x154: {  	v16 =	vmul.f32 v40, v16;
	[tilespmem:s16+$0xFFFFFFF0] =	vst v22  }
0x155: {  	v54 =	vmul.f32 v40, v18;
	[tilespmem:s14+$0xFFFFFF80] =	vst v15  }
0x156: {  	v15 =	vmul.f32 v40, v17;
	[tilespmem:s14+$0xFFFFFF90] =	vst v16;
	v16 =	vld [tilespmem:s14+$0x10]  }
0x157: {  	v55 =	vmul.f32 v40, v20;
	[tilespmem:s14+$0xFFFFFFB0] =	vst v54;
	v17 =	vld [tilespmem:s14+$0x20]  }
0x158: {  	v18 =	vld [tilespmem:s14+$0x30];
	[tilespmem:s14+$0xFFFFFFA0] =	vst v15;
	v15 =	vmul.f32 v40, v19  }
0x159: {  	v56 =	vmul.f32 v40, v24;
	[tilespmem:s14+$0xFFFFFFD0] =	vst v55;
	v20 =	vld [tilespmem:s14+$0x50]  }
0x15a: {  	v24 =	vld [tilespmem:s14+$0x70];
	[tilespmem:s14+$0xFFFFFFC0] =	vst v15;
	v15 =	vmul.f32 v40, v21  }
0x15b: {  	[tilespmem:s14+$0xFFFFFFF0] =	vst v56;
	v19 =	vld [tilespmem:s14+$0x40]  }
0x15c: {  	[tilespmem:s14+$0xFFFFFFE0] =	vst v15;
	v15 =	vld [tilespmem:s14+$0x0]  }
0x15d: {  	v22 =	vld [tilespmem:s15+$0x0]  }
0x15e: {  	v23 =	vld [tilespmem:s15+$0x10]  }
0x15f: {  	v21 =	vld [tilespmem:s14+$0x60]  }
0x160: {  	v25 =	vld [tilespmem:s15+$0x20]  }
0x161: {  	v58 =	vld [tilespmem:s15+$0x30]  }
0x162: {  	v57 =	vld [tilespmem:$0x2100]  }
0x163: {  	v59 =	vld [tilespmem:$0x2110];
	v22 =	vadd.f32 v22, v15;
	v23 =	vadd.f32 v23, v16  }
0x164: {  	v61 =	vld [tilespmem:s15+$0x40]  }
0x165: {  	v63 =	vld [tilespmem:$0x2120];
	v25 =	vadd.f32 v25, v17;
	v60 =	vmul.f32 $2.000000030e-01, v22;
	v62 =	vmul.f32 $2.000000030e-01, v23  }
0x166: {  	v36 =	vld [tilespmem:s15+$0x50];
	v27 =	vadd.f32 v58, v18  }
0x167: {  	v38 =	vld [tilespmem:$0x2130];
	v37 =	vmul.f32 $2.000000030e-01, v25;
	v22 =	vmax.f32 v22, v60;
	v23 =	vmax.f32 v23, v62  }
0x168: {  	v39 =	vld [tilespmem:s15+$0x60];
	v22 =	vmul.f32 v22, v57;
	v23 =	vmul.f32 v23, v59  }
0x169: {  	v41 =	vld [tilespmem:$0x2140];
	v30 =	vadd.f32 v61, v19;
	v40 =	vmul.f32 $2.000000030e-01, v27;
	v25 =	vmax.f32 v25, v37  }
0x16a: {  	v43 =	vld [tilespmem:s15+$0x70];
	v42 =	vmul.f32 v25, v63;
	v22 =	vadd.f32 v23, v22  }
0x16b: {  	v45 =	vld [tilespmem:$0x2150];
	v29 =	vadd.f32 v36, v20;
	v44 =	vmul.f32 $2.000000030e-01, v30;
	v27 =	vmax.f32 v27, v40  }
0x16c: {  	v46 =	vmul.f32 v27, v38;
	v22 =	vadd.f32 v42, v22  }
0x16d: {  	v49 =	vld [tilespmem:$0x2160];
	v26 =	vadd.f32 v39, v21;
	v48 =	vmul.f32 $2.000000030e-01, v29;
	v47 =	vmax.f32 v30, v44  }
0x16e: {  	v50 =	vmul.f32 v47, v41;
	v22 =	vadd.f32 v46, v22  }
0x16f: {  	v53 =	vld [tilespmem:$0x2170];
	v52 =	vmul.f32 $2.000000030e-01, v26;
	v51 =	vmax.f32 v29, v48;
	v25 =	vadd.f32 v43, v24  }
0x170: {  	v54 =	vmul.f32 v51, v45;
	v22 =	vadd.f32 v50, v22  }
0x171: {  	v26 =	vmax.f32 v26, v52;
	v55 =	vmul.f32 $2.000000030e-01, v25  }
0x172: {  	v56 =	vmul.f32 v26, v49;
	v22 =	vadd.f32 v54, v22  }
0x173: {  	v25 =	vmax.f32 v25, v55  }
0x174: {  	v57 =	vmul.f32 v25, v53;
	v22 =	vadd.f32 v56, v22;
	_ =	sdelay $0x1  }
0x175: {  	v22 =	vadd.f32 v57, v22;
	_ =	sdelay $0x1  }
0x176: {  	v23 =	vperm.xlane v22, v1;
	_ =	sdelay $0x1  }
0x177: {  	v22 =	vadd.f32 v22, v23;
	_ =	sdelay $0x1  }
0x178: {  	v23 =	vperm.xlane v22, v2;
	_ =	sdelay $0x1  }
0x179: {  	v22 =	vadd.f32 v22, v23;
	_ =	sdelay $0x1  }
0x17a: {  	v23 =	vperm.xlane v22, v3;
	_ =	sdelay $0x1  }
0x17b: {  	v22 =	vadd.f32 v22, v23;
	_ =	sdelay $0x1  }
0x17c: {  	v23 =	vperm.xlane v22, v5;
	_ =	sdelay $0x1  }
0x17d: {  	v22 =	vadd.f32 v22, v23;
	_ =	sdelay $0x1  }
0x17e: {  	v22 =	vmul.f32 $1.442695020e+00, v22;
	_ =	sdelay $0x1  }
0x17f: {  	v58 =	vld.idx.msk [tilespmem:v14+s19+$0x0 ss:$0x1], $0xffff;
	(erf) = vpow2.f32 v22;
	_ =	sdelay $0x2  }
0x180: {  	s21 =	sadd.s32 $0x6, s20  }
0x181: {  	v59 =	vmov s21  }
0x182: {  	v22 =	vperm.xlane v58, v59;
	_ =	sdelay $0x1  }
0x183: {  	v23 =	vxor.u32 v4, v22  }
0x184: {  	v60 =	vxor.u32 v7, v22;
	v23 =	vperm.xlane v6, v23  }
0x185: {  	v62 =	vxor.u32 v8, v22;
	v25 =	vperm.xlane v6, v60;
	v61 =	vpop (erf)  }
0x186: {  	v63 =	vxor.u32 v9, v22;
	v27 =	vperm.xlane v6, v62;
	v23 =	vmul.f32 v61, v23  }
0x187: {  	v32 =	vxor.u32 v10, v22;
	v28 =	vperm.xlane v6, v63;
	v25 =	vmul.f32 v61, v25  }
0x188: {  	v35 =	vxor.u32 v11, v22;
	v34 =	vperm.xlane v6, v32;
	v33 =	vmul.f32 v27, v61;
	[tilespmem:s16+$0x0] =	vst v23  }
0x189: {  	v38 =	vxor.u32 v12, v22;
	v37 =	vperm.xlane v6, v35;
	v36 =	vmul.f32 v28, v61;
	[tilespmem:s16+$0x10] =	vst v25  }
0x18a: {  	v22 =	vxor.u32 v13, v22;
	v40 =	vperm.xlane v6, v38;
	v39 =	vmul.f32 v34, v61;
	[tilespmem:s16+$0x20] =	vst v33  }
0x18b: {  	v22 =	vperm.xlane v6, v22;
	v41 =	vmul.f32 v37, v61;
	[tilespmem:s16+$0x30] =	vst v36  }
0x18c: {  	v42 =	vmul.f32 v40, v61;
	[tilespmem:s16+$0x40] =	vst v39  }
0x18d: {  	v22 =	vmul.f32 v22, v61;
	[tilespmem:s16+$0x50] =	vst v41  }
0x18e: {  	v15 =	vmul.f32 v61, v15;
	[tilespmem:s16+$0x60] =	vst v42  }
0x18f: {  	v16 =	vmul.f32 v61, v16;
	[tilespmem:s16+$0x70] =	vst v22  }
0x190: {  	v43 =	vmul.f32 v61, v18;
	[tilespmem:s14+$0x0] =	vst v15  }
0x191: {  	v15 =	vmul.f32 v61, v17;
	[tilespmem:s14+$0x10] =	vst v16;
	v16 =	vld [tilespmem:s14+$0x90]  }
0x192: {  	v44 =	vmul.f32 v61, v20;
	[tilespmem:s14+$0x30] =	vst v43;
	v17 =	vld [tilespmem:s14+$0xA0]  }
0x193: {  	v18 =	vld [tilespmem:s14+$0xB0];
	[tilespmem:s14+$0x20] =	vst v15;
	v15 =	vmul.f32 v61, v19  }
0x194: {  	v45 =	vmul.f32 v61, v24;
	[tilespmem:s14+$0x50] =	vst v44;
	v20 =	vld [tilespmem:s14+$0xD0]  }
0x195: {  	v24 =	vld [tilespmem:s14+$0xF0];
	[tilespmem:s14+$0x40] =	vst v15;
	v15 =	vmul.f32 v61, v21  }
0x196: {  	[tilespmem:s14+$0x70] =	vst v45;
	v19 =	vld [tilespmem:s14+$0xC0]  }
0x197: {  	[tilespmem:s14+$0x60] =	vst v15;
	v15 =	vld [tilespmem:s14+$0x80]  }
0x198: {  	v22 =	vld [tilespmem:s15+$0x80]  }
0x199: {  	v23 =	vld [tilespmem:s15+$0x90]  }
0x19a: {  	v21 =	vld [tilespmem:s14+$0xE0]  }
0x19b: {  	v25 =	vld [tilespmem:s15+$0xA0]  }
0x19c: {  	v47 =	vld [tilespmem:s15+$0xB0]  }
0x19d: {  	v46 =	vld [tilespmem:$0x2100]  }
0x19e: {  	v48 =	vld [tilespmem:$0x2110];
	v22 =	vadd.f32 v22, v15;
	v23 =	vadd.f32 v23, v16  }
0x19f: {  	v50 =	vld [tilespmem:s15+$0xC0]  }
0x1a0: {  	v52 =	vld [tilespmem:$0x2120];
	v25 =	vadd.f32 v25, v17;
	v49 =	vmul.f32 $2.000000030e-01, v22;
	v51 =	vmul.f32 $2.000000030e-01, v23  }
0x1a1: {  	v53 =	vld [tilespmem:s15+$0xD0];
	v27 =	vadd.f32 v47, v18  }
0x1a2: {  	v55 =	vld [tilespmem:$0x2130];
	v54 =	vmul.f32 $2.000000030e-01, v25;
	v22 =	vmax.f32 v22, v49;
	v23 =	vmax.f32 v23, v51  }
0x1a3: {  	v56 =	vld [tilespmem:s15+$0xE0];
	v22 =	vmul.f32 v22, v46;
	v23 =	vmul.f32 v23, v48  }
0x1a4: {  	v58 =	vld [tilespmem:$0x2140];
	v30 =	vadd.f32 v50, v19;
	v57 =	vmul.f32 $2.000000030e-01, v27;
	v25 =	vmax.f32 v25, v54  }
0x1a5: {  	v60 =	vld [tilespmem:s15+$0xF0];
	v59 =	vmul.f32 v25, v52;
	v22 =	vadd.f32 v23, v22  }
0x1a6: {  	v62 =	vld [tilespmem:$0x2150];
	v29 =	vadd.f32 v53, v20;
	v61 =	vmul.f32 $2.000000030e-01, v30;
	v27 =	vmax.f32 v27, v57  }
0x1a7: {  	v63 =	vmul.f32 v27, v55;
	v22 =	vadd.f32 v59, v22  }
0x1a8: {  	v35 =	vld [tilespmem:$0x2160];
	v26 =	vadd.f32 v56, v21;
	v34 =	vmul.f32 $2.000000030e-01, v29;
	v33 =	vmax.f32 v30, v61  }
0x1a9: {  	v36 =	vmul.f32 v33, v58;
	v22 =	vadd.f32 v63, v22  }
0x1aa: {  	v39 =	vld [tilespmem:$0x2170];
	v38 =	vmul.f32 $2.000000030e-01, v26;
	v37 =	vmax.f32 v29, v34;
	v25 =	vadd.f32 v60, v24  }
0x1ab: {  	v40 =	vmul.f32 v37, v62;
	v22 =	vadd.f32 v36, v22  }
0x1ac: {  	v26 =	vmax.f32 v26, v38;
	v41 =	vmul.f32 $2.000000030e-01, v25  }
0x1ad: {  	v42 =	vmul.f32 v26, v35;
	v22 =	vadd.f32 v40, v22  }
0x1ae: {  	v25 =	vmax.f32 v25, v41  }
0x1af: {  	v43 =	vmul.f32 v25, v39;
	v22 =	vadd.f32 v42, v22;
	_ =	sdelay $0x1  }
0x1b0: {  	v22 =	vadd.f32 v43, v22;
	_ =	sdelay $0x1  }
0x1b1: {  	v23 =	vperm.xlane v22, v1;
	_ =	sdelay $0x1  }
0x1b2: {  	v22 =	vadd.f32 v22, v23;
	_ =	sdelay $0x1  }
0x1b3: {  	v23 =	vperm.xlane v22, v2;
	_ =	sdelay $0x1  }
0x1b4: {  	v22 =	vadd.f32 v22, v23;
	_ =	sdelay $0x1  }
0x1b5: {  	v23 =	vperm.xlane v22, v3;
	_ =	sdelay $0x1  }
0x1b6: {  	v22 =	vadd.f32 v22, v23;
	_ =	sdelay $0x1  }
0x1b7: {  	v23 =	vperm.xlane v22, v5;
	_ =	sdelay $0x1  }
0x1b8: {  	v22 =	vadd.f32 v22, v23;
	_ =	sdelay $0x1  }
0x1b9: {  	v22 =	vmul.f32 $1.442695020e+00, v22;
	_ =	sdelay $0x1  }
0x1ba: {  	v44 =	vld.idx.msk [tilespmem:v14+s19+$0x0 ss:$0x1], $0xffff;
	(erf) = vpow2.f32 v22;
	_ =	sdelay $0x2  }
0x1bb: {  	s21 =	sadd.s32 $0x7, s20  }
0x1bc: {  	v45 =	vmov s21  }
0x1bd: {  	v22 =	vperm.xlane v44, v45;
	_ =	sdelay $0x1  }
0x1be: {  	v23 =	vxor.u32 v4, v22  }
0x1bf: {  	v46 =	vxor.u32 v7, v22;
	v23 =	vperm.xlane v6, v23  }
0x1c0: {  	v48 =	vxor.u32 v8, v22;
	v25 =	vperm.xlane v6, v46;
	v47 =	vpop (erf)  }
0x1c1: {  	v49 =	vxor.u32 v9, v22;
	v27 =	vperm.xlane v6, v48;
	v23 =	vmul.f32 v47, v23  }
0x1c2: {  	v50 =	vxor.u32 v10, v22;
	v28 =	vperm.xlane v6, v49;
	v25 =	vmul.f32 v47, v25  }
0x1c3: {  	v53 =	vxor.u32 v11, v22;
	v52 =	vperm.xlane v6, v50;
	v51 =	vmul.f32 v27, v47;
	[tilespmem:s16+$0x80] =	vst v23  }
0x1c4: {  	v56 =	vxor.u32 v12, v22;
	v55 =	vperm.xlane v6, v53;
	v54 =	vmul.f32 v28, v47;
	[tilespmem:s16+$0x90] =	vst v25  }
0x1c5: {  	v22 =	vxor.u32 v13, v22;
	v58 =	vperm.xlane v6, v56;
	v57 =	vmul.f32 v52, v47;
	[tilespmem:s16+$0xA0] =	vst v51  }
0x1c6: {  	v22 =	vperm.xlane v6, v22;
	v59 =	vmul.f32 v55, v47;
	[tilespmem:s16+$0xB0] =	vst v54  }
0x1c7: {  	v60 =	vmul.f32 v58, v47;
	[tilespmem:s16+$0xC0] =	vst v57  }
0x1c8: {  	v22 =	vmul.f32 v22, v47;
	[tilespmem:s16+$0xD0] =	vst v59  }
0x1c9: {  	v15 =	vmul.f32 v47, v15;
	[tilespmem:s16+$0xE0] =	vst v60  }
0x1ca: {  	v16 =	vmul.f32 v47, v16;
	[tilespmem:s16+$0xF0] =	vst v22  }
0x1cb: {  	v61 =	vmul.f32 v47, v18;
	[tilespmem:s14+$0x80] =	vst v15  }
0x1cc: {  	v15 =	vmul.f32 v47, v17;
	[tilespmem:s14+$0x90] =	vst v16  }
0x1cd: {  	p1 =	slt.u32 s18, $0x1C;
	v62 =	vmul.f32 v47, v20;
	[tilespmem:s14+$0xB0] =	vst v61  }
.Ltmp1:
0x1ce: {  	[tilespmem:s14+$0xA0] =	vst v15;
	v15 =	vmul.f32 v47, v19;
	(pc) =	sbr.rel @p1 .LBB2_6-.Ltmp1, $4  }
0x1cf: {  	v63 =	vmul.f32 v47, v24;
	[tilespmem:s14+$0xD0] =	vst v62  }
0x1d0: {  	[tilespmem:s14+$0xC0] =	vst v15;
	v15 =	vmul.f32 v47, v21  }
0x1d1: {  	s17 =	sadd.s32 $0x4, s17;
	s20 =	smov.u32 s18;
	[tilespmem:s14+$0xF0] =	vst v63  }
0x1d2: {  	s15 =	sadd.s32 $0x200, s15;
	s16 =	sadd.s32 $0x200, s16;
	[tilespmem:s14+$0xE0] =	vst v15;
	s14 =	sadd.s32 $0x200, s14  }
0x1d3: {  	p1 =	seq.s32 s9, $0x0  }
0x1d4: {  	s14 =	simm.s32 @!p1 $0x2  }
0x1d5: {  	_ =	swait.ge @!p1 [sflag:s14], $0x1000  }
0x1d6: {  	[sflag:s14] =	ssyncset.done @!p1 $0x0  }
0x1d7: {  	[sflag:s14] =	ssyncadd.s32 @!p1 $0xFFFFF000  }
0x1d8: {  	p2 =	seq.s32 @!p1 s9, $0x1F;
	_ =	swait.ge @!p1 [sflag:s14], $0x1000  }
0x1d9: {  	p2 =	por p1, !p2;
	[sflag:s14] =	ssyncset.done @!p1 $0x0  }
0x1da: {  	[sflag:s14] =	ssyncadd.s32 @!p1 $0xFFFFF000;
	s14 =	sxor.u32 @p2 $0x1000, s11  }
0x1db: {  	s9 =	sadd.s32 $0x1, s9;
	s16 =	sadd.s32 @p2 $0x80, s10;
	s15 =	sadd.s32 @p2 $0x2180, s14  }
0x1dc: {  	[tilespmem:s15], [sflag:$0x1] =	stream.indirect.gather @p2 [hbm4b:s29+s2], $0x80, s16, s2, $0xb8;
	[tilespmem:$0x1D580] =	vst v63  }
0x1dd: {  	s10 =	sadd.s32 @p2 $0x1080, s10;
	p1 =	sne.s32 s9, $0x20;
	s14 =	sadd.s32 @p2 $0x4180, s14  }
0x1de: {  	[tilespmem:s14], [sflag:$0x1] =	stream.indirect.gather @p2 [hbm4b:s30+s2], $0x80, s10, s2, $0xb8;
	[tilespmem:$0x1D580] =	vst v63  }
.Ltmp2:
0x1df: {  	_ = 	snop;
	(pc) =	sbr.rel @p1 .LBB2_5-.Ltmp2, $4  }
0x1e0: {  	s20 =	sadd.s32 $0x2180, s11  }
0x1e1: {  	[spmem:s23] =	stream.indirect.scatter.add.f32 [tilespmem:s20], [sflag:$0x2], $0x80, s12, s2, $0xb8;
	[tilespmem:$0x1D580] =	vst v63  }
0x1e2: {  	s21 =	sadd.s32 $0x6180, s11;
	p0 =	por !p0, !p0  }
0x1e3: {  	[spmem:s24] =	stream.indirect.scatter.add.f32 [tilespmem:s21], [sflag:$0x2], $0x80, s13, s2, $0xb8;
	[tilespmem:$0x1D580] =	vst v63  }
0x1e4: {  	s8 =	sadd.s32 $0x1, s8  }
0x1e5: {  	_ =	swait.ge [sflag:s5], $0x1000;
	p0 =	sne.s32 s8, $0xA  }
.Ltmp3:
0x1e6: {  	[sflag:s5] =	ssyncset.done $0x0;
	(pc) =	sbr.rel @p0 .LBB2_4-.Ltmp3, $4  }
0x1e7: {  	[sflag:s5] =	ssyncadd.s32 $0xFFFFF000  }
0x1e8: {  	_ =	swait.ge [sflag:s5], $0x1000  }
0x1e9: {  	[sflag:s5] =	ssyncset.done $0x0  }
0x1ea: {  	[sflag:s5] =	ssyncadd.s32 $0xFFFFF000  }
0x1eb: {  	[bflag:$0x0] =	sbarrier.arrive $0xFFFF  }
0x1ec: {  	s7 =	rddreg [dreg:$0x1c]  }
0x1ed: {  	[tilespmem:s0], [sflag:$0x3] =	stream.linear.gather [spmem:s7], $0x1000, $0x38;
	[tilespmem:$0x1D580] =	vst v63  }
0x1ee: {  	_ =	swait.ge [sflag:s28], $0x1000  }
0x1ef: {  	[sflag:s28] =	ssyncset.done $0x0  }
0x1f0: {  	s19 =	rddreg [dreg:$0x6];
	[sflag:s28] =	ssyncadd.s32 $0xFFFFF000  }
0x1f1: {  	[hbm4b:s19+s1] =	stream.linear.scatter [tilespmem:s0], [sflag:$0x3], $0x1000, $0x38;
	[tilespmem:$0x1D580] =	vst v63  }
0x1f2: {  	_ =	swait.ge [sflag:s28], $0x1000  }
0x1f3: {  	[sflag:s28] =	ssyncset.done $0x0  }
0x1f4: {  	s21 =	rddreg [dreg:$0x1d];
	[sflag:s28] =	ssyncadd.s32 $0xFFFFF000  }
0x1f5: {  	[tilespmem:s0], [sflag:$0x3] =	stream.linear.gather [spmem:s21], $0x1000, $0x38;
	[tilespmem:$0x1D580] =	vst v63  }
0x1f6: {  	_ =	swait.ge [sflag:s28], $0x1000  }
0x1f7: {  	[sflag:s28] =	ssyncset.done $0x0  }
0x1f8: {  	s20 =	rddreg [dreg:$0x7];
	[sflag:s28] =	ssyncadd.s32 $0xFFFFF000  }
0x1f9: {  	[hbm4b:s20+s1] =	stream.linear.scatter [tilespmem:s0], [sflag:$0x3], $0x1000, $0x38;
	[tilespmem:$0x1D580] =	vst v63  }
0x1fa: {  	_ =	swait.ge [sflag:s28], $0x1000  }
0x1fb: {  	[sflag:s28] =	ssyncset.done $0x0  }
0x1fc: {  	s18 =	rddreg [dreg:$0x1e];
	[sflag:s28] =	ssyncadd.s32 $0xFFFFF000  }
0x1fd: {  	[tilespmem:s0], [sflag:$0x3] =	stream.linear.gather [spmem:s18], $0x1000, $0x38;
	[tilespmem:$0x1D580] =	vst v63  }
0x1fe: {  	_ =	swait.ge [sflag:s28], $0x1000  }
0x1ff: {  	[sflag:s28] =	ssyncset.done $0x0  }
0x200: {  	s8 =	rddreg [dreg:$0x8];
	[sflag:s28] =	ssyncadd.s32 $0xFFFFF000  }
0x201: {  	[hbm4b:s8+s1] =	stream.linear.scatter [tilespmem:s0], [sflag:$0x3], $0x1000, $0x38;
	[tilespmem:$0x1D580] =	vst v63  }
0x202: {  	_ =	swait.ge [sflag:s28], $0x1000  }
0x203: {  	[sflag:s28] =	ssyncset.done $0x0  }
0x204: {  	s19 =	rddreg [dreg:$0x1f];
	[sflag:s28] =	ssyncadd.s32 $0xFFFFF000  }
0x205: {  	[tilespmem:s0], [sflag:$0x3] =	stream.linear.gather [spmem:s19], $0x1000, $0x38;
	[tilespmem:$0x1D580] =	vst v63  }
0x206: {  	_ =	swait.ge [sflag:s28], $0x1000  }
0x207: {  	[sflag:s28] =	ssyncset.done $0x0  }
0x208: {  	s9 =	rddreg [dreg:$0x9];
	[sflag:s28] =	ssyncadd.s32 $0xFFFFF000  }
0x209: {  	[hbm4b:s9+s1] =	stream.linear.scatter [tilespmem:s0], [sflag:$0x3], $0x1000, $0x38;
	[tilespmem:$0x1D580] =	vst v63  }
0x20a: {  	_ =	swait.ge [sflag:s28], $0x1000  }
0x20b: {  	s20 =	sld [smem:$0x7F4]  }
0x20c: {  	[sflag:s28] =	ssyncset.done $0x0  }
0x20d: {  	[sflag:s28] =	ssyncadd.s32 $0xFFFFF000  }
0x20e: {  	[tilespmem:s0], [sflag:$0x3] =	stream.linear.gather [spmem:s20], $0x1000, $0x38;
	[tilespmem:$0x1D580] =	vst v63  }
0x20f: {  	_ =	swait.ge [sflag:s28], $0x1000  }
0x210: {  	[sflag:s28] =	ssyncset.done $0x0  }
0x211: {  	s10 =	rddreg [dreg:$0xa];
	[sflag:s28] =	ssyncadd.s32 $0xFFFFF000  }
0x212: {  	[hbm4b:s10+s1] =	stream.linear.scatter [tilespmem:s0], [sflag:$0x3], $0x1000, $0x38;
	[tilespmem:$0x1D580] =	vst v63  }
0x213: {  	_ =	swait.ge [sflag:s28], $0x1000  }
0x214: {  	s15 =	sld [smem:$0x7F5]  }
0x215: {  	[sflag:s28] =	ssyncset.done $0x0  }
0x216: {  	[sflag:s28] =	ssyncadd.s32 $0xFFFFF000  }
0x217: {  	[tilespmem:s0], [sflag:$0x3] =	stream.linear.gather [spmem:s15], $0x1000, $0x38;
	[tilespmem:$0x1D580] =	vst v63  }
0x218: {  	_ =	swait.ge [sflag:s28], $0x1000  }
0x219: {  	[sflag:s28] =	ssyncset.done $0x0  }
0x21a: {  	s11 =	rddreg [dreg:$0xb];
	[sflag:s28] =	ssyncadd.s32 $0xFFFFF000  }
0x21b: {  	[hbm4b:s11+s1] =	stream.linear.scatter [tilespmem:s0], [sflag:$0x3], $0x1000, $0x38;
	[tilespmem:$0x1D580] =	vst v63  }
0x21c: {  	_ =	swait.ge [sflag:s28], $0x1000  }
0x21d: {  	s16 =	sld [smem:$0x7F6]  }
0x21e: {  	[sflag:s28] =	ssyncset.done $0x0  }
0x21f: {  	[sflag:s28] =	ssyncadd.s32 $0xFFFFF000  }
0x220: {  	[tilespmem:s0], [sflag:$0x3] =	stream.linear.gather [spmem:s16], $0x1000, $0x38;
	[tilespmem:$0x1D580] =	vst v63  }
0x221: {  	_ =	swait.ge [sflag:s28], $0x1000  }
0x222: {  	[sflag:s28] =	ssyncset.done $0x0  }
0x223: {  	s12 =	rddreg [dreg:$0xc];
	[sflag:s28] =	ssyncadd.s32 $0xFFFFF000  }
0x224: {  	[hbm4b:s12+s1] =	stream.linear.scatter [tilespmem:s0], [sflag:$0x3], $0x1000, $0x38;
	[tilespmem:$0x1D580] =	vst v63  }
0x225: {  	_ =	swait.ge [sflag:s28], $0x1000  }
0x226: {  	s17 =	sld [smem:$0x7F7]  }
0x227: {  	[sflag:s28] =	ssyncset.done $0x0  }
0x228: {  	[sflag:s28] =	ssyncadd.s32 $0xFFFFF000  }
0x229: {  	[tilespmem:s0], [sflag:$0x3] =	stream.linear.gather [spmem:s17], $0x1000, $0x38;
	[tilespmem:$0x1D580] =	vst v63  }
0x22a: {  	_ =	swait.ge [sflag:s28], $0x1000  }
0x22b: {  	[sflag:s28] =	ssyncset.done $0x0  }
0x22c: {  	s13 =	rddreg [dreg:$0xd];
	[sflag:s28] =	ssyncadd.s32 $0xFFFFF000  }
0x22d: {  	[hbm4b:s13+s1] =	stream.linear.scatter [tilespmem:s0], [sflag:$0x3], $0x1000, $0x38;
	[tilespmem:$0x1D580] =	vst v63  }
0x22e: {  	_ =	swait.ge [sflag:s28], $0x1000  }
0x22f: {  	s12 =	sld [smem:$0x7F8]  }
0x230: {  	[sflag:s28] =	ssyncset.done $0x0  }
0x231: {  	[sflag:s28] =	ssyncadd.s32 $0xFFFFF000  }
0x232: {  	[tilespmem:s0], [sflag:$0x3] =	stream.linear.gather [spmem:s12], $0x1000, $0x38;
	[tilespmem:$0x1D580] =	vst v63  }
0x233: {  	_ =	swait.ge [sflag:s28], $0x1000  }
0x234: {  	[sflag:s28] =	ssyncset.done $0x0  }
0x235: {  	s14 =	rddreg [dreg:$0xe];
	[sflag:s28] =	ssyncadd.s32 $0xFFFFF000  }
0x236: {  	[hbm4b:s14+s1] =	stream.linear.scatter [tilespmem:s0], [sflag:$0x3], $0x1000, $0x38;
	[tilespmem:$0x1D580] =	vst v63  }
0x237: {  	_ =	swait.ge [sflag:s28], $0x1000  }
0x238: {  	s13 =	sld [smem:$0x7F9]  }
0x239: {  	[sflag:s28] =	ssyncset.done $0x0  }
0x23a: {  	[sflag:s28] =	ssyncadd.s32 $0xFFFFF000  }
0x23b: {  	[tilespmem:s0], [sflag:$0x3] =	stream.linear.gather [spmem:s13], $0x1000, $0x38;
	[tilespmem:$0x1D580] =	vst v63  }
0x23c: {  	_ =	swait.ge [sflag:s28], $0x1000  }
0x23d: {  	[sflag:s28] =	ssyncset.done $0x0  }
0x23e: {  	s8 =	rddreg [dreg:$0xf];
	[sflag:s28] =	ssyncadd.s32 $0xFFFFF000  }
0x23f: {  	[hbm4b:s8+s1] =	stream.linear.scatter [tilespmem:s0], [sflag:$0x3], $0x1000, $0x38;
	[tilespmem:$0x1D580] =	vst v63  }
0x240: {  	_ =	swait.ge [sflag:s28], $0x1000  }
0x241: {  	s14 =	sld [smem:$0x7FA]  }
0x242: {  	[sflag:s28] =	ssyncset.done $0x0  }
0x243: {  	[sflag:s28] =	ssyncadd.s32 $0xFFFFF000  }
0x244: {  	[tilespmem:s0], [sflag:$0x3] =	stream.linear.gather [spmem:s14], $0x1000, $0x38;
	[tilespmem:$0x1D580] =	vst v63  }
0x245: {  	_ =	swait.ge [sflag:s28], $0x1000  }
0x246: {  	[sflag:s28] =	ssyncset.done $0x0  }
0x247: {  	s9 =	rddreg [dreg:$0x10];
	[sflag:s28] =	ssyncadd.s32 $0xFFFFF000  }
0x248: {  	[hbm4b:s9+s1] =	stream.linear.scatter [tilespmem:s0], [sflag:$0x3], $0x1000, $0x38;
	[tilespmem:$0x1D580] =	vst v63  }
0x249: {  	_ =	swait.ge [sflag:s28], $0x1000  }
0x24a: {  	s10 =	sld [smem:$0x7EA]  }
0x24b: {  	[sflag:s28] =	ssyncset.done $0x0  }
0x24c: {  	[sflag:s28] =	ssyncadd.s32 $0xFFFFF000  }
0x24d: {  	[tilespmem:s0], [sflag:$0x3] =	stream.linear.gather [spmem:s10], $0x1000, $0x38;
	[tilespmem:$0x1D580] =	vst v63  }
0x24e: {  	_ =	swait.ge [sflag:s28], $0x1000  }
0x24f: {  	[sflag:s28] =	ssyncset.done $0x0  }
0x250: {  	s11 =	rddreg [dreg:$0x11];
	[sflag:s28] =	ssyncadd.s32 $0xFFFFF000  }
0x251: {  	[hbm4b:s11+s1] =	stream.linear.scatter [tilespmem:s0], [sflag:$0x3], $0x1000, $0x38;
	[tilespmem:$0x1D580] =	vst v63  }
0x252: {  	_ =	swait.ge [sflag:s28], $0x1000  }
0x253: {  	s11 =	sld [smem:$0x7FB]  }
0x254: {  	[sflag:s28] =	ssyncset.done $0x0  }
0x255: {  	[sflag:s28] =	ssyncadd.s32 $0xFFFFF000  }
0x256: {  	[tilespmem:s0], [sflag:$0x3] =	stream.linear.gather [spmem:s11], $0x1000, $0x38;
	[tilespmem:$0x1D580] =	vst v63  }
0x257: {  	_ =	swait.ge [sflag:s28], $0x1000  }
0x258: {  	[sflag:s28] =	ssyncset.done $0x0  }
0x259: {  	s8 =	rddreg [dreg:$0x12];
	[sflag:s28] =	ssyncadd.s32 $0xFFFFF000  }
0x25a: {  	[hbm4b:s8+s1] =	stream.linear.scatter [tilespmem:s0], [sflag:$0x3], $0x1000, $0x38;
	[tilespmem:$0x1D580] =	vst v63  }
0x25b: {  	_ =	swait.ge [sflag:s28], $0x1000  }
0x25c: {  	s9 =	sld [smem:$0x7EB]  }
0x25d: {  	[sflag:s28] =	ssyncset.done $0x0  }
0x25e: {  	[sflag:s28] =	ssyncadd.s32 $0xFFFFF000  }
0x25f: {  	[tilespmem:s0], [sflag:$0x3] =	stream.linear.gather [spmem:s9], $0x1000, $0x38;
	[tilespmem:$0x1D580] =	vst v63  }
0x260: {  	_ =	swait.ge [sflag:s28], $0x1000  }
0x261: {  	[sflag:s28] =	ssyncset.done $0x0  }
0x262: {  	s10 =	rddreg [dreg:$0x13];
	[sflag:s28] =	ssyncadd.s32 $0xFFFFF000  }
0x263: {  	[hbm4b:s10+s1] =	stream.linear.scatter [tilespmem:s0], [sflag:$0x3], $0x1000, $0x38;
	[tilespmem:$0x1D580] =	vst v63  }
0x264: {  	_ =	swait.ge [sflag:s28], $0x1000  }
0x265: {  	s8 =	sld [smem:$0x7EC]  }
0x266: {  	[sflag:s28] =	ssyncset.done $0x0  }
0x267: {  	[sflag:s28] =	ssyncadd.s32 $0xFFFFF000  }
0x268: {  	[tilespmem:s0], [sflag:$0x3] =	stream.linear.gather [spmem:s8], $0x1000, $0x38;
	[tilespmem:$0x1D580] =	vst v63  }
0x269: {  	_ =	swait.ge [sflag:s28], $0x1000  }
0x26a: {  	[sflag:s28] =	ssyncset.done $0x0  }
0x26b: {  	s9 =	rddreg [dreg:$0x14];
	[sflag:s28] =	ssyncadd.s32 $0xFFFFF000  }
0x26c: {  	[hbm4b:s9+s1] =	stream.linear.scatter [tilespmem:s0], [sflag:$0x3], $0x1000, $0x38;
	[tilespmem:$0x1D580] =	vst v63  }
0x26d: {  	_ =	swait.ge [sflag:s28], $0x1000  }
0x26e: {  	s9 =	sld [smem:$0x7FC]  }
0x26f: {  	[sflag:s28] =	ssyncset.done $0x0  }
0x270: {  	[sflag:s28] =	ssyncadd.s32 $0xFFFFF000  }
0x271: {  	[tilespmem:s0], [sflag:$0x3] =	stream.linear.gather [spmem:s9], $0x1000, $0x38;
	[tilespmem:$0x1D580] =	vst v63  }
0x272: {  	_ =	swait.ge [sflag:s28], $0x1000  }
0x273: {  	[sflag:s28] =	ssyncset.done $0x0  }
0x274: {  	s10 =	rddreg [dreg:$0x15];
	[sflag:s28] =	ssyncadd.s32 $0xFFFFF000  }
0x275: {  	[hbm4b:s10+s1] =	stream.linear.scatter [tilespmem:s0], [sflag:$0x3], $0x1000, $0x38;
	[tilespmem:$0x1D580] =	vst v63  }
0x276: {  	_ =	swait.ge [sflag:s28], $0x1000  }
0x277: {  	s8 =	sld [smem:$0x7ED]  }
0x278: {  	[sflag:s28] =	ssyncset.done $0x0  }
0x279: {  	[sflag:s28] =	ssyncadd.s32 $0xFFFFF000  }
0x27a: {  	[tilespmem:s0], [sflag:$0x3] =	stream.linear.gather [spmem:s8], $0x1000, $0x38;
	[tilespmem:$0x1D580] =	vst v63  }
0x27b: {  	_ =	swait.ge [sflag:s28], $0x1000  }
0x27c: {  	[sflag:s28] =	ssyncset.done $0x0  }
0x27d: {  	s10 =	rddreg [dreg:$0x16];
	[sflag:s28] =	ssyncadd.s32 $0xFFFFF000  }
0x27e: {  	[hbm4b:s10+s1] =	stream.linear.scatter [tilespmem:s0], [sflag:$0x3], $0x1000, $0x38;
	[tilespmem:$0x1D580] =	vst v63  }
0x27f: {  	_ =	swait.ge [sflag:s28], $0x1000  }
0x280: {  	s8 =	sld [smem:$0x7EE]  }
0x281: {  	[sflag:s28] =	ssyncset.done $0x0  }
0x282: {  	[sflag:s28] =	ssyncadd.s32 $0xFFFFF000  }
0x283: {  	[tilespmem:s0], [sflag:$0x3] =	stream.linear.gather [spmem:s8], $0x1000, $0x38;
	[tilespmem:$0x1D580] =	vst v63  }
0x284: {  	_ =	swait.ge [sflag:s28], $0x1000  }
0x285: {  	[sflag:s28] =	ssyncset.done $0x0  }
0x286: {  	s10 =	rddreg [dreg:$0x17];
	[sflag:s28] =	ssyncadd.s32 $0xFFFFF000  }
0x287: {  	[hbm4b:s10+s1] =	stream.linear.scatter [tilespmem:s0], [sflag:$0x3], $0x1000, $0x38;
	[tilespmem:$0x1D580] =	vst v63  }
0x288: {  	_ =	swait.ge [sflag:s28], $0x1000  }
0x289: {  	s10 =	sld [smem:$0x7FD]  }
0x28a: {  	[sflag:s28] =	ssyncset.done $0x0  }
0x28b: {  	[sflag:s28] =	ssyncadd.s32 $0xFFFFF000  }
0x28c: {  	[tilespmem:s0], [sflag:$0x3] =	stream.linear.gather [spmem:s10], $0x1000, $0x38;
	[tilespmem:$0x1D580] =	vst v63  }
0x28d: {  	_ =	swait.ge [sflag:s28], $0x1000  }
0x28e: {  	[sflag:s28] =	ssyncset.done $0x0  }
0x28f: {  	s8 =	rddreg [dreg:$0x18];
	[sflag:s28] =	ssyncadd.s32 $0xFFFFF000  }
0x290: {  	[hbm4b:s8+s1] =	stream.linear.scatter [tilespmem:s0], [sflag:$0x3], $0x1000, $0x38;
	[tilespmem:$0x1D580] =	vst v63  }
0x291: {  	_ =	swait.ge [sflag:s28], $0x1000  }
0x292: {  	s8 =	sld [smem:$0x7EF]  }
0x293: {  	[sflag:s28] =	ssyncset.done $0x0  }
0x294: {  	[sflag:s28] =	ssyncadd.s32 $0xFFFFF000  }
0x295: {  	[tilespmem:s0], [sflag:$0x3] =	stream.linear.gather [spmem:s8], $0x1000, $0x38;
	[tilespmem:$0x1D580] =	vst v63  }
0x296: {  	_ =	swait.ge [sflag:s28], $0x1000  }
0x297: {  	[sflag:s28] =	ssyncset.done $0x0  }
0x298: {  	s8 =	rddreg [dreg:$0x19];
	[sflag:s28] =	ssyncadd.s32 $0xFFFFF000  }
0x299: {  	[hbm4b:s8+s1] =	stream.linear.scatter [tilespmem:s0], [sflag:$0x3], $0x1000, $0x38;
	[tilespmem:$0x1D580] =	vst v63  }
0x29a: {  	_ =	swait.ge [sflag:s28], $0x1000  }
0x29b: {  	s8 =	sld [smem:$0x7F0]  }
0x29c: {  	[sflag:s28] =	ssyncset.done $0x0  }
0x29d: {  	[sflag:s28] =	ssyncadd.s32 $0xFFFFF000  }
0x29e: {  	[tilespmem:s0], [sflag:$0x3] =	stream.linear.gather [spmem:s8], $0x1000, $0x38;
	[tilespmem:$0x1D580] =	vst v63  }
0x29f: {  	_ =	swait.ge [sflag:s28], $0x1000  }
0x2a0: {  	[sflag:s28] =	ssyncset.done $0x0  }
0x2a1: {  	s8 =	rddreg [dreg:$0x1a];
	[sflag:s28] =	ssyncadd.s32 $0xFFFFF000  }
0x2a2: {  	[hbm4b:s8+s1] =	stream.linear.scatter [tilespmem:s0], [sflag:$0x3], $0x1000, $0x38;
	[tilespmem:$0x1D580] =	vst v63  }
0x2a3: {  	_ =	swait.ge [sflag:s28], $0x1000  }
0x2a4: {  	s8 =	sld [smem:$0x7F1]  }
0x2a5: {  	[sflag:s28] =	ssyncset.done $0x0  }
0x2a6: {  	[sflag:s28] =	ssyncadd.s32 $0xFFFFF000  }
0x2a7: {  	[tilespmem:s0], [sflag:$0x3] =	stream.linear.gather [spmem:s8], $0x400, $0x38;
	[tilespmem:$0x1D580] =	vst v63  }
0x2a8: {  	_ =	swait.ge [sflag:s28], $0x400  }
0x2a9: {  	[sflag:s28] =	ssyncset.done $0x0  }
0x2aa: {  	s8 =	rddreg [dreg:$0x1b];
	[sflag:s28] =	ssyncadd.s32 $0xFFFFFC00  }
0x2ab: {  	[hbm4b:s8+s1] =	stream.linear.scatter [tilespmem:s0], [sflag:$0x3], $0x400, $0x38;
	[tilespmem:$0x1D580] =	vst v63  }
0x2ac: {  	_ =	swait.ge [sflag:s28], $0x400  }
0x2ad: {  	s8 =	sld [smem:$0x7F3];
	_ =	sdelay $0x1  }
0x2ae: {  	s6 =	sadd.s32 $0x1, s6  }
0x2af: {  	p0 =	sne.s32 s6, s8  }
.Ltmp4:
0x2b0: {  	_ = 	snop;
	(pc) =	sbr.rel @p0 .LBB2_1-.Ltmp4, $3  }
0x2b1: {  	_ =	sdelay $0x1  }
0x2b2: {  	[sflag:s28] =	ssyncset.done $0x0  }
0x2b3: {  	[sflag:s28] =	ssyncadd.s32 $0xFFFFFC00  }
0x2b4: {  	_ =	sfence.sel $0x180000  }
0x2b5: {  	[bflag:$0x0] =	sbarrier.arrive $0xFFFF  }
0x2b6: {  	_ =	strace $0x90000047  }
0x2b7: {  	s0 =	stileid.u32;
	[bflag:$0x2] =	sbarrier.arrive $0xFFFF  }
0x2b8: {  	p0 =	sne.s32 s0, $0x0;
	s0 =	rddreg [dreg:$0x5]  }
0x2b9: {  	s0 =	sadd.s32 @!p0 $0x100000, s0  }
0x2ba: {  	[sflag:s0] =	ssyncadd.tile.s32 @!p0 $0x1;
	_ =	shalt  }
.Lfunc_end2:
_tile_overlayer_lowered:
.L_overlay_start_2:
0x2bb: {  	(tag) =	ssettag $0x2  }
0x2bc: {  	s0 =	rddreg [dreg:$0x0];
	s2 =	stileid.u32  }
0x2bd: {  	s1 =	rddreg [dreg:$0x1];
	p0 =	sne.s32 s2, $0x0  }
0x2be: {  	s3 =	rddreg [dreg:$0x2];
	[bflag:$0x3] =	sbarrier.arrive $0xFFFF;
	s2 =	simm.s32 @!p0 $0x1C03  }
0x2bf: {  	[timem:s3], [sflag:s2] =	dma.local @!p0 [hbm:s0], s1  }
0x2c0: {  	s0 =	simm.s32 @!p0 $0x3  }
0x2c1: {  	_ =	swait.ge @!p0 [sflag:s0], s1  }
0x2c2: {  	s1 =	ssub.s32 @!p0 $0x0, s1;
	[sflag:s0] =	ssyncset.done @!p0 $0x0  }
0x2c3: {  	[sflag:s0] =	ssyncadd.s32 @!p0 s1  }
0x2c4: {  	[bflag:$0x3] =	sbarrier.arrive $0xFFFF  }
0x2c5: {  	_ =	shalt  }

</sc_bundles>
